<compile_context>
chip_gen: v7x
topology: tpu7x:2x2x1
jax: 0.10.2.dev20260603
libtpu: 0.0.44.dev20260713+nightly
codegen_flags: <defaults>
</compile_context>

<pallas_src>
import functools
import math

import jax
import jax.numpy as jnp
from jax import lax
from jax.experimental import pallas as pl
from jax.experimental.pallas import tpu as pltpu
from jax.experimental.pallas import tpu_sc as plsc

N = 10000
NINP = 128
E = 160000
B = 16
SL = 200
L = SL - 1
POS = 8
DM = NINP + POS
NH = 8
DK = DM // NH
NC = 2
NS = 16
NEG = -1e9

EPW_H = E // (NC * NS)
CH_H = 128
NH_FULL = EPW_H // CH_H
REM_H = EPW_H - NH_FULL * CH_H
EPS = E // NS
CH = 128
NFULL = EPS // CH
REM = EPS - NFULL * CH

BPAD = 3328
RPW = BPAD // (NC * NS)

@functools.cache
def _mesh():
    return plsc.VectorSubcoreMesh(core_axis_name="c", subcore_axis_name="s")


def _hist_body(dst_hbm, ones_hbm, out_hbm, idx_v, idx8_v, ones_v, ones8_v,
               z_v, acc_sh):
    c = lax.axis_index("c")
    s = lax.axis_index("s")
    pltpu.sync_copy(ones_hbm, ones_v)
    pltpu.sync_copy(ones_hbm.at[pl.ds(0, REM_H)], ones8_v)
    for j in range(640 // 16):
        z_v[pl.ds(j * 16, 16)] = jnp.zeros((16,), jnp.float32)

    @pl.when(s < 15)
    def _():
        pltpu.sync_copy(z_v, acc_sh.at[pl.ds(s * 640, 640)])

    @pl.when(s == 15)
    def _():
        pltpu.sync_copy(z_v.at[pl.ds(0, 400)], acc_sh.at[pl.ds(9600, 400)])

    plsc.subcore_barrier()
    base = (s * NC + c) * EPW_H

    def chunk(i, carry):
        pltpu.sync_copy(dst_hbm.at[pl.ds(base + i * CH_H, CH_H)], idx_v)
        pltpu.sync_copy(ones_v, acc_sh.at[idx_v], add=True)
        return carry

    lax.fori_loop(0, NH_FULL, chunk, 0)
    pltpu.sync_copy(dst_hbm.at[pl.ds(base + NH_FULL * CH_H, REM_H)], idx8_v)
    pltpu.sync_copy(ones8_v, acc_sh.at[idx8_v], add=True)
    plsc.subcore_barrier()

    @pl.when(s < 15)
    def _():
        pltpu.sync_copy(acc_sh.at[pl.ds(s * 640, 640)], z_v)
        pltpu.sync_copy(z_v, out_hbm.at[pl.ds(c * N + s * 640, 640)])

    @pl.when(s == 15)
    def _():
        pltpu.sync_copy(acc_sh.at[pl.ds(9600, 400)], z_v.at[pl.ds(0, 400)])
        pltpu.sync_copy(z_v.at[pl.ds(0, 400)], out_hbm.at[pl.ds(c * N + 9600, 400)])


@functools.cache
def _hist():
    return pl.kernel(
        _hist_body,
        out_type=jax.ShapeDtypeStruct((NC * N,), jnp.float32),
        scratch_types=[
            pltpu.VMEM((CH_H,), jnp.int32),
            pltpu.VMEM((REM_H,), jnp.int32),
            pltpu.VMEM((CH_H,), jnp.float32),
            pltpu.VMEM((REM_H,), jnp.float32),
            pltpu.VMEM((640,), jnp.float32),
            pltpu.VMEM_SHARED((N,), jnp.float32),
        ],
        mesh=_mesh(),
    )


FS = 128
HN = N // NC
GROWS = 8
ACCR = HN + GROWS


def _filter_dst(idx_ref, nbase, count):
    for t in range(count // 16):
        d = idx_ref[pl.ds(t * 16, 16)]
        dloc = d - nbase
        valid = (dloc >= 0) & (dloc < HN)
        idx_ref[pl.ds(t * 16, 16)] = jnp.where(valid, dloc, HN + (d & 7))


def _scatter_body(xws_hbm, src_hbm, dst_hbm, out_hbm,
                  iA_s, iA_d, rA, iB_s, iB_d, rB,
                  idx_s16, idx_d16, rows16, buf, acc_sh, semA, semB):
    c = lax.axis_index("c")
    s = lax.axis_index("s")
    nbase = c * HN

    @pl.when(s < 15)
    def _():
        pltpu.sync_copy(xws_hbm.at[pl.ds(nbase + s * 320, 320)], buf)
        pltpu.sync_copy(buf, acc_sh.at[pl.ds(s * 320, 320)])

    @pl.when(s == 15)
    def _():
        pltpu.sync_copy(xws_hbm.at[pl.ds(nbase + 4800, 200)],
                        buf.at[pl.ds(0, 200)])
        pltpu.sync_copy(buf.at[pl.ds(0, 200)], acc_sh.at[pl.ds(4800, 200)])

    plsc.subcore_barrier()
    ebase = s * EPS

    def ld(i, idx_s, idx_d, rows, sem):
        off = ebase + i * CH
        pltpu.sync_copy(src_hbm.at[pl.ds(off, CH)], idx_s)
        pltpu.sync_copy(dst_hbm.at[pl.ds(off, CH)], idx_d)
        _filter_dst(idx_d, nbase, CH)
        pltpu.make_async_copy(xws_hbm.at[idx_s], rows, sem).start()

    ld(0, iA_s, iA_d, rA, semA)

    def step(i2, carry):
        ld(2 * i2 + 1, iB_s, iB_d, rB, semB)
        pltpu.make_async_copy(xws_hbm.at[iA_s], rA, semA).wait()
        pltpu.sync_copy(rA, acc_sh.at[iA_d], add=True)

        @pl.when(i2 + 1 < NFULL // 2)
        def _():
            ld(2 * i2 + 2, iA_s, iA_d, rA, semA)

        pltpu.make_async_copy(xws_hbm.at[iB_s], rB, semB).wait()
        pltpu.sync_copy(rB, acc_sh.at[iB_d], add=True)
        return carry

    lax.fori_loop(0, NFULL // 2, step, 0)

    off = ebase + NFULL * CH
    pltpu.sync_copy(src_hbm.at[pl.ds(off, REM)], idx_s16)
    pltpu.sync_copy(dst_hbm.at[pl.ds(off, REM)], idx_d16)
    _filter_dst(idx_d16, nbase, REM)
    pltpu.async_copy(xws_hbm.at[idx_s16], rows16, semA).wait()
    pltpu.sync_copy(rows16, acc_sh.at[idx_d16], add=True)

    plsc.subcore_barrier()

    @pl.when(s < 15)
    def _():
        pltpu.sync_copy(acc_sh.at[pl.ds(s * 320, 320)], buf)
        pltpu.sync_copy(buf, out_hbm.at[pl.ds(nbase + s * 320, 320)])

    @pl.when(s == 15)
    def _():
        pltpu.sync_copy(acc_sh.at[pl.ds(4800, 200)], buf.at[pl.ds(0, 200)])
        pltpu.sync_copy(buf.at[pl.ds(0, 200)],
                        out_hbm.at[pl.ds(nbase + 4800, 200)])


@functools.cache
def _scatter():
    return pl.kernel(
        _scatter_body,
        out_type=jax.ShapeDtypeStruct((N, FS), jnp.float32),
        scratch_types=[
            pltpu.VMEM((CH,), jnp.int32),
            pltpu.VMEM((CH,), jnp.int32),
            pltpu.VMEM((CH, FS), jnp.float32),
            pltpu.VMEM((CH,), jnp.int32),
            pltpu.VMEM((CH,), jnp.int32),
            pltpu.VMEM((CH, FS), jnp.float32),
            pltpu.VMEM((REM,), jnp.int32),
            pltpu.VMEM((REM,), jnp.int32),
            pltpu.VMEM((REM, FS), jnp.float32),
            pltpu.VMEM((320, FS), jnp.float32),
            pltpu.VMEM_SHARED((ACCR, FS), jnp.float32),
            pltpu.SemaphoreType.DMA,
            pltpu.SemaphoreType.DMA,
        ],
        mesh=_mesh(),
    )


def _gather_body(tab_hbm, idx_hbm, inpf_hbm, out_hbm, fo_hbm,
                 idx_v, rows_v, seq_v, fo_v, sem):
    c = lax.axis_index("c")
    s = lax.axis_index("s")
    wid = s * NC + c
    base = wid * RPW
    pltpu.sync_copy(idx_hbm.at[pl.ds(base, RPW)], idx_v)
    pltpu.async_copy(tab_hbm.at[idx_v], rows_v, sem).wait()
    pltpu.sync_copy(rows_v, out_hbm.at[pl.ds(base, RPW)])

    @pl.when(wid < B)
    def _():
        pltpu.sync_copy(inpf_hbm.at[pl.ds(wid * SL, SL)], seq_v.at[pl.ds(0, SL)])

        def initb(i, carry):
            fo_v[pl.ds(i * 16, 16)] = jnp.full((16,), 1e9, jnp.float32)
            return carry

        lax.fori_loop(0, N // 16, initb, 0)

        lane = lax.broadcasted_iota(jnp.int32, (16,), 0)
        for chunk in reversed(range(13)):
            tv = seq_v[pl.ds(chunk * 16, 16)]
            for k in reversed(range(16)):
                t = chunk * 16 + k
                if t >= L:
                    continue
                plsc.store_scatter(
                    fo_v, [tv],
                    jnp.full((16,), float(t), jnp.float32),
                    mask=lane == k)
        head = fo_v[pl.ds(0, 16)]
        fo_v[pl.ds(0, 16)] = jnp.where(lane == 0, 0.0, head)
        pltpu.sync_copy(fo_v, fo_hbm.at[pl.ds(wid * N, N)])


@functools.cache
def _gather():
    return pl.kernel(
        _gather_body,
        out_type=[
            jax.ShapeDtypeStruct((BPAD, NINP), jnp.float32),
            jax.ShapeDtypeStruct((B * N,), jnp.float32),
        ],
        scratch_types=[
            pltpu.VMEM((RPW,), jnp.int32),
            pltpu.VMEM((RPW, NINP), jnp.float32),
            pltpu.VMEM((208,), jnp.int32),
            pltpu.VMEM((N,), jnp.float32),
            pltpu.SemaphoreType.DMA,
        ],
        compiler_params=pltpu.CompilerParams(needs_layout_passes=False),
        mesh=_mesh(),
    )


def _kr_body(h_ref, o_ref):
    o_ref[...] = lax.rsqrt(1.0 + h_ref[0:1, :] + h_ref[1:2, :])


def _kxs_body(emb_ref, dinv_ref, o_ref):
    o_ref[...] = emb_ref[...] * dinv_ref[...]


def _kmid_body(agg_ref, dinv_ref, b1_ref, w1_ref, w2_ref, o_ref):
    dinv = dinv_ref[...]
    g1 = jnp.dot(agg_ref[...] * dinv, w1_ref[...],
                 preferred_element_type=jnp.float32) + b1_ref[...]
    o_ref[...] = jnp.dot(g1, w2_ref[...],
                         preferred_element_type=jnp.float32) * dinv


def _kne_body(a_ref, dinv_ref, b2_ref, o_ref):
    o_ref[...] = a_ref[...] * dinv_ref[...] + b2_ref[...]


def _t1_body(dy_ref, pos_ref, seq_ref, wq_ref, wk_ref, wv_ref, wo_ref,
             wf1_ref, bf1_ref, wf2_ref, bf2_ref, o_ref):
    x = jnp.concatenate([dy_ref[0], pos_ref[...]], axis=1)
    q = jnp.dot(x, wq_ref[...], preferred_element_type=jnp.float32)
    k = jnp.dot(x, wk_ref[...], preferred_element_type=jnp.float32)
    v = jnp.dot(x, wv_ref[...], preferred_element_type=jnp.float32)
    pad = seq_ref[0] == 0
    rows = lax.broadcasted_iota(jnp.int32, (L, L), 0)
    cols = lax.broadcasted_iota(jnp.int32, (L, L), 1)
    causal = cols <= rows
    padm = jnp.broadcast_to(pad, (L, L))
    lane = lax.broadcasted_iota(jnp.int32, (1, DM), 1)
    scale = jnp.float32(1.0 / math.sqrt(DK))
    ctx = jnp.zeros((L, DM), jnp.float32)
    for h in range(NH):
        hm = ((lane >= h * DK) & (lane < (h + 1) * DK)).astype(jnp.float32)
        sc = lax.dot_general(q * hm, k * hm, (((1,), (1,)), ((), ())),
                             preferred_element_type=jnp.float32) * scale
        sc = jnp.where(causal, sc, NEG)
        sc = jnp.where(padm, NEG, sc)
        m = jnp.max(sc, axis=1, keepdims=True)
        e = jnp.exp(sc - m)
        a = e / jnp.sum(e, axis=1, keepdims=True)
        ctx = ctx + jnp.dot(a, v * hm, preferred_element_type=jnp.float32)
    att0 = jnp.dot(ctx, wo_ref[...], preferred_element_type=jnp.float32)
    ff = jnp.maximum(
        jnp.dot(att0, wf1_ref[...], preferred_element_type=jnp.float32)
        + bf1_ref[...], 0.0)
    ff = jnp.dot(ff, wf2_ref[...], preferred_element_type=jnp.float32) + bf2_ref[...]
    o_ref[0] = att0 + ff


VT = 512


def _t2_body(att_ref, fo_ref, wout_ref, bout_ref, o_ref):
    w = wout_ref[...]
    bcol = bout_ref[...]
    tl = lax.broadcasted_iota(jnp.int32, (1, L), 1).astype(jnp.float32)
    for b in range(B):
        xb = att_ref[b]
        proj = lax.dot_general(w, xb, (((0,), (1,)), ((), ())),
                               preferred_element_type=jnp.float32)
        focol = fo_ref[:, b:b + 1]
        m = jnp.where(tl >= focol, -jnp.inf, 0.0)
        o_ref[:, b * L:(b + 1) * L] = proj + bcol + m


def kernel(input, input_timestamp, edge_index, emb, W1, b1, W2, b2, pos_emb,
           Wq, Wk, Wv, Wo, Wf1, bf1, Wf2, bf2, Wout, bout):
    del input_timestamp
    seq = input[:, :-1]
    src = edge_index[0]
    dst = edge_index[1]
    ones_h = jnp.ones((CH_H,), jnp.float32)

    hist2 = _hist()(dst, ones_h).reshape(NC, N)
    dinv_row = pl.pallas_call(
        _kr_body,
        out_shape=jax.ShapeDtypeStruct((1, N), jnp.float32),
    )(hist2)
    dinv_col = dinv_row.reshape(N, 1)

    xs = pl.pallas_call(
        _kxs_body,
        out_shape=jax.ShapeDtypeStruct((N, NINP), jnp.float32),
    )(emb, dinv_col)

    agg1 = _scatter()(xs, src, dst)

    xws2 = pl.pallas_call(
        _kmid_body,
        out_shape=jax.ShapeDtypeStruct((N, NINP), jnp.float32),
    )(agg1, dinv_col, b1.reshape(1, -1), W1, W2)

    acc2 = _scatter()(xws2, src, dst)

    node_emb = pl.pallas_call(
        _kne_body,
        out_shape=jax.ShapeDtypeStruct((N, NINP), jnp.float32),
    )(acc2, dinv_col, b2.reshape(1, -1))

    seqf = seq.reshape(-1)
    seqp = jnp.concatenate(
        [seqf, jnp.zeros((BPAD - B * L,), jnp.int32)])
    dyemb_p, fo = _gather()(node_emb, seqp, input.reshape(-1))
    dyemb = dyemb_p[:B * L].reshape(B, L, NINP)
    fo_t = jnp.transpose(fo.reshape(B, N))

    seq3 = seq.reshape(B, 1, L)
    att = pl.pallas_call(
        _t1_body,
        grid=(B,),
        in_specs=[
            pl.BlockSpec((1, L, NINP), lambda b: (b, 0, 0)),
            pl.BlockSpec((L, POS), lambda b: (0, 0)),
            pl.BlockSpec((1, 1, L), lambda b: (b, 0, 0)),
            pl.BlockSpec((DM, DM), lambda b: (0, 0)),
            pl.BlockSpec((DM, DM), lambda b: (0, 0)),
            pl.BlockSpec((DM, DM), lambda b: (0, 0)),
            pl.BlockSpec((DM, DM), lambda b: (0, 0)),
            pl.BlockSpec((DM, DM), lambda b: (0, 0)),
            pl.BlockSpec((1, DM), lambda b: (0, 0)),
            pl.BlockSpec((DM, DM), lambda b: (0, 0)),
            pl.BlockSpec((1, DM), lambda b: (0, 0)),
        ],
        out_specs=pl.BlockSpec((1, L, DM), lambda b: (b, 0, 0)),
        out_shape=jax.ShapeDtypeStruct((B, L, DM), jnp.float32),
    )(dyemb, pos_emb[:L], seq3, Wq, Wk, Wv, Wo, Wf1,
      bf1.reshape(1, -1), Wf2, bf2.reshape(1, -1))

    nv = (N + VT - 1) // VT
    out_t = pl.pallas_call(
        _t2_body,
        grid=(nv,),
        in_specs=[
            pl.BlockSpec((B, L, DM), lambda i: (0, 0, 0)),
            pl.BlockSpec((VT, B), lambda i: (i, 0)),
            pl.BlockSpec((DM, VT), lambda i: (0, i)),
            pl.BlockSpec((VT, 1), lambda i: (i, 0)),
        ],
        out_specs=pl.BlockSpec((VT, B * L), lambda i: (i, 0)),
        out_shape=jax.ShapeDtypeStruct((N, B * L), jnp.float32),
    )(att, fo_t, Wout, bout.reshape(N, 1))

    return jnp.transpose(out_t)

# --- scband reference (transcript-rebuilt; emitter-appended) ---
"""Pipeline reference for scband-dy-hgcn-h-74148315398747 (READ-ONLY COPY).

The authoritative reference and input builder live on the scoring server;
editing this copy changes nothing except your own understanding.
"""

import jax, jax.numpy as jnp
import numpy as np

NTOKEN = 10000
NINP = 128
POS_DIM = 8
N_HEADS = 8
D_MODEL = NINP + POS_DIM
D_K = D_MODEL // N_HEADS
B = 16
SL = 200
E = 160000
PAD = 0


def setup_inputs(seed: int = 0):
    key = jax.random.key(seed)
    ks = jax.random.split(key, 16)
    inp = {}
    inp["input"] = jax.random.randint(ks[0], (B, SL), 0, NTOKEN, dtype=jnp.int32)
    inp["input_timestamp"] = jax.random.randint(ks[1], (B, SL), 0, 10, dtype=jnp.int32)
    inp["edge_index"] = jax.random.randint(ks[2], (2, E), 0, NTOKEN, dtype=jnp.int32)
    inp["emb"] = jax.random.normal(ks[3], (NTOKEN, NINP), dtype=jnp.float32) / np.sqrt(NINP)
    inp["W1"] = jax.random.normal(ks[4], (NINP, NINP * 2), dtype=jnp.float32) / np.sqrt(NINP)
    inp["b1"] = jnp.zeros((NINP * 2,), jnp.float32)
    inp["W2"] = jax.random.normal(ks[5], (NINP * 2, NINP), dtype=jnp.float32) / np.sqrt(NINP * 2)
    inp["b2"] = jnp.zeros((NINP,), jnp.float32)
    inp["pos_emb"] = jax.random.normal(ks[6], (1000, POS_DIM), dtype=jnp.float32) * 0.1
    inp["Wq"] = jax.random.normal(ks[7], (D_MODEL, N_HEADS * D_K), dtype=jnp.float32) / np.sqrt(D_MODEL)
    inp["Wk"] = jax.random.normal(ks[8], (D_MODEL, N_HEADS * D_K), dtype=jnp.float32) / np.sqrt(D_MODEL)
    inp["Wv"] = jax.random.normal(ks[9], (D_MODEL, N_HEADS * D_K), dtype=jnp.float32) / np.sqrt(D_MODEL)
    inp["Wo"] = jax.random.normal(ks[10], (N_HEADS * D_K, D_MODEL), dtype=jnp.float32) / np.sqrt(N_HEADS * D_K)
    inp["Wf1"] = jax.random.normal(ks[11], (D_MODEL, D_MODEL), dtype=jnp.float32) / np.sqrt(D_MODEL)
    inp["bf1"] = jnp.zeros((D_MODEL,), jnp.float32)
    inp["Wf2"] = jax.random.normal(ks[12], (D_MODEL, D_MODEL), dtype=jnp.float32) / np.sqrt(D_MODEL)
    inp["bf2"] = jnp.zeros((D_MODEL,), jnp.float32)
    inp["Wout"] = jax.random.normal(ks[13], (D_MODEL, NTOKEN), dtype=jnp.float32) / np.sqrt(D_MODEL)
    inp["bout"] = jnp.zeros((NTOKEN,), jnp.float32)
    return inp


def _gcn(x, W, b, src, dst):
    n = x.shape[0]
    loops = jnp.arange(n, dtype=src.dtype)
    s2 = jnp.concatenate([src, loops])
    d2 = jnp.concatenate([dst, loops])
    deg = jnp.zeros((n,), jnp.float32).at[d2].add(1.0)
    dinv = 1.0 / jnp.sqrt(jnp.maximum(deg, 1.0))
    norm = dinv[s2] * dinv[d2]
    xw = x @ W
    out = jnp.zeros((n, W.shape[1]), jnp.float32).at[d2].add(xw[s2] * norm[:, None])
    return out + b


def reference(input, input_timestamp, edge_index, emb, W1, b1, W2, b2, pos_emb, Wq, Wk, Wv, Wo, Wf1, bf1, Wf2, bf2, Wout, bout):
    src, dst = edge_index[0], edge_index[1]
    # DynamicGraphNN with a single diffusion snapshot: GraphNN = GCN(ninp->2*ninp) -> GCN(2*ninp->ninp)
    g1 = _gcn(emb, W1, b1, src, dst)
    node_emb = _gcn(g1, W2, b2, src, dst)
    seq = input[:, :-1]
    Bb, L = seq.shape
    pad_mask = (seq == PAD)
    # dynamic embedding lookup (single snapshot -> same table for all timesteps)
    dyemb = node_emb[seq]
    order = jnp.broadcast_to(pos_emb[jnp.arange(L)][None, :, :], (Bb, L, POS_DIM))
    X = jnp.concatenate([dyemb, order], axis=-1)
    # TransformerBlock: masked multi-head self-attention + FFN residual (eval mode)
    q = (X @ Wq).reshape(Bb, L, N_HEADS, D_K).transpose(0, 2, 1, 3)
    k = (X @ Wk).reshape(Bb, L, N_HEADS, D_K).transpose(0, 2, 1, 3)
    v = (X @ Wv).reshape(Bb, L, N_HEADS, D_K).transpose(0, 2, 1, 3)
    scores = (q @ k.transpose(0, 1, 3, 2)) / jnp.sqrt(jnp.float32(D_K))
    causal = jnp.tril(jnp.ones((L, L), dtype=bool))
    scores = jnp.where(causal[None, None, :, :], scores, -1e9)
    scores = jnp.where(pad_mask[:, None, None, :], -1e9, scores)
    attn = jax.nn.softmax(scores, axis=-1)
    ctx = (attn @ v).transpose(0, 2, 1, 3).reshape(Bb, L, N_HEADS * D_K)
    att_out = ctx @ Wo
    ff = jax.nn.relu(att_out @ Wf1 + bf1) @ Wf2 + bf2
    att_out = att_out + ff
    out = att_out @ Wout + bout
    # get_previous_user_mask: scatter -inf on previously-activated users
    tril = jnp.tril(jnp.ones((L, L), jnp.float32))
    seqs = jnp.broadcast_to(seq[:, None, :].astype(jnp.float32), (Bb, L, L)) * tril
    idx = jnp.concatenate([seqs, jnp.zeros((Bb, L, 1), jnp.float32)], axis=2).astype(jnp.int32)
    bi = jnp.arange(Bb)[:, None, None]
    ti = jnp.arange(L)[None, :, None]
    prev_mask = jnp.zeros((Bb, L, NTOKEN), jnp.float32).at[bi, ti, idx].set(-jnp.inf)
    out = out + prev_mask
    return out.reshape(-1, NTOKEN)

if __name__ == "__main__":
    import jax
    _d = setup_inputs()
    print(jax.jit(kernel)(*tuple(_d.values())))

</pallas_src>

<mosaic_0001>
#map = affine_map<(d0, d1) -> (0, 0)>
#map1 = affine_map<(d0, d1) -> (0)>
module attributes {stable_mosaic.version = 14 : i64} {
  func.func @_scatter_body(%arg0: i32, %arg1: i32, %arg2: memref<10000x128xf32, #tpu.memory_space<hbm>>, %arg3: memref<160000xi32, #tpu.memory_space<hbm>>, %arg4: memref<160000xi32, #tpu.memory_space<hbm>>, %arg5: memref<10000x128xf32, #tpu.memory_space<hbm>>, %arg6: memref<128xi32, #tpu.memory_space<vmem>>, %arg7: memref<128xi32, #tpu.memory_space<vmem>>, %arg8: memref<128x128xf32, #tpu.memory_space<vmem>>, %arg9: memref<128xi32, #tpu.memory_space<vmem>>, %arg10: memref<128xi32, #tpu.memory_space<vmem>>, %arg11: memref<128x128xf32, #tpu.memory_space<vmem>>, %arg12: memref<16xi32, #tpu.memory_space<vmem>>, %arg13: memref<16xi32, #tpu.memory_space<vmem>>, %arg14: memref<16x128xf32, #tpu.memory_space<vmem>>, %arg15: memref<320x128xf32, #tpu.memory_space<vmem>>, %arg16: memref<5008x128xf32, #tpu.memory_space<vmem_shared>>, %arg17: memref<!tpu.dma_semaphore, #tpu.memory_space<semaphore_mem>>, %arg18: memref<!tpu.dma_semaphore, #tpu.memory_space<semaphore_mem>>) attributes {dimension_semantics = [#tpu.dimension_semantics<core_parallel>, #tpu.dimension_semantics<subcore_parallel>], iteration_bounds = array<i64: 2, 16>, scalar_prefetch = 0 : i64, scratch_operands = 13 : i64, tpu.core_type = #tpu.core_type<sc_vector_subcore>, window_params = [{transform_indices = #map}, {transform_indices = #map1}, {transform_indices = #map1}, {transform_indices = #map}]} {
    %mul3A = arith.constant 5000 : i32
    %mul3A_0 = arith.muli %arg0, %mul3A : i32
    %lt3A = arith.constant 15 : i32
    %lt3A_1 = arith.cmpi slt, %arg1, %lt3A : i32
    %convert_element_type3A = arith.extui %lt3A_1 : i1 to i32
    %cond3A = arith.constant 0 : i32
    %cond3A_2 = arith.cmpi ne, %convert_element_type3A, %cond3A : i32
    scf.if %cond3A_2 {
      %mul3A_236 = arith.constant 320 : i32
      %mul3A_237 = arith.muli %arg1, %mul3A_236 : i32
      %add3A_238 = arith.addi %mul3A_0, %mul3A_237 : i32
      "tpu.region"() ({
        %run_scoped3A = tpu.sem_alloc : memref<!tpu.dma_semaphore, #tpu.memory_space<semaphore_mem>>
        %dma_start3A_241 = arith.constant 0 : i32
        %dma_start3A_242 = tpu.memref_slice %arg2[%add3A_238, %dma_start3A_241] : memref<10000x128xf32, #tpu.memory_space<hbm>> -> memref<320x128xf32, #tpu.memory_space<hbm>>
        %dma_start3A_243 = arith.constant 0 : i32
        %dma_start3A_244 = tpu.memref_slice %arg2[%add3A_238, %dma_start3A_243] : memref<10000x128xf32, #tpu.memory_space<hbm>> -> memref<320x128xf32, #tpu.memory_space<hbm>>
        tpu.enqueue_dma source(%dma_start3A_244 : memref<320x128xf32, #tpu.memory_space<hbm>>) target(%arg15 : memref<320x128xf32, #tpu.memory_space<vmem>>) target_semaphore(%run_scoped3A : memref<!tpu.dma_semaphore, #tpu.memory_space<semaphore_mem>>)
        %dma_wait3A_245 = arith.constant 0 : i32
        %dma_wait3A_246 = tpu.memref_slice %arg2[%add3A_238, %dma_wait3A_245] : memref<10000x128xf32, #tpu.memory_space<hbm>> -> memref<320x128xf32, #tpu.memory_space<hbm>>
        %dma_wait3A_247 = arith.constant 0 : i32
        %dma_wait3A_248 = tpu.memref_slice %arg2[%add3A_238, %dma_wait3A_247] : memref<10000x128xf32, #tpu.memory_space<hbm>> -> memref<320x128xf32, #tpu.memory_space<hbm>>
        tpu.wait_dma2 semaphore(%run_scoped3A : memref<!tpu.dma_semaphore, #tpu.memory_space<semaphore_mem>>) src(%dma_wait3A_248 : memref<320x128xf32, #tpu.memory_space<hbm>>) dst(%arg15 : memref<320x128xf32, #tpu.memory_space<vmem>>)
        tpu.yield
      }) : () -> ()
      %mul3A_239 = arith.constant 320 : i32
      %mul3A_240 = arith.muli %arg1, %mul3A_239 : i32
      "tpu.region"() ({
        %run_scoped3A = tpu.sem_alloc : memref<!tpu.dma_semaphore, #tpu.memory_space<semaphore_mem>>
        %dma_start3A_241 = arith.constant 0 : i32
        %dma_start3A_242 = tpu.memref_slice %arg16[%mul3A_240, %dma_start3A_241] : memref<5008x128xf32, #tpu.memory_space<vmem_shared>> -> memref<320x128xf32, #tpu.memory_space<vmem_shared>>
        %dma_start3A_243 = arith.constant 0 : i32
        %dma_start3A_244 = tpu.memref_slice %arg16[%mul3A_240, %dma_start3A_243] : memref<5008x128xf32, #tpu.memory_space<vmem_shared>> -> memref<320x128xf32, #tpu.memory_space<vmem_shared>>
        tpu.enqueue_dma source(%arg15 : memref<320x128xf32, #tpu.memory_space<vmem>>) target(%dma_start3A_244 : memref<320x128xf32, #tpu.memory_space<vmem_shared>>) target_semaphore(%run_scoped3A : memref<!tpu.dma_semaphore, #tpu.memory_space<semaphore_mem>>)
        %dma_wait3A_245 = arith.constant 0 : i32
        %dma_wait3A_246 = tpu.memref_slice %arg16[%mul3A_240, %dma_wait3A_245] : memref<5008x128xf32, #tpu.memory_space<vmem_shared>> -> memref<320x128xf32, #tpu.memory_space<vmem_shared>>
        %dma_wait3A_247 = arith.constant 0 : i32
        %dma_wait3A_248 = tpu.memref_slice %arg16[%mul3A_240, %dma_wait3A_247] : memref<5008x128xf32, #tpu.memory_space<vmem_shared>> -> memref<320x128xf32, #tpu.memory_space<vmem_shared>>
        tpu.wait_dma2 semaphore(%run_scoped3A : memref<!tpu.dma_semaphore, #tpu.memory_space<semaphore_mem>>) src(%arg15 : memref<320x128xf32, #tpu.memory_space<vmem>>) dst(%dma_wait3A_248 : memref<320x128xf32, #tpu.memory_space<vmem_shared>>)
        tpu.yield
      }) : () -> ()
    } else {
    }
    %eq3A = arith.constant 15 : i32
    %eq3A_3 = arith.cmpi eq, %arg1, %eq3A : i32
    %convert_element_type3A_4 = arith.extui %eq3A_3 : i1 to i32
    %cond3A_5 = arith.constant 0 : i32
    %cond3A_6 = arith.cmpi ne, %convert_element_type3A_4, %cond3A_5 : i32
    scf.if %cond3A_6 {
      %add3A_236 = arith.constant 4800 : i32
      %add3A_237 = arith.addi %mul3A_0, %add3A_236 : i32
      "tpu.region"() ({
        %run_scoped3A = tpu.sem_alloc : memref<!tpu.dma_semaphore, #tpu.memory_space<semaphore_mem>>
        %dma_start3A_238 = arith.constant 0 : i32
        %dma_start3A_239 = arith.constant 0 : i32
        %dma_start3A_240 = tpu.memref_slice %arg15[%dma_start3A_238, %dma_start3A_239] : memref<320x128xf32, #tpu.memory_space<vmem>> -> memref<200x128xf32, #tpu.memory_space<vmem>>
        %dma_start3A_241 = arith.constant 0 : i32
        %dma_start3A_242 = tpu.memref_slice %arg2[%add3A_237, %dma_start3A_241] : memref<10000x128xf32, #tpu.memory_space<hbm>> -> memref<200x128xf32, #tpu.memory_space<hbm>>
        %dma_start3A_243 = arith.constant 0 : i32
        %dma_start3A_244 = arith.constant 0 : i32
        %dma_start3A_245 = tpu.memref_slice %arg15[%dma_start3A_243, %dma_start3A_244] : memref<320x128xf32, #tpu.memory_space<vmem>> -> memref<200x128xf32, #tpu.memory_space<vmem>>
        %dma_start3A_246 = arith.constant 0 : i32
        %dma_start3A_247 = tpu.memref_slice %arg2[%add3A_237, %dma_start3A_246] : memref<10000x128xf32, #tpu.memory_space<hbm>> -> memref<200x128xf32, #tpu.memory_space<hbm>>
        tpu.enqueue_dma source(%dma_start3A_247 : memref<200x128xf32, #tpu.memory_space<hbm>>) target(%dma_start3A_245 : memref<200x128xf32, #tpu.memory_space<vmem>>) target_semaphore(%run_scoped3A : memref<!tpu.dma_semaphore, #tpu.memory_space<semaphore_mem>>)
        %dma_wait3A_248 = arith.constant 0 : i32
        %dma_wait3A_249 = arith.constant 0 : i32
        %dma_wait3A_250 = tpu.memref_slice %arg15[%dma_wait3A_248, %dma_wait3A_249] : memref<320x128xf32, #tpu.memory_space<vmem>> -> memref<200x128xf32, #tpu.memory_space<vmem>>
        %dma_wait3A_251 = arith.constant 0 : i32
        %dma_wait3A_252 = tpu.memref_slice %arg2[%add3A_237, %dma_wait3A_251] : memref<10000x128xf32, #tpu.memory_space<hbm>> -> memref<200x128xf32, #tpu.memory_space<hbm>>
        %dma_wait3A_253 = arith.constant 0 : i32
        %dma_wait3A_254 = arith.constant 0 : i32
        %dma_wait3A_255 = tpu.memref_slice %arg15[%dma_wait3A_253, %dma_wait3A_254] : memref<320x128xf32, #tpu.memory_space<vmem>> -> memref<200x128xf32, #tpu.memory_space<vmem>>
        %dma_wait3A_256 = arith.constant 0 : i32
        %dma_wait3A_257 = tpu.memref_slice %arg2[%add3A_237, %dma_wait3A_256] : memref<10000x128xf32, #tpu.memory_space<hbm>> -> memref<200x128xf32, #tpu.memory_space<hbm>>
        tpu.wait_dma2 semaphore(%run_scoped3A : memref<!tpu.dma_semaphore, #tpu.memory_space<semaphore_mem>>) src(%dma_wait3A_257 : memref<200x128xf32, #tpu.memory_space<hbm>>) dst(%dma_wait3A_255 : memref<200x128xf32, #tpu.memory_space<vmem>>)
        tpu.yield
      }) : () -> ()
      "tpu.region"() ({
        %run_scoped3A = tpu.sem_alloc : memref<!tpu.dma_semaphore, #tpu.memory_space<semaphore_mem>>
        %dma_start3A_238 = arith.constant 0 : i32
        %dma_start3A_239 = arith.constant 0 : i32
        %dma_start3A_240 = tpu.memref_slice %arg15[%dma_start3A_238, %dma_start3A_239] : memref<320x128xf32, #tpu.memory_space<vmem>> -> memref<200x128xf32, #tpu.memory_space<vmem>>
        %dma_start3A_241 = arith.constant 4800 : i32
        %dma_start3A_242 = arith.constant 0 : i32
        %dma_start3A_243 = tpu.memref_slice %arg16[%dma_start3A_241, %dma_start3A_242] : memref<5008x128xf32, #tpu.memory_space<vmem_shared>> -> memref<200x128xf32, #tpu.memory_space<vmem_shared>>
        %dma_start3A_244 = arith.constant 4800 : i32
        %dma_start3A_245 = arith.constant 0 : i32
        %dma_start3A_246 = tpu.memref_slice %arg16[%dma_start3A_244, %dma_start3A_245] : memref<5008x128xf32, #tpu.memory_space<vmem_shared>> -> memref<200x128xf32, #tpu.memory_space<vmem_shared>>
        %dma_start3A_247 = arith.constant 0 : i32
        %dma_start3A_248 = arith.constant 0 : i32
        %dma_start3A_249 = tpu.memref_slice %arg15[%dma_start3A_247, %dma_start3A_248] : memref<320x128xf32, #tpu.memory_space<vmem>> -> memref<200x128xf32, #tpu.memory_space<vmem>>
        tpu.enqueue_dma source(%dma_start3A_249 : memref<200x128xf32, #tpu.memory_space<vmem>>) target(%dma_start3A_246 : memref<200x128xf32, #tpu.memory_space<vmem_shared>>) target_semaphore(%run_scoped3A : memref<!tpu.dma_semaphore, #tpu.memory_space<semaphore_mem>>)
        %dma_wait3A_250 = arith.constant 0 : i32
        %dma_wait3A_251 = arith.constant 0 : i32
        %dma_wait3A_252 = tpu.memref_slice %arg15[%dma_wait3A_250, %dma_wait3A_251] : memref<320x128xf32, #tpu.memory_space<vmem>> -> memref<200x128xf32, #tpu.memory_space<vmem>>
        %dma_wait3A_253 = arith.constant 4800 : i32
        %dma_wait3A_254 = arith.constant 0 : i32
        %dma_wait3A_255 = tpu.memref_slice %arg16[%dma_wait3A_253, %dma_wait3A_254] : memref<5008x128xf32, #tpu.memory_space<vmem_shared>> -> memref<200x128xf32, #tpu.memory_space<vmem_shared>>
        %dma_wait3A_256 = arith.constant 4800 : i32
        %dma_wait3A_257 = arith.constant 0 : i32
        %dma_wait3A_258 = tpu.memref_slice %arg16[%dma_wait3A_256, %dma_wait3A_257] : memref<5008x128xf32, #tpu.memory_space<vmem_shared>> -> memref<200x128xf32, #tpu.memory_space<vmem_shared>>
        %dma_wait3A_259 = arith.constant 0 : i32
        %dma_wait3A_260 = arith.constant 0 : i32
        %dma_wait3A_261 = tpu.memref_slice %arg15[%dma_wait3A_259, %dma_wait3A_260] : memref<320x128xf32, #tpu.memory_space<vmem>> -> memref<200x128xf32, #tpu.memory_space<vmem>>
        tpu.wait_dma2 semaphore(%run_scoped3A : memref<!tpu.dma_semaphore, #tpu.memory_space<semaphore_mem>>) src(%dma_wait3A_261 : memref<200x128xf32, #tpu.memory_space<vmem>>) dst(%dma_wait3A_258 : memref<200x128xf32, #tpu.memory_space<vmem_shared>>)
        tpu.yield
      }) : () -> ()
    } else {
    }
    %barrier3A = arith.constant 0 : index
    tpu.barrier barrier_id(%barrier3A)
    %mul3A_7 = arith.constant 10000 : i32
    %mul3A_8 = arith.muli %arg1, %mul3A_7 : i32
    %add3A = arith.constant 0 : i32
    %add3A_9 = arith.addi %mul3A_8, %add3A : i32
    "tpu.region"() ({
      %run_scoped3A = tpu.sem_alloc : memref<!tpu.dma_semaphore, #tpu.memory_space<semaphore_mem>>
      %dma_start3A_236 = tpu.memref_slice %arg3[%add3A_9] : memref<160000xi32, #tpu.memory_space<hbm>> -> memref<128xi32, #tpu.memory_space<hbm>>
      %dma_start3A_237 = tpu.memref_slice %arg3[%add3A_9] : memref<160000xi32, #tpu.memory_space<hbm>> -> memref<128xi32, #tpu.memory_space<hbm>>
      tpu.enqueue_dma source(%dma_start3A_237 : memref<128xi32, #tpu.memory_space<hbm>>) target(%arg6 : memref<128xi32, #tpu.memory_space<vmem>>) target_semaphore(%run_scoped3A : memref<!tpu.dma_semaphore, #tpu.memory_space<semaphore_mem>>)
      %dma_wait3A_238 = tpu.memref_slice %arg3[%add3A_9] : memref<160000xi32, #tpu.memory_space<hbm>> -> memref<128xi32, #tpu.memory_space<hbm>>
      %dma_wait3A_239 = tpu.memref_slice %arg3[%add3A_9] : memref<160000xi32, #tpu.memory_space<hbm>> -> memref<128xi32, #tpu.memory_space<hbm>>
      tpu.wait_dma2 semaphore(%run_scoped3A : memref<!tpu.dma_semaphore, #tpu.memory_space<semaphore_mem>>) src(%dma_wait3A_239 : memref<128xi32, #tpu.memory_space<hbm>>) dst(%arg6 : memref<128xi32, #tpu.memory_space<vmem>>)
      tpu.yield
    }) : () -> ()
    "tpu.region"() ({
      %run_scoped3A = tpu.sem_alloc : memref<!tpu.dma_semaphore, #tpu.memory_space<semaphore_mem>>
      %dma_start3A_236 = tpu.memref_slice %arg4[%add3A_9] : memref<160000xi32, #tpu.memory_space<hbm>> -> memref<128xi32, #tpu.memory_space<hbm>>
      %dma_start3A_237 = tpu.memref_slice %arg4[%add3A_9] : memref<160000xi32, #tpu.memory_space<hbm>> -> memref<128xi32, #tpu.memory_space<hbm>>
      tpu.enqueue_dma source(%dma_start3A_237 : memref<128xi32, #tpu.memory_space<hbm>>) target(%arg7 : memref<128xi32, #tpu.memory_space<vmem>>) target_semaphore(%run_scoped3A : memref<!tpu.dma_semaphore, #tpu.memory_space<semaphore_mem>>)
      %dma_wait3A_238 = tpu.memref_slice %arg4[%add3A_9] : memref<160000xi32, #tpu.memory_space<hbm>> -> memref<128xi32, #tpu.memory_space<hbm>>
      %dma_wait3A_239 = tpu.memref_slice %arg4[%add3A_9] : memref<160000xi32, #tpu.memory_space<hbm>> -> memref<128xi32, #tpu.memory_space<hbm>>
      tpu.wait_dma2 semaphore(%run_scoped3A : memref<!tpu.dma_semaphore, #tpu.memory_space<semaphore_mem>>) src(%dma_wait3A_239 : memref<128xi32, #tpu.memory_space<hbm>>) dst(%arg7 : memref<128xi32, #tpu.memory_space<vmem>>)
      tpu.yield
    }) : () -> ()
    %get3A = arith.constant 0 : index
    %get3A_10 = tpu.vector_load %arg7[%get3A] {strides = array<i32>} : memref<128xi32, #tpu.memory_space<vmem>>, vector<16xi32>,
    %get3A_11 = vector.shape_cast %get3A_10 : vector<16xi32> to vector<16xi32>
    %sub3A = vector.broadcast %mul3A_0 : i32 to vector<16xi32>
    %sub3A_12 = arith.subi %get3A_11, %sub3A : vector<16xi32>
    %ge3A = arith.constant 0 : i32
    %ge3A_13 = vector.broadcast %ge3A : i32 to vector<16xi32>
    %ge3A_14 = arith.cmpi sge, %sub3A_12, %ge3A_13 : vector<16xi32>
    %lt3A_15 = arith.constant 5000 : i32
    %lt3A_16 = vector.broadcast %lt3A_15 : i32 to vector<16xi32>
    %lt3A_17 = arith.cmpi slt, %sub3A_12, %lt3A_16 : vector<16xi32>
    %and3A = arith.andi %ge3A_14, %lt3A_17 : vector<16xi1>
    %and3A_18 = arith.constant 7 : i32
    %and3A_19 = vector.broadcast %and3A_18 : i32 to vector<16xi32>
    %and3A_20 = arith.andi %get3A_11, %and3A_19 : vector<16xi32>
    %add3A_21 = arith.constant 5000 : i32
    %add3A_22 = vector.broadcast %add3A_21 : i32 to vector<16xi32>
    %add3A_23 = arith.addi %add3A_22, %and3A_20 : vector<16xi32>
    %select_n3A = arith.select %and3A, %sub3A_12, %add3A_23 : vector<16xi1>, vector<16xi32>
    %swap3A = arith.constant 0 : index
    %swap3A_24 = tpu.vector_load %arg7[%swap3A] {strides = array<i32>} : memref<128xi32, #tpu.memory_space<vmem>>, vector<16xi32>,
    %swap3A_25 = vector.shape_cast %swap3A_24 : vector<16xi32> to vector<16xi32>
    %swap3A_26 = vector.shape_cast %select_n3A : vector<16xi32> to vector<16xi32>
    tpu.vector_store %arg7[%swap3A], %swap3A_26 {strides = array<i32>} : memref<128xi32, #tpu.memory_space<vmem>>, vector<16xi32>,
    %get3A_27 = arith.constant 16 : index
    %get3A_28 = tpu.vector_load %arg7[%get3A_27] {strides = array<i32>} : memref<128xi32, #tpu.memory_space<vmem>>, vector<16xi32>,
    %get3A_29 = vector.shape_cast %get3A_28 : vector<16xi32> to vector<16xi32>
    %sub3A_30 = vector.broadcast %mul3A_0 : i32 to vector<16xi32>
    %sub3A_31 = arith.subi %get3A_29, %sub3A_30 : vector<16xi32>
    %ge3A_32 = arith.constant 0 : i32
    %ge3A_33 = vector.broadcast %ge3A_32 : i32 to vector<16xi32>
    %ge3A_34 = arith.cmpi sge, %sub3A_31, %ge3A_33 : vector<16xi32>
    %lt3A_35 = arith.constant 5000 : i32
    %lt3A_36 = vector.broadcast %lt3A_35 : i32 to vector<16xi32>
    %lt3A_37 = arith.cmpi slt, %sub3A_31, %lt3A_36 : vector<16xi32>
    %and3A_38 = arith.andi %ge3A_34, %lt3A_37 : vector<16xi1>
    %and3A_39 = arith.constant 7 : i32
    %and3A_40 = vector.broadcast %and3A_39 : i32 to vector<16xi32>
    %and3A_41 = arith.andi %get3A_29, %and3A_40 : vector<16xi32>
    %add3A_42 = arith.constant 5000 : i32
    %add3A_43 = vector.broadcast %add3A_42 : i32 to vector<16xi32>
    %add3A_44 = arith.addi %add3A_43, %and3A_41 : vector<16xi32>
    %select_n3A_45 = arith.select %and3A_38, %sub3A_31, %add3A_44 : vector<16xi1>, vector<16xi32>
    %swap3A_46 = arith.constant 16 : index
    %swap3A_47 = tpu.vector_load %arg7[%swap3A_46] {strides = array<i32>} : memref<128xi32, #tpu.memory_space<vmem>>, vector<16xi32>,
    %swap3A_48 = vector.shape_cast %swap3A_47 : vector<16xi32> to vector<16xi32>
    %swap3A_49 = vector.shape_cast %select_n3A_45 : vector<16xi32> to vector<16xi32>
    tpu.vector_store %arg7[%swap3A_46], %swap3A_49 {strides = array<i32>} : memref<128xi32, #tpu.memory_space<vmem>>, vector<16xi32>,
    %get3A_50 = arith.constant 32 : index
    %get3A_51 = tpu.vector_load %arg7[%get3A_50] {strides = array<i32>} : memref<128xi32, #tpu.memory_space<vmem>>, vector<16xi32>,
    %get3A_52 = vector.shape_cast %get3A_51 : vector<16xi32> to vector<16xi32>
    %sub3A_53 = vector.broadcast %mul3A_0 : i32 to vector<16xi32>
    %sub3A_54 = arith.subi %get3A_52, %sub3A_53 : vector<16xi32>
    %ge3A_55 = arith.constant 0 : i32
    %ge3A_56 = vector.broadcast %ge3A_55 : i32 to vector<16xi32>
    %ge3A_57 = arith.cmpi sge, %sub3A_54, %ge3A_56 : vector<16xi32>
    %lt3A_58 = arith.constant 5000 : i32
    %lt3A_59 = vector.broadcast %lt3A_58 : i32 to vector<16xi32>
    %lt3A_60 = arith.cmpi slt, %sub3A_54, %lt3A_59 : vector<16xi32>
    %and3A_61 = arith.andi %ge3A_57, %lt3A_60 : vector<16xi1>
    %and3A_62 = arith.constant 7 : i32
    %and3A_63 = vector.broadcast %and3A_62 : i32 to vector<16xi32>
    %and3A_64 = arith.andi %get3A_52, %and3A_63 : vector<16xi32>
    %add3A_65 = arith.constant 5000 : i32
    %add3A_66 = vector.broadcast %add3A_65 : i32 to vector<16xi32>
    %add3A_67 = arith.addi %add3A_66, %and3A_64 : vector<16xi32>
    %select_n3A_68 = arith.select %and3A_61, %sub3A_54, %add3A_67 : vector<16xi1>, vector<16xi32>
    %swap3A_69 = arith.constant 32 : index
    %swap3A_70 = tpu.vector_load %arg7[%swap3A_69] {strides = array<i32>} : memref<128xi32, #tpu.memory_space<vmem>>, vector<16xi32>,
    %swap3A_71 = vector.shape_cast %swap3A_70 : vector<16xi32> to vector<16xi32>
    %swap3A_72 = vector.shape_cast %select_n3A_68 : vector<16xi32> to vector<16xi32>
    tpu.vector_store %arg7[%swap3A_69], %swap3A_72 {strides = array<i32>} : memref<128xi32, #tpu.memory_space<vmem>>, vector<16xi32>,
    %get3A_73 = arith.constant 48 : index
    %get3A_74 = tpu.vector_load %arg7[%get3A_73] {strides = array<i32>} : memref<128xi32, #tpu.memory_space<vmem>>, vector<16xi32>,
    %get3A_75 = vector.shape_cast %get3A_74 : vector<16xi32> to vector<16xi32>
    %sub3A_76 = vector.broadcast %mul3A_0 : i32 to vector<16xi32>
    %sub3A_77 = arith.subi %get3A_75, %sub3A_76 : vector<16xi32>
    %ge3A_78 = arith.constant 0 : i32
    %ge3A_79 = vector.broadcast %ge3A_78 : i32 to vector<16xi32>
    %ge3A_80 = arith.cmpi sge, %sub3A_77, %ge3A_79 : vector<16xi32>
    %lt3A_81 = arith.constant 5000 : i32
    %lt3A_82 = vector.broadcast %lt3A_81 : i32 to vector<16xi32>
    %lt3A_83 = arith.cmpi slt, %sub3A_77, %lt3A_82 : vector<16xi32>
    %and3A_84 = arith.andi %ge3A_80, %lt3A_83 : vector<16xi1>
    %and3A_85 = arith.constant 7 : i32
    %and3A_86 = vector.broadcast %and3A_85 : i32 to vector<16xi32>
    %and3A_87 = arith.andi %get3A_75, %and3A_86 : vector<16xi32>
    %add3A_88 = arith.constant 5000 : i32
    %add3A_89 = vector.broadcast %add3A_88 : i32 to vector<16xi32>
    %add3A_90 = arith.addi %add3A_89, %and3A_87 : vector<16xi32>
    %select_n3A_91 = arith.select %and3A_84, %sub3A_77, %add3A_90 : vector<16xi1>, vector<16xi32>
    %swap3A_92 = arith.constant 48 : index
    %swap3A_93 = tpu.vector_load %arg7[%swap3A_92] {strides = array<i32>} : memref<128xi32, #tpu.memory_space<vmem>>, vector<16xi32>,
    %swap3A_94 = vector.shape_cast %swap3A_93 : vector<16xi32> to vector<16xi32>
    %swap3A_95 = vector.shape_cast %select_n3A_91 : vector<16xi32> to vector<16xi32>
    tpu.vector_store %arg7[%swap3A_92], %swap3A_95 {strides = array<i32>} : memref<128xi32, #tpu.memory_space<vmem>>, vector<16xi32>,
    %get3A_96 = arith.constant 64 : index
    %get3A_97 = tpu.vector_load %arg7[%get3A_96] {strides = array<i32>} : memref<128xi32, #tpu.memory_space<vmem>>, vector<16xi32>,
    %get3A_98 = vector.shape_cast %get3A_97 : vector<16xi32> to vector<16xi32>
    %sub3A_99 = vector.broadcast %mul3A_0 : i32 to vector<16xi32>
    %sub3A_100 = arith.subi %get3A_98, %sub3A_99 : vector<16xi32>
    %ge3A_101 = arith.constant 0 : i32
    %ge3A_102 = vector.broadcast %ge3A_101 : i32 to vector<16xi32>
    %ge3A_103 = arith.cmpi sge, %sub3A_100, %ge3A_102 : vector<16xi32>
    %lt3A_104 = arith.constant 5000 : i32
    %lt3A_105 = vector.broadcast %lt3A_104 : i32 to vector<16xi32>
    %lt3A_106 = arith.cmpi slt, %sub3A_100, %lt3A_105 : vector<16xi32>
    %and3A_107 = arith.andi %ge3A_103, %lt3A_106 : vector<16xi1>
    %and3A_108 = arith.constant 7 : i32
    %and3A_109 = vector.broadcast %and3A_108 : i32 to vector<16xi32>
    %and3A_110 = arith.andi %get3A_98, %and3A_109 : vector<16xi32>
    %add3A_111 = arith.constant 5000 : i32
    %add3A_112 = vector.broadcast %add3A_111 : i32 to vector<16xi32>
    %add3A_113 = arith.addi %add3A_112, %and3A_110 : vector<16xi32>
    %select_n3A_114 = arith.select %and3A_107, %sub3A_100, %add3A_113 : vector<16xi1>, vector<16xi32>
    %swap3A_115 = arith.constant 64 : index
    %swap3A_116 = tpu.vector_load %arg7[%swap3A_115] {strides = array<i32>} : memref<128xi32, #tpu.memory_space<vmem>>, vector<16xi32>,
    %swap3A_117 = vector.shape_cast %swap3A_116 : vector<16xi32> to vector<16xi32>
    %swap3A_118 = vector.shape_cast %select_n3A_114 : vector<16xi32> to vector<16xi32>
    tpu.vector_store %arg7[%swap3A_115], %swap3A_118 {strides = array<i32>} : memref<128xi32, #tpu.memory_space<vmem>>, vector<16xi32>,
    %get3A_119 = arith.constant 80 : index
    %get3A_120 = tpu.vector_load %arg7[%get3A_119] {strides = array<i32>} : memref<128xi32, #tpu.memory_space<vmem>>, vector<16xi32>,
    %get3A_121 = vector.shape_cast %get3A_120 : vector<16xi32> to vector<16xi32>
    %sub3A_122 = vector.broadcast %mul3A_0 : i32 to vector<16xi32>
    %sub3A_123 = arith.subi %get3A_121, %sub3A_122 : vector<16xi32>
    %ge3A_124 = arith.constant 0 : i32
    %ge3A_125 = vector.broadcast %ge3A_124 : i32 to vector<16xi32>
    %ge3A_126 = arith.cmpi sge, %sub3A_123, %ge3A_125 : vector<16xi32>
    %lt3A_127 = arith.constant 5000 : i32
    %lt3A_128 = vector.broadcast %lt3A_127 : i32 to vector<16xi32>
    %lt3A_129 = arith.cmpi slt, %sub3A_123, %lt3A_128 : vector<16xi32>
    %and3A_130 = arith.andi %ge3A_126, %lt3A_129 : vector<16xi1>
    %and3A_131 = arith.constant 7 : i32
    %and3A_132 = vector.broadcast %and3A_131 : i32 to vector<16xi32>
    %and3A_133 = arith.andi %get3A_121, %and3A_132 : vector<16xi32>
    %add3A_134 = arith.constant 5000 : i32
    %add3A_135 = vector.broadcast %add3A_134 : i32 to vector<16xi32>
    %add3A_136 = arith.addi %add3A_135, %and3A_133 : vector<16xi32>
    %select_n3A_137 = arith.select %and3A_130, %sub3A_123, %add3A_136 : vector<16xi1>, vector<16xi32>
    %swap3A_138 = arith.constant 80 : index
    %swap3A_139 = tpu.vector_load %arg7[%swap3A_138] {strides = array<i32>} : memref<128xi32, #tpu.memory_space<vmem>>, vector<16xi32>,
    %swap3A_140 = vector.shape_cast %swap3A_139 : vector<16xi32> to vector<16xi32>
    %swap3A_141 = vector.shape_cast %select_n3A_137 : vector<16xi32> to vector<16xi32>
    tpu.vector_store %arg7[%swap3A_138], %swap3A_141 {strides = array<i32>} : memref<128xi32, #tpu.memory_space<vmem>>, vector<16xi32>,
    %get3A_142 = arith.constant 96 : index
    %get3A_143 = tpu.vector_load %arg7[%get3A_142] {strides = array<i32>} : memref<128xi32, #tpu.memory_space<vmem>>, vector<16xi32>,
    %get3A_144 = vector.shape_cast %get3A_143 : vector<16xi32> to vector<16xi32>
    %sub3A_145 = vector.broadcast %mul3A_0 : i32 to vector<16xi32>
    %sub3A_146 = arith.subi %get3A_144, %sub3A_145 : vector<16xi32>
    %ge3A_147 = arith.constant 0 : i32
    %ge3A_148 = vector.broadcast %ge3A_147 : i32 to vector<16xi32>
    %ge3A_149 = arith.cmpi sge, %sub3A_146, %ge3A_148 : vector<16xi32>
    %lt3A_150 = arith.constant 5000 : i32
    %lt3A_151 = vector.broadcast %lt3A_150 : i32 to vector<16xi32>
    %lt3A_152 = arith.cmpi slt, %sub3A_146, %lt3A_151 : vector<16xi32>
    %and3A_153 = arith.andi %ge3A_149, %lt3A_152 : vector<16xi1>
    %and3A_154 = arith.constant 7 : i32
    %and3A_155 = vector.broadcast %and3A_154 : i32 to vector<16xi32>
    %and3A_156 = arith.andi %get3A_144, %and3A_155 : vector<16xi32>
    %add3A_157 = arith.constant 5000 : i32
    %add3A_158 = vector.broadcast %add3A_157 : i32 to vector<16xi32>
    %add3A_159 = arith.addi %add3A_158, %and3A_156 : vector<16xi32>
    %select_n3A_160 = arith.select %and3A_153, %sub3A_146, %add3A_159 : vector<16xi1>, vector<16xi32>
    %swap3A_161 = arith.constant 96 : index
    %swap3A_162 = tpu.vector_load %arg7[%swap3A_161] {strides = array<i32>} : memref<128xi32, #tpu.memory_space<vmem>>, vector<16xi32>,
    %swap3A_163 = vector.shape_cast %swap3A_162 : vector<16xi32> to vector<16xi32>
    %swap3A_164 = vector.shape_cast %select_n3A_160 : vector<16xi32> to vector<16xi32>
    tpu.vector_store %arg7[%swap3A_161], %swap3A_164 {strides = array<i32>} : memref<128xi32, #tpu.memory_space<vmem>>, vector<16xi32>,
    %get3A_165 = arith.constant 112 : index
    %get3A_166 = tpu.vector_load %arg7[%get3A_165] {strides = array<i32>} : memref<128xi32, #tpu.memory_space<vmem>>, vector<16xi32>,
    %get3A_167 = vector.shape_cast %get3A_166 : vector<16xi32> to vector<16xi32>
    %sub3A_168 = vector.broadcast %mul3A_0 : i32 to vector<16xi32>
    %sub3A_169 = arith.subi %get3A_167, %sub3A_168 : vector<16xi32>
    %ge3A_170 = arith.constant 0 : i32
    %ge3A_171 = vector.broadcast %ge3A_170 : i32 to vector<16xi32>
    %ge3A_172 = arith.cmpi sge, %sub3A_169, %ge3A_171 : vector<16xi32>
    %lt3A_173 = arith.constant 5000 : i32
    %lt3A_174 = vector.broadcast %lt3A_173 : i32 to vector<16xi32>
    %lt3A_175 = arith.cmpi slt, %sub3A_169, %lt3A_174 : vector<16xi32>
    %and3A_176 = arith.andi %ge3A_172, %lt3A_175 : vector<16xi1>
    %and3A_177 = arith.constant 7 : i32
    %and3A_178 = vector.broadcast %and3A_177 : i32 to vector<16xi32>
    %and3A_179 = arith.andi %get3A_167, %and3A_178 : vector<16xi32>
    %add3A_180 = arith.constant 5000 : i32
    %add3A_181 = vector.broadcast %add3A_180 : i32 to vector<16xi32>
    %add3A_182 = arith.addi %add3A_181, %and3A_179 : vector<16xi32>
    %select_n3A_183 = arith.select %and3A_176, %sub3A_169, %add3A_182 : vector<16xi1>, vector<16xi32>
    %swap3A_184 = arith.constant 112 : index
    %swap3A_185 = tpu.vector_load %arg7[%swap3A_184] {strides = array<i32>} : memref<128xi32, #tpu.memory_space<vmem>>, vector<16xi32>,
    %swap3A_186 = vector.shape_cast %swap3A_185 : vector<16xi32> to vector<16xi32>
    %swap3A_187 = vector.shape_cast %select_n3A_183 : vector<16xi32> to vector<16xi32>
    tpu.vector_store %arg7[%swap3A_184], %swap3A_187 {strides = array<i32>} : memref<128xi32, #tpu.memory_space<vmem>>, vector<16xi32>,
    %dma_start3A = arith.constant 0 : i32
    %dma_start3A_188 = arith.constant 0 : i32
    %dma_start3A_189 = tpu.memref_slice %arg2[%dma_start3A, %dma_start3A_188] : memref<10000x128xf32, #tpu.memory_space<hbm>> -> memref<10000x128xf32, #tpu.memory_space<hbm>>
    tpu.enqueue_indirect_dma source(%dma_start3A_189 : memref<10000x128xf32, #tpu.memory_space<hbm>>) target(%arg8 : memref<128x128xf32, #tpu.memory_space<vmem>>) offsets(%arg6 : memref<128xi32, #tpu.memory_space<vmem>>) semaphore(%arg17 : memref<!tpu.dma_semaphore, #tpu.memory_space<semaphore_mem>>)
    %scan3A = arith.constant 0 : i32
    %scan3A_190 = arith.constant 0 : i32
    %scan3A_191 = arith.constant 39 : i32
    %scan3A_192 = arith.addi %scan3A_190, %scan3A_191 : i32
    %scan3A_193 = arith.constant 1 : i32
    scf.for %scan3A_236 = %scan3A_190 to %scan3A_192 step %scan3A_193  : i32 {
      %mul3A_237 = arith.constant 2 : i32
      %mul3A_238 = arith.muli %mul3A_237, %scan3A_236 : i32
      %add3A_239 = arith.constant 1 : i32
      %add3A_240 = arith.addi %mul3A_238, %add3A_239 : i32
      %mul3A_241 = arith.constant 128 : i32
      %mul3A_242 = arith.muli %add3A_240, %mul3A_241 : i32
      %add3A_243 = arith.addi %mul3A_8, %mul3A_242 : i32
      "tpu.region"() ({
        %run_scoped3A = tpu.sem_alloc : memref<!tpu.dma_semaphore, #tpu.memory_space<semaphore_mem>>
        %dma_start3A_444 = tpu.memref_slice %arg3[%add3A_243] : memref<160000xi32, #tpu.memory_space<hbm>> -> memref<128xi32, #tpu.memory_space<hbm>>
        %dma_start3A_445 = tpu.memref_slice %arg3[%add3A_243] : memref<160000xi32, #tpu.memory_space<hbm>> -> memref<128xi32, #tpu.memory_space<hbm>>
        tpu.enqueue_dma source(%dma_start3A_445 : memref<128xi32, #tpu.memory_space<hbm>>) target(%arg9 : memref<128xi32, #tpu.memory_space<vmem>>) target_semaphore(%run_scoped3A : memref<!tpu.dma_semaphore, #tpu.memory_space<semaphore_mem>>)
        %dma_wait3A_446 = tpu.memref_slice %arg3[%add3A_243] : memref<160000xi32, #tpu.memory_space<hbm>> -> memref<128xi32, #tpu.memory_space<hbm>>
        %dma_wait3A_447 = tpu.memref_slice %arg3[%add3A_243] : memref<160000xi32, #tpu.memory_space<hbm>> -> memref<128xi32, #tpu.memory_space<hbm>>
        tpu.wait_dma2 semaphore(%run_scoped3A : memref<!tpu.dma_semaphore, #tpu.memory_space<semaphore_mem>>) src(%dma_wait3A_447 : memref<128xi32, #tpu.memory_space<hbm>>) dst(%arg9 : memref<128xi32, #tpu.memory_space<vmem>>)
        tpu.yield
      }) : () -> ()
      "tpu.region"() ({
        %run_scoped3A = tpu.sem_alloc : memref<!tpu.dma_semaphore, #tpu.memory_space<semaphore_mem>>
        %dma_start3A_444 = tpu.memref_slice %arg4[%add3A_243] : memref<160000xi32, #tpu.memory_space<hbm>> -> memref<128xi32, #tpu.memory_space<hbm>>
        %dma_start3A_445 = tpu.memref_slice %arg4[%add3A_243] : memref<160000xi32, #tpu.memory_space<hbm>> -> memref<128xi32, #tpu.memory_space<hbm>>
        tpu.enqueue_dma source(%dma_start3A_445 : memref<128xi32, #tpu.memory_space<hbm>>) target(%arg10 : memref<128xi32, #tpu.memory_space<vmem>>) target_semaphore(%run_scoped3A : memref<!tpu.dma_semaphore, #tpu.memory_space<semaphore_mem>>)
        %dma_wait3A_446 = tpu.memref_slice %arg4[%add3A_243] : memref<160000xi32, #tpu.memory_space<hbm>> -> memref<128xi32, #tpu.memory_space<hbm>>
        %dma_wait3A_447 = tpu.memref_slice %arg4[%add3A_243] : memref<160000xi32, #tpu.memory_space<hbm>> -> memref<128xi32, #tpu.memory_space<hbm>>
        tpu.wait_dma2 semaphore(%run_scoped3A : memref<!tpu.dma_semaphore, #tpu.memory_space<semaphore_mem>>) src(%dma_wait3A_447 : memref<128xi32, #tpu.memory_space<hbm>>) dst(%arg10 : memref<128xi32, #tpu.memory_space<vmem>>)
        tpu.yield
      }) : () -> ()
      %get3A_244 = arith.constant 0 : index
      %get3A_245 = tpu.vector_load %arg10[%get3A_244] {strides = array<i32>} : memref<128xi32, #tpu.memory_space<vmem>>, vector<16xi32>,
      %get3A_246 = vector.shape_cast %get3A_245 : vector<16xi32> to vector<16xi32>
      %sub3A_247 = vector.broadcast %mul3A_0 : i32 to vector<16xi32>
      %sub3A_248 = arith.subi %get3A_246, %sub3A_247 : vector<16xi32>
      %ge3A_249 = arith.constant 0 : i32
      %ge3A_250 = vector.broadcast %ge3A_249 : i32 to vector<16xi32>
      %ge3A_251 = arith.cmpi sge, %sub3A_248, %ge3A_250 : vector<16xi32>
      %lt3A_252 = arith.constant 5000 : i32
      %lt3A_253 = vector.broadcast %lt3A_252 : i32 to vector<16xi32>
      %lt3A_254 = arith.cmpi slt, %sub3A_248, %lt3A_253 : vector<16xi32>
      %and3A_255 = arith.andi %ge3A_251, %lt3A_254 : vector<16xi1>
      %and3A_256 = arith.constant 7 : i32
      %and3A_257 = vector.broadcast %and3A_256 : i32 to vector<16xi32>
      %and3A_258 = arith.andi %get3A_246, %and3A_257 : vector<16xi32>
      %add3A_259 = arith.constant 5000 : i32
      %add3A_260 = vector.broadcast %add3A_259 : i32 to vector<16xi32>
      %add3A_261 = arith.addi %add3A_260, %and3A_258 : vector<16xi32>
      %select_n3A_262 = arith.select %and3A_255, %sub3A_248, %add3A_261 : vector<16xi1>, vector<16xi32>
      %swap3A_263 = arith.constant 0 : index
      %swap3A_264 = tpu.vector_load %arg10[%swap3A_263] {strides = array<i32>} : memref<128xi32, #tpu.memory_space<vmem>>, vector<16xi32>,
      %swap3A_265 = vector.shape_cast %swap3A_264 : vector<16xi32> to vector<16xi32>
      %swap3A_266 = vector.shape_cast %select_n3A_262 : vector<16xi32> to vector<16xi32>
      tpu.vector_store %arg10[%swap3A_263], %swap3A_266 {strides = array<i32>} : memref<128xi32, #tpu.memory_space<vmem>>, vector<16xi32>,
      %get3A_267 = arith.constant 16 : index
      %get3A_268 = tpu.vector_load %arg10[%get3A_267] {strides = array<i32>} : memref<128xi32, #tpu.memory_space<vmem>>, vector<16xi32>,
      %get3A_269 = vector.shape_cast %get3A_268 : vector<16xi32> to vector<16xi32>
      %sub3A_270 = vector.broadcast %mul3A_0 : i32 to vector<16xi32>
      %sub3A_271 = arith.subi %get3A_269, %sub3A_270 : vector<16xi32>
      %ge3A_272 = arith.constant 0 : i32
      %ge3A_273 = vector.broadcast %ge3A_272 : i32 to vector<16xi32>
      %ge3A_274 = arith.cmpi sge, %sub3A_271, %ge3A_273 : vector<16xi32>
      %lt3A_275 = arith.constant 5000 : i32
      %lt3A_276 = vector.broadcast %lt3A_275 : i32 to vector<16xi32>
      %lt3A_277 = arith.cmpi slt, %sub3A_271, %lt3A_276 : vector<16xi32>
      %and3A_278 = arith.andi %ge3A_274, %lt3A_277 : vector<16xi1>
      %and3A_279 = arith.constant 7 : i32
      %and3A_280 = vector.broadcast %and3A_279 : i32 to vector<16xi32>
      %and3A_281 = arith.andi %get3A_269, %and3A_280 : vector<16xi32>
      %add3A_282 = arith.constant 5000 : i32
      %add3A_283 = vector.broadcast %add3A_282 : i32 to vector<16xi32>
      %add3A_284 = arith.addi %add3A_283, %and3A_281 : vector<16xi32>
      %select_n3A_285 = arith.select %and3A_278, %sub3A_271, %add3A_284 : vector<16xi1>, vector<16xi32>
      %swap3A_286 = arith.constant 16 : index
      %swap3A_287 = tpu.vector_load %arg10[%swap3A_286] {strides = array<i32>} : memref<128xi32, #tpu.memory_space<vmem>>, vector<16xi32>,
      %swap3A_288 = vector.shape_cast %swap3A_287 : vector<16xi32> to vector<16xi32>
      %swap3A_289 = vector.shape_cast %select_n3A_285 : vector<16xi32> to vector<16xi32>
      tpu.vector_store %arg10[%swap3A_286], %swap3A_289 {strides = array<i32>} : memref<128xi32, #tpu.memory_space<vmem>>, vector<16xi32>,
      %get3A_290 = arith.constant 32 : index
      %get3A_291 = tpu.vector_load %arg10[%get3A_290] {strides = array<i32>} : memref<128xi32, #tpu.memory_space<vmem>>, vector<16xi32>,
      %get3A_292 = vector.shape_cast %get3A_291 : vector<16xi32> to vector<16xi32>
      %sub3A_293 = vector.broadcast %mul3A_0 : i32 to vector<16xi32>
      %sub3A_294 = arith.subi %get3A_292, %sub3A_293 : vector<16xi32>
      %ge3A_295 = arith.constant 0 : i32
      %ge3A_296 = vector.broadcast %ge3A_295 : i32 to vector<16xi32>
      %ge3A_297 = arith.cmpi sge, %sub3A_294, %ge3A_296 : vector<16xi32>
      %lt3A_298 = arith.constant 5000 : i32
      %lt3A_299 = vector.broadcast %lt3A_298 : i32 to vector<16xi32>
      %lt3A_300 = arith.cmpi slt, %sub3A_294, %lt3A_299 : vector<16xi32>
      %and3A_301 = arith.andi %ge3A_297, %lt3A_300 : vector<16xi1>
      %and3A_302 = arith.constant 7 : i32
      %and3A_303 = vector.broadcast %and3A_302 : i32 to vector<16xi32>
      %and3A_304 = arith.andi %get3A_292, %and3A_303 : vector<16xi32>
      %add3A_305 = arith.constant 5000 : i32
      %add3A_306 = vector.broadcast %add3A_305 : i32 to vector<16xi32>
      %add3A_307 = arith.addi %add3A_306, %and3A_304 : vector<16xi32>
      %select_n3A_308 = arith.select %and3A_301, %sub3A_294, %add3A_307 : vector<16xi1>, vector<16xi32>
      %swap3A_309 = arith.constant 32 : index
      %swap3A_310 = tpu.vector_load %arg10[%swap3A_309] {strides = array<i32>} : memref<128xi32, #tpu.memory_space<vmem>>, vector<16xi32>,
      %swap3A_311 = vector.shape_cast %swap3A_310 : vector<16xi32> to vector<16xi32>
      %swap3A_312 = vector.shape_cast %select_n3A_308 : vector<16xi32> to vector<16xi32>
      tpu.vector_store %arg10[%swap3A_309], %swap3A_312 {strides = array<i32>} : memref<128xi32, #tpu.memory_space<vmem>>, vector<16xi32>,
      %get3A_313 = arith.constant 48 : index
      %get3A_314 = tpu.vector_load %arg10[%get3A_313] {strides = array<i32>} : memref<128xi32, #tpu.memory_space<vmem>>, vector<16xi32>,
      %get3A_315 = vector.shape_cast %get3A_314 : vector<16xi32> to vector<16xi32>
      %sub3A_316 = vector.broadcast %mul3A_0 : i32 to vector<16xi32>
      %sub3A_317 = arith.subi %get3A_315, %sub3A_316 : vector<16xi32>
      %ge3A_318 = arith.constant 0 : i32
      %ge3A_319 = vector.broadcast %ge3A_318 : i32 to vector<16xi32>
      %ge3A_320 = arith.cmpi sge, %sub3A_317, %ge3A_319 : vector<16xi32>
      %lt3A_321 = arith.constant 5000 : i32
      %lt3A_322 = vector.broadcast %lt3A_321 : i32 to vector<16xi32>
      %lt3A_323 = arith.cmpi slt, %sub3A_317, %lt3A_322 : vector<16xi32>
      %and3A_324 = arith.andi %ge3A_320, %lt3A_323 : vector<16xi1>
      %and3A_325 = arith.constant 7 : i32
      %and3A_326 = vector.broadcast %and3A_325 : i32 to vector<16xi32>
      %and3A_327 = arith.andi %get3A_315, %and3A_326 : vector<16xi32>
      %add3A_328 = arith.constant 5000 : i32
      %add3A_329 = vector.broadcast %add3A_328 : i32 to vector<16xi32>
      %add3A_330 = arith.addi %add3A_329, %and3A_327 : vector<16xi32>
      %select_n3A_331 = arith.select %and3A_324, %sub3A_317, %add3A_330 : vector<16xi1>, vector<16xi32>
      %swap3A_332 = arith.constant 48 : index
      %swap3A_333 = tpu.vector_load %arg10[%swap3A_332] {strides = array<i32>} : memref<128xi32, #tpu.memory_space<vmem>>, vector<16xi32>,
      %swap3A_334 = vector.shape_cast %swap3A_333 : vector<16xi32> to vector<16xi32>
      %swap3A_335 = vector.shape_cast %select_n3A_331 : vector<16xi32> to vector<16xi32>
      tpu.vector_store %arg10[%swap3A_332], %swap3A_335 {strides = array<i32>} : memref<128xi32, #tpu.memory_space<vmem>>, vector<16xi32>,
      %get3A_336 = arith.constant 64 : index
      %get3A_337 = tpu.vector_load %arg10[%get3A_336] {strides = array<i32>} : memref<128xi32, #tpu.memory_space<vmem>>, vector<16xi32>,
      %get3A_338 = vector.shape_cast %get3A_337 : vector<16xi32> to vector<16xi32>
      %sub3A_339 = vector.broadcast %mul3A_0 : i32 to vector<16xi32>
      %sub3A_340 = arith.subi %get3A_338, %sub3A_339 : vector<16xi32>
      %ge3A_341 = arith.constant 0 : i32
      %ge3A_342 = vector.broadcast %ge3A_341 : i32 to vector<16xi32>
      %ge3A_343 = arith.cmpi sge, %sub3A_340, %ge3A_342 : vector<16xi32>
      %lt3A_344 = arith.constant 5000 : i32
      %lt3A_345 = vector.broadcast %lt3A_344 : i32 to vector<16xi32>
      %lt3A_346 = arith.cmpi slt, %sub3A_340, %lt3A_345 : vector<16xi32>
      %and3A_347 = arith.andi %ge3A_343, %lt3A_346 : vector<16xi1>
      %and3A_348 = arith.constant 7 : i32
      %and3A_349 = vector.broadcast %and3A_348 : i32 to vector<16xi32>
      %and3A_350 = arith.andi %get3A_338, %and3A_349 : vector<16xi32>
      %add3A_351 = arith.constant 5000 : i32
      %add3A_352 = vector.broadcast %add3A_351 : i32 to vector<16xi32>
      %add3A_353 = arith.addi %add3A_352, %and3A_350 : vector<16xi32>
      %select_n3A_354 = arith.select %and3A_347, %sub3A_340, %add3A_353 : vector<16xi1>, vector<16xi32>
      %swap3A_355 = arith.constant 64 : index
      %swap3A_356 = tpu.vector_load %arg10[%swap3A_355] {strides = array<i32>} : memref<128xi32, #tpu.memory_space<vmem>>, vector<16xi32>,
      %swap3A_357 = vector.shape_cast %swap3A_356 : vector<16xi32> to vector<16xi32>
      %swap3A_358 = vector.shape_cast %select_n3A_354 : vector<16xi32> to vector<16xi32>
      tpu.vector_store %arg10[%swap3A_355], %swap3A_358 {strides = array<i32>} : memref<128xi32, #tpu.memory_space<vmem>>, vector<16xi32>,
      %get3A_359 = arith.constant 80 : index
      %get3A_360 = tpu.vector_load %arg10[%get3A_359] {strides = array<i32>} : memref<128xi32, #tpu.memory_space<vmem>>, vector<16xi32>,
      %get3A_361 = vector.shape_cast %get3A_360 : vector<16xi32> to vector<16xi32>
      %sub3A_362 = vector.broadcast %mul3A_0 : i32 to vector<16xi32>
      %sub3A_363 = arith.subi %get3A_361, %sub3A_362 : vector<16xi32>
      %ge3A_364 = arith.constant 0 : i32
      %ge3A_365 = vector.broadcast %ge3A_364 : i32 to vector<16xi32>
      %ge3A_366 = arith.cmpi sge, %sub3A_363, %ge3A_365 : vector<16xi32>
      %lt3A_367 = arith.constant 5000 : i32
      %lt3A_368 = vector.broadcast %lt3A_367 : i32 to vector<16xi32>
      %lt3A_369 = arith.cmpi slt, %sub3A_363, %lt3A_368 : vector<16xi32>
      %and3A_370 = arith.andi %ge3A_366, %lt3A_369 : vector<16xi1>
      %and3A_371 = arith.constant 7 : i32
      %and3A_372 = vector.broadcast %and3A_371 : i32 to vector<16xi32>
      %and3A_373 = arith.andi %get3A_361, %and3A_372 : vector<16xi32>
      %add3A_374 = arith.constant 5000 : i32
      %add3A_375 = vector.broadcast %add3A_374 : i32 to vector<16xi32>
      %add3A_376 = arith.addi %add3A_375, %and3A_373 : vector<16xi32>
      %select_n3A_377 = arith.select %and3A_370, %sub3A_363, %add3A_376 : vector<16xi1>, vector<16xi32>
      %swap3A_378 = arith.constant 80 : index
      %swap3A_379 = tpu.vector_load %arg10[%swap3A_378] {strides = array<i32>} : memref<128xi32, #tpu.memory_space<vmem>>, vector<16xi32>,
      %swap3A_380 = vector.shape_cast %swap3A_379 : vector<16xi32> to vector<16xi32>
      %swap3A_381 = vector.shape_cast %select_n3A_377 : vector<16xi32> to vector<16xi32>
      tpu.vector_store %arg10[%swap3A_378], %swap3A_381 {strides = array<i32>} : memref<128xi32, #tpu.memory_space<vmem>>, vector<16xi32>,
      %get3A_382 = arith.constant 96 : index
      %get3A_383 = tpu.vector_load %arg10[%get3A_382] {strides = array<i32>} : memref<128xi32, #tpu.memory_space<vmem>>, vector<16xi32>,
      %get3A_384 = vector.shape_cast %get3A_383 : vector<16xi32> to vector<16xi32>
      %sub3A_385 = vector.broadcast %mul3A_0 : i32 to vector<16xi32>
      %sub3A_386 = arith.subi %get3A_384, %sub3A_385 : vector<16xi32>
      %ge3A_387 = arith.constant 0 : i32
      %ge3A_388 = vector.broadcast %ge3A_387 : i32 to vector<16xi32>
      %ge3A_389 = arith.cmpi sge, %sub3A_386, %ge3A_388 : vector<16xi32>
      %lt3A_390 = arith.constant 5000 : i32
      %lt3A_391 = vector.broadcast %lt3A_390 : i32 to vector<16xi32>
      %lt3A_392 = arith.cmpi slt, %sub3A_386, %lt3A_391 : vector<16xi32>
      %and3A_393 = arith.andi %ge3A_389, %lt3A_392 : vector<16xi1>
      %and3A_394 = arith.constant 7 : i32
      %and3A_395 = vector.broadcast %and3A_394 : i32 to vector<16xi32>
      %and3A_396 = arith.andi %get3A_384, %and3A_395 : vector<16xi32>
      %add3A_397 = arith.constant 5000 : i32
      %add3A_398 = vector.broadcast %add3A_397 : i32 to vector<16xi32>
      %add3A_399 = arith.addi %add3A_398, %and3A_396 : vector<16xi32>
      %select_n3A_400 = arith.select %and3A_393, %sub3A_386, %add3A_399 : vector<16xi1>, vector<16xi32>
      %swap3A_401 = arith.constant 96 : index
      %swap3A_402 = tpu.vector_load %arg10[%swap3A_401] {strides = array<i32>} : memref<128xi32, #tpu.memory_space<vmem>>, vector<16xi32>,
      %swap3A_403 = vector.shape_cast %swap3A_402 : vector<16xi32> to vector<16xi32>
      %swap3A_404 = vector.shape_cast %select_n3A_400 : vector<16xi32> to vector<16xi32>
      tpu.vector_store %arg10[%swap3A_401], %swap3A_404 {strides = array<i32>} : memref<128xi32, #tpu.memory_space<vmem>>, vector<16xi32>,
      %get3A_405 = arith.constant 112 : index
      %get3A_406 = tpu.vector_load %arg10[%get3A_405] {strides = array<i32>} : memref<128xi32, #tpu.memory_space<vmem>>, vector<16xi32>,
      %get3A_407 = vector.shape_cast %get3A_406 : vector<16xi32> to vector<16xi32>
      %sub3A_408 = vector.broadcast %mul3A_0 : i32 to vector<16xi32>
      %sub3A_409 = arith.subi %get3A_407, %sub3A_408 : vector<16xi32>
      %ge3A_410 = arith.constant 0 : i32
      %ge3A_411 = vector.broadcast %ge3A_410 : i32 to vector<16xi32>
      %ge3A_412 = arith.cmpi sge, %sub3A_409, %ge3A_411 : vector<16xi32>
      %lt3A_413 = arith.constant 5000 : i32
      %lt3A_414 = vector.broadcast %lt3A_413 : i32 to vector<16xi32>
      %lt3A_415 = arith.cmpi slt, %sub3A_409, %lt3A_414 : vector<16xi32>
      %and3A_416 = arith.andi %ge3A_412, %lt3A_415 : vector<16xi1>
      %and3A_417 = arith.constant 7 : i32
      %and3A_418 = vector.broadcast %and3A_417 : i32 to vector<16xi32>
      %and3A_419 = arith.andi %get3A_407, %and3A_418 : vector<16xi32>
      %add3A_420 = arith.constant 5000 : i32
      %add3A_421 = vector.broadcast %add3A_420 : i32 to vector<16xi32>
      %add3A_422 = arith.addi %add3A_421, %and3A_419 : vector<16xi32>
      %select_n3A_423 = arith.select %and3A_416, %sub3A_409, %add3A_422 : vector<16xi1>, vector<16xi32>
      %swap3A_424 = arith.constant 112 : index
      %swap3A_425 = tpu.vector_load %arg10[%swap3A_424] {strides = array<i32>} : memref<128xi32, #tpu.memory_space<vmem>>, vector<16xi32>,
      %swap3A_426 = vector.shape_cast %swap3A_425 : vector<16xi32> to vector<16xi32>
      %swap3A_427 = vector.shape_cast %select_n3A_423 : vector<16xi32> to vector<16xi32>
      tpu.vector_store %arg10[%swap3A_424], %swap3A_427 {strides = array<i32>} : memref<128xi32, #tpu.memory_space<vmem>>, vector<16xi32>,
      %dma_start3A_428 = arith.constant 0 : i32
      %dma_start3A_429 = arith.constant 0 : i32
      %dma_start3A_430 = tpu.memref_slice %arg2[%dma_start3A_428, %dma_start3A_429] : memref<10000x128xf32, #tpu.memory_space<hbm>> -> memref<10000x128xf32, #tpu.memory_space<hbm>>
      tpu.enqueue_indirect_dma source(%dma_start3A_430 : memref<10000x128xf32, #tpu.memory_space<hbm>>) target(%arg11 : memref<128x128xf32, #tpu.memory_space<vmem>>) offsets(%arg9 : memref<128xi32, #tpu.memory_space<vmem>>) semaphore(%arg18 : memref<!tpu.dma_semaphore, #tpu.memory_space<semaphore_mem>>)
      %dma_wait3A_431 = arith.constant 0 : i32
      %dma_wait3A_432 = arith.constant 0 : i32
      %dma_wait3A_433 = tpu.memref_slice %arg2[%dma_wait3A_431, %dma_wait3A_432] : memref<10000x128xf32, #tpu.memory_space<hbm>> -> memref<10000x128xf32, #tpu.memory_space<hbm>>
      tpu.wait_indirect_dma semaphore(%arg17 : memref<!tpu.dma_semaphore, #tpu.memory_space<semaphore_mem>>) src(%dma_wait3A_433 : memref<10000x128xf32, #tpu.memory_space<hbm>>) dst(%arg8 : memref<128x128xf32, #tpu.memory_space<vmem>>)
      "tpu.region"() ({
        %run_scoped3A = tpu.sem_alloc : memref<!tpu.dma_semaphore, #tpu.memory_space<semaphore_mem>>
        %dma_start3A_444 = arith.constant 0 : i32
        %dma_start3A_445 = arith.constant 0 : i32
        %dma_start3A_446 = tpu.memref_slice %arg16[%dma_start3A_444, %dma_start3A_445] : memref<5008x128xf32, #tpu.memory_space<vmem_shared>> -> memref<5008x128xf32, #tpu.memory_space<vmem_shared>>
        tpu.enqueue_indirect_dma source(%arg8 : memref<128x128xf32, #tpu.memory_space<vmem>>) target(%dma_start3A_446 : memref<5008x128xf32, #tpu.memory_space<vmem_shared>>) offsets(%arg7 : memref<128xi32, #tpu.memory_space<vmem>>) semaphore(%run_scoped3A : memref<!tpu.dma_semaphore, #tpu.memory_space<semaphore_mem>>) {add = true}
        %dma_wait3A_447 = arith.constant 0 : i32
        %dma_wait3A_448 = arith.constant 0 : i32
        %dma_wait3A_449 = tpu.memref_slice %arg16[%dma_wait3A_447, %dma_wait3A_448] : memref<5008x128xf32, #tpu.memory_space<vmem_shared>> -> memref<5008x128xf32, #tpu.memory_space<vmem_shared>>
        tpu.wait_indirect_dma semaphore(%run_scoped3A : memref<!tpu.dma_semaphore, #tpu.memory_space<semaphore_mem>>) src(%arg8 : memref<128x128xf32, #tpu.memory_space<vmem>>) dst(%dma_wait3A_449 : memref<5008x128xf32, #tpu.memory_space<vmem_shared>>)
        tpu.yield
      }) : () -> ()
      %add3A_434 = arith.constant 1 : i32
      %add3A_435 = arith.addi %scan3A_236, %add3A_434 : i32
      %lt3A_436 = arith.constant 39 : i32
      %lt3A_437 = arith.cmpi slt, %add3A_435, %lt3A_436 : i32
      %convert_element_type3A_438 = arith.extui %lt3A_437 : i1 to i32
      %cond3A_439 = arith.constant 0 : i32
      %cond3A_440 = arith.cmpi ne, %convert_element_type3A_438, %cond3A_439 : i32
      scf.if %cond3A_440 {
        %mul3A_444 = arith.constant 2 : i32
        %mul3A_445 = arith.muli %mul3A_444, %scan3A_236 : i32
        %add3A_446 = arith.constant 2 : i32
        %add3A_447 = arith.addi %mul3A_445, %add3A_446 : i32
        %mul3A_448 = arith.constant 128 : i32
        %mul3A_449 = arith.muli %add3A_447, %mul3A_448 : i32
        %add3A_450 = arith.addi %mul3A_8, %mul3A_449 : i32
        "tpu.region"() ({
          %run_scoped3A = tpu.sem_alloc : memref<!tpu.dma_semaphore, #tpu.memory_space<semaphore_mem>>
          %dma_start3A_638 = tpu.memref_slice %arg3[%add3A_450] : memref<160000xi32, #tpu.memory_space<hbm>> -> memref<128xi32, #tpu.memory_space<hbm>>
          %dma_start3A_639 = tpu.memref_slice %arg3[%add3A_450] : memref<160000xi32, #tpu.memory_space<hbm>> -> memref<128xi32, #tpu.memory_space<hbm>>
          tpu.enqueue_dma source(%dma_start3A_639 : memref<128xi32, #tpu.memory_space<hbm>>) target(%arg6 : memref<128xi32, #tpu.memory_space<vmem>>) target_semaphore(%run_scoped3A : memref<!tpu.dma_semaphore, #tpu.memory_space<semaphore_mem>>)
          %dma_wait3A_640 = tpu.memref_slice %arg3[%add3A_450] : memref<160000xi32, #tpu.memory_space<hbm>> -> memref<128xi32, #tpu.memory_space<hbm>>
          %dma_wait3A_641 = tpu.memref_slice %arg3[%add3A_450] : memref<160000xi32, #tpu.memory_space<hbm>> -> memref<128xi32, #tpu.memory_space<hbm>>
          tpu.wait_dma2 semaphore(%run_scoped3A : memref<!tpu.dma_semaphore, #tpu.memory_space<semaphore_mem>>) src(%dma_wait3A_641 : memref<128xi32, #tpu.memory_space<hbm>>) dst(%arg6 : memref<128xi32, #tpu.memory_space<vmem>>)
          tpu.yield
        }) : () -> ()
        "tpu.region"() ({
          %run_scoped3A = tpu.sem_alloc : memref<!tpu.dma_semaphore, #tpu.memory_space<semaphore_mem>>
          %dma_start3A_638 = tpu.memref_slice %arg4[%add3A_450] : memref<160000xi32, #tpu.memory_space<hbm>> -> memref<128xi32, #tpu.memory_space<hbm>>
          %dma_start3A_639 = tpu.memref_slice %arg4[%add3A_450] : memref<160000xi32, #tpu.memory_space<hbm>> -> memref<128xi32, #tpu.memory_space<hbm>>
          tpu.enqueue_dma source(%dma_start3A_639 : memref<128xi32, #tpu.memory_space<hbm>>) target(%arg7 : memref<128xi32, #tpu.memory_space<vmem>>) target_semaphore(%run_scoped3A : memref<!tpu.dma_semaphore, #tpu.memory_space<semaphore_mem>>)
          %dma_wait3A_640 = tpu.memref_slice %arg4[%add3A_450] : memref<160000xi32, #tpu.memory_space<hbm>> -> memref<128xi32, #tpu.memory_space<hbm>>
          %dma_wait3A_641 = tpu.memref_slice %arg4[%add3A_450] : memref<160000xi32, #tpu.memory_space<hbm>> -> memref<128xi32, #tpu.memory_space<hbm>>
          tpu.wait_dma2 semaphore(%run_scoped3A : memref<!tpu.dma_semaphore, #tpu.memory_space<semaphore_mem>>) src(%dma_wait3A_641 : memref<128xi32, #tpu.memory_space<hbm>>) dst(%arg7 : memref<128xi32, #tpu.memory_space<vmem>>)
          tpu.yield
        }) : () -> ()
        %get3A_451 = arith.constant 0 : index
        %get3A_452 = tpu.vector_load %arg7[%get3A_451] {strides = array<i32>} : memref<128xi32, #tpu.memory_space<vmem>>, vector<16xi32>,
        %get3A_453 = vector.shape_cast %get3A_452 : vector<16xi32> to vector<16xi32>
        %sub3A_454 = vector.broadcast %mul3A_0 : i32 to vector<16xi32>
        %sub3A_455 = arith.subi %get3A_453, %sub3A_454 : vector<16xi32>
        %ge3A_456 = arith.constant 0 : i32
        %ge3A_457 = vector.broadcast %ge3A_456 : i32 to vector<16xi32>
        %ge3A_458 = arith.cmpi sge, %sub3A_455, %ge3A_457 : vector<16xi32>
        %lt3A_459 = arith.constant 5000 : i32
        %lt3A_460 = vector.broadcast %lt3A_459 : i32 to vector<16xi32>
        %lt3A_461 = arith.cmpi slt, %sub3A_455, %lt3A_460 : vector<16xi32>
        %and3A_462 = arith.andi %ge3A_458, %lt3A_461 : vector<16xi1>
        %and3A_463 = arith.constant 7 : i32
        %and3A_464 = vector.broadcast %and3A_463 : i32 to vector<16xi32>
        %and3A_465 = arith.andi %get3A_453, %and3A_464 : vector<16xi32>
        %add3A_466 = arith.constant 5000 : i32
        %add3A_467 = vector.broadcast %add3A_466 : i32 to vector<16xi32>
        %add3A_468 = arith.addi %add3A_467, %and3A_465 : vector<16xi32>
        %select_n3A_469 = arith.select %and3A_462, %sub3A_455, %add3A_468 : vector<16xi1>, vector<16xi32>
        %swap3A_470 = arith.constant 0 : index
        %swap3A_471 = tpu.vector_load %arg7[%swap3A_470] {strides = array<i32>} : memref<128xi32, #tpu.memory_space<vmem>>, vector<16xi32>,
        %swap3A_472 = vector.shape_cast %swap3A_471 : vector<16xi32> to vector<16xi32>
        %swap3A_473 = vector.shape_cast %select_n3A_469 : vector<16xi32> to vector<16xi32>
        tpu.vector_store %arg7[%swap3A_470], %swap3A_473 {strides = array<i32>} : memref<128xi32, #tpu.memory_space<vmem>>, vector<16xi32>,
        %get3A_474 = arith.constant 16 : index
        %get3A_475 = tpu.vector_load %arg7[%get3A_474] {strides = array<i32>} : memref<128xi32, #tpu.memory_space<vmem>>, vector<16xi32>,
        %get3A_476 = vector.shape_cast %get3A_475 : vector<16xi32> to vector<16xi32>
        %sub3A_477 = vector.broadcast %mul3A_0 : i32 to vector<16xi32>
        %sub3A_478 = arith.subi %get3A_476, %sub3A_477 : vector<16xi32>
        %ge3A_479 = arith.constant 0 : i32
        %ge3A_480 = vector.broadcast %ge3A_479 : i32 to vector<16xi32>
        %ge3A_481 = arith.cmpi sge, %sub3A_478, %ge3A_480 : vector<16xi32>
        %lt3A_482 = arith.constant 5000 : i32
        %lt3A_483 = vector.broadcast %lt3A_482 : i32 to vector<16xi32>
        %lt3A_484 = arith.cmpi slt, %sub3A_478, %lt3A_483 : vector<16xi32>
        %and3A_485 = arith.andi %ge3A_481, %lt3A_484 : vector<16xi1>
        %and3A_486 = arith.constant 7 : i32
        %and3A_487 = vector.broadcast %and3A_486 : i32 to vector<16xi32>
        %and3A_488 = arith.andi %get3A_476, %and3A_487 : vector<16xi32>
        %add3A_489 = arith.constant 5000 : i32
        %add3A_490 = vector.broadcast %add3A_489 : i32 to vector<16xi32>
        %add3A_491 = arith.addi %add3A_490, %and3A_488 : vector<16xi32>
        %select_n3A_492 = arith.select %and3A_485, %sub3A_478, %add3A_491 : vector<16xi1>, vector<16xi32>
        %swap3A_493 = arith.constant 16 : index
        %swap3A_494 = tpu.vector_load %arg7[%swap3A_493] {strides = array<i32>} : memref<128xi32, #tpu.memory_space<vmem>>, vector<16xi32>,
        %swap3A_495 = vector.shape_cast %swap3A_494 : vector<16xi32> to vector<16xi32>
        %swap3A_496 = vector.shape_cast %select_n3A_492 : vector<16xi32> to vector<16xi32>
        tpu.vector_store %arg7[%swap3A_493], %swap3A_496 {strides = array<i32>} : memref<128xi32, #tpu.memory_space<vmem>>, vector<16xi32>,
        %get3A_497 = arith.constant 32 : index
        %get3A_498 = tpu.vector_load %arg7[%get3A_497] {strides = array<i32>} : memref<128xi32, #tpu.memory_space<vmem>>, vector<16xi32>,
        %get3A_499 = vector.shape_cast %get3A_498 : vector<16xi32> to vector<16xi32>
        %sub3A_500 = vector.broadcast %mul3A_0 : i32 to vector<16xi32>
        %sub3A_501 = arith.subi %get3A_499, %sub3A_500 : vector<16xi32>
        %ge3A_502 = arith.constant 0 : i32
        %ge3A_503 = vector.broadcast %ge3A_502 : i32 to vector<16xi32>
        %ge3A_504 = arith.cmpi sge, %sub3A_501, %ge3A_503 : vector<16xi32>
        %lt3A_505 = arith.constant 5000 : i32
        %lt3A_506 = vector.broadcast %lt3A_505 : i32 to vector<16xi32>
        %lt3A_507 = arith.cmpi slt, %sub3A_501, %lt3A_506 : vector<16xi32>
        %and3A_508 = arith.andi %ge3A_504, %lt3A_507 : vector<16xi1>
        %and3A_509 = arith.constant 7 : i32
        %and3A_510 = vector.broadcast %and3A_509 : i32 to vector<16xi32>
        %and3A_511 = arith.andi %get3A_499, %and3A_510 : vector<16xi32>
        %add3A_512 = arith.constant 5000 : i32
        %add3A_513 = vector.broadcast %add3A_512 : i32 to vector<16xi32>
        %add3A_514 = arith.addi %add3A_513, %and3A_511 : vector<16xi32>
        %select_n3A_515 = arith.select %and3A_508, %sub3A_501, %add3A_514 : vector<16xi1>, vector<16xi32>
        %swap3A_516 = arith.constant 32 : index
        %swap3A_517 = tpu.vector_load %arg7[%swap3A_516] {strides = array<i32>} : memref<128xi32, #tpu.memory_space<vmem>>, vector<16xi32>,
        %swap3A_518 = vector.shape_cast %swap3A_517 : vector<16xi32> to vector<16xi32>
        %swap3A_519 = vector.shape_cast %select_n3A_515 : vector<16xi32> to vector<16xi32>
        tpu.vector_store %arg7[%swap3A_516], %swap3A_519 {strides = array<i32>} : memref<128xi32, #tpu.memory_space<vmem>>, vector<16xi32>,
        %get3A_520 = arith.constant 48 : index
        %get3A_521 = tpu.vector_load %arg7[%get3A_520] {strides = array<i32>} : memref<128xi32, #tpu.memory_space<vmem>>, vector<16xi32>,
        %get3A_522 = vector.shape_cast %get3A_521 : vector<16xi32> to vector<16xi32>
        %sub3A_523 = vector.broadcast %mul3A_0 : i32 to vector<16xi32>
        %sub3A_524 = arith.subi %get3A_522, %sub3A_523 : vector<16xi32>
        %ge3A_525 = arith.constant 0 : i32
        %ge3A_526 = vector.broadcast %ge3A_525 : i32 to vector<16xi32>
        %ge3A_527 = arith.cmpi sge, %sub3A_524, %ge3A_526 : vector<16xi32>
        %lt3A_528 = arith.constant 5000 : i32
        %lt3A_529 = vector.broadcast %lt3A_528 : i32 to vector<16xi32>
        %lt3A_530 = arith.cmpi slt, %sub3A_524, %lt3A_529 : vector<16xi32>
        %and3A_531 = arith.andi %ge3A_527, %lt3A_530 : vector<16xi1>
        %and3A_532 = arith.constant 7 : i32
        %and3A_533 = vector.broadcast %and3A_532 : i32 to vector<16xi32>
        %and3A_534 = arith.andi %get3A_522, %and3A_533 : vector<16xi32>
        %add3A_535 = arith.constant 5000 : i32
        %add3A_536 = vector.broadcast %add3A_535 : i32 to vector<16xi32>
        %add3A_537 = arith.addi %add3A_536, %and3A_534 : vector<16xi32>
        %select_n3A_538 = arith.select %and3A_531, %sub3A_524, %add3A_537 : vector<16xi1>, vector<16xi32>
        %swap3A_539 = arith.constant 48 : index
        %swap3A_540 = tpu.vector_load %arg7[%swap3A_539] {strides = array<i32>} : memref<128xi32, #tpu.memory_space<vmem>>, vector<16xi32>,
        %swap3A_541 = vector.shape_cast %swap3A_540 : vector<16xi32> to vector<16xi32>
        %swap3A_542 = vector.shape_cast %select_n3A_538 : vector<16xi32> to vector<16xi32>
        tpu.vector_store %arg7[%swap3A_539], %swap3A_542 {strides = array<i32>} : memref<128xi32, #tpu.memory_space<vmem>>, vector<16xi32>,
        %get3A_543 = arith.constant 64 : index
        %get3A_544 = tpu.vector_load %arg7[%get3A_543] {strides = array<i32>} : memref<128xi32, #tpu.memory_space<vmem>>, vector<16xi32>,
        %get3A_545 = vector.shape_cast %get3A_544 : vector<16xi32> to vector<16xi32>
        %sub3A_546 = vector.broadcast %mul3A_0 : i32 to vector<16xi32>
        %sub3A_547 = arith.subi %get3A_545, %sub3A_546 : vector<16xi32>
        %ge3A_548 = arith.constant 0 : i32
        %ge3A_549 = vector.broadcast %ge3A_548 : i32 to vector<16xi32>
        %ge3A_550 = arith.cmpi sge, %sub3A_547, %ge3A_549 : vector<16xi32>
        %lt3A_551 = arith.constant 5000 : i32
        %lt3A_552 = vector.broadcast %lt3A_551 : i32 to vector<16xi32>
        %lt3A_553 = arith.cmpi slt, %sub3A_547, %lt3A_552 : vector<16xi32>
        %and3A_554 = arith.andi %ge3A_550, %lt3A_553 : vector<16xi1>
        %and3A_555 = arith.constant 7 : i32
        %and3A_556 = vector.broadcast %and3A_555 : i32 to vector<16xi32>
        %and3A_557 = arith.andi %get3A_545, %and3A_556 : vector<16xi32>
        %add3A_558 = arith.constant 5000 : i32
        %add3A_559 = vector.broadcast %add3A_558 : i32 to vector<16xi32>
        %add3A_560 = arith.addi %add3A_559, %and3A_557 : vector<16xi32>
        %select_n3A_561 = arith.select %and3A_554, %sub3A_547, %add3A_560 : vector<16xi1>, vector<16xi32>
        %swap3A_562 = arith.constant 64 : index
        %swap3A_563 = tpu.vector_load %arg7[%swap3A_562] {strides = array<i32>} : memref<128xi32, #tpu.memory_space<vmem>>, vector<16xi32>,
        %swap3A_564 = vector.shape_cast %swap3A_563 : vector<16xi32> to vector<16xi32>
        %swap3A_565 = vector.shape_cast %select_n3A_561 : vector<16xi32> to vector<16xi32>
        tpu.vector_store %arg7[%swap3A_562], %swap3A_565 {strides = array<i32>} : memref<128xi32, #tpu.memory_space<vmem>>, vector<16xi32>,
        %get3A_566 = arith.constant 80 : index
        %get3A_567 = tpu.vector_load %arg7[%get3A_566] {strides = array<i32>} : memref<128xi32, #tpu.memory_space<vmem>>, vector<16xi32>,
        %get3A_568 = vector.shape_cast %get3A_567 : vector<16xi32> to vector<16xi32>
        %sub3A_569 = vector.broadcast %mul3A_0 : i32 to vector<16xi32>
        %sub3A_570 = arith.subi %get3A_568, %sub3A_569 : vector<16xi32>
        %ge3A_571 = arith.constant 0 : i32
        %ge3A_572 = vector.broadcast %ge3A_571 : i32 to vector<16xi32>
        %ge3A_573 = arith.cmpi sge, %sub3A_570, %ge3A_572 : vector<16xi32>
        %lt3A_574 = arith.constant 5000 : i32
        %lt3A_575 = vector.broadcast %lt3A_574 : i32 to vector<16xi32>
        %lt3A_576 = arith.cmpi slt, %sub3A_570, %lt3A_575 : vector<16xi32>
        %and3A_577 = arith.andi %ge3A_573, %lt3A_576 : vector<16xi1>
        %and3A_578 = arith.constant 7 : i32
        %and3A_579 = vector.broadcast %and3A_578 : i32 to vector<16xi32>
        %and3A_580 = arith.andi %get3A_568, %and3A_579 : vector<16xi32>
        %add3A_581 = arith.constant 5000 : i32
        %add3A_582 = vector.broadcast %add3A_581 : i32 to vector<16xi32>
        %add3A_583 = arith.addi %add3A_582, %and3A_580 : vector<16xi32>
        %select_n3A_584 = arith.select %and3A_577, %sub3A_570, %add3A_583 : vector<16xi1>, vector<16xi32>
        %swap3A_585 = arith.constant 80 : index
        %swap3A_586 = tpu.vector_load %arg7[%swap3A_585] {strides = array<i32>} : memref<128xi32, #tpu.memory_space<vmem>>, vector<16xi32>,
        %swap3A_587 = vector.shape_cast %swap3A_586 : vector<16xi32> to vector<16xi32>
        %swap3A_588 = vector.shape_cast %select_n3A_584 : vector<16xi32> to vector<16xi32>
        tpu.vector_store %arg7[%swap3A_585], %swap3A_588 {strides = array<i32>} : memref<128xi32, #tpu.memory_space<vmem>>, vector<16xi32>,
        %get3A_589 = arith.constant 96 : index
        %get3A_590 = tpu.vector_load %arg7[%get3A_589] {strides = array<i32>} : memref<128xi32, #tpu.memory_space<vmem>>, vector<16xi32>,
        %get3A_591 = vector.shape_cast %get3A_590 : vector<16xi32> to vector<16xi32>
        %sub3A_592 = vector.broadcast %mul3A_0 : i32 to vector<16xi32>
        %sub3A_593 = arith.subi %get3A_591, %sub3A_592 : vector<16xi32>
        %ge3A_594 = arith.constant 0 : i32
        %ge3A_595 = vector.broadcast %ge3A_594 : i32 to vector<16xi32>
        %ge3A_596 = arith.cmpi sge, %sub3A_593, %ge3A_595 : vector<16xi32>
        %lt3A_597 = arith.constant 5000 : i32
        %lt3A_598 = vector.broadcast %lt3A_597 : i32 to vector<16xi32>
        %lt3A_599 = arith.cmpi slt, %sub3A_593, %lt3A_598 : vector<16xi32>
        %and3A_600 = arith.andi %ge3A_596, %lt3A_599 : vector<16xi1>
        %and3A_601 = arith.constant 7 : i32
        %and3A_602 = vector.broadcast %and3A_601 : i32 to vector<16xi32>
        %and3A_603 = arith.andi %get3A_591, %and3A_602 : vector<16xi32>
        %add3A_604 = arith.constant 5000 : i32
        %add3A_605 = vector.broadcast %add3A_604 : i32 to vector<16xi32>
        %add3A_606 = arith.addi %add3A_605, %and3A_603 : vector<16xi32>
        %select_n3A_607 = arith.select %and3A_600, %sub3A_593, %add3A_606 : vector<16xi1>, vector<16xi32>
        %swap3A_608 = arith.constant 96 : index
        %swap3A_609 = tpu.vector_load %arg7[%swap3A_608] {strides = array<i32>} : memref<128xi32, #tpu.memory_space<vmem>>, vector<16xi32>,
        %swap3A_610 = vector.shape_cast %swap3A_609 : vector<16xi32> to vector<16xi32>
        %swap3A_611 = vector.shape_cast %select_n3A_607 : vector<16xi32> to vector<16xi32>
        tpu.vector_store %arg7[%swap3A_608], %swap3A_611 {strides = array<i32>} : memref<128xi32, #tpu.memory_space<vmem>>, vector<16xi32>,
        %get3A_612 = arith.constant 112 : index
        %get3A_613 = tpu.vector_load %arg7[%get3A_612] {strides = array<i32>} : memref<128xi32, #tpu.memory_space<vmem>>, vector<16xi32>,
        %get3A_614 = vector.shape_cast %get3A_613 : vector<16xi32> to vector<16xi32>
        %sub3A_615 = vector.broadcast %mul3A_0 : i32 to vector<16xi32>
        %sub3A_616 = arith.subi %get3A_614, %sub3A_615 : vector<16xi32>
        %ge3A_617 = arith.constant 0 : i32
        %ge3A_618 = vector.broadcast %ge3A_617 : i32 to vector<16xi32>
        %ge3A_619 = arith.cmpi sge, %sub3A_616, %ge3A_618 : vector<16xi32>
        %lt3A_620 = arith.constant 5000 : i32
        %lt3A_621 = vector.broadcast %lt3A_620 : i32 to vector<16xi32>
        %lt3A_622 = arith.cmpi slt, %sub3A_616, %lt3A_621 : vector<16xi32>
        %and3A_623 = arith.andi %ge3A_619, %lt3A_622 : vector<16xi1>
        %and3A_624 = arith.constant 7 : i32
        %and3A_625 = vector.broadcast %and3A_624 : i32 to vector<16xi32>
        %and3A_626 = arith.andi %get3A_614, %and3A_625 : vector<16xi32>
        %add3A_627 = arith.constant 5000 : i32
        %add3A_628 = vector.broadcast %add3A_627 : i32 to vector<16xi32>
        %add3A_629 = arith.addi %add3A_628, %and3A_626 : vector<16xi32>
        %select_n3A_630 = arith.select %and3A_623, %sub3A_616, %add3A_629 : vector<16xi1>, vector<16xi32>
        %swap3A_631 = arith.constant 112 : index
        %swap3A_632 = tpu.vector_load %arg7[%swap3A_631] {strides = array<i32>} : memref<128xi32, #tpu.memory_space<vmem>>, vector<16xi32>,
        %swap3A_633 = vector.shape_cast %swap3A_632 : vector<16xi32> to vector<16xi32>
        %swap3A_634 = vector.shape_cast %select_n3A_630 : vector<16xi32> to vector<16xi32>
        tpu.vector_store %arg7[%swap3A_631], %swap3A_634 {strides = array<i32>} : memref<128xi32, #tpu.memory_space<vmem>>, vector<16xi32>,
        %dma_start3A_635 = arith.constant 0 : i32
        %dma_start3A_636 = arith.constant 0 : i32
        %dma_start3A_637 = tpu.memref_slice %arg2[%dma_start3A_635, %dma_start3A_636] : memref<10000x128xf32, #tpu.memory_space<hbm>> -> memref<10000x128xf32, #tpu.memory_space<hbm>>
        tpu.enqueue_indirect_dma source(%dma_start3A_637 : memref<10000x128xf32, #tpu.memory_space<hbm>>) target(%arg8 : memref<128x128xf32, #tpu.memory_space<vmem>>) offsets(%arg6 : memref<128xi32, #tpu.memory_space<vmem>>) semaphore(%arg17 : memref<!tpu.dma_semaphore, #tpu.memory_space<semaphore_mem>>)
      } else {
      }
      %dma_wait3A_441 = arith.constant 0 : i32
      %dma_wait3A_442 = arith.constant 0 : i32
      %dma_wait3A_443 = tpu.memref_slice %arg2[%dma_wait3A_441, %dma_wait3A_442] : memref<10000x128xf32, #tpu.memory_space<hbm>> -> memref<10000x128xf32, #tpu.memory_space<hbm>>
      tpu.wait_indirect_dma semaphore(%arg18 : memref<!tpu.dma_semaphore, #tpu.memory_space<semaphore_mem>>) src(%dma_wait3A_443 : memref<10000x128xf32, #tpu.memory_space<hbm>>) dst(%arg11 : memref<128x128xf32, #tpu.memory_space<vmem>>)
      "tpu.region"() ({
        %run_scoped3A = tpu.sem_alloc : memref<!tpu.dma_semaphore, #tpu.memory_space<semaphore_mem>>
        %dma_start3A_444 = arith.constant 0 : i32
        %dma_start3A_445 = arith.constant 0 : i32
        %dma_start3A_446 = tpu.memref_slice %arg16[%dma_start3A_444, %dma_start3A_445] : memref<5008x128xf32, #tpu.memory_space<vmem_shared>> -> memref<5008x128xf32, #tpu.memory_space<vmem_shared>>
        tpu.enqueue_indirect_dma source(%arg11 : memref<128x128xf32, #tpu.memory_space<vmem>>) target(%dma_start3A_446 : memref<5008x128xf32, #tpu.memory_space<vmem_shared>>) offsets(%arg10 : memref<128xi32, #tpu.memory_space<vmem>>) semaphore(%run_scoped3A : memref<!tpu.dma_semaphore, #tpu.memory_space<semaphore_mem>>) {add = true}
        %dma_wait3A_447 = arith.constant 0 : i32
        %dma_wait3A_448 = arith.constant 0 : i32
        %dma_wait3A_449 = tpu.memref_slice %arg16[%dma_wait3A_447, %dma_wait3A_448] : memref<5008x128xf32, #tpu.memory_space<vmem_shared>> -> memref<5008x128xf32, #tpu.memory_space<vmem_shared>>
        tpu.wait_indirect_dma semaphore(%run_scoped3A : memref<!tpu.dma_semaphore, #tpu.memory_space<semaphore_mem>>) src(%arg11 : memref<128x128xf32, #tpu.memory_space<vmem>>) dst(%dma_wait3A_449 : memref<5008x128xf32, #tpu.memory_space<vmem_shared>>)
        tpu.yield
      }) : () -> ()
    }
    %scan3A_194 = arith.constant 39 : i32
    %add3A_195 = arith.constant 9984 : i32
    %add3A_196 = arith.addi %mul3A_8, %add3A_195 : i32
    "tpu.region"() ({
      %run_scoped3A = tpu.sem_alloc : memref<!tpu.dma_semaphore, #tpu.memory_space<semaphore_mem>>
      %dma_start3A_236 = tpu.memref_slice %arg3[%add3A_196] : memref<160000xi32, #tpu.memory_space<hbm>> -> memref<16xi32, #tpu.memory_space<hbm>>
      %dma_start3A_237 = tpu.memref_slice %arg3[%add3A_196] : memref<160000xi32, #tpu.memory_space<hbm>> -> memref<16xi32, #tpu.memory_space<hbm>>
      tpu.enqueue_dma source(%dma_start3A_237 : memref<16xi32, #tpu.memory_space<hbm>>) target(%arg12 : memref<16xi32, #tpu.memory_space<vmem>>) target_semaphore(%run_scoped3A : memref<!tpu.dma_semaphore, #tpu.memory_space<semaphore_mem>>)
      %dma_wait3A_238 = tpu.memref_slice %arg3[%add3A_196] : memref<160000xi32, #tpu.memory_space<hbm>> -> memref<16xi32, #tpu.memory_space<hbm>>
      %dma_wait3A_239 = tpu.memref_slice %arg3[%add3A_196] : memref<160000xi32, #tpu.memory_space<hbm>> -> memref<16xi32, #tpu.memory_space<hbm>>
      tpu.wait_dma2 semaphore(%run_scoped3A : memref<!tpu.dma_semaphore, #tpu.memory_space<semaphore_mem>>) src(%dma_wait3A_239 : memref<16xi32, #tpu.memory_space<hbm>>) dst(%arg12 : memref<16xi32, #tpu.memory_space<vmem>>)
      tpu.yield
    }) : () -> ()
    "tpu.region"() ({
      %run_scoped3A = tpu.sem_alloc : memref<!tpu.dma_semaphore, #tpu.memory_space<semaphore_mem>>
      %dma_start3A_236 = tpu.memref_slice %arg4[%add3A_196] : memref<160000xi32, #tpu.memory_space<hbm>> -> memref<16xi32, #tpu.memory_space<hbm>>
      %dma_start3A_237 = tpu.memref_slice %arg4[%add3A_196] : memref<160000xi32, #tpu.memory_space<hbm>> -> memref<16xi32, #tpu.memory_space<hbm>>
      tpu.enqueue_dma source(%dma_start3A_237 : memref<16xi32, #tpu.memory_space<hbm>>) target(%arg13 : memref<16xi32, #tpu.memory_space<vmem>>) target_semaphore(%run_scoped3A : memref<!tpu.dma_semaphore, #tpu.memory_space<semaphore_mem>>)
      %dma_wait3A_238 = tpu.memref_slice %arg4[%add3A_196] : memref<160000xi32, #tpu.memory_space<hbm>> -> memref<16xi32, #tpu.memory_space<hbm>>
      %dma_wait3A_239 = tpu.memref_slice %arg4[%add3A_196] : memref<160000xi32, #tpu.memory_space<hbm>> -> memref<16xi32, #tpu.memory_space<hbm>>
      tpu.wait_dma2 semaphore(%run_scoped3A : memref<!tpu.dma_semaphore, #tpu.memory_space<semaphore_mem>>) src(%dma_wait3A_239 : memref<16xi32, #tpu.memory_space<hbm>>) dst(%arg13 : memref<16xi32, #tpu.memory_space<vmem>>)
      tpu.yield
    }) : () -> ()
    %get3A_197 = arith.constant 0 : index
    %get3A_198 = tpu.vector_load %arg13[%get3A_197] {strides = array<i32>} : memref<16xi32, #tpu.memory_space<vmem>>, vector<16xi32>,
    %get3A_199 = vector.shape_cast %get3A_198 : vector<16xi32> to vector<16xi32>
    %sub3A_200 = vector.broadcast %mul3A_0 : i32 to vector<16xi32>
    %sub3A_201 = arith.subi %get3A_199, %sub3A_200 : vector<16xi32>
    %ge3A_202 = arith.constant 0 : i32
    %ge3A_203 = vector.broadcast %ge3A_202 : i32 to vector<16xi32>
    %ge3A_204 = arith.cmpi sge, %sub3A_201, %ge3A_203 : vector<16xi32>
    %lt3A_205 = arith.constant 5000 : i32
    %lt3A_206 = vector.broadcast %lt3A_205 : i32 to vector<16xi32>
    %lt3A_207 = arith.cmpi slt, %sub3A_201, %lt3A_206 : vector<16xi32>
    %and3A_208 = arith.andi %ge3A_204, %lt3A_207 : vector<16xi1>
    %and3A_209 = arith.constant 7 : i32
    %and3A_210 = vector.broadcast %and3A_209 : i32 to vector<16xi32>
    %and3A_211 = arith.andi %get3A_199, %and3A_210 : vector<16xi32>
    %add3A_212 = arith.constant 5000 : i32
    %add3A_213 = vector.broadcast %add3A_212 : i32 to vector<16xi32>
    %add3A_214 = arith.addi %add3A_213, %and3A_211 : vector<16xi32>
    %select_n3A_215 = arith.select %and3A_208, %sub3A_201, %add3A_214 : vector<16xi1>, vector<16xi32>
    %swap3A_216 = arith.constant 0 : index
    %swap3A_217 = tpu.vector_load %arg13[%swap3A_216] {strides = array<i32>} : memref<16xi32, #tpu.memory_space<vmem>>, vector<16xi32>,
    %swap3A_218 = vector.shape_cast %swap3A_217 : vector<16xi32> to vector<16xi32>
    %swap3A_219 = vector.shape_cast %select_n3A_215 : vector<16xi32> to vector<16xi32>
    tpu.vector_store %arg13[%swap3A_216], %swap3A_219 {strides = array<i32>} : memref<16xi32, #tpu.memory_space<vmem>>, vector<16xi32>,
    %dma_start3A_220 = arith.constant 0 : i32
    %dma_start3A_221 = arith.constant 0 : i32
    %dma_start3A_222 = tpu.memref_slice %arg2[%dma_start3A_220, %dma_start3A_221] : memref<10000x128xf32, #tpu.memory_space<hbm>> -> memref<10000x128xf32, #tpu.memory_space<hbm>>
    tpu.enqueue_indirect_dma source(%dma_start3A_222 : memref<10000x128xf32, #tpu.memory_space<hbm>>) target(%arg14 : memref<16x128xf32, #tpu.memory_space<vmem>>) offsets(%arg12 : memref<16xi32, #tpu.memory_space<vmem>>) semaphore(%arg17 : memref<!tpu.dma_semaphore, #tpu.memory_space<semaphore_mem>>)
    %dma_wait3A = arith.constant 0 : i32
    %dma_wait3A_223 = arith.constant 0 : i32
    %dma_wait3A_224 = tpu.memref_slice %arg2[%dma_wait3A, %dma_wait3A_223] : memref<10000x128xf32, #tpu.memory_space<hbm>> -> memref<10000x128xf32, #tpu.memory_space<hbm>>
    tpu.wait_indirect_dma semaphore(%arg17 : memref<!tpu.dma_semaphore, #tpu.memory_space<semaphore_mem>>) src(%dma_wait3A_224 : memref<10000x128xf32, #tpu.memory_space<hbm>>) dst(%arg14 : memref<16x128xf32, #tpu.memory_space<vmem>>)
    "tpu.region"() ({
      %run_scoped3A = tpu.sem_alloc : memref<!tpu.dma_semaphore, #tpu.memory_space<semaphore_mem>>
      %dma_start3A_236 = arith.constant 0 : i32
      %dma_start3A_237 = arith.constant 0 : i32
      %dma_start3A_238 = tpu.memref_slice %arg16[%dma_start3A_236, %dma_start3A_237] : memref<5008x128xf32, #tpu.memory_space<vmem_shared>> -> memref<5008x128xf32, #tpu.memory_space<vmem_shared>>
      tpu.enqueue_indirect_dma source(%arg14 : memref<16x128xf32, #tpu.memory_space<vmem>>) target(%dma_start3A_238 : memref<5008x128xf32, #tpu.memory_space<vmem_shared>>) offsets(%arg13 : memref<16xi32, #tpu.memory_space<vmem>>) semaphore(%run_scoped3A : memref<!tpu.dma_semaphore, #tpu.memory_space<semaphore_mem>>) {add = true}
      %dma_wait3A_239 = arith.constant 0 : i32
      %dma_wait3A_240 = arith.constant 0 : i32
      %dma_wait3A_241 = tpu.memref_slice %arg16[%dma_wait3A_239, %dma_wait3A_240] : memref<5008x128xf32, #tpu.memory_space<vmem_shared>> -> memref<5008x128xf32, #tpu.memory_space<vmem_shared>>
      tpu.wait_indirect_dma semaphore(%run_scoped3A : memref<!tpu.dma_semaphore, #tpu.memory_space<semaphore_mem>>) src(%arg14 : memref<16x128xf32, #tpu.memory_space<vmem>>) dst(%dma_wait3A_241 : memref<5008x128xf32, #tpu.memory_space<vmem_shared>>)
      tpu.yield
    }) : () -> ()
    %barrier3A_225 = arith.constant 0 : index
    tpu.barrier barrier_id(%barrier3A_225)
    %lt3A_226 = arith.constant 15 : i32
    %lt3A_227 = arith.cmpi slt, %arg1, %lt3A_226 : i32
    %convert_element_type3A_228 = arith.extui %lt3A_227 : i1 to i32
    %cond3A_229 = arith.constant 0 : i32
    %cond3A_230 = arith.cmpi ne, %convert_element_type3A_228, %cond3A_229 : i32
    scf.if %cond3A_230 {
      %mul3A_236 = arith.constant 320 : i32
      %mul3A_237 = arith.muli %arg1, %mul3A_236 : i32
      "tpu.region"() ({
        %run_scoped3A = tpu.sem_alloc : memref<!tpu.dma_semaphore, #tpu.memory_space<semaphore_mem>>
        %dma_start3A_241 = arith.constant 0 : i32
        %dma_start3A_242 = tpu.memref_slice %arg16[%mul3A_237, %dma_start3A_241] : memref<5008x128xf32, #tpu.memory_space<vmem_shared>> -> memref<320x128xf32, #tpu.memory_space<vmem_shared>>
        %dma_start3A_243 = arith.constant 0 : i32
        %dma_start3A_244 = tpu.memref_slice %arg16[%mul3A_237, %dma_start3A_243] : memref<5008x128xf32, #tpu.memory_space<vmem_shared>> -> memref<320x128xf32, #tpu.memory_space<vmem_shared>>
        tpu.enqueue_dma source(%dma_start3A_244 : memref<320x128xf32, #tpu.memory_space<vmem_shared>>) target(%arg15 : memref<320x128xf32, #tpu.memory_space<vmem>>) target_semaphore(%run_scoped3A : memref<!tpu.dma_semaphore, #tpu.memory_space<semaphore_mem>>)
        %dma_wait3A_245 = arith.constant 0 : i32
        %dma_wait3A_246 = tpu.memref_slice %arg16[%mul3A_237, %dma_wait3A_245] : memref<5008x128xf32, #tpu.memory_space<vmem_shared>> -> memref<320x128xf32, #tpu.memory_space<vmem_shared>>
        %dma_wait3A_247 = arith.constant 0 : i32
        %dma_wait3A_248 = tpu.memref_slice %arg16[%mul3A_237, %dma_wait3A_247] : memref<5008x128xf32, #tpu.memory_space<vmem_shared>> -> memref<320x128xf32, #tpu.memory_space<vmem_shared>>
        tpu.wait_dma2 semaphore(%run_scoped3A : memref<!tpu.dma_semaphore, #tpu.memory_space<semaphore_mem>>) src(%dma_wait3A_248 : memref<320x128xf32, #tpu.memory_space<vmem_shared>>) dst(%arg15 : memref<320x128xf32, #tpu.memory_space<vmem>>)
        tpu.yield
      }) : () -> ()
      %mul3A_238 = arith.constant 320 : i32
      %mul3A_239 = arith.muli %arg1, %mul3A_238 : i32
      %add3A_240 = arith.addi %mul3A_0, %mul3A_239 : i32
      "tpu.region"() ({
        %run_scoped3A = tpu.sem_alloc : memref<!tpu.dma_semaphore, #tpu.memory_space<semaphore_mem>>
        %dma_start3A_241 = arith.constant 0 : i32
        %dma_start3A_242 = tpu.memref_slice %arg5[%add3A_240, %dma_start3A_241] : memref<10000x128xf32, #tpu.memory_space<hbm>> -> memref<320x128xf32, #tpu.memory_space<hbm>>
        %dma_start3A_243 = arith.constant 0 : i32
        %dma_start3A_244 = tpu.memref_slice %arg5[%add3A_240, %dma_start3A_243] : memref<10000x128xf32, #tpu.memory_space<hbm>> -> memref<320x128xf32, #tpu.memory_space<hbm>>
        tpu.enqueue_dma source(%arg15 : memref<320x128xf32, #tpu.memory_space<vmem>>) target(%dma_start3A_244 : memref<320x128xf32, #tpu.memory_space<hbm>>) target_semaphore(%run_scoped3A : memref<!tpu.dma_semaphore, #tpu.memory_space<semaphore_mem>>)
        %dma_wait3A_245 = arith.constant 0 : i32
        %dma_wait3A_246 = tpu.memref_slice %arg5[%add3A_240, %dma_wait3A_245] : memref<10000x128xf32, #tpu.memory_space<hbm>> -> memref<320x128xf32, #tpu.memory_space<hbm>>
        %dma_wait3A_247 = arith.constant 0 : i32
        %dma_wait3A_248 = tpu.memref_slice %arg5[%add3A_240, %dma_wait3A_247] : memref<10000x128xf32, #tpu.memory_space<hbm>> -> memref<320x128xf32, #tpu.memory_space<hbm>>
        tpu.wait_dma2 semaphore(%run_scoped3A : memref<!tpu.dma_semaphore, #tpu.memory_space<semaphore_mem>>) src(%arg15 : memref<320x128xf32, #tpu.memory_space<vmem>>) dst(%dma_wait3A_248 : memref<320x128xf32, #tpu.memory_space<hbm>>)
        tpu.yield
      }) : () -> ()
    } else {
    }
    %eq3A_231 = arith.constant 15 : i32
    %eq3A_232 = arith.cmpi eq, %arg1, %eq3A_231 : i32
    %convert_element_type3A_233 = arith.extui %eq3A_232 : i1 to i32
    %cond3A_234 = arith.constant 0 : i32
    %cond3A_235 = arith.cmpi ne, %convert_element_type3A_233, %cond3A_234 : i32
    scf.if %cond3A_235 {
      "tpu.region"() ({
        %run_scoped3A = tpu.sem_alloc : memref<!tpu.dma_semaphore, #tpu.memory_space<semaphore_mem>>
        %dma_start3A_238 = arith.constant 0 : i32
        %dma_start3A_239 = arith.constant 0 : i32
        %dma_start3A_240 = tpu.memref_slice %arg15[%dma_start3A_238, %dma_start3A_239] : memref<320x128xf32, #tpu.memory_space<vmem>> -> memref<200x128xf32, #tpu.memory_space<vmem>>
        %dma_start3A_241 = arith.constant 4800 : i32
        %dma_start3A_242 = arith.constant 0 : i32
        %dma_start3A_243 = tpu.memref_slice %arg16[%dma_start3A_241, %dma_start3A_242] : memref<5008x128xf32, #tpu.memory_space<vmem_shared>> -> memref<200x128xf32, #tpu.memory_space<vmem_shared>>
        %dma_start3A_244 = arith.constant 0 : i32
        %dma_start3A_245 = arith.constant 0 : i32
        %dma_start3A_246 = tpu.memref_slice %arg15[%dma_start3A_244, %dma_start3A_245] : memref<320x128xf32, #tpu.memory_space<vmem>> -> memref<200x128xf32, #tpu.memory_space<vmem>>
        %dma_start3A_247 = arith.constant 4800 : i32
        %dma_start3A_248 = arith.constant 0 : i32
        %dma_start3A_249 = tpu.memref_slice %arg16[%dma_start3A_247, %dma_start3A_248] : memref<5008x128xf32, #tpu.memory_space<vmem_shared>> -> memref<200x128xf32, #tpu.memory_space<vmem_shared>>
        tpu.enqueue_dma source(%dma_start3A_249 : memref<200x128xf32, #tpu.memory_space<vmem_shared>>) target(%dma_start3A_246 : memref<200x128xf32, #tpu.memory_space<vmem>>) target_semaphore(%run_scoped3A : memref<!tpu.dma_semaphore, #tpu.memory_space<semaphore_mem>>)
        %dma_wait3A_250 = arith.constant 0 : i32
        %dma_wait3A_251 = arith.constant 0 : i32
        %dma_wait3A_252 = tpu.memref_slice %arg15[%dma_wait3A_250, %dma_wait3A_251] : memref<320x128xf32, #tpu.memory_space<vmem>> -> memref<200x128xf32, #tpu.memory_space<vmem>>
        %dma_wait3A_253 = arith.constant 4800 : i32
        %dma_wait3A_254 = arith.constant 0 : i32
        %dma_wait3A_255 = tpu.memref_slice %arg16[%dma_wait3A_253, %dma_wait3A_254] : memref<5008x128xf32, #tpu.memory_space<vmem_shared>> -> memref<200x128xf32, #tpu.memory_space<vmem_shared>>
        %dma_wait3A_256 = arith.constant 0 : i32
        %dma_wait3A_257 = arith.constant 0 : i32
        %dma_wait3A_258 = tpu.memref_slice %arg15[%dma_wait3A_256, %dma_wait3A_257] : memref<320x128xf32, #tpu.memory_space<vmem>> -> memref<200x128xf32, #tpu.memory_space<vmem>>
        %dma_wait3A_259 = arith.constant 4800 : i32
        %dma_wait3A_260 = arith.constant 0 : i32
        %dma_wait3A_261 = tpu.memref_slice %arg16[%dma_wait3A_259, %dma_wait3A_260] : memref<5008x128xf32, #tpu.memory_space<vmem_shared>> -> memref<200x128xf32, #tpu.memory_space<vmem_shared>>
        tpu.wait_dma2 semaphore(%run_scoped3A : memref<!tpu.dma_semaphore, #tpu.memory_space<semaphore_mem>>) src(%dma_wait3A_261 : memref<200x128xf32, #tpu.memory_space<vmem_shared>>) dst(%dma_wait3A_258 : memref<200x128xf32, #tpu.memory_space<vmem>>)
        tpu.yield
      }) : () -> ()
      %add3A_236 = arith.constant 4800 : i32
      %add3A_237 = arith.addi %mul3A_0, %add3A_236 : i32
      "tpu.region"() ({
        %run_scoped3A = tpu.sem_alloc : memref<!tpu.dma_semaphore, #tpu.memory_space<semaphore_mem>>
        %dma_start3A_238 = arith.constant 0 : i32
        %dma_start3A_239 = arith.constant 0 : i32
        %dma_start3A_240 = tpu.memref_slice %arg15[%dma_start3A_238, %dma_start3A_239] : memref<320x128xf32, #tpu.memory_space<vmem>> -> memref<200x128xf32, #tpu.memory_space<vmem>>
        %dma_start3A_241 = arith.constant 0 : i32
        %dma_start3A_242 = tpu.memref_slice %arg5[%add3A_237, %dma_start3A_241] : memref<10000x128xf32, #tpu.memory_space<hbm>> -> memref<200x128xf32, #tpu.memory_space<hbm>>
        %dma_start3A_243 = arith.constant 0 : i32
        %dma_start3A_244 = tpu.memref_slice %arg5[%add3A_237, %dma_start3A_243] : memref<10000x128xf32, #tpu.memory_space<hbm>> -> memref<200x128xf32, #tpu.memory_space<hbm>>
        %dma_start3A_245 = arith.constant 0 : i32
        %dma_start3A_246 = arith.constant 0 : i32
        %dma_start3A_247 = tpu.memref_slice %arg15[%dma_start3A_245, %dma_start3A_246] : memref<320x128xf32, #tpu.memory_space<vmem>> -> memref<200x128xf32, #tpu.memory_space<vmem>>
        tpu.enqueue_dma source(%dma_start3A_247 : memref<200x128xf32, #tpu.memory_space<vmem>>) target(%dma_start3A_244 : memref<200x128xf32, #tpu.memory_space<hbm>>) target_semaphore(%run_scoped3A : memref<!tpu.dma_semaphore, #tpu.memory_space<semaphore_mem>>)
        %dma_wait3A_248 = arith.constant 0 : i32
        %dma_wait3A_249 = arith.constant 0 : i32
        %dma_wait3A_250 = tpu.memref_slice %arg15[%dma_wait3A_248, %dma_wait3A_249] : memref<320x128xf32, #tpu.memory_space<vmem>> -> memref<200x128xf32, #tpu.memory_space<vmem>>
        %dma_wait3A_251 = arith.constant 0 : i32
        %dma_wait3A_252 = tpu.memref_slice %arg5[%add3A_237, %dma_wait3A_251] : memref<10000x128xf32, #tpu.memory_space<hbm>> -> memref<200x128xf32, #tpu.memory_space<hbm>>
        %dma_wait3A_253 = arith.constant 0 : i32
        %dma_wait3A_254 = tpu.memref_slice %arg5[%add3A_237, %dma_wait3A_253] : memref<10000x128xf32, #tpu.memory_space<hbm>> -> memref<200x128xf32, #tpu.memory_space<hbm>>
        %dma_wait3A_255 = arith.constant 0 : i32
        %dma_wait3A_256 = arith.constant 0 : i32
        %dma_wait3A_257 = tpu.memref_slice %arg15[%dma_wait3A_255, %dma_wait3A_256] : memref<320x128xf32, #tpu.memory_space<vmem>> -> memref<200x128xf32, #tpu.memory_space<vmem>>
        tpu.wait_dma2 semaphore(%run_scoped3A : memref<!tpu.dma_semaphore, #tpu.memory_space<semaphore_mem>>) src(%dma_wait3A_257 : memref<200x128xf32, #tpu.memory_space<vmem>>) dst(%dma_wait3A_254 : memref<200x128xf32, #tpu.memory_space<hbm>>)
        tpu.yield
      }) : () -> ()
    } else {
    }
    return
  }
}

#map = affine_map<(d0, d1) -> (0, 0)>
#map1 = affine_map<(d0, d1) -> (0)>
module attributes {stable_mosaic.version = 14 : i64} {
  func.func @_gather_body(%arg0: i32, %arg1: i32, %arg2: memref<10000x128xf32, #tpu.memory_space<hbm>>, %arg3: memref<3328xi32, #tpu.memory_space<hbm>>, %arg4: memref<3200xi32, #tpu.memory_space<hbm>>, %arg5: memref<3328x128xf32, #tpu.memory_space<hbm>>, %arg6: memref<160000xf32, #tpu.memory_space<hbm>>, %arg7: memref<104xi32, #tpu.memory_space<vmem>>, %arg8: memref<104x128xf32, #tpu.memory_space<vmem>>, %arg9: memref<208xi32, #tpu.memory_space<vmem>>, %arg10: memref<10000xf32, #tpu.memory_space<vmem>>, %arg11: memref<!tpu.dma_semaphore, #tpu.memory_space<semaphore_mem>>) attributes {dimension_semantics = [#tpu.dimension_semantics<core_parallel>, #tpu.dimension_semantics<subcore_parallel>], iteration_bounds = array<i64: 2, 16>, scalar_prefetch = 0 : i64, scratch_operands = 5 : i64, tpu.core_type = #tpu.core_type<sc_vector_subcore>, window_params = [{transform_indices = #map}, {transform_indices = #map1}, {transform_indices = #map1}, {transform_indices = #map}, {transform_indices = #map1}]} {
    %mul3A = arith.constant 2 : i32
    %mul3A_0 = arith.muli %arg1, %mul3A : i32
    %add3A = arith.addi %mul3A_0, %arg0 : i32
    %mul3A_1 = arith.constant 104 : i32
    %mul3A_2 = arith.muli %add3A, %mul3A_1 : i32
    "tpu.region"() ({
      %run_scoped3A = tpu.sem_alloc : memref<!tpu.dma_semaphore, #tpu.memory_space<semaphore_mem>>
      %dma_start3A_9 = tpu.memref_slice %arg3[%mul3A_2] : memref<3328xi32, #tpu.memory_space<hbm>> -> memref<104xi32, #tpu.memory_space<hbm>>
      %dma_start3A_10 = tpu.memref_slice %arg3[%mul3A_2] : memref<3328xi32, #tpu.memory_space<hbm>> -> memref<104xi32, #tpu.memory_space<hbm>>
      tpu.enqueue_dma source(%dma_start3A_10 : memref<104xi32, #tpu.memory_space<hbm>>) target(%arg7 : memref<104xi32, #tpu.memory_space<vmem>>) target_semaphore(%run_scoped3A : memref<!tpu.dma_semaphore, #tpu.memory_space<semaphore_mem>>)
      %dma_wait3A_11 = tpu.memref_slice %arg3[%mul3A_2] : memref<3328xi32, #tpu.memory_space<hbm>> -> memref<104xi32, #tpu.memory_space<hbm>>
      %dma_wait3A_12 = tpu.memref_slice %arg3[%mul3A_2] : memref<3328xi32, #tpu.memory_space<hbm>> -> memref<104xi32, #tpu.memory_space<hbm>>
      tpu.wait_dma2 semaphore(%run_scoped3A : memref<!tpu.dma_semaphore, #tpu.memory_space<semaphore_mem>>) src(%dma_wait3A_12 : memref<104xi32, #tpu.memory_space<hbm>>) dst(%arg7 : memref<104xi32, #tpu.memory_space<vmem>>)
      tpu.yield
    }) : () -> ()
    %dma_start3A = arith.constant 0 : i32
    %dma_start3A_3 = arith.constant 0 : i32
    %dma_start3A_4 = tpu.memref_slice %arg2[%dma_start3A, %dma_start3A_3] : memref<10000x128xf32, #tpu.memory_space<hbm>> -> memref<10000x128xf32, #tpu.memory_space<hbm>>
    tpu.enqueue_indirect_dma source(%dma_start3A_4 : memref<10000x128xf32, #tpu.memory_space<hbm>>) target(%arg8 : memref<104x128xf32, #tpu.memory_space<vmem>>) offsets(%arg7 : memref<104xi32, #tpu.memory_space<vmem>>) semaphore(%arg11 : memref<!tpu.dma_semaphore, #tpu.memory_space<semaphore_mem>>)
    %dma_wait3A = arith.constant 0 : i32
    %dma_wait3A_5 = arith.constant 0 : i32
    %dma_wait3A_6 = tpu.memref_slice %arg2[%dma_wait3A, %dma_wait3A_5] : memref<10000x128xf32, #tpu.memory_space<hbm>> -> memref<10000x128xf32, #tpu.memory_space<hbm>>
    tpu.wait_indirect_dma semaphore(%arg11 : memref<!tpu.dma_semaphore, #tpu.memory_space<semaphore_mem>>) src(%dma_wait3A_6 : memref<10000x128xf32, #tpu.memory_space<hbm>>) dst(%arg8 : memref<104x128xf32, #tpu.memory_space<vmem>>)
    "tpu.region"() ({
      %run_scoped3A = tpu.sem_alloc : memref<!tpu.dma_semaphore, #tpu.memory_space<semaphore_mem>>
      %dma_start3A_9 = arith.constant 0 : i32
      %dma_start3A_10 = tpu.memref_slice %arg5[%mul3A_2, %dma_start3A_9] : memref<3328x128xf32, #tpu.memory_space<hbm>> -> memref<104x128xf32, #tpu.memory_space<hbm>>
      %dma_start3A_11 = arith.constant 0 : i32
      %dma_start3A_12 = tpu.memref_slice %arg5[%mul3A_2, %dma_start3A_11] : memref<3328x128xf32, #tpu.memory_space<hbm>> -> memref<104x128xf32, #tpu.memory_space<hbm>>
      tpu.enqueue_dma source(%arg8 : memref<104x128xf32, #tpu.memory_space<vmem>>) target(%dma_start3A_12 : memref<104x128xf32, #tpu.memory_space<hbm>>) target_semaphore(%run_scoped3A : memref<!tpu.dma_semaphore, #tpu.memory_space<semaphore_mem>>)
      %dma_wait3A_13 = arith.constant 0 : i32
      %dma_wait3A_14 = tpu.memref_slice %arg5[%mul3A_2, %dma_wait3A_13] : memref<3328x128xf32, #tpu.memory_space<hbm>> -> memref<104x128xf32, #tpu.memory_space<hbm>>
      %dma_wait3A_15 = arith.constant 0 : i32
      %dma_wait3A_16 = tpu.memref_slice %arg5[%mul3A_2, %dma_wait3A_15] : memref<3328x128xf32, #tpu.memory_space<hbm>> -> memref<104x128xf32, #tpu.memory_space<hbm>>
      tpu.wait_dma2 semaphore(%run_scoped3A : memref<!tpu.dma_semaphore, #tpu.memory_space<semaphore_mem>>) src(%arg8 : memref<104x128xf32, #tpu.memory_space<vmem>>) dst(%dma_wait3A_16 : memref<104x128xf32, #tpu.memory_space<hbm>>)
      tpu.yield
    }) : () -> ()
    %lt3A = arith.constant 16 : i32
    %lt3A_7 = arith.cmpi slt, %add3A, %lt3A : i32
    %convert_element_type3A = arith.extui %lt3A_7 : i1 to i32
    %cond3A = arith.constant 0 : i32
    %cond3A_8 = arith.cmpi ne, %convert_element_type3A, %cond3A : i32
    scf.if %cond3A_8 {
      %mul3A_9 = arith.constant 200 : i32
      %mul3A_10 = arith.muli %add3A, %mul3A_9 : i32
      "tpu.region"() ({
        %run_scoped3A = tpu.sem_alloc : memref<!tpu.dma_semaphore, #tpu.memory_space<semaphore_mem>>
        %dma_start3A_1043 = arith.constant 0 : i32
        %dma_start3A_1044 = tpu.memref_slice %arg9[%dma_start3A_1043] : memref<208xi32, #tpu.memory_space<vmem>> -> memref<200xi32, #tpu.memory_space<vmem>>
        %dma_start3A_1045 = tpu.memref_slice %arg4[%mul3A_10] : memref<3200xi32, #tpu.memory_space<hbm>> -> memref<200xi32, #tpu.memory_space<hbm>>
        %dma_start3A_1046 = arith.constant 0 : i32
        %dma_start3A_1047 = tpu.memref_slice %arg9[%dma_start3A_1046] : memref<208xi32, #tpu.memory_space<vmem>> -> memref<200xi32, #tpu.memory_space<vmem>>
        %dma_start3A_1048 = tpu.memref_slice %arg4[%mul3A_10] : memref<3200xi32, #tpu.memory_space<hbm>> -> memref<200xi32, #tpu.memory_space<hbm>>
        tpu.enqueue_dma source(%dma_start3A_1048 : memref<200xi32, #tpu.memory_space<hbm>>) target(%dma_start3A_1047 : memref<200xi32, #tpu.memory_space<vmem>>) target_semaphore(%run_scoped3A : memref<!tpu.dma_semaphore, #tpu.memory_space<semaphore_mem>>)
        %dma_wait3A_1049 = arith.constant 0 : i32
        %dma_wait3A_1050 = tpu.memref_slice %arg9[%dma_wait3A_1049] : memref<208xi32, #tpu.memory_space<vmem>> -> memref<200xi32, #tpu.memory_space<vmem>>
        %dma_wait3A_1051 = tpu.memref_slice %arg4[%mul3A_10] : memref<3200xi32, #tpu.memory_space<hbm>> -> memref<200xi32, #tpu.memory_space<hbm>>
        %dma_wait3A_1052 = arith.constant 0 : i32
        %dma_wait3A_1053 = tpu.memref_slice %arg9[%dma_wait3A_1052] : memref<208xi32, #tpu.memory_space<vmem>> -> memref<200xi32, #tpu.memory_space<vmem>>
        %dma_wait3A_1054 = tpu.memref_slice %arg4[%mul3A_10] : memref<3200xi32, #tpu.memory_space<hbm>> -> memref<200xi32, #tpu.memory_space<hbm>>
        tpu.wait_dma2 semaphore(%run_scoped3A : memref<!tpu.dma_semaphore, #tpu.memory_space<semaphore_mem>>) src(%dma_wait3A_1054 : memref<200xi32, #tpu.memory_space<hbm>>) dst(%dma_wait3A_1053 : memref<200xi32, #tpu.memory_space<vmem>>)
        tpu.yield
      }) : () -> ()
      %scan3A = arith.constant 0 : i32
      %scan3A_11 = arith.constant 0 : i32
      %scan3A_12 = arith.constant 625 : i32
      %scan3A_13 = arith.addi %scan3A_11, %scan3A_12 : i32
      %scan3A_14 = arith.constant 1 : i32
      scf.for %scan3A_1043 = %scan3A_11 to %scan3A_13 step %scan3A_14  : i32 {
        %broadcast_in_dim3A_1044 = arith.constant 1.000000e+09 : f32
        %broadcast_in_dim3A_1045 = vector.broadcast %broadcast_in_dim3A_1044 : f32 to vector<16xf32>
        %mul3A_1046 = arith.constant 16 : i32
        %mul3A_1047 = arith.muli %scan3A_1043, %mul3A_1046 : i32
        %swap3A_1048 = arith.index_cast %mul3A_1047 : i32 to index
        %swap3A_1049 = tpu.vector_load %arg10[%swap3A_1048] {strides = array<i32>} : memref<10000xf32, #tpu.memory_space<vmem>>, vector<16xf32>,
        tpu.vector_store %arg10[%swap3A_1048], %broadcast_in_dim3A_1045 {strides = array<i32>} : memref<10000xf32, #tpu.memory_space<vmem>>, vector<16xf32>,
      }
      %scan3A_15 = arith.constant 625 : i32
      %iota3A = tpu.iota {dimensions = array<i32: 0>} : vector<16xi32>
      %get3A = arith.constant 192 : index
      %get3A_16 = tpu.vector_load %arg9[%get3A] {strides = array<i32>} : memref<208xi32, #tpu.memory_space<vmem>>, vector<16xi32>,
      %broadcast_in_dim3A = arith.constant 1.980000e+02 : f32
      %broadcast_in_dim3A_17 = vector.broadcast %broadcast_in_dim3A : f32 to vector<16xf32>
      %eq3A = arith.constant 6 : i32
      %eq3A_18 = vector.broadcast %eq3A : i32 to vector<16xi32>
      %eq3A_19 = arith.cmpi eq, %iota3A, %eq3A_18 : vector<16xi32>
      tpu.vector_store_idx %arg10[%get3A_16], %broadcast_in_dim3A_17 masked %eq3A_19 : memref<10000xf32, #tpu.memory_space<vmem>>[vector<16xi32>], vector<16xf32>, vector<16xi1>
      %broadcast_in_dim3A_20 = arith.constant 1.970000e+02 : f32
      %broadcast_in_dim3A_21 = vector.broadcast %broadcast_in_dim3A_20 : f32 to vector<16xf32>
      %eq3A_22 = arith.constant 5 : i32
      %eq3A_23 = vector.broadcast %eq3A_22 : i32 to vector<16xi32>
      %eq3A_24 = arith.cmpi eq, %iota3A, %eq3A_23 : vector<16xi32>
      tpu.vector_store_idx %arg10[%get3A_16], %broadcast_in_dim3A_21 masked %eq3A_24 : memref<10000xf32, #tpu.memory_space<vmem>>[vector<16xi32>], vector<16xf32>, vector<16xi1>
      %broadcast_in_dim3A_25 = arith.constant 1.960000e+02 : f32
      %broadcast_in_dim3A_26 = vector.broadcast %broadcast_in_dim3A_25 : f32 to vector<16xf32>
      %eq3A_27 = arith.constant 4 : i32
      %eq3A_28 = vector.broadcast %eq3A_27 : i32 to vector<16xi32>
      %eq3A_29 = arith.cmpi eq, %iota3A, %eq3A_28 : vector<16xi32>
      tpu.vector_store_idx %arg10[%get3A_16], %broadcast_in_dim3A_26 masked %eq3A_29 : memref<10000xf32, #tpu.memory_space<vmem>>[vector<16xi32>], vector<16xf32>, vector<16xi1>
      %broadcast_in_dim3A_30 = arith.constant 1.950000e+02 : f32
      %broadcast_in_dim3A_31 = vector.broadcast %broadcast_in_dim3A_30 : f32 to vector<16xf32>
      %eq3A_32 = arith.constant 3 : i32
      %eq3A_33 = vector.broadcast %eq3A_32 : i32 to vector<16xi32>
      %eq3A_34 = arith.cmpi eq, %iota3A, %eq3A_33 : vector<16xi32>
      tpu.vector_store_idx %arg10[%get3A_16], %broadcast_in_dim3A_31 masked %eq3A_34 : memref<10000xf32, #tpu.memory_space<vmem>>[vector<16xi32>], vector<16xf32>, vector<16xi1>
      %broadcast_in_dim3A_35 = arith.constant 1.940000e+02 : f32
      %broadcast_in_dim3A_36 = vector.broadcast %broadcast_in_dim3A_35 : f32 to vector<16xf32>
      %eq3A_37 = arith.constant 2 : i32
      %eq3A_38 = vector.broadcast %eq3A_37 : i32 to vector<16xi32>
      %eq3A_39 = arith.cmpi eq, %iota3A, %eq3A_38 : vector<16xi32>
      tpu.vector_store_idx %arg10[%get3A_16], %broadcast_in_dim3A_36 masked %eq3A_39 : memref<10000xf32, #tpu.memory_space<vmem>>[vector<16xi32>], vector<16xf32>, vector<16xi1>
      %broadcast_in_dim3A_40 = arith.constant 1.930000e+02 : f32
      %broadcast_in_dim3A_41 = vector.broadcast %broadcast_in_dim3A_40 : f32 to vector<16xf32>
      %eq3A_42 = arith.constant 1 : i32
      %eq3A_43 = vector.broadcast %eq3A_42 : i32 to vector<16xi32>
      %eq3A_44 = arith.cmpi eq, %iota3A, %eq3A_43 : vector<16xi32>
      tpu.vector_store_idx %arg10[%get3A_16], %broadcast_in_dim3A_41 masked %eq3A_44 : memref<10000xf32, #tpu.memory_space<vmem>>[vector<16xi32>], vector<16xf32>, vector<16xi1>
      %broadcast_in_dim3A_45 = arith.constant 1.920000e+02 : f32
      %broadcast_in_dim3A_46 = vector.broadcast %broadcast_in_dim3A_45 : f32 to vector<16xf32>
      %eq3A_47 = arith.constant 0 : i32
      %eq3A_48 = vector.broadcast %eq3A_47 : i32 to vector<16xi32>
      %eq3A_49 = arith.cmpi eq, %iota3A, %eq3A_48 : vector<16xi32>
      tpu.vector_store_idx %arg10[%get3A_16], %broadcast_in_dim3A_46 masked %eq3A_49 : memref<10000xf32, #tpu.memory_space<vmem>>[vector<16xi32>], vector<16xf32>, vector<16xi1>
      %get3A_50 = arith.constant 176 : index
      %get3A_51 = tpu.vector_load %arg9[%get3A_50] {strides = array<i32>} : memref<208xi32, #tpu.memory_space<vmem>>, vector<16xi32>,
      %broadcast_in_dim3A_52 = arith.constant 1.910000e+02 : f32
      %broadcast_in_dim3A_53 = vector.broadcast %broadcast_in_dim3A_52 : f32 to vector<16xf32>
      %eq3A_54 = arith.constant 15 : i32
      %eq3A_55 = vector.broadcast %eq3A_54 : i32 to vector<16xi32>
      %eq3A_56 = arith.cmpi eq, %iota3A, %eq3A_55 : vector<16xi32>
      tpu.vector_store_idx %arg10[%get3A_51], %broadcast_in_dim3A_53 masked %eq3A_56 : memref<10000xf32, #tpu.memory_space<vmem>>[vector<16xi32>], vector<16xf32>, vector<16xi1>
      %broadcast_in_dim3A_57 = arith.constant 1.900000e+02 : f32
      %broadcast_in_dim3A_58 = vector.broadcast %broadcast_in_dim3A_57 : f32 to vector<16xf32>
      %eq3A_59 = arith.constant 14 : i32
      %eq3A_60 = vector.broadcast %eq3A_59 : i32 to vector<16xi32>
      %eq3A_61 = arith.cmpi eq, %iota3A, %eq3A_60 : vector<16xi32>
      tpu.vector_store_idx %arg10[%get3A_51], %broadcast_in_dim3A_58 masked %eq3A_61 : memref<10000xf32, #tpu.memory_space<vmem>>[vector<16xi32>], vector<16xf32>, vector<16xi1>
      %broadcast_in_dim3A_62 = arith.constant 1.890000e+02 : f32
      %broadcast_in_dim3A_63 = vector.broadcast %broadcast_in_dim3A_62 : f32 to vector<16xf32>
      %eq3A_64 = arith.constant 13 : i32
      %eq3A_65 = vector.broadcast %eq3A_64 : i32 to vector<16xi32>
      %eq3A_66 = arith.cmpi eq, %iota3A, %eq3A_65 : vector<16xi32>
      tpu.vector_store_idx %arg10[%get3A_51], %broadcast_in_dim3A_63 masked %eq3A_66 : memref<10000xf32, #tpu.memory_space<vmem>>[vector<16xi32>], vector<16xf32>, vector<16xi1>
      %broadcast_in_dim3A_67 = arith.constant 1.880000e+02 : f32
      %broadcast_in_dim3A_68 = vector.broadcast %broadcast_in_dim3A_67 : f32 to vector<16xf32>
      %eq3A_69 = arith.constant 12 : i32
      %eq3A_70 = vector.broadcast %eq3A_69 : i32 to vector<16xi32>
      %eq3A_71 = arith.cmpi eq, %iota3A, %eq3A_70 : vector<16xi32>
      tpu.vector_store_idx %arg10[%get3A_51], %broadcast_in_dim3A_68 masked %eq3A_71 : memref<10000xf32, #tpu.memory_space<vmem>>[vector<16xi32>], vector<16xf32>, vector<16xi1>
      %broadcast_in_dim3A_72 = arith.constant 1.870000e+02 : f32
      %broadcast_in_dim3A_73 = vector.broadcast %broadcast_in_dim3A_72 : f32 to vector<16xf32>
      %eq3A_74 = arith.constant 11 : i32
      %eq3A_75 = vector.broadcast %eq3A_74 : i32 to vector<16xi32>
      %eq3A_76 = arith.cmpi eq, %iota3A, %eq3A_75 : vector<16xi32>
      tpu.vector_store_idx %arg10[%get3A_51], %broadcast_in_dim3A_73 masked %eq3A_76 : memref<10000xf32, #tpu.memory_space<vmem>>[vector<16xi32>], vector<16xf32>, vector<16xi1>
      %broadcast_in_dim3A_77 = arith.constant 1.860000e+02 : f32
      %broadcast_in_dim3A_78 = vector.broadcast %broadcast_in_dim3A_77 : f32 to vector<16xf32>
      %eq3A_79 = arith.constant 10 : i32
      %eq3A_80 = vector.broadcast %eq3A_79 : i32 to vector<16xi32>
      %eq3A_81 = arith.cmpi eq, %iota3A, %eq3A_80 : vector<16xi32>
      tpu.vector_store_idx %arg10[%get3A_51], %broadcast_in_dim3A_78 masked %eq3A_81 : memref<10000xf32, #tpu.memory_space<vmem>>[vector<16xi32>], vector<16xf32>, vector<16xi1>
      %broadcast_in_dim3A_82 = arith.constant 1.850000e+02 : f32
      %broadcast_in_dim3A_83 = vector.broadcast %broadcast_in_dim3A_82 : f32 to vector<16xf32>
      %eq3A_84 = arith.constant 9 : i32
      %eq3A_85 = vector.broadcast %eq3A_84 : i32 to vector<16xi32>
      %eq3A_86 = arith.cmpi eq, %iota3A, %eq3A_85 : vector<16xi32>
      tpu.vector_store_idx %arg10[%get3A_51], %broadcast_in_dim3A_83 masked %eq3A_86 : memref<10000xf32, #tpu.memory_space<vmem>>[vector<16xi32>], vector<16xf32>, vector<16xi1>
      %broadcast_in_dim3A_87 = arith.constant 1.840000e+02 : f32
      %broadcast_in_dim3A_88 = vector.broadcast %broadcast_in_dim3A_87 : f32 to vector<16xf32>
      %eq3A_89 = arith.constant 8 : i32
      %eq3A_90 = vector.broadcast %eq3A_89 : i32 to vector<16xi32>
      %eq3A_91 = arith.cmpi eq, %iota3A, %eq3A_90 : vector<16xi32>
      tpu.vector_store_idx %arg10[%get3A_51], %broadcast_in_dim3A_88 masked %eq3A_91 : memref<10000xf32, #tpu.memory_space<vmem>>[vector<16xi32>], vector<16xf32>, vector<16xi1>
      %broadcast_in_dim3A_92 = arith.constant 1.830000e+02 : f32
      %broadcast_in_dim3A_93 = vector.broadcast %broadcast_in_dim3A_92 : f32 to vector<16xf32>
      %eq3A_94 = arith.constant 7 : i32
      %eq3A_95 = vector.broadcast %eq3A_94 : i32 to vector<16xi32>
      %eq3A_96 = arith.cmpi eq, %iota3A, %eq3A_95 : vector<16xi32>
      tpu.vector_store_idx %arg10[%get3A_51], %broadcast_in_dim3A_93 masked %eq3A_96 : memref<10000xf32, #tpu.memory_space<vmem>>[vector<16xi32>], vector<16xf32>, vector<16xi1>
      %broadcast_in_dim3A_97 = arith.constant 1.820000e+02 : f32
      %broadcast_in_dim3A_98 = vector.broadcast %broadcast_in_dim3A_97 : f32 to vector<16xf32>
      %eq3A_99 = arith.constant 6 : i32
      %eq3A_100 = vector.broadcast %eq3A_99 : i32 to vector<16xi32>
      %eq3A_101 = arith.cmpi eq, %iota3A, %eq3A_100 : vector<16xi32>
      tpu.vector_store_idx %arg10[%get3A_51], %broadcast_in_dim3A_98 masked %eq3A_101 : memref<10000xf32, #tpu.memory_space<vmem>>[vector<16xi32>], vector<16xf32>, vector<16xi1>
      %broadcast_in_dim3A_102 = arith.constant 1.810000e+02 : f32
      %broadcast_in_dim3A_103 = vector.broadcast %broadcast_in_dim3A_102 : f32 to vector<16xf32>
      %eq3A_104 = arith.constant 5 : i32
      %eq3A_105 = vector.broadcast %eq3A_104 : i32 to vector<16xi32>
      %eq3A_106 = arith.cmpi eq, %iota3A, %eq3A_105 : vector<16xi32>
      tpu.vector_store_idx %arg10[%get3A_51], %broadcast_in_dim3A_103 masked %eq3A_106 : memref<10000xf32, #tpu.memory_space<vmem>>[vector<16xi32>], vector<16xf32>, vector<16xi1>
      %broadcast_in_dim3A_107 = arith.constant 1.800000e+02 : f32
      %broadcast_in_dim3A_108 = vector.broadcast %broadcast_in_dim3A_107 : f32 to vector<16xf32>
      %eq3A_109 = arith.constant 4 : i32
      %eq3A_110 = vector.broadcast %eq3A_109 : i32 to vector<16xi32>
      %eq3A_111 = arith.cmpi eq, %iota3A, %eq3A_110 : vector<16xi32>
      tpu.vector_store_idx %arg10[%get3A_51], %broadcast_in_dim3A_108 masked %eq3A_111 : memref<10000xf32, #tpu.memory_space<vmem>>[vector<16xi32>], vector<16xf32>, vector<16xi1>
      %broadcast_in_dim3A_112 = arith.constant 1.790000e+02 : f32
      %broadcast_in_dim3A_113 = vector.broadcast %broadcast_in_dim3A_112 : f32 to vector<16xf32>
      %eq3A_114 = arith.constant 3 : i32
      %eq3A_115 = vector.broadcast %eq3A_114 : i32 to vector<16xi32>
      %eq3A_116 = arith.cmpi eq, %iota3A, %eq3A_115 : vector<16xi32>
      tpu.vector_store_idx %arg10[%get3A_51], %broadcast_in_dim3A_113 masked %eq3A_116 : memref<10000xf32, #tpu.memory_space<vmem>>[vector<16xi32>], vector<16xf32>, vector<16xi1>
      %broadcast_in_dim3A_117 = arith.constant 1.780000e+02 : f32
      %broadcast_in_dim3A_118 = vector.broadcast %broadcast_in_dim3A_117 : f32 to vector<16xf32>
      %eq3A_119 = arith.constant 2 : i32
      %eq3A_120 = vector.broadcast %eq3A_119 : i32 to vector<16xi32>
      %eq3A_121 = arith.cmpi eq, %iota3A, %eq3A_120 : vector<16xi32>
      tpu.vector_store_idx %arg10[%get3A_51], %broadcast_in_dim3A_118 masked %eq3A_121 : memref<10000xf32, #tpu.memory_space<vmem>>[vector<16xi32>], vector<16xf32>, vector<16xi1>
      %broadcast_in_dim3A_122 = arith.constant 1.770000e+02 : f32
      %broadcast_in_dim3A_123 = vector.broadcast %broadcast_in_dim3A_122 : f32 to vector<16xf32>
      %eq3A_124 = arith.constant 1 : i32
      %eq3A_125 = vector.broadcast %eq3A_124 : i32 to vector<16xi32>
      %eq3A_126 = arith.cmpi eq, %iota3A, %eq3A_125 : vector<16xi32>
      tpu.vector_store_idx %arg10[%get3A_51], %broadcast_in_dim3A_123 masked %eq3A_126 : memref<10000xf32, #tpu.memory_space<vmem>>[vector<16xi32>], vector<16xf32>, vector<16xi1>
      %broadcast_in_dim3A_127 = arith.constant 1.760000e+02 : f32
      %broadcast_in_dim3A_128 = vector.broadcast %broadcast_in_dim3A_127 : f32 to vector<16xf32>
      %eq3A_129 = arith.constant 0 : i32
      %eq3A_130 = vector.broadcast %eq3A_129 : i32 to vector<16xi32>
      %eq3A_131 = arith.cmpi eq, %iota3A, %eq3A_130 : vector<16xi32>
      tpu.vector_store_idx %arg10[%get3A_51], %broadcast_in_dim3A_128 masked %eq3A_131 : memref<10000xf32, #tpu.memory_space<vmem>>[vector<16xi32>], vector<16xf32>, vector<16xi1>
      %get3A_132 = arith.constant 160 : index
      %get3A_133 = tpu.vector_load %arg9[%get3A_132] {strides = array<i32>} : memref<208xi32, #tpu.memory_space<vmem>>, vector<16xi32>,
      %broadcast_in_dim3A_134 = arith.constant 1.750000e+02 : f32
      %broadcast_in_dim3A_135 = vector.broadcast %broadcast_in_dim3A_134 : f32 to vector<16xf32>
      %eq3A_136 = arith.constant 15 : i32
      %eq3A_137 = vector.broadcast %eq3A_136 : i32 to vector<16xi32>
      %eq3A_138 = arith.cmpi eq, %iota3A, %eq3A_137 : vector<16xi32>
      tpu.vector_store_idx %arg10[%get3A_133], %broadcast_in_dim3A_135 masked %eq3A_138 : memref<10000xf32, #tpu.memory_space<vmem>>[vector<16xi32>], vector<16xf32>, vector<16xi1>
      %broadcast_in_dim3A_139 = arith.constant 1.740000e+02 : f32
      %broadcast_in_dim3A_140 = vector.broadcast %broadcast_in_dim3A_139 : f32 to vector<16xf32>
      %eq3A_141 = arith.constant 14 : i32
      %eq3A_142 = vector.broadcast %eq3A_141 : i32 to vector<16xi32>
      %eq3A_143 = arith.cmpi eq, %iota3A, %eq3A_142 : vector<16xi32>
      tpu.vector_store_idx %arg10[%get3A_133], %broadcast_in_dim3A_140 masked %eq3A_143 : memref<10000xf32, #tpu.memory_space<vmem>>[vector<16xi32>], vector<16xf32>, vector<16xi1>
      %broadcast_in_dim3A_144 = arith.constant 1.730000e+02 : f32
      %broadcast_in_dim3A_145 = vector.broadcast %broadcast_in_dim3A_144 : f32 to vector<16xf32>
      %eq3A_146 = arith.constant 13 : i32
      %eq3A_147 = vector.broadcast %eq3A_146 : i32 to vector<16xi32>
      %eq3A_148 = arith.cmpi eq, %iota3A, %eq3A_147 : vector<16xi32>
      tpu.vector_store_idx %arg10[%get3A_133], %broadcast_in_dim3A_145 masked %eq3A_148 : memref<10000xf32, #tpu.memory_space<vmem>>[vector<16xi32>], vector<16xf32>, vector<16xi1>
      %broadcast_in_dim3A_149 = arith.constant 1.720000e+02 : f32
      %broadcast_in_dim3A_150 = vector.broadcast %broadcast_in_dim3A_149 : f32 to vector<16xf32>
      %eq3A_151 = arith.constant 12 : i32
      %eq3A_152 = vector.broadcast %eq3A_151 : i32 to vector<16xi32>
      %eq3A_153 = arith.cmpi eq, %iota3A, %eq3A_152 : vector<16xi32>
      tpu.vector_store_idx %arg10[%get3A_133], %broadcast_in_dim3A_150 masked %eq3A_153 : memref<10000xf32, #tpu.memory_space<vmem>>[vector<16xi32>], vector<16xf32>, vector<16xi1>
      %broadcast_in_dim3A_154 = arith.constant 1.710000e+02 : f32
      %broadcast_in_dim3A_155 = vector.broadcast %broadcast_in_dim3A_154 : f32 to vector<16xf32>
      %eq3A_156 = arith.constant 11 : i32
      %eq3A_157 = vector.broadcast %eq3A_156 : i32 to vector<16xi32>
      %eq3A_158 = arith.cmpi eq, %iota3A, %eq3A_157 : vector<16xi32>
      tpu.vector_store_idx %arg10[%get3A_133], %broadcast_in_dim3A_155 masked %eq3A_158 : memref<10000xf32, #tpu.memory_space<vmem>>[vector<16xi32>], vector<16xf32>, vector<16xi1>
      %broadcast_in_dim3A_159 = arith.constant 1.700000e+02 : f32
      %broadcast_in_dim3A_160 = vector.broadcast %broadcast_in_dim3A_159 : f32 to vector<16xf32>
      %eq3A_161 = arith.constant 10 : i32
      %eq3A_162 = vector.broadcast %eq3A_161 : i32 to vector<16xi32>
      %eq3A_163 = arith.cmpi eq, %iota3A, %eq3A_162 : vector<16xi32>
      tpu.vector_store_idx %arg10[%get3A_133], %broadcast_in_dim3A_160 masked %eq3A_163 : memref<10000xf32, #tpu.memory_space<vmem>>[vector<16xi32>], vector<16xf32>, vector<16xi1>
      %broadcast_in_dim3A_164 = arith.constant 1.690000e+02 : f32
      %broadcast_in_dim3A_165 = vector.broadcast %broadcast_in_dim3A_164 : f32 to vector<16xf32>
      %eq3A_166 = arith.constant 9 : i32
      %eq3A_167 = vector.broadcast %eq3A_166 : i32 to vector<16xi32>
      %eq3A_168 = arith.cmpi eq, %iota3A, %eq3A_167 : vector<16xi32>
      tpu.vector_store_idx %arg10[%get3A_133], %broadcast_in_dim3A_165 masked %eq3A_168 : memref<10000xf32, #tpu.memory_space<vmem>>[vector<16xi32>], vector<16xf32>, vector<16xi1>
      %broadcast_in_dim3A_169 = arith.constant 1.680000e+02 : f32
      %broadcast_in_dim3A_170 = vector.broadcast %broadcast_in_dim3A_169 : f32 to vector<16xf32>
      %eq3A_171 = arith.constant 8 : i32
      %eq3A_172 = vector.broadcast %eq3A_171 : i32 to vector<16xi32>
      %eq3A_173 = arith.cmpi eq, %iota3A, %eq3A_172 : vector<16xi32>
      tpu.vector_store_idx %arg10[%get3A_133], %broadcast_in_dim3A_170 masked %eq3A_173 : memref<10000xf32, #tpu.memory_space<vmem>>[vector<16xi32>], vector<16xf32>, vector<16xi1>
      %broadcast_in_dim3A_174 = arith.constant 1.670000e+02 : f32
      %broadcast_in_dim3A_175 = vector.broadcast %broadcast_in_dim3A_174 : f32 to vector<16xf32>
      %eq3A_176 = arith.constant 7 : i32
      %eq3A_177 = vector.broadcast %eq3A_176 : i32 to vector<16xi32>
      %eq3A_178 = arith.cmpi eq, %iota3A, %eq3A_177 : vector<16xi32>
      tpu.vector_store_idx %arg10[%get3A_133], %broadcast_in_dim3A_175 masked %eq3A_178 : memref<10000xf32, #tpu.memory_space<vmem>>[vector<16xi32>], vector<16xf32>, vector<16xi1>
      %broadcast_in_dim3A_179 = arith.constant 1.660000e+02 : f32
      %broadcast_in_dim3A_180 = vector.broadcast %broadcast_in_dim3A_179 : f32 to vector<16xf32>
      %eq3A_181 = arith.constant 6 : i32
      %eq3A_182 = vector.broadcast %eq3A_181 : i32 to vector<16xi32>
      %eq3A_183 = arith.cmpi eq, %iota3A, %eq3A_182 : vector<16xi32>
      tpu.vector_store_idx %arg10[%get3A_133], %broadcast_in_dim3A_180 masked %eq3A_183 : memref<10000xf32, #tpu.memory_space<vmem>>[vector<16xi32>], vector<16xf32>, vector<16xi1>
      %broadcast_in_dim3A_184 = arith.constant 1.650000e+02 : f32
      %broadcast_in_dim3A_185 = vector.broadcast %broadcast_in_dim3A_184 : f32 to vector<16xf32>
      %eq3A_186 = arith.constant 5 : i32
      %eq3A_187 = vector.broadcast %eq3A_186 : i32 to vector<16xi32>
      %eq3A_188 = arith.cmpi eq, %iota3A, %eq3A_187 : vector<16xi32>
      tpu.vector_store_idx %arg10[%get3A_133], %broadcast_in_dim3A_185 masked %eq3A_188 : memref<10000xf32, #tpu.memory_space<vmem>>[vector<16xi32>], vector<16xf32>, vector<16xi1>
      %broadcast_in_dim3A_189 = arith.constant 1.640000e+02 : f32
      %broadcast_in_dim3A_190 = vector.broadcast %broadcast_in_dim3A_189 : f32 to vector<16xf32>
      %eq3A_191 = arith.constant 4 : i32
      %eq3A_192 = vector.broadcast %eq3A_191 : i32 to vector<16xi32>
      %eq3A_193 = arith.cmpi eq, %iota3A, %eq3A_192 : vector<16xi32>
      tpu.vector_store_idx %arg10[%get3A_133], %broadcast_in_dim3A_190 masked %eq3A_193 : memref<10000xf32, #tpu.memory_space<vmem>>[vector<16xi32>], vector<16xf32>, vector<16xi1>
      %broadcast_in_dim3A_194 = arith.constant 1.630000e+02 : f32
      %broadcast_in_dim3A_195 = vector.broadcast %broadcast_in_dim3A_194 : f32 to vector<16xf32>
      %eq3A_196 = arith.constant 3 : i32
      %eq3A_197 = vector.broadcast %eq3A_196 : i32 to vector<16xi32>
      %eq3A_198 = arith.cmpi eq, %iota3A, %eq3A_197 : vector<16xi32>
      tpu.vector_store_idx %arg10[%get3A_133], %broadcast_in_dim3A_195 masked %eq3A_198 : memref<10000xf32, #tpu.memory_space<vmem>>[vector<16xi32>], vector<16xf32>, vector<16xi1>
      %broadcast_in_dim3A_199 = arith.constant 1.620000e+02 : f32
      %broadcast_in_dim3A_200 = vector.broadcast %broadcast_in_dim3A_199 : f32 to vector<16xf32>
      %eq3A_201 = arith.constant 2 : i32
      %eq3A_202 = vector.broadcast %eq3A_201 : i32 to vector<16xi32>
      %eq3A_203 = arith.cmpi eq, %iota3A, %eq3A_202 : vector<16xi32>
      tpu.vector_store_idx %arg10[%get3A_133], %broadcast_in_dim3A_200 masked %eq3A_203 : memref<10000xf32, #tpu.memory_space<vmem>>[vector<16xi32>], vector<16xf32>, vector<16xi1>
      %broadcast_in_dim3A_204 = arith.constant 1.610000e+02 : f32
      %broadcast_in_dim3A_205 = vector.broadcast %broadcast_in_dim3A_204 : f32 to vector<16xf32>
      %eq3A_206 = arith.constant 1 : i32
      %eq3A_207 = vector.broadcast %eq3A_206 : i32 to vector<16xi32>
      %eq3A_208 = arith.cmpi eq, %iota3A, %eq3A_207 : vector<16xi32>
      tpu.vector_store_idx %arg10[%get3A_133], %broadcast_in_dim3A_205 masked %eq3A_208 : memref<10000xf32, #tpu.memory_space<vmem>>[vector<16xi32>], vector<16xf32>, vector<16xi1>
      %broadcast_in_dim3A_209 = arith.constant 1.600000e+02 : f32
      %broadcast_in_dim3A_210 = vector.broadcast %broadcast_in_dim3A_209 : f32 to vector<16xf32>
      %eq3A_211 = arith.constant 0 : i32
      %eq3A_212 = vector.broadcast %eq3A_211 : i32 to vector<16xi32>
      %eq3A_213 = arith.cmpi eq, %iota3A, %eq3A_212 : vector<16xi32>
      tpu.vector_store_idx %arg10[%get3A_133], %broadcast_in_dim3A_210 masked %eq3A_213 : memref<10000xf32, #tpu.memory_space<vmem>>[vector<16xi32>], vector<16xf32>, vector<16xi1>
      %get3A_214 = arith.constant 144 : index
      %get3A_215 = tpu.vector_load %arg9[%get3A_214] {strides = array<i32>} : memref<208xi32, #tpu.memory_space<vmem>>, vector<16xi32>,
      %broadcast_in_dim3A_216 = arith.constant 1.590000e+02 : f32
      %broadcast_in_dim3A_217 = vector.broadcast %broadcast_in_dim3A_216 : f32 to vector<16xf32>
      %eq3A_218 = arith.constant 15 : i32
      %eq3A_219 = vector.broadcast %eq3A_218 : i32 to vector<16xi32>
      %eq3A_220 = arith.cmpi eq, %iota3A, %eq3A_219 : vector<16xi32>
      tpu.vector_store_idx %arg10[%get3A_215], %broadcast_in_dim3A_217 masked %eq3A_220 : memref<10000xf32, #tpu.memory_space<vmem>>[vector<16xi32>], vector<16xf32>, vector<16xi1>
      %broadcast_in_dim3A_221 = arith.constant 1.580000e+02 : f32
      %broadcast_in_dim3A_222 = vector.broadcast %broadcast_in_dim3A_221 : f32 to vector<16xf32>
      %eq3A_223 = arith.constant 14 : i32
      %eq3A_224 = vector.broadcast %eq3A_223 : i32 to vector<16xi32>
      %eq3A_225 = arith.cmpi eq, %iota3A, %eq3A_224 : vector<16xi32>
      tpu.vector_store_idx %arg10[%get3A_215], %broadcast_in_dim3A_222 masked %eq3A_225 : memref<10000xf32, #tpu.memory_space<vmem>>[vector<16xi32>], vector<16xf32>, vector<16xi1>
      %broadcast_in_dim3A_226 = arith.constant 1.570000e+02 : f32
      %broadcast_in_dim3A_227 = vector.broadcast %broadcast_in_dim3A_226 : f32 to vector<16xf32>
      %eq3A_228 = arith.constant 13 : i32
      %eq3A_229 = vector.broadcast %eq3A_228 : i32 to vector<16xi32>
      %eq3A_230 = arith.cmpi eq, %iota3A, %eq3A_229 : vector<16xi32>
      tpu.vector_store_idx %arg10[%get3A_215], %broadcast_in_dim3A_227 masked %eq3A_230 : memref<10000xf32, #tpu.memory_space<vmem>>[vector<16xi32>], vector<16xf32>, vector<16xi1>
      %broadcast_in_dim3A_231 = arith.constant 1.560000e+02 : f32
      %broadcast_in_dim3A_232 = vector.broadcast %broadcast_in_dim3A_231 : f32 to vector<16xf32>
      %eq3A_233 = arith.constant 12 : i32
      %eq3A_234 = vector.broadcast %eq3A_233 : i32 to vector<16xi32>
      %eq3A_235 = arith.cmpi eq, %iota3A, %eq3A_234 : vector<16xi32>
      tpu.vector_store_idx %arg10[%get3A_215], %broadcast_in_dim3A_232 masked %eq3A_235 : memref<10000xf32, #tpu.memory_space<vmem>>[vector<16xi32>], vector<16xf32>, vector<16xi1>
      %broadcast_in_dim3A_236 = arith.constant 1.550000e+02 : f32
      %broadcast_in_dim3A_237 = vector.broadcast %broadcast_in_dim3A_236 : f32 to vector<16xf32>
      %eq3A_238 = arith.constant 11 : i32
      %eq3A_239 = vector.broadcast %eq3A_238 : i32 to vector<16xi32>
      %eq3A_240 = arith.cmpi eq, %iota3A, %eq3A_239 : vector<16xi32>
      tpu.vector_store_idx %arg10[%get3A_215], %broadcast_in_dim3A_237 masked %eq3A_240 : memref<10000xf32, #tpu.memory_space<vmem>>[vector<16xi32>], vector<16xf32>, vector<16xi1>
      %broadcast_in_dim3A_241 = arith.constant 1.540000e+02 : f32
      %broadcast_in_dim3A_242 = vector.broadcast %broadcast_in_dim3A_241 : f32 to vector<16xf32>
      %eq3A_243 = arith.constant 10 : i32
      %eq3A_244 = vector.broadcast %eq3A_243 : i32 to vector<16xi32>
      %eq3A_245 = arith.cmpi eq, %iota3A, %eq3A_244 : vector<16xi32>
      tpu.vector_store_idx %arg10[%get3A_215], %broadcast_in_dim3A_242 masked %eq3A_245 : memref<10000xf32, #tpu.memory_space<vmem>>[vector<16xi32>], vector<16xf32>, vector<16xi1>
      %broadcast_in_dim3A_246 = arith.constant 1.530000e+02 : f32
      %broadcast_in_dim3A_247 = vector.broadcast %broadcast_in_dim3A_246 : f32 to vector<16xf32>
      %eq3A_248 = arith.constant 9 : i32
      %eq3A_249 = vector.broadcast %eq3A_248 : i32 to vector<16xi32>
      %eq3A_250 = arith.cmpi eq, %iota3A, %eq3A_249 : vector<16xi32>
      tpu.vector_store_idx %arg10[%get3A_215], %broadcast_in_dim3A_247 masked %eq3A_250 : memref<10000xf32, #tpu.memory_space<vmem>>[vector<16xi32>], vector<16xf32>, vector<16xi1>
      %broadcast_in_dim3A_251 = arith.constant 1.520000e+02 : f32
      %broadcast_in_dim3A_252 = vector.broadcast %broadcast_in_dim3A_251 : f32 to vector<16xf32>
      %eq3A_253 = arith.constant 8 : i32
      %eq3A_254 = vector.broadcast %eq3A_253 : i32 to vector<16xi32>
      %eq3A_255 = arith.cmpi eq, %iota3A, %eq3A_254 : vector<16xi32>
      tpu.vector_store_idx %arg10[%get3A_215], %broadcast_in_dim3A_252 masked %eq3A_255 : memref<10000xf32, #tpu.memory_space<vmem>>[vector<16xi32>], vector<16xf32>, vector<16xi1>
      %broadcast_in_dim3A_256 = arith.constant 1.510000e+02 : f32
      %broadcast_in_dim3A_257 = vector.broadcast %broadcast_in_dim3A_256 : f32 to vector<16xf32>
      %eq3A_258 = arith.constant 7 : i32
      %eq3A_259 = vector.broadcast %eq3A_258 : i32 to vector<16xi32>
      %eq3A_260 = arith.cmpi eq, %iota3A, %eq3A_259 : vector<16xi32>
      tpu.vector_store_idx %arg10[%get3A_215], %broadcast_in_dim3A_257 masked %eq3A_260 : memref<10000xf32, #tpu.memory_space<vmem>>[vector<16xi32>], vector<16xf32>, vector<16xi1>
      %broadcast_in_dim3A_261 = arith.constant 1.500000e+02 : f32
      %broadcast_in_dim3A_262 = vector.broadcast %broadcast_in_dim3A_261 : f32 to vector<16xf32>
      %eq3A_263 = arith.constant 6 : i32
      %eq3A_264 = vector.broadcast %eq3A_263 : i32 to vector<16xi32>
      %eq3A_265 = arith.cmpi eq, %iota3A, %eq3A_264 : vector<16xi32>
      tpu.vector_store_idx %arg10[%get3A_215], %broadcast_in_dim3A_262 masked %eq3A_265 : memref<10000xf32, #tpu.memory_space<vmem>>[vector<16xi32>], vector<16xf32>, vector<16xi1>
      %broadcast_in_dim3A_266 = arith.constant 1.490000e+02 : f32
      %broadcast_in_dim3A_267 = vector.broadcast %broadcast_in_dim3A_266 : f32 to vector<16xf32>
      %eq3A_268 = arith.constant 5 : i32
      %eq3A_269 = vector.broadcast %eq3A_268 : i32 to vector<16xi32>
      %eq3A_270 = arith.cmpi eq, %iota3A, %eq3A_269 : vector<16xi32>
      tpu.vector_store_idx %arg10[%get3A_215], %broadcast_in_dim3A_267 masked %eq3A_270 : memref<10000xf32, #tpu.memory_space<vmem>>[vector<16xi32>], vector<16xf32>, vector<16xi1>
      %broadcast_in_dim3A_271 = arith.constant 1.480000e+02 : f32
      %broadcast_in_dim3A_272 = vector.broadcast %broadcast_in_dim3A_271 : f32 to vector<16xf32>
      %eq3A_273 = arith.constant 4 : i32
      %eq3A_274 = vector.broadcast %eq3A_273 : i32 to vector<16xi32>
      %eq3A_275 = arith.cmpi eq, %iota3A, %eq3A_274 : vector<16xi32>
      tpu.vector_store_idx %arg10[%get3A_215], %broadcast_in_dim3A_272 masked %eq3A_275 : memref<10000xf32, #tpu.memory_space<vmem>>[vector<16xi32>], vector<16xf32>, vector<16xi1>
      %broadcast_in_dim3A_276 = arith.constant 1.470000e+02 : f32
      %broadcast_in_dim3A_277 = vector.broadcast %broadcast_in_dim3A_276 : f32 to vector<16xf32>
      %eq3A_278 = arith.constant 3 : i32
      %eq3A_279 = vector.broadcast %eq3A_278 : i32 to vector<16xi32>
      %eq3A_280 = arith.cmpi eq, %iota3A, %eq3A_279 : vector<16xi32>
      tpu.vector_store_idx %arg10[%get3A_215], %broadcast_in_dim3A_277 masked %eq3A_280 : memref<10000xf32, #tpu.memory_space<vmem>>[vector<16xi32>], vector<16xf32>, vector<16xi1>
      %broadcast_in_dim3A_281 = arith.constant 1.460000e+02 : f32
      %broadcast_in_dim3A_282 = vector.broadcast %broadcast_in_dim3A_281 : f32 to vector<16xf32>
      %eq3A_283 = arith.constant 2 : i32
      %eq3A_284 = vector.broadcast %eq3A_283 : i32 to vector<16xi32>
      %eq3A_285 = arith.cmpi eq, %iota3A, %eq3A_284 : vector<16xi32>
      tpu.vector_store_idx %arg10[%get3A_215], %broadcast_in_dim3A_282 masked %eq3A_285 : memref<10000xf32, #tpu.memory_space<vmem>>[vector<16xi32>], vector<16xf32>, vector<16xi1>
      %broadcast_in_dim3A_286 = arith.constant 1.450000e+02 : f32
      %broadcast_in_dim3A_287 = vector.broadcast %broadcast_in_dim3A_286 : f32 to vector<16xf32>
      %eq3A_288 = arith.constant 1 : i32
      %eq3A_289 = vector.broadcast %eq3A_288 : i32 to vector<16xi32>
      %eq3A_290 = arith.cmpi eq, %iota3A, %eq3A_289 : vector<16xi32>
      tpu.vector_store_idx %arg10[%get3A_215], %broadcast_in_dim3A_287 masked %eq3A_290 : memref<10000xf32, #tpu.memory_space<vmem>>[vector<16xi32>], vector<16xf32>, vector<16xi1>
      %broadcast_in_dim3A_291 = arith.constant 1.440000e+02 : f32
      %broadcast_in_dim3A_292 = vector.broadcast %broadcast_in_dim3A_291 : f32 to vector<16xf32>
      %eq3A_293 = arith.constant 0 : i32
      %eq3A_294 = vector.broadcast %eq3A_293 : i32 to vector<16xi32>
      %eq3A_295 = arith.cmpi eq, %iota3A, %eq3A_294 : vector<16xi32>
      tpu.vector_store_idx %arg10[%get3A_215], %broadcast_in_dim3A_292 masked %eq3A_295 : memref<10000xf32, #tpu.memory_space<vmem>>[vector<16xi32>], vector<16xf32>, vector<16xi1>
      %get3A_296 = arith.constant 128 : index
      %get3A_297 = tpu.vector_load %arg9[%get3A_296] {strides = array<i32>} : memref<208xi32, #tpu.memory_space<vmem>>, vector<16xi32>,
      %broadcast_in_dim3A_298 = arith.constant 1.430000e+02 : f32
      %broadcast_in_dim3A_299 = vector.broadcast %broadcast_in_dim3A_298 : f32 to vector<16xf32>
      %eq3A_300 = arith.constant 15 : i32
      %eq3A_301 = vector.broadcast %eq3A_300 : i32 to vector<16xi32>
      %eq3A_302 = arith.cmpi eq, %iota3A, %eq3A_301 : vector<16xi32>
      tpu.vector_store_idx %arg10[%get3A_297], %broadcast_in_dim3A_299 masked %eq3A_302 : memref<10000xf32, #tpu.memory_space<vmem>>[vector<16xi32>], vector<16xf32>, vector<16xi1>
      %broadcast_in_dim3A_303 = arith.constant 1.420000e+02 : f32
      %broadcast_in_dim3A_304 = vector.broadcast %broadcast_in_dim3A_303 : f32 to vector<16xf32>
      %eq3A_305 = arith.constant 14 : i32
      %eq3A_306 = vector.broadcast %eq3A_305 : i32 to vector<16xi32>
      %eq3A_307 = arith.cmpi eq, %iota3A, %eq3A_306 : vector<16xi32>
      tpu.vector_store_idx %arg10[%get3A_297], %broadcast_in_dim3A_304 masked %eq3A_307 : memref<10000xf32, #tpu.memory_space<vmem>>[vector<16xi32>], vector<16xf32>, vector<16xi1>
      %broadcast_in_dim3A_308 = arith.constant 1.410000e+02 : f32
      %broadcast_in_dim3A_309 = vector.broadcast %broadcast_in_dim3A_308 : f32 to vector<16xf32>
      %eq3A_310 = arith.constant 13 : i32
      %eq3A_311 = vector.broadcast %eq3A_310 : i32 to vector<16xi32>
      %eq3A_312 = arith.cmpi eq, %iota3A, %eq3A_311 : vector<16xi32>
      tpu.vector_store_idx %arg10[%get3A_297], %broadcast_in_dim3A_309 masked %eq3A_312 : memref<10000xf32, #tpu.memory_space<vmem>>[vector<16xi32>], vector<16xf32>, vector<16xi1>
      %broadcast_in_dim3A_313 = arith.constant 1.400000e+02 : f32
      %broadcast_in_dim3A_314 = vector.broadcast %broadcast_in_dim3A_313 : f32 to vector<16xf32>
      %eq3A_315 = arith.constant 12 : i32
      %eq3A_316 = vector.broadcast %eq3A_315 : i32 to vector<16xi32>
      %eq3A_317 = arith.cmpi eq, %iota3A, %eq3A_316 : vector<16xi32>
      tpu.vector_store_idx %arg10[%get3A_297], %broadcast_in_dim3A_314 masked %eq3A_317 : memref<10000xf32, #tpu.memory_space<vmem>>[vector<16xi32>], vector<16xf32>, vector<16xi1>
      %broadcast_in_dim3A_318 = arith.constant 1.390000e+02 : f32
      %broadcast_in_dim3A_319 = vector.broadcast %broadcast_in_dim3A_318 : f32 to vector<16xf32>
      %eq3A_320 = arith.constant 11 : i32
      %eq3A_321 = vector.broadcast %eq3A_320 : i32 to vector<16xi32>
      %eq3A_322 = arith.cmpi eq, %iota3A, %eq3A_321 : vector<16xi32>
      tpu.vector_store_idx %arg10[%get3A_297], %broadcast_in_dim3A_319 masked %eq3A_322 : memref<10000xf32, #tpu.memory_space<vmem>>[vector<16xi32>], vector<16xf32>, vector<16xi1>
      %broadcast_in_dim3A_323 = arith.constant 1.380000e+02 : f32
      %broadcast_in_dim3A_324 = vector.broadcast %broadcast_in_dim3A_323 : f32 to vector<16xf32>
      %eq3A_325 = arith.constant 10 : i32
      %eq3A_326 = vector.broadcast %eq3A_325 : i32 to vector<16xi32>
      %eq3A_327 = arith.cmpi eq, %iota3A, %eq3A_326 : vector<16xi32>
      tpu.vector_store_idx %arg10[%get3A_297], %broadcast_in_dim3A_324 masked %eq3A_327 : memref<10000xf32, #tpu.memory_space<vmem>>[vector<16xi32>], vector<16xf32>, vector<16xi1>
      %broadcast_in_dim3A_328 = arith.constant 1.370000e+02 : f32
      %broadcast_in_dim3A_329 = vector.broadcast %broadcast_in_dim3A_328 : f32 to vector<16xf32>
      %eq3A_330 = arith.constant 9 : i32
      %eq3A_331 = vector.broadcast %eq3A_330 : i32 to vector<16xi32>
      %eq3A_332 = arith.cmpi eq, %iota3A, %eq3A_331 : vector<16xi32>
      tpu.vector_store_idx %arg10[%get3A_297], %broadcast_in_dim3A_329 masked %eq3A_332 : memref<10000xf32, #tpu.memory_space<vmem>>[vector<16xi32>], vector<16xf32>, vector<16xi1>
      %broadcast_in_dim3A_333 = arith.constant 1.360000e+02 : f32
      %broadcast_in_dim3A_334 = vector.broadcast %broadcast_in_dim3A_333 : f32 to vector<16xf32>
      %eq3A_335 = arith.constant 8 : i32
      %eq3A_336 = vector.broadcast %eq3A_335 : i32 to vector<16xi32>
      %eq3A_337 = arith.cmpi eq, %iota3A, %eq3A_336 : vector<16xi32>
      tpu.vector_store_idx %arg10[%get3A_297], %broadcast_in_dim3A_334 masked %eq3A_337 : memref<10000xf32, #tpu.memory_space<vmem>>[vector<16xi32>], vector<16xf32>, vector<16xi1>
      %broadcast_in_dim3A_338 = arith.constant 1.350000e+02 : f32
      %broadcast_in_dim3A_339 = vector.broadcast %broadcast_in_dim3A_338 : f32 to vector<16xf32>
      %eq3A_340 = arith.constant 7 : i32
      %eq3A_341 = vector.broadcast %eq3A_340 : i32 to vector<16xi32>
      %eq3A_342 = arith.cmpi eq, %iota3A, %eq3A_341 : vector<16xi32>
      tpu.vector_store_idx %arg10[%get3A_297], %broadcast_in_dim3A_339 masked %eq3A_342 : memref<10000xf32, #tpu.memory_space<vmem>>[vector<16xi32>], vector<16xf32>, vector<16xi1>
      %broadcast_in_dim3A_343 = arith.constant 1.340000e+02 : f32
      %broadcast_in_dim3A_344 = vector.broadcast %broadcast_in_dim3A_343 : f32 to vector<16xf32>
      %eq3A_345 = arith.constant 6 : i32
      %eq3A_346 = vector.broadcast %eq3A_345 : i32 to vector<16xi32>
      %eq3A_347 = arith.cmpi eq, %iota3A, %eq3A_346 : vector<16xi32>
      tpu.vector_store_idx %arg10[%get3A_297], %broadcast_in_dim3A_344 masked %eq3A_347 : memref<10000xf32, #tpu.memory_space<vmem>>[vector<16xi32>], vector<16xf32>, vector<16xi1>
      %broadcast_in_dim3A_348 = arith.constant 1.330000e+02 : f32
      %broadcast_in_dim3A_349 = vector.broadcast %broadcast_in_dim3A_348 : f32 to vector<16xf32>
      %eq3A_350 = arith.constant 5 : i32
      %eq3A_351 = vector.broadcast %eq3A_350 : i32 to vector<16xi32>
      %eq3A_352 = arith.cmpi eq, %iota3A, %eq3A_351 : vector<16xi32>
      tpu.vector_store_idx %arg10[%get3A_297], %broadcast_in_dim3A_349 masked %eq3A_352 : memref<10000xf32, #tpu.memory_space<vmem>>[vector<16xi32>], vector<16xf32>, vector<16xi1>
      %broadcast_in_dim3A_353 = arith.constant 1.320000e+02 : f32
      %broadcast_in_dim3A_354 = vector.broadcast %broadcast_in_dim3A_353 : f32 to vector<16xf32>
      %eq3A_355 = arith.constant 4 : i32
      %eq3A_356 = vector.broadcast %eq3A_355 : i32 to vector<16xi32>
      %eq3A_357 = arith.cmpi eq, %iota3A, %eq3A_356 : vector<16xi32>
      tpu.vector_store_idx %arg10[%get3A_297], %broadcast_in_dim3A_354 masked %eq3A_357 : memref<10000xf32, #tpu.memory_space<vmem>>[vector<16xi32>], vector<16xf32>, vector<16xi1>
      %broadcast_in_dim3A_358 = arith.constant 1.310000e+02 : f32
      %broadcast_in_dim3A_359 = vector.broadcast %broadcast_in_dim3A_358 : f32 to vector<16xf32>
      %eq3A_360 = arith.constant 3 : i32
      %eq3A_361 = vector.broadcast %eq3A_360 : i32 to vector<16xi32>
      %eq3A_362 = arith.cmpi eq, %iota3A, %eq3A_361 : vector<16xi32>
      tpu.vector_store_idx %arg10[%get3A_297], %broadcast_in_dim3A_359 masked %eq3A_362 : memref<10000xf32, #tpu.memory_space<vmem>>[vector<16xi32>], vector<16xf32>, vector<16xi1>
      %broadcast_in_dim3A_363 = arith.constant 1.300000e+02 : f32
      %broadcast_in_dim3A_364 = vector.broadcast %broadcast_in_dim3A_363 : f32 to vector<16xf32>
      %eq3A_365 = arith.constant 2 : i32
      %eq3A_366 = vector.broadcast %eq3A_365 : i32 to vector<16xi32>
      %eq3A_367 = arith.cmpi eq, %iota3A, %eq3A_366 : vector<16xi32>
      tpu.vector_store_idx %arg10[%get3A_297], %broadcast_in_dim3A_364 masked %eq3A_367 : memref<10000xf32, #tpu.memory_space<vmem>>[vector<16xi32>], vector<16xf32>, vector<16xi1>
      %broadcast_in_dim3A_368 = arith.constant 1.290000e+02 : f32
      %broadcast_in_dim3A_369 = vector.broadcast %broadcast_in_dim3A_368 : f32 to vector<16xf32>
      %eq3A_370 = arith.constant 1 : i32
      %eq3A_371 = vector.broadcast %eq3A_370 : i32 to vector<16xi32>
      %eq3A_372 = arith.cmpi eq, %iota3A, %eq3A_371 : vector<16xi32>
      tpu.vector_store_idx %arg10[%get3A_297], %broadcast_in_dim3A_369 masked %eq3A_372 : memref<10000xf32, #tpu.memory_space<vmem>>[vector<16xi32>], vector<16xf32>, vector<16xi1>
      %broadcast_in_dim3A_373 = arith.constant 1.280000e+02 : f32
      %broadcast_in_dim3A_374 = vector.broadcast %broadcast_in_dim3A_373 : f32 to vector<16xf32>
      %eq3A_375 = arith.constant 0 : i32
      %eq3A_376 = vector.broadcast %eq3A_375 : i32 to vector<16xi32>
      %eq3A_377 = arith.cmpi eq, %iota3A, %eq3A_376 : vector<16xi32>
      tpu.vector_store_idx %arg10[%get3A_297], %broadcast_in_dim3A_374 masked %eq3A_377 : memref<10000xf32, #tpu.memory_space<vmem>>[vector<16xi32>], vector<16xf32>, vector<16xi1>
      %get3A_378 = arith.constant 112 : index
      %get3A_379 = tpu.vector_load %arg9[%get3A_378] {strides = array<i32>} : memref<208xi32, #tpu.memory_space<vmem>>, vector<16xi32>,
      %broadcast_in_dim3A_380 = arith.constant 1.270000e+02 : f32
      %broadcast_in_dim3A_381 = vector.broadcast %broadcast_in_dim3A_380 : f32 to vector<16xf32>
      %eq3A_382 = arith.constant 15 : i32
      %eq3A_383 = vector.broadcast %eq3A_382 : i32 to vector<16xi32>
      %eq3A_384 = arith.cmpi eq, %iota3A, %eq3A_383 : vector<16xi32>
      tpu.vector_store_idx %arg10[%get3A_379], %broadcast_in_dim3A_381 masked %eq3A_384 : memref<10000xf32, #tpu.memory_space<vmem>>[vector<16xi32>], vector<16xf32>, vector<16xi1>
      %broadcast_in_dim3A_385 = arith.constant 1.260000e+02 : f32
      %broadcast_in_dim3A_386 = vector.broadcast %broadcast_in_dim3A_385 : f32 to vector<16xf32>
      %eq3A_387 = arith.constant 14 : i32
      %eq3A_388 = vector.broadcast %eq3A_387 : i32 to vector<16xi32>
      %eq3A_389 = arith.cmpi eq, %iota3A, %eq3A_388 : vector<16xi32>
      tpu.vector_store_idx %arg10[%get3A_379], %broadcast_in_dim3A_386 masked %eq3A_389 : memref<10000xf32, #tpu.memory_space<vmem>>[vector<16xi32>], vector<16xf32>, vector<16xi1>
      %broadcast_in_dim3A_390 = arith.constant 1.250000e+02 : f32
      %broadcast_in_dim3A_391 = vector.broadcast %broadcast_in_dim3A_390 : f32 to vector<16xf32>
      %eq3A_392 = arith.constant 13 : i32
      %eq3A_393 = vector.broadcast %eq3A_392 : i32 to vector<16xi32>
      %eq3A_394 = arith.cmpi eq, %iota3A, %eq3A_393 : vector<16xi32>
      tpu.vector_store_idx %arg10[%get3A_379], %broadcast_in_dim3A_391 masked %eq3A_394 : memref<10000xf32, #tpu.memory_space<vmem>>[vector<16xi32>], vector<16xf32>, vector<16xi1>
      %broadcast_in_dim3A_395 = arith.constant 1.240000e+02 : f32
      %broadcast_in_dim3A_396 = vector.broadcast %broadcast_in_dim3A_395 : f32 to vector<16xf32>
      %eq3A_397 = arith.constant 12 : i32
      %eq3A_398 = vector.broadcast %eq3A_397 : i32 to vector<16xi32>
      %eq3A_399 = arith.cmpi eq, %iota3A, %eq3A_398 : vector<16xi32>
      tpu.vector_store_idx %arg10[%get3A_379], %broadcast_in_dim3A_396 masked %eq3A_399 : memref<10000xf32, #tpu.memory_space<vmem>>[vector<16xi32>], vector<16xf32>, vector<16xi1>
      %broadcast_in_dim3A_400 = arith.constant 1.230000e+02 : f32
      %broadcast_in_dim3A_401 = vector.broadcast %broadcast_in_dim3A_400 : f32 to vector<16xf32>
      %eq3A_402 = arith.constant 11 : i32
      %eq3A_403 = vector.broadcast %eq3A_402 : i32 to vector<16xi32>
      %eq3A_404 = arith.cmpi eq, %iota3A, %eq3A_403 : vector<16xi32>
      tpu.vector_store_idx %arg10[%get3A_379], %broadcast_in_dim3A_401 masked %eq3A_404 : memref<10000xf32, #tpu.memory_space<vmem>>[vector<16xi32>], vector<16xf32>, vector<16xi1>
      %broadcast_in_dim3A_405 = arith.constant 1.220000e+02 : f32
      %broadcast_in_dim3A_406 = vector.broadcast %broadcast_in_dim3A_405 : f32 to vector<16xf32>
      %eq3A_407 = arith.constant 10 : i32
      %eq3A_408 = vector.broadcast %eq3A_407 : i32 to vector<16xi32>
      %eq3A_409 = arith.cmpi eq, %iota3A, %eq3A_408 : vector<16xi32>
      tpu.vector_store_idx %arg10[%get3A_379], %broadcast_in_dim3A_406 masked %eq3A_409 : memref<10000xf32, #tpu.memory_space<vmem>>[vector<16xi32>], vector<16xf32>, vector<16xi1>
      %broadcast_in_dim3A_410 = arith.constant 1.210000e+02 : f32
      %broadcast_in_dim3A_411 = vector.broadcast %broadcast_in_dim3A_410 : f32 to vector<16xf32>
      %eq3A_412 = arith.constant 9 : i32
      %eq3A_413 = vector.broadcast %eq3A_412 : i32 to vector<16xi32>
      %eq3A_414 = arith.cmpi eq, %iota3A, %eq3A_413 : vector<16xi32>
      tpu.vector_store_idx %arg10[%get3A_379], %broadcast_in_dim3A_411 masked %eq3A_414 : memref<10000xf32, #tpu.memory_space<vmem>>[vector<16xi32>], vector<16xf32>, vector<16xi1>
      %broadcast_in_dim3A_415 = arith.constant 1.200000e+02 : f32
      %broadcast_in_dim3A_416 = vector.broadcast %broadcast_in_dim3A_415 : f32 to vector<16xf32>
      %eq3A_417 = arith.constant 8 : i32
      %eq3A_418 = vector.broadcast %eq3A_417 : i32 to vector<16xi32>
      %eq3A_419 = arith.cmpi eq, %iota3A, %eq3A_418 : vector<16xi32>
      tpu.vector_store_idx %arg10[%get3A_379], %broadcast_in_dim3A_416 masked %eq3A_419 : memref<10000xf32, #tpu.memory_space<vmem>>[vector<16xi32>], vector<16xf32>, vector<16xi1>
      %broadcast_in_dim3A_420 = arith.constant 1.190000e+02 : f32
      %broadcast_in_dim3A_421 = vector.broadcast %broadcast_in_dim3A_420 : f32 to vector<16xf32>
      %eq3A_422 = arith.constant 7 : i32
      %eq3A_423 = vector.broadcast %eq3A_422 : i32 to vector<16xi32>
      %eq3A_424 = arith.cmpi eq, %iota3A, %eq3A_423 : vector<16xi32>
      tpu.vector_store_idx %arg10[%get3A_379], %broadcast_in_dim3A_421 masked %eq3A_424 : memref<10000xf32, #tpu.memory_space<vmem>>[vector<16xi32>], vector<16xf32>, vector<16xi1>
      %broadcast_in_dim3A_425 = arith.constant 1.180000e+02 : f32
      %broadcast_in_dim3A_426 = vector.broadcast %broadcast_in_dim3A_425 : f32 to vector<16xf32>
      %eq3A_427 = arith.constant 6 : i32
      %eq3A_428 = vector.broadcast %eq3A_427 : i32 to vector<16xi32>
      %eq3A_429 = arith.cmpi eq, %iota3A, %eq3A_428 : vector<16xi32>
      tpu.vector_store_idx %arg10[%get3A_379], %broadcast_in_dim3A_426 masked %eq3A_429 : memref<10000xf32, #tpu.memory_space<vmem>>[vector<16xi32>], vector<16xf32>, vector<16xi1>
      %broadcast_in_dim3A_430 = arith.constant 1.170000e+02 : f32
      %broadcast_in_dim3A_431 = vector.broadcast %broadcast_in_dim3A_430 : f32 to vector<16xf32>
      %eq3A_432 = arith.constant 5 : i32
      %eq3A_433 = vector.broadcast %eq3A_432 : i32 to vector<16xi32>
      %eq3A_434 = arith.cmpi eq, %iota3A, %eq3A_433 : vector<16xi32>
      tpu.vector_store_idx %arg10[%get3A_379], %broadcast_in_dim3A_431 masked %eq3A_434 : memref<10000xf32, #tpu.memory_space<vmem>>[vector<16xi32>], vector<16xf32>, vector<16xi1>
      %broadcast_in_dim3A_435 = arith.constant 1.160000e+02 : f32
      %broadcast_in_dim3A_436 = vector.broadcast %broadcast_in_dim3A_435 : f32 to vector<16xf32>
      %eq3A_437 = arith.constant 4 : i32
      %eq3A_438 = vector.broadcast %eq3A_437 : i32 to vector<16xi32>
      %eq3A_439 = arith.cmpi eq, %iota3A, %eq3A_438 : vector<16xi32>
      tpu.vector_store_idx %arg10[%get3A_379], %broadcast_in_dim3A_436 masked %eq3A_439 : memref<10000xf32, #tpu.memory_space<vmem>>[vector<16xi32>], vector<16xf32>, vector<16xi1>
      %broadcast_in_dim3A_440 = arith.constant 1.150000e+02 : f32
      %broadcast_in_dim3A_441 = vector.broadcast %broadcast_in_dim3A_440 : f32 to vector<16xf32>
      %eq3A_442 = arith.constant 3 : i32
      %eq3A_443 = vector.broadcast %eq3A_442 : i32 to vector<16xi32>
      %eq3A_444 = arith.cmpi eq, %iota3A, %eq3A_443 : vector<16xi32>
      tpu.vector_store_idx %arg10[%get3A_379], %broadcast_in_dim3A_441 masked %eq3A_444 : memref<10000xf32, #tpu.memory_space<vmem>>[vector<16xi32>], vector<16xf32>, vector<16xi1>
      %broadcast_in_dim3A_445 = arith.constant 1.140000e+02 : f32
      %broadcast_in_dim3A_446 = vector.broadcast %broadcast_in_dim3A_445 : f32 to vector<16xf32>
      %eq3A_447 = arith.constant 2 : i32
      %eq3A_448 = vector.broadcast %eq3A_447 : i32 to vector<16xi32>
      %eq3A_449 = arith.cmpi eq, %iota3A, %eq3A_448 : vector<16xi32>
      tpu.vector_store_idx %arg10[%get3A_379], %broadcast_in_dim3A_446 masked %eq3A_449 : memref<10000xf32, #tpu.memory_space<vmem>>[vector<16xi32>], vector<16xf32>, vector<16xi1>
      %broadcast_in_dim3A_450 = arith.constant 1.130000e+02 : f32
      %broadcast_in_dim3A_451 = vector.broadcast %broadcast_in_dim3A_450 : f32 to vector<16xf32>
      %eq3A_452 = arith.constant 1 : i32
      %eq3A_453 = vector.broadcast %eq3A_452 : i32 to vector<16xi32>
      %eq3A_454 = arith.cmpi eq, %iota3A, %eq3A_453 : vector<16xi32>
      tpu.vector_store_idx %arg10[%get3A_379], %broadcast_in_dim3A_451 masked %eq3A_454 : memref<10000xf32, #tpu.memory_space<vmem>>[vector<16xi32>], vector<16xf32>, vector<16xi1>
      %broadcast_in_dim3A_455 = arith.constant 1.120000e+02 : f32
      %broadcast_in_dim3A_456 = vector.broadcast %broadcast_in_dim3A_455 : f32 to vector<16xf32>
      %eq3A_457 = arith.constant 0 : i32
      %eq3A_458 = vector.broadcast %eq3A_457 : i32 to vector<16xi32>
      %eq3A_459 = arith.cmpi eq, %iota3A, %eq3A_458 : vector<16xi32>
      tpu.vector_store_idx %arg10[%get3A_379], %broadcast_in_dim3A_456 masked %eq3A_459 : memref<10000xf32, #tpu.memory_space<vmem>>[vector<16xi32>], vector<16xf32>, vector<16xi1>
      %get3A_460 = arith.constant 96 : index
      %get3A_461 = tpu.vector_load %arg9[%get3A_460] {strides = array<i32>} : memref<208xi32, #tpu.memory_space<vmem>>, vector<16xi32>,
      %broadcast_in_dim3A_462 = arith.constant 1.110000e+02 : f32
      %broadcast_in_dim3A_463 = vector.broadcast %broadcast_in_dim3A_462 : f32 to vector<16xf32>
      %eq3A_464 = arith.constant 15 : i32
      %eq3A_465 = vector.broadcast %eq3A_464 : i32 to vector<16xi32>
      %eq3A_466 = arith.cmpi eq, %iota3A, %eq3A_465 : vector<16xi32>
      tpu.vector_store_idx %arg10[%get3A_461], %broadcast_in_dim3A_463 masked %eq3A_466 : memref<10000xf32, #tpu.memory_space<vmem>>[vector<16xi32>], vector<16xf32>, vector<16xi1>
      %broadcast_in_dim3A_467 = arith.constant 1.100000e+02 : f32
      %broadcast_in_dim3A_468 = vector.broadcast %broadcast_in_dim3A_467 : f32 to vector<16xf32>
      %eq3A_469 = arith.constant 14 : i32
      %eq3A_470 = vector.broadcast %eq3A_469 : i32 to vector<16xi32>
      %eq3A_471 = arith.cmpi eq, %iota3A, %eq3A_470 : vector<16xi32>
      tpu.vector_store_idx %arg10[%get3A_461], %broadcast_in_dim3A_468 masked %eq3A_471 : memref<10000xf32, #tpu.memory_space<vmem>>[vector<16xi32>], vector<16xf32>, vector<16xi1>
      %broadcast_in_dim3A_472 = arith.constant 1.090000e+02 : f32
      %broadcast_in_dim3A_473 = vector.broadcast %broadcast_in_dim3A_472 : f32 to vector<16xf32>
      %eq3A_474 = arith.constant 13 : i32
      %eq3A_475 = vector.broadcast %eq3A_474 : i32 to vector<16xi32>
      %eq3A_476 = arith.cmpi eq, %iota3A, %eq3A_475 : vector<16xi32>
      tpu.vector_store_idx %arg10[%get3A_461], %broadcast_in_dim3A_473 masked %eq3A_476 : memref<10000xf32, #tpu.memory_space<vmem>>[vector<16xi32>], vector<16xf32>, vector<16xi1>
      %broadcast_in_dim3A_477 = arith.constant 1.080000e+02 : f32
      %broadcast_in_dim3A_478 = vector.broadcast %broadcast_in_dim3A_477 : f32 to vector<16xf32>
      %eq3A_479 = arith.constant 12 : i32
      %eq3A_480 = vector.broadcast %eq3A_479 : i32 to vector<16xi32>
      %eq3A_481 = arith.cmpi eq, %iota3A, %eq3A_480 : vector<16xi32>
      tpu.vector_store_idx %arg10[%get3A_461], %broadcast_in_dim3A_478 masked %eq3A_481 : memref<10000xf32, #tpu.memory_space<vmem>>[vector<16xi32>], vector<16xf32>, vector<16xi1>
      %broadcast_in_dim3A_482 = arith.constant 1.070000e+02 : f32
      %broadcast_in_dim3A_483 = vector.broadcast %broadcast_in_dim3A_482 : f32 to vector<16xf32>
      %eq3A_484 = arith.constant 11 : i32
      %eq3A_485 = vector.broadcast %eq3A_484 : i32 to vector<16xi32>
      %eq3A_486 = arith.cmpi eq, %iota3A, %eq3A_485 : vector<16xi32>
      tpu.vector_store_idx %arg10[%get3A_461], %broadcast_in_dim3A_483 masked %eq3A_486 : memref<10000xf32, #tpu.memory_space<vmem>>[vector<16xi32>], vector<16xf32>, vector<16xi1>
      %broadcast_in_dim3A_487 = arith.constant 1.060000e+02 : f32
      %broadcast_in_dim3A_488 = vector.broadcast %broadcast_in_dim3A_487 : f32 to vector<16xf32>
      %eq3A_489 = arith.constant 10 : i32
      %eq3A_490 = vector.broadcast %eq3A_489 : i32 to vector<16xi32>
      %eq3A_491 = arith.cmpi eq, %iota3A, %eq3A_490 : vector<16xi32>
      tpu.vector_store_idx %arg10[%get3A_461], %broadcast_in_dim3A_488 masked %eq3A_491 : memref<10000xf32, #tpu.memory_space<vmem>>[vector<16xi32>], vector<16xf32>, vector<16xi1>
      %broadcast_in_dim3A_492 = arith.constant 1.050000e+02 : f32
      %broadcast_in_dim3A_493 = vector.broadcast %broadcast_in_dim3A_492 : f32 to vector<16xf32>
      %eq3A_494 = arith.constant 9 : i32
      %eq3A_495 = vector.broadcast %eq3A_494 : i32 to vector<16xi32>
      %eq3A_496 = arith.cmpi eq, %iota3A, %eq3A_495 : vector<16xi32>
      tpu.vector_store_idx %arg10[%get3A_461], %broadcast_in_dim3A_493 masked %eq3A_496 : memref<10000xf32, #tpu.memory_space<vmem>>[vector<16xi32>], vector<16xf32>, vector<16xi1>
      %broadcast_in_dim3A_497 = arith.constant 1.040000e+02 : f32
      %broadcast_in_dim3A_498 = vector.broadcast %broadcast_in_dim3A_497 : f32 to vector<16xf32>
      %eq3A_499 = arith.constant 8 : i32
      %eq3A_500 = vector.broadcast %eq3A_499 : i32 to vector<16xi32>
      %eq3A_501 = arith.cmpi eq, %iota3A, %eq3A_500 : vector<16xi32>
      tpu.vector_store_idx %arg10[%get3A_461], %broadcast_in_dim3A_498 masked %eq3A_501 : memref<10000xf32, #tpu.memory_space<vmem>>[vector<16xi32>], vector<16xf32>, vector<16xi1>
      %broadcast_in_dim3A_502 = arith.constant 1.030000e+02 : f32
      %broadcast_in_dim3A_503 = vector.broadcast %broadcast_in_dim3A_502 : f32 to vector<16xf32>
      %eq3A_504 = arith.constant 7 : i32
      %eq3A_505 = vector.broadcast %eq3A_504 : i32 to vector<16xi32>
      %eq3A_506 = arith.cmpi eq, %iota3A, %eq3A_505 : vector<16xi32>
      tpu.vector_store_idx %arg10[%get3A_461], %broadcast_in_dim3A_503 masked %eq3A_506 : memref<10000xf32, #tpu.memory_space<vmem>>[vector<16xi32>], vector<16xf32>, vector<16xi1>
      %broadcast_in_dim3A_507 = arith.constant 1.020000e+02 : f32
      %broadcast_in_dim3A_508 = vector.broadcast %broadcast_in_dim3A_507 : f32 to vector<16xf32>
      %eq3A_509 = arith.constant 6 : i32
      %eq3A_510 = vector.broadcast %eq3A_509 : i32 to vector<16xi32>
      %eq3A_511 = arith.cmpi eq, %iota3A, %eq3A_510 : vector<16xi32>
      tpu.vector_store_idx %arg10[%get3A_461], %broadcast_in_dim3A_508 masked %eq3A_511 : memref<10000xf32, #tpu.memory_space<vmem>>[vector<16xi32>], vector<16xf32>, vector<16xi1>
      %broadcast_in_dim3A_512 = arith.constant 1.010000e+02 : f32
      %broadcast_in_dim3A_513 = vector.broadcast %broadcast_in_dim3A_512 : f32 to vector<16xf32>
      %eq3A_514 = arith.constant 5 : i32
      %eq3A_515 = vector.broadcast %eq3A_514 : i32 to vector<16xi32>
      %eq3A_516 = arith.cmpi eq, %iota3A, %eq3A_515 : vector<16xi32>
      tpu.vector_store_idx %arg10[%get3A_461], %broadcast_in_dim3A_513 masked %eq3A_516 : memref<10000xf32, #tpu.memory_space<vmem>>[vector<16xi32>], vector<16xf32>, vector<16xi1>
      %broadcast_in_dim3A_517 = arith.constant 1.000000e+02 : f32
      %broadcast_in_dim3A_518 = vector.broadcast %broadcast_in_dim3A_517 : f32 to vector<16xf32>
      %eq3A_519 = arith.constant 4 : i32
      %eq3A_520 = vector.broadcast %eq3A_519 : i32 to vector<16xi32>
      %eq3A_521 = arith.cmpi eq, %iota3A, %eq3A_520 : vector<16xi32>
      tpu.vector_store_idx %arg10[%get3A_461], %broadcast_in_dim3A_518 masked %eq3A_521 : memref<10000xf32, #tpu.memory_space<vmem>>[vector<16xi32>], vector<16xf32>, vector<16xi1>
      %broadcast_in_dim3A_522 = arith.constant 9.900000e+01 : f32
      %broadcast_in_dim3A_523 = vector.broadcast %broadcast_in_dim3A_522 : f32 to vector<16xf32>
      %eq3A_524 = arith.constant 3 : i32
      %eq3A_525 = vector.broadcast %eq3A_524 : i32 to vector<16xi32>
      %eq3A_526 = arith.cmpi eq, %iota3A, %eq3A_525 : vector<16xi32>
      tpu.vector_store_idx %arg10[%get3A_461], %broadcast_in_dim3A_523 masked %eq3A_526 : memref<10000xf32, #tpu.memory_space<vmem>>[vector<16xi32>], vector<16xf32>, vector<16xi1>
      %broadcast_in_dim3A_527 = arith.constant 9.800000e+01 : f32
      %broadcast_in_dim3A_528 = vector.broadcast %broadcast_in_dim3A_527 : f32 to vector<16xf32>
      %eq3A_529 = arith.constant 2 : i32
      %eq3A_530 = vector.broadcast %eq3A_529 : i32 to vector<16xi32>
      %eq3A_531 = arith.cmpi eq, %iota3A, %eq3A_530 : vector<16xi32>
      tpu.vector_store_idx %arg10[%get3A_461], %broadcast_in_dim3A_528 masked %eq3A_531 : memref<10000xf32, #tpu.memory_space<vmem>>[vector<16xi32>], vector<16xf32>, vector<16xi1>
      %broadcast_in_dim3A_532 = arith.constant 9.700000e+01 : f32
      %broadcast_in_dim3A_533 = vector.broadcast %broadcast_in_dim3A_532 : f32 to vector<16xf32>
      %eq3A_534 = arith.constant 1 : i32
      %eq3A_535 = vector.broadcast %eq3A_534 : i32 to vector<16xi32>
      %eq3A_536 = arith.cmpi eq, %iota3A, %eq3A_535 : vector<16xi32>
      tpu.vector_store_idx %arg10[%get3A_461], %broadcast_in_dim3A_533 masked %eq3A_536 : memref<10000xf32, #tpu.memory_space<vmem>>[vector<16xi32>], vector<16xf32>, vector<16xi1>
      %broadcast_in_dim3A_537 = arith.constant 9.600000e+01 : f32
      %broadcast_in_dim3A_538 = vector.broadcast %broadcast_in_dim3A_537 : f32 to vector<16xf32>
      %eq3A_539 = arith.constant 0 : i32
      %eq3A_540 = vector.broadcast %eq3A_539 : i32 to vector<16xi32>
      %eq3A_541 = arith.cmpi eq, %iota3A, %eq3A_540 : vector<16xi32>
      tpu.vector_store_idx %arg10[%get3A_461], %broadcast_in_dim3A_538 masked %eq3A_541 : memref<10000xf32, #tpu.memory_space<vmem>>[vector<16xi32>], vector<16xf32>, vector<16xi1>
      %get3A_542 = arith.constant 80 : index
      %get3A_543 = tpu.vector_load %arg9[%get3A_542] {strides = array<i32>} : memref<208xi32, #tpu.memory_space<vmem>>, vector<16xi32>,
      %broadcast_in_dim3A_544 = arith.constant 9.500000e+01 : f32
      %broadcast_in_dim3A_545 = vector.broadcast %broadcast_in_dim3A_544 : f32 to vector<16xf32>
      %eq3A_546 = arith.constant 15 : i32
      %eq3A_547 = vector.broadcast %eq3A_546 : i32 to vector<16xi32>
      %eq3A_548 = arith.cmpi eq, %iota3A, %eq3A_547 : vector<16xi32>
      tpu.vector_store_idx %arg10[%get3A_543], %broadcast_in_dim3A_545 masked %eq3A_548 : memref<10000xf32, #tpu.memory_space<vmem>>[vector<16xi32>], vector<16xf32>, vector<16xi1>
      %broadcast_in_dim3A_549 = arith.constant 9.400000e+01 : f32
      %broadcast_in_dim3A_550 = vector.broadcast %broadcast_in_dim3A_549 : f32 to vector<16xf32>
      %eq3A_551 = arith.constant 14 : i32
      %eq3A_552 = vector.broadcast %eq3A_551 : i32 to vector<16xi32>
      %eq3A_553 = arith.cmpi eq, %iota3A, %eq3A_552 : vector<16xi32>
      tpu.vector_store_idx %arg10[%get3A_543], %broadcast_in_dim3A_550 masked %eq3A_553 : memref<10000xf32, #tpu.memory_space<vmem>>[vector<16xi32>], vector<16xf32>, vector<16xi1>
      %broadcast_in_dim3A_554 = arith.constant 9.300000e+01 : f32
      %broadcast_in_dim3A_555 = vector.broadcast %broadcast_in_dim3A_554 : f32 to vector<16xf32>
      %eq3A_556 = arith.constant 13 : i32
      %eq3A_557 = vector.broadcast %eq3A_556 : i32 to vector<16xi32>
      %eq3A_558 = arith.cmpi eq, %iota3A, %eq3A_557 : vector<16xi32>
      tpu.vector_store_idx %arg10[%get3A_543], %broadcast_in_dim3A_555 masked %eq3A_558 : memref<10000xf32, #tpu.memory_space<vmem>>[vector<16xi32>], vector<16xf32>, vector<16xi1>
      %broadcast_in_dim3A_559 = arith.constant 9.200000e+01 : f32
      %broadcast_in_dim3A_560 = vector.broadcast %broadcast_in_dim3A_559 : f32 to vector<16xf32>
      %eq3A_561 = arith.constant 12 : i32
      %eq3A_562 = vector.broadcast %eq3A_561 : i32 to vector<16xi32>
      %eq3A_563 = arith.cmpi eq, %iota3A, %eq3A_562 : vector<16xi32>
      tpu.vector_store_idx %arg10[%get3A_543], %broadcast_in_dim3A_560 masked %eq3A_563 : memref<10000xf32, #tpu.memory_space<vmem>>[vector<16xi32>], vector<16xf32>, vector<16xi1>
      %broadcast_in_dim3A_564 = arith.constant 9.100000e+01 : f32
      %broadcast_in_dim3A_565 = vector.broadcast %broadcast_in_dim3A_564 : f32 to vector<16xf32>
      %eq3A_566 = arith.constant 11 : i32
      %eq3A_567 = vector.broadcast %eq3A_566 : i32 to vector<16xi32>
      %eq3A_568 = arith.cmpi eq, %iota3A, %eq3A_567 : vector<16xi32>
      tpu.vector_store_idx %arg10[%get3A_543], %broadcast_in_dim3A_565 masked %eq3A_568 : memref<10000xf32, #tpu.memory_space<vmem>>[vector<16xi32>], vector<16xf32>, vector<16xi1>
      %broadcast_in_dim3A_569 = arith.constant 9.000000e+01 : f32
      %broadcast_in_dim3A_570 = vector.broadcast %broadcast_in_dim3A_569 : f32 to vector<16xf32>
      %eq3A_571 = arith.constant 10 : i32
      %eq3A_572 = vector.broadcast %eq3A_571 : i32 to vector<16xi32>
      %eq3A_573 = arith.cmpi eq, %iota3A, %eq3A_572 : vector<16xi32>
      tpu.vector_store_idx %arg10[%get3A_543], %broadcast_in_dim3A_570 masked %eq3A_573 : memref<10000xf32, #tpu.memory_space<vmem>>[vector<16xi32>], vector<16xf32>, vector<16xi1>
      %broadcast_in_dim3A_574 = arith.constant 8.900000e+01 : f32
      %broadcast_in_dim3A_575 = vector.broadcast %broadcast_in_dim3A_574 : f32 to vector<16xf32>
      %eq3A_576 = arith.constant 9 : i32
      %eq3A_577 = vector.broadcast %eq3A_576 : i32 to vector<16xi32>
      %eq3A_578 = arith.cmpi eq, %iota3A, %eq3A_577 : vector<16xi32>
      tpu.vector_store_idx %arg10[%get3A_543], %broadcast_in_dim3A_575 masked %eq3A_578 : memref<10000xf32, #tpu.memory_space<vmem>>[vector<16xi32>], vector<16xf32>, vector<16xi1>
      %broadcast_in_dim3A_579 = arith.constant 8.800000e+01 : f32
      %broadcast_in_dim3A_580 = vector.broadcast %broadcast_in_dim3A_579 : f32 to vector<16xf32>
      %eq3A_581 = arith.constant 8 : i32
      %eq3A_582 = vector.broadcast %eq3A_581 : i32 to vector<16xi32>
      %eq3A_583 = arith.cmpi eq, %iota3A, %eq3A_582 : vector<16xi32>
      tpu.vector_store_idx %arg10[%get3A_543], %broadcast_in_dim3A_580 masked %eq3A_583 : memref<10000xf32, #tpu.memory_space<vmem>>[vector<16xi32>], vector<16xf32>, vector<16xi1>
      %broadcast_in_dim3A_584 = arith.constant 8.700000e+01 : f32
      %broadcast_in_dim3A_585 = vector.broadcast %broadcast_in_dim3A_584 : f32 to vector<16xf32>
      %eq3A_586 = arith.constant 7 : i32
      %eq3A_587 = vector.broadcast %eq3A_586 : i32 to vector<16xi32>
      %eq3A_588 = arith.cmpi eq, %iota3A, %eq3A_587 : vector<16xi32>
      tpu.vector_store_idx %arg10[%get3A_543], %broadcast_in_dim3A_585 masked %eq3A_588 : memref<10000xf32, #tpu.memory_space<vmem>>[vector<16xi32>], vector<16xf32>, vector<16xi1>
      %broadcast_in_dim3A_589 = arith.constant 8.600000e+01 : f32
      %broadcast_in_dim3A_590 = vector.broadcast %broadcast_in_dim3A_589 : f32 to vector<16xf32>
      %eq3A_591 = arith.constant 6 : i32
      %eq3A_592 = vector.broadcast %eq3A_591 : i32 to vector<16xi32>
      %eq3A_593 = arith.cmpi eq, %iota3A, %eq3A_592 : vector<16xi32>
      tpu.vector_store_idx %arg10[%get3A_543], %broadcast_in_dim3A_590 masked %eq3A_593 : memref<10000xf32, #tpu.memory_space<vmem>>[vector<16xi32>], vector<16xf32>, vector<16xi1>
      %broadcast_in_dim3A_594 = arith.constant 8.500000e+01 : f32
      %broadcast_in_dim3A_595 = vector.broadcast %broadcast_in_dim3A_594 : f32 to vector<16xf32>
      %eq3A_596 = arith.constant 5 : i32
      %eq3A_597 = vector.broadcast %eq3A_596 : i32 to vector<16xi32>
      %eq3A_598 = arith.cmpi eq, %iota3A, %eq3A_597 : vector<16xi32>
      tpu.vector_store_idx %arg10[%get3A_543], %broadcast_in_dim3A_595 masked %eq3A_598 : memref<10000xf32, #tpu.memory_space<vmem>>[vector<16xi32>], vector<16xf32>, vector<16xi1>
      %broadcast_in_dim3A_599 = arith.constant 8.400000e+01 : f32
      %broadcast_in_dim3A_600 = vector.broadcast %broadcast_in_dim3A_599 : f32 to vector<16xf32>
      %eq3A_601 = arith.constant 4 : i32
      %eq3A_602 = vector.broadcast %eq3A_601 : i32 to vector<16xi32>
      %eq3A_603 = arith.cmpi eq, %iota3A, %eq3A_602 : vector<16xi32>
      tpu.vector_store_idx %arg10[%get3A_543], %broadcast_in_dim3A_600 masked %eq3A_603 : memref<10000xf32, #tpu.memory_space<vmem>>[vector<16xi32>], vector<16xf32>, vector<16xi1>
      %broadcast_in_dim3A_604 = arith.constant 8.300000e+01 : f32
      %broadcast_in_dim3A_605 = vector.broadcast %broadcast_in_dim3A_604 : f32 to vector<16xf32>
      %eq3A_606 = arith.constant 3 : i32
      %eq3A_607 = vector.broadcast %eq3A_606 : i32 to vector<16xi32>
      %eq3A_608 = arith.cmpi eq, %iota3A, %eq3A_607 : vector<16xi32>
      tpu.vector_store_idx %arg10[%get3A_543], %broadcast_in_dim3A_605 masked %eq3A_608 : memref<10000xf32, #tpu.memory_space<vmem>>[vector<16xi32>], vector<16xf32>, vector<16xi1>
      %broadcast_in_dim3A_609 = arith.constant 8.200000e+01 : f32
      %broadcast_in_dim3A_610 = vector.broadcast %broadcast_in_dim3A_609 : f32 to vector<16xf32>
      %eq3A_611 = arith.constant 2 : i32
      %eq3A_612 = vector.broadcast %eq3A_611 : i32 to vector<16xi32>
      %eq3A_613 = arith.cmpi eq, %iota3A, %eq3A_612 : vector<16xi32>
      tpu.vector_store_idx %arg10[%get3A_543], %broadcast_in_dim3A_610 masked %eq3A_613 : memref<10000xf32, #tpu.memory_space<vmem>>[vector<16xi32>], vector<16xf32>, vector<16xi1>
      %broadcast_in_dim3A_614 = arith.constant 8.100000e+01 : f32
      %broadcast_in_dim3A_615 = vector.broadcast %broadcast_in_dim3A_614 : f32 to vector<16xf32>
      %eq3A_616 = arith.constant 1 : i32
      %eq3A_617 = vector.broadcast %eq3A_616 : i32 to vector<16xi32>
      %eq3A_618 = arith.cmpi eq, %iota3A, %eq3A_617 : vector<16xi32>
      tpu.vector_store_idx %arg10[%get3A_543], %broadcast_in_dim3A_615 masked %eq3A_618 : memref<10000xf32, #tpu.memory_space<vmem>>[vector<16xi32>], vector<16xf32>, vector<16xi1>
      %broadcast_in_dim3A_619 = arith.constant 8.000000e+01 : f32
      %broadcast_in_dim3A_620 = vector.broadcast %broadcast_in_dim3A_619 : f32 to vector<16xf32>
      %eq3A_621 = arith.constant 0 : i32
      %eq3A_622 = vector.broadcast %eq3A_621 : i32 to vector<16xi32>
      %eq3A_623 = arith.cmpi eq, %iota3A, %eq3A_622 : vector<16xi32>
      tpu.vector_store_idx %arg10[%get3A_543], %broadcast_in_dim3A_620 masked %eq3A_623 : memref<10000xf32, #tpu.memory_space<vmem>>[vector<16xi32>], vector<16xf32>, vector<16xi1>
      %get3A_624 = arith.constant 64 : index
      %get3A_625 = tpu.vector_load %arg9[%get3A_624] {strides = array<i32>} : memref<208xi32, #tpu.memory_space<vmem>>, vector<16xi32>,
      %broadcast_in_dim3A_626 = arith.constant 7.900000e+01 : f32
      %broadcast_in_dim3A_627 = vector.broadcast %broadcast_in_dim3A_626 : f32 to vector<16xf32>
      %eq3A_628 = arith.constant 15 : i32
      %eq3A_629 = vector.broadcast %eq3A_628 : i32 to vector<16xi32>
      %eq3A_630 = arith.cmpi eq, %iota3A, %eq3A_629 : vector<16xi32>
      tpu.vector_store_idx %arg10[%get3A_625], %broadcast_in_dim3A_627 masked %eq3A_630 : memref<10000xf32, #tpu.memory_space<vmem>>[vector<16xi32>], vector<16xf32>, vector<16xi1>
      %broadcast_in_dim3A_631 = arith.constant 7.800000e+01 : f32
      %broadcast_in_dim3A_632 = vector.broadcast %broadcast_in_dim3A_631 : f32 to vector<16xf32>
      %eq3A_633 = arith.constant 14 : i32
      %eq3A_634 = vector.broadcast %eq3A_633 : i32 to vector<16xi32>
      %eq3A_635 = arith.cmpi eq, %iota3A, %eq3A_634 : vector<16xi32>
      tpu.vector_store_idx %arg10[%get3A_625], %broadcast_in_dim3A_632 masked %eq3A_635 : memref<10000xf32, #tpu.memory_space<vmem>>[vector<16xi32>], vector<16xf32>, vector<16xi1>
      %broadcast_in_dim3A_636 = arith.constant 7.700000e+01 : f32
      %broadcast_in_dim3A_637 = vector.broadcast %broadcast_in_dim3A_636 : f32 to vector<16xf32>
      %eq3A_638 = arith.constant 13 : i32
      %eq3A_639 = vector.broadcast %eq3A_638 : i32 to vector<16xi32>
      %eq3A_640 = arith.cmpi eq, %iota3A, %eq3A_639 : vector<16xi32>
      tpu.vector_store_idx %arg10[%get3A_625], %broadcast_in_dim3A_637 masked %eq3A_640 : memref<10000xf32, #tpu.memory_space<vmem>>[vector<16xi32>], vector<16xf32>, vector<16xi1>
      %broadcast_in_dim3A_641 = arith.constant 7.600000e+01 : f32
      %broadcast_in_dim3A_642 = vector.broadcast %broadcast_in_dim3A_641 : f32 to vector<16xf32>
      %eq3A_643 = arith.constant 12 : i32
      %eq3A_644 = vector.broadcast %eq3A_643 : i32 to vector<16xi32>
      %eq3A_645 = arith.cmpi eq, %iota3A, %eq3A_644 : vector<16xi32>
      tpu.vector_store_idx %arg10[%get3A_625], %broadcast_in_dim3A_642 masked %eq3A_645 : memref<10000xf32, #tpu.memory_space<vmem>>[vector<16xi32>], vector<16xf32>, vector<16xi1>
      %broadcast_in_dim3A_646 = arith.constant 7.500000e+01 : f32
      %broadcast_in_dim3A_647 = vector.broadcast %broadcast_in_dim3A_646 : f32 to vector<16xf32>
      %eq3A_648 = arith.constant 11 : i32
      %eq3A_649 = vector.broadcast %eq3A_648 : i32 to vector<16xi32>
      %eq3A_650 = arith.cmpi eq, %iota3A, %eq3A_649 : vector<16xi32>
      tpu.vector_store_idx %arg10[%get3A_625], %broadcast_in_dim3A_647 masked %eq3A_650 : memref<10000xf32, #tpu.memory_space<vmem>>[vector<16xi32>], vector<16xf32>, vector<16xi1>
      %broadcast_in_dim3A_651 = arith.constant 7.400000e+01 : f32
      %broadcast_in_dim3A_652 = vector.broadcast %broadcast_in_dim3A_651 : f32 to vector<16xf32>
      %eq3A_653 = arith.constant 10 : i32
      %eq3A_654 = vector.broadcast %eq3A_653 : i32 to vector<16xi32>
      %eq3A_655 = arith.cmpi eq, %iota3A, %eq3A_654 : vector<16xi32>
      tpu.vector_store_idx %arg10[%get3A_625], %broadcast_in_dim3A_652 masked %eq3A_655 : memref<10000xf32, #tpu.memory_space<vmem>>[vector<16xi32>], vector<16xf32>, vector<16xi1>
      %broadcast_in_dim3A_656 = arith.constant 7.300000e+01 : f32
      %broadcast_in_dim3A_657 = vector.broadcast %broadcast_in_dim3A_656 : f32 to vector<16xf32>
      %eq3A_658 = arith.constant 9 : i32
      %eq3A_659 = vector.broadcast %eq3A_658 : i32 to vector<16xi32>
      %eq3A_660 = arith.cmpi eq, %iota3A, %eq3A_659 : vector<16xi32>
      tpu.vector_store_idx %arg10[%get3A_625], %broadcast_in_dim3A_657 masked %eq3A_660 : memref<10000xf32, #tpu.memory_space<vmem>>[vector<16xi32>], vector<16xf32>, vector<16xi1>
      %broadcast_in_dim3A_661 = arith.constant 7.200000e+01 : f32
      %broadcast_in_dim3A_662 = vector.broadcast %broadcast_in_dim3A_661 : f32 to vector<16xf32>
      %eq3A_663 = arith.constant 8 : i32
      %eq3A_664 = vector.broadcast %eq3A_663 : i32 to vector<16xi32>
      %eq3A_665 = arith.cmpi eq, %iota3A, %eq3A_664 : vector<16xi32>
      tpu.vector_store_idx %arg10[%get3A_625], %broadcast_in_dim3A_662 masked %eq3A_665 : memref<10000xf32, #tpu.memory_space<vmem>>[vector<16xi32>], vector<16xf32>, vector<16xi1>
      %broadcast_in_dim3A_666 = arith.constant 7.100000e+01 : f32
      %broadcast_in_dim3A_667 = vector.broadcast %broadcast_in_dim3A_666 : f32 to vector<16xf32>
      %eq3A_668 = arith.constant 7 : i32
      %eq3A_669 = vector.broadcast %eq3A_668 : i32 to vector<16xi32>
      %eq3A_670 = arith.cmpi eq, %iota3A, %eq3A_669 : vector<16xi32>
      tpu.vector_store_idx %arg10[%get3A_625], %broadcast_in_dim3A_667 masked %eq3A_670 : memref<10000xf32, #tpu.memory_space<vmem>>[vector<16xi32>], vector<16xf32>, vector<16xi1>
      %broadcast_in_dim3A_671 = arith.constant 7.000000e+01 : f32
      %broadcast_in_dim3A_672 = vector.broadcast %broadcast_in_dim3A_671 : f32 to vector<16xf32>
      %eq3A_673 = arith.constant 6 : i32
      %eq3A_674 = vector.broadcast %eq3A_673 : i32 to vector<16xi32>
      %eq3A_675 = arith.cmpi eq, %iota3A, %eq3A_674 : vector<16xi32>
      tpu.vector_store_idx %arg10[%get3A_625], %broadcast_in_dim3A_672 masked %eq3A_675 : memref<10000xf32, #tpu.memory_space<vmem>>[vector<16xi32>], vector<16xf32>, vector<16xi1>
      %broadcast_in_dim3A_676 = arith.constant 6.900000e+01 : f32
      %broadcast_in_dim3A_677 = vector.broadcast %broadcast_in_dim3A_676 : f32 to vector<16xf32>
      %eq3A_678 = arith.constant 5 : i32
      %eq3A_679 = vector.broadcast %eq3A_678 : i32 to vector<16xi32>
      %eq3A_680 = arith.cmpi eq, %iota3A, %eq3A_679 : vector<16xi32>
      tpu.vector_store_idx %arg10[%get3A_625], %broadcast_in_dim3A_677 masked %eq3A_680 : memref<10000xf32, #tpu.memory_space<vmem>>[vector<16xi32>], vector<16xf32>, vector<16xi1>
      %broadcast_in_dim3A_681 = arith.constant 6.800000e+01 : f32
      %broadcast_in_dim3A_682 = vector.broadcast %broadcast_in_dim3A_681 : f32 to vector<16xf32>
      %eq3A_683 = arith.constant 4 : i32
      %eq3A_684 = vector.broadcast %eq3A_683 : i32 to vector<16xi32>
      %eq3A_685 = arith.cmpi eq, %iota3A, %eq3A_684 : vector<16xi32>
      tpu.vector_store_idx %arg10[%get3A_625], %broadcast_in_dim3A_682 masked %eq3A_685 : memref<10000xf32, #tpu.memory_space<vmem>>[vector<16xi32>], vector<16xf32>, vector<16xi1>
      %broadcast_in_dim3A_686 = arith.constant 6.700000e+01 : f32
      %broadcast_in_dim3A_687 = vector.broadcast %broadcast_in_dim3A_686 : f32 to vector<16xf32>
      %eq3A_688 = arith.constant 3 : i32
      %eq3A_689 = vector.broadcast %eq3A_688 : i32 to vector<16xi32>
      %eq3A_690 = arith.cmpi eq, %iota3A, %eq3A_689 : vector<16xi32>
      tpu.vector_store_idx %arg10[%get3A_625], %broadcast_in_dim3A_687 masked %eq3A_690 : memref<10000xf32, #tpu.memory_space<vmem>>[vector<16xi32>], vector<16xf32>, vector<16xi1>
      %broadcast_in_dim3A_691 = arith.constant 6.600000e+01 : f32
      %broadcast_in_dim3A_692 = vector.broadcast %broadcast_in_dim3A_691 : f32 to vector<16xf32>
      %eq3A_693 = arith.constant 2 : i32
      %eq3A_694 = vector.broadcast %eq3A_693 : i32 to vector<16xi32>
      %eq3A_695 = arith.cmpi eq, %iota3A, %eq3A_694 : vector<16xi32>
      tpu.vector_store_idx %arg10[%get3A_625], %broadcast_in_dim3A_692 masked %eq3A_695 : memref<10000xf32, #tpu.memory_space<vmem>>[vector<16xi32>], vector<16xf32>, vector<16xi1>
      %broadcast_in_dim3A_696 = arith.constant 6.500000e+01 : f32
      %broadcast_in_dim3A_697 = vector.broadcast %broadcast_in_dim3A_696 : f32 to vector<16xf32>
      %eq3A_698 = arith.constant 1 : i32
      %eq3A_699 = vector.broadcast %eq3A_698 : i32 to vector<16xi32>
      %eq3A_700 = arith.cmpi eq, %iota3A, %eq3A_699 : vector<16xi32>
      tpu.vector_store_idx %arg10[%get3A_625], %broadcast_in_dim3A_697 masked %eq3A_700 : memref<10000xf32, #tpu.memory_space<vmem>>[vector<16xi32>], vector<16xf32>, vector<16xi1>
      %broadcast_in_dim3A_701 = arith.constant 6.400000e+01 : f32
      %broadcast_in_dim3A_702 = vector.broadcast %broadcast_in_dim3A_701 : f32 to vector<16xf32>
      %eq3A_703 = arith.constant 0 : i32
      %eq3A_704 = vector.broadcast %eq3A_703 : i32 to vector<16xi32>
      %eq3A_705 = arith.cmpi eq, %iota3A, %eq3A_704 : vector<16xi32>
      tpu.vector_store_idx %arg10[%get3A_625], %broadcast_in_dim3A_702 masked %eq3A_705 : memref<10000xf32, #tpu.memory_space<vmem>>[vector<16xi32>], vector<16xf32>, vector<16xi1>
      %get3A_706 = arith.constant 48 : index
      %get3A_707 = tpu.vector_load %arg9[%get3A_706] {strides = array<i32>} : memref<208xi32, #tpu.memory_space<vmem>>, vector<16xi32>,
      %broadcast_in_dim3A_708 = arith.constant 6.300000e+01 : f32
      %broadcast_in_dim3A_709 = vector.broadcast %broadcast_in_dim3A_708 : f32 to vector<16xf32>
      %eq3A_710 = arith.constant 15 : i32
      %eq3A_711 = vector.broadcast %eq3A_710 : i32 to vector<16xi32>
      %eq3A_712 = arith.cmpi eq, %iota3A, %eq3A_711 : vector<16xi32>
      tpu.vector_store_idx %arg10[%get3A_707], %broadcast_in_dim3A_709 masked %eq3A_712 : memref<10000xf32, #tpu.memory_space<vmem>>[vector<16xi32>], vector<16xf32>, vector<16xi1>
      %broadcast_in_dim3A_713 = arith.constant 6.200000e+01 : f32
      %broadcast_in_dim3A_714 = vector.broadcast %broadcast_in_dim3A_713 : f32 to vector<16xf32>
      %eq3A_715 = arith.constant 14 : i32
      %eq3A_716 = vector.broadcast %eq3A_715 : i32 to vector<16xi32>
      %eq3A_717 = arith.cmpi eq, %iota3A, %eq3A_716 : vector<16xi32>
      tpu.vector_store_idx %arg10[%get3A_707], %broadcast_in_dim3A_714 masked %eq3A_717 : memref<10000xf32, #tpu.memory_space<vmem>>[vector<16xi32>], vector<16xf32>, vector<16xi1>
      %broadcast_in_dim3A_718 = arith.constant 6.100000e+01 : f32
      %broadcast_in_dim3A_719 = vector.broadcast %broadcast_in_dim3A_718 : f32 to vector<16xf32>
      %eq3A_720 = arith.constant 13 : i32
      %eq3A_721 = vector.broadcast %eq3A_720 : i32 to vector<16xi32>
      %eq3A_722 = arith.cmpi eq, %iota3A, %eq3A_721 : vector<16xi32>
      tpu.vector_store_idx %arg10[%get3A_707], %broadcast_in_dim3A_719 masked %eq3A_722 : memref<10000xf32, #tpu.memory_space<vmem>>[vector<16xi32>], vector<16xf32>, vector<16xi1>
      %broadcast_in_dim3A_723 = arith.constant 6.000000e+01 : f32
      %broadcast_in_dim3A_724 = vector.broadcast %broadcast_in_dim3A_723 : f32 to vector<16xf32>
      %eq3A_725 = arith.constant 12 : i32
      %eq3A_726 = vector.broadcast %eq3A_725 : i32 to vector<16xi32>
      %eq3A_727 = arith.cmpi eq, %iota3A, %eq3A_726 : vector<16xi32>
      tpu.vector_store_idx %arg10[%get3A_707], %broadcast_in_dim3A_724 masked %eq3A_727 : memref<10000xf32, #tpu.memory_space<vmem>>[vector<16xi32>], vector<16xf32>, vector<16xi1>
      %broadcast_in_dim3A_728 = arith.constant 5.900000e+01 : f32
      %broadcast_in_dim3A_729 = vector.broadcast %broadcast_in_dim3A_728 : f32 to vector<16xf32>
      %eq3A_730 = arith.constant 11 : i32
      %eq3A_731 = vector.broadcast %eq3A_730 : i32 to vector<16xi32>
      %eq3A_732 = arith.cmpi eq, %iota3A, %eq3A_731 : vector<16xi32>
      tpu.vector_store_idx %arg10[%get3A_707], %broadcast_in_dim3A_729 masked %eq3A_732 : memref<10000xf32, #tpu.memory_space<vmem>>[vector<16xi32>], vector<16xf32>, vector<16xi1>
      %broadcast_in_dim3A_733 = arith.constant 5.800000e+01 : f32
      %broadcast_in_dim3A_734 = vector.broadcast %broadcast_in_dim3A_733 : f32 to vector<16xf32>
      %eq3A_735 = arith.constant 10 : i32
      %eq3A_736 = vector.broadcast %eq3A_735 : i32 to vector<16xi32>
      %eq3A_737 = arith.cmpi eq, %iota3A, %eq3A_736 : vector<16xi32>
      tpu.vector_store_idx %arg10[%get3A_707], %broadcast_in_dim3A_734 masked %eq3A_737 : memref<10000xf32, #tpu.memory_space<vmem>>[vector<16xi32>], vector<16xf32>, vector<16xi1>
      %broadcast_in_dim3A_738 = arith.constant 5.700000e+01 : f32
      %broadcast_in_dim3A_739 = vector.broadcast %broadcast_in_dim3A_738 : f32 to vector<16xf32>
      %eq3A_740 = arith.constant 9 : i32
      %eq3A_741 = vector.broadcast %eq3A_740 : i32 to vector<16xi32>
      %eq3A_742 = arith.cmpi eq, %iota3A, %eq3A_741 : vector<16xi32>
      tpu.vector_store_idx %arg10[%get3A_707], %broadcast_in_dim3A_739 masked %eq3A_742 : memref<10000xf32, #tpu.memory_space<vmem>>[vector<16xi32>], vector<16xf32>, vector<16xi1>
      %broadcast_in_dim3A_743 = arith.constant 5.600000e+01 : f32
      %broadcast_in_dim3A_744 = vector.broadcast %broadcast_in_dim3A_743 : f32 to vector<16xf32>
      %eq3A_745 = arith.constant 8 : i32
      %eq3A_746 = vector.broadcast %eq3A_745 : i32 to vector<16xi32>
      %eq3A_747 = arith.cmpi eq, %iota3A, %eq3A_746 : vector<16xi32>
      tpu.vector_store_idx %arg10[%get3A_707], %broadcast_in_dim3A_744 masked %eq3A_747 : memref<10000xf32, #tpu.memory_space<vmem>>[vector<16xi32>], vector<16xf32>, vector<16xi1>
      %broadcast_in_dim3A_748 = arith.constant 5.500000e+01 : f32
      %broadcast_in_dim3A_749 = vector.broadcast %broadcast_in_dim3A_748 : f32 to vector<16xf32>
      %eq3A_750 = arith.constant 7 : i32
      %eq3A_751 = vector.broadcast %eq3A_750 : i32 to vector<16xi32>
      %eq3A_752 = arith.cmpi eq, %iota3A, %eq3A_751 : vector<16xi32>
      tpu.vector_store_idx %arg10[%get3A_707], %broadcast_in_dim3A_749 masked %eq3A_752 : memref<10000xf32, #tpu.memory_space<vmem>>[vector<16xi32>], vector<16xf32>, vector<16xi1>
      %broadcast_in_dim3A_753 = arith.constant 5.400000e+01 : f32
      %broadcast_in_dim3A_754 = vector.broadcast %broadcast_in_dim3A_753 : f32 to vector<16xf32>
      %eq3A_755 = arith.constant 6 : i32
      %eq3A_756 = vector.broadcast %eq3A_755 : i32 to vector<16xi32>
      %eq3A_757 = arith.cmpi eq, %iota3A, %eq3A_756 : vector<16xi32>
      tpu.vector_store_idx %arg10[%get3A_707], %broadcast_in_dim3A_754 masked %eq3A_757 : memref<10000xf32, #tpu.memory_space<vmem>>[vector<16xi32>], vector<16xf32>, vector<16xi1>
      %broadcast_in_dim3A_758 = arith.constant 5.300000e+01 : f32
      %broadcast_in_dim3A_759 = vector.broadcast %broadcast_in_dim3A_758 : f32 to vector<16xf32>
      %eq3A_760 = arith.constant 5 : i32
      %eq3A_761 = vector.broadcast %eq3A_760 : i32 to vector<16xi32>
      %eq3A_762 = arith.cmpi eq, %iota3A, %eq3A_761 : vector<16xi32>
      tpu.vector_store_idx %arg10[%get3A_707], %broadcast_in_dim3A_759 masked %eq3A_762 : memref<10000xf32, #tpu.memory_space<vmem>>[vector<16xi32>], vector<16xf32>, vector<16xi1>
      %broadcast_in_dim3A_763 = arith.constant 5.200000e+01 : f32
      %broadcast_in_dim3A_764 = vector.broadcast %broadcast_in_dim3A_763 : f32 to vector<16xf32>
      %eq3A_765 = arith.constant 4 : i32
      %eq3A_766 = vector.broadcast %eq3A_765 : i32 to vector<16xi32>
      %eq3A_767 = arith.cmpi eq, %iota3A, %eq3A_766 : vector<16xi32>
      tpu.vector_store_idx %arg10[%get3A_707], %broadcast_in_dim3A_764 masked %eq3A_767 : memref<10000xf32, #tpu.memory_space<vmem>>[vector<16xi32>], vector<16xf32>, vector<16xi1>
      %broadcast_in_dim3A_768 = arith.constant 5.100000e+01 : f32
      %broadcast_in_dim3A_769 = vector.broadcast %broadcast_in_dim3A_768 : f32 to vector<16xf32>
      %eq3A_770 = arith.constant 3 : i32
      %eq3A_771 = vector.broadcast %eq3A_770 : i32 to vector<16xi32>
      %eq3A_772 = arith.cmpi eq, %iota3A, %eq3A_771 : vector<16xi32>
      tpu.vector_store_idx %arg10[%get3A_707], %broadcast_in_dim3A_769 masked %eq3A_772 : memref<10000xf32, #tpu.memory_space<vmem>>[vector<16xi32>], vector<16xf32>, vector<16xi1>
      %broadcast_in_dim3A_773 = arith.constant 5.000000e+01 : f32
      %broadcast_in_dim3A_774 = vector.broadcast %broadcast_in_dim3A_773 : f32 to vector<16xf32>
      %eq3A_775 = arith.constant 2 : i32
      %eq3A_776 = vector.broadcast %eq3A_775 : i32 to vector<16xi32>
      %eq3A_777 = arith.cmpi eq, %iota3A, %eq3A_776 : vector<16xi32>
      tpu.vector_store_idx %arg10[%get3A_707], %broadcast_in_dim3A_774 masked %eq3A_777 : memref<10000xf32, #tpu.memory_space<vmem>>[vector<16xi32>], vector<16xf32>, vector<16xi1>
      %broadcast_in_dim3A_778 = arith.constant 4.900000e+01 : f32
      %broadcast_in_dim3A_779 = vector.broadcast %broadcast_in_dim3A_778 : f32 to vector<16xf32>
      %eq3A_780 = arith.constant 1 : i32
      %eq3A_781 = vector.broadcast %eq3A_780 : i32 to vector<16xi32>
      %eq3A_782 = arith.cmpi eq, %iota3A, %eq3A_781 : vector<16xi32>
      tpu.vector_store_idx %arg10[%get3A_707], %broadcast_in_dim3A_779 masked %eq3A_782 : memref<10000xf32, #tpu.memory_space<vmem>>[vector<16xi32>], vector<16xf32>, vector<16xi1>
      %broadcast_in_dim3A_783 = arith.constant 4.800000e+01 : f32
      %broadcast_in_dim3A_784 = vector.broadcast %broadcast_in_dim3A_783 : f32 to vector<16xf32>
      %eq3A_785 = arith.constant 0 : i32
      %eq3A_786 = vector.broadcast %eq3A_785 : i32 to vector<16xi32>
      %eq3A_787 = arith.cmpi eq, %iota3A, %eq3A_786 : vector<16xi32>
      tpu.vector_store_idx %arg10[%get3A_707], %broadcast_in_dim3A_784 masked %eq3A_787 : memref<10000xf32, #tpu.memory_space<vmem>>[vector<16xi32>], vector<16xf32>, vector<16xi1>
      %get3A_788 = arith.constant 32 : index
      %get3A_789 = tpu.vector_load %arg9[%get3A_788] {strides = array<i32>} : memref<208xi32, #tpu.memory_space<vmem>>, vector<16xi32>,
      %broadcast_in_dim3A_790 = arith.constant 4.700000e+01 : f32
      %broadcast_in_dim3A_791 = vector.broadcast %broadcast_in_dim3A_790 : f32 to vector<16xf32>
      %eq3A_792 = arith.constant 15 : i32
      %eq3A_793 = vector.broadcast %eq3A_792 : i32 to vector<16xi32>
      %eq3A_794 = arith.cmpi eq, %iota3A, %eq3A_793 : vector<16xi32>
      tpu.vector_store_idx %arg10[%get3A_789], %broadcast_in_dim3A_791 masked %eq3A_794 : memref<10000xf32, #tpu.memory_space<vmem>>[vector<16xi32>], vector<16xf32>, vector<16xi1>
      %broadcast_in_dim3A_795 = arith.constant 4.600000e+01 : f32
      %broadcast_in_dim3A_796 = vector.broadcast %broadcast_in_dim3A_795 : f32 to vector<16xf32>
      %eq3A_797 = arith.constant 14 : i32
      %eq3A_798 = vector.broadcast %eq3A_797 : i32 to vector<16xi32>
      %eq3A_799 = arith.cmpi eq, %iota3A, %eq3A_798 : vector<16xi32>
      tpu.vector_store_idx %arg10[%get3A_789], %broadcast_in_dim3A_796 masked %eq3A_799 : memref<10000xf32, #tpu.memory_space<vmem>>[vector<16xi32>], vector<16xf32>, vector<16xi1>
      %broadcast_in_dim3A_800 = arith.constant 4.500000e+01 : f32
      %broadcast_in_dim3A_801 = vector.broadcast %broadcast_in_dim3A_800 : f32 to vector<16xf32>
      %eq3A_802 = arith.constant 13 : i32
      %eq3A_803 = vector.broadcast %eq3A_802 : i32 to vector<16xi32>
      %eq3A_804 = arith.cmpi eq, %iota3A, %eq3A_803 : vector<16xi32>
      tpu.vector_store_idx %arg10[%get3A_789], %broadcast_in_dim3A_801 masked %eq3A_804 : memref<10000xf32, #tpu.memory_space<vmem>>[vector<16xi32>], vector<16xf32>, vector<16xi1>
      %broadcast_in_dim3A_805 = arith.constant 4.400000e+01 : f32
      %broadcast_in_dim3A_806 = vector.broadcast %broadcast_in_dim3A_805 : f32 to vector<16xf32>
      %eq3A_807 = arith.constant 12 : i32
      %eq3A_808 = vector.broadcast %eq3A_807 : i32 to vector<16xi32>
      %eq3A_809 = arith.cmpi eq, %iota3A, %eq3A_808 : vector<16xi32>
      tpu.vector_store_idx %arg10[%get3A_789], %broadcast_in_dim3A_806 masked %eq3A_809 : memref<10000xf32, #tpu.memory_space<vmem>>[vector<16xi32>], vector<16xf32>, vector<16xi1>
      %broadcast_in_dim3A_810 = arith.constant 4.300000e+01 : f32
      %broadcast_in_dim3A_811 = vector.broadcast %broadcast_in_dim3A_810 : f32 to vector<16xf32>
      %eq3A_812 = arith.constant 11 : i32
      %eq3A_813 = vector.broadcast %eq3A_812 : i32 to vector<16xi32>
      %eq3A_814 = arith.cmpi eq, %iota3A, %eq3A_813 : vector<16xi32>
      tpu.vector_store_idx %arg10[%get3A_789], %broadcast_in_dim3A_811 masked %eq3A_814 : memref<10000xf32, #tpu.memory_space<vmem>>[vector<16xi32>], vector<16xf32>, vector<16xi1>
      %broadcast_in_dim3A_815 = arith.constant 4.200000e+01 : f32
      %broadcast_in_dim3A_816 = vector.broadcast %broadcast_in_dim3A_815 : f32 to vector<16xf32>
      %eq3A_817 = arith.constant 10 : i32
      %eq3A_818 = vector.broadcast %eq3A_817 : i32 to vector<16xi32>
      %eq3A_819 = arith.cmpi eq, %iota3A, %eq3A_818 : vector<16xi32>
      tpu.vector_store_idx %arg10[%get3A_789], %broadcast_in_dim3A_816 masked %eq3A_819 : memref<10000xf32, #tpu.memory_space<vmem>>[vector<16xi32>], vector<16xf32>, vector<16xi1>
      %broadcast_in_dim3A_820 = arith.constant 4.100000e+01 : f32
      %broadcast_in_dim3A_821 = vector.broadcast %broadcast_in_dim3A_820 : f32 to vector<16xf32>
      %eq3A_822 = arith.constant 9 : i32
      %eq3A_823 = vector.broadcast %eq3A_822 : i32 to vector<16xi32>
      %eq3A_824 = arith.cmpi eq, %iota3A, %eq3A_823 : vector<16xi32>
      tpu.vector_store_idx %arg10[%get3A_789], %broadcast_in_dim3A_821 masked %eq3A_824 : memref<10000xf32, #tpu.memory_space<vmem>>[vector<16xi32>], vector<16xf32>, vector<16xi1>
      %broadcast_in_dim3A_825 = arith.constant 4.000000e+01 : f32
      %broadcast_in_dim3A_826 = vector.broadcast %broadcast_in_dim3A_825 : f32 to vector<16xf32>
      %eq3A_827 = arith.constant 8 : i32
      %eq3A_828 = vector.broadcast %eq3A_827 : i32 to vector<16xi32>
      %eq3A_829 = arith.cmpi eq, %iota3A, %eq3A_828 : vector<16xi32>
      tpu.vector_store_idx %arg10[%get3A_789], %broadcast_in_dim3A_826 masked %eq3A_829 : memref<10000xf32, #tpu.memory_space<vmem>>[vector<16xi32>], vector<16xf32>, vector<16xi1>
      %broadcast_in_dim3A_830 = arith.constant 3.900000e+01 : f32
      %broadcast_in_dim3A_831 = vector.broadcast %broadcast_in_dim3A_830 : f32 to vector<16xf32>
      %eq3A_832 = arith.constant 7 : i32
      %eq3A_833 = vector.broadcast %eq3A_832 : i32 to vector<16xi32>
      %eq3A_834 = arith.cmpi eq, %iota3A, %eq3A_833 : vector<16xi32>
      tpu.vector_store_idx %arg10[%get3A_789], %broadcast_in_dim3A_831 masked %eq3A_834 : memref<10000xf32, #tpu.memory_space<vmem>>[vector<16xi32>], vector<16xf32>, vector<16xi1>
      %broadcast_in_dim3A_835 = arith.constant 3.800000e+01 : f32
      %broadcast_in_dim3A_836 = vector.broadcast %broadcast_in_dim3A_835 : f32 to vector<16xf32>
      %eq3A_837 = arith.constant 6 : i32
      %eq3A_838 = vector.broadcast %eq3A_837 : i32 to vector<16xi32>
      %eq3A_839 = arith.cmpi eq, %iota3A, %eq3A_838 : vector<16xi32>
      tpu.vector_store_idx %arg10[%get3A_789], %broadcast_in_dim3A_836 masked %eq3A_839 : memref<10000xf32, #tpu.memory_space<vmem>>[vector<16xi32>], vector<16xf32>, vector<16xi1>
      %broadcast_in_dim3A_840 = arith.constant 3.700000e+01 : f32
      %broadcast_in_dim3A_841 = vector.broadcast %broadcast_in_dim3A_840 : f32 to vector<16xf32>
      %eq3A_842 = arith.constant 5 : i32
      %eq3A_843 = vector.broadcast %eq3A_842 : i32 to vector<16xi32>
      %eq3A_844 = arith.cmpi eq, %iota3A, %eq3A_843 : vector<16xi32>
      tpu.vector_store_idx %arg10[%get3A_789], %broadcast_in_dim3A_841 masked %eq3A_844 : memref<10000xf32, #tpu.memory_space<vmem>>[vector<16xi32>], vector<16xf32>, vector<16xi1>
      %broadcast_in_dim3A_845 = arith.constant 3.600000e+01 : f32
      %broadcast_in_dim3A_846 = vector.broadcast %broadcast_in_dim3A_845 : f32 to vector<16xf32>
      %eq3A_847 = arith.constant 4 : i32
      %eq3A_848 = vector.broadcast %eq3A_847 : i32 to vector<16xi32>
      %eq3A_849 = arith.cmpi eq, %iota3A, %eq3A_848 : vector<16xi32>
      tpu.vector_store_idx %arg10[%get3A_789], %broadcast_in_dim3A_846 masked %eq3A_849 : memref<10000xf32, #tpu.memory_space<vmem>>[vector<16xi32>], vector<16xf32>, vector<16xi1>
      %broadcast_in_dim3A_850 = arith.constant 3.500000e+01 : f32
      %broadcast_in_dim3A_851 = vector.broadcast %broadcast_in_dim3A_850 : f32 to vector<16xf32>
      %eq3A_852 = arith.constant 3 : i32
      %eq3A_853 = vector.broadcast %eq3A_852 : i32 to vector<16xi32>
      %eq3A_854 = arith.cmpi eq, %iota3A, %eq3A_853 : vector<16xi32>
      tpu.vector_store_idx %arg10[%get3A_789], %broadcast_in_dim3A_851 masked %eq3A_854 : memref<10000xf32, #tpu.memory_space<vmem>>[vector<16xi32>], vector<16xf32>, vector<16xi1>
      %broadcast_in_dim3A_855 = arith.constant 3.400000e+01 : f32
      %broadcast_in_dim3A_856 = vector.broadcast %broadcast_in_dim3A_855 : f32 to vector<16xf32>
      %eq3A_857 = arith.constant 2 : i32
      %eq3A_858 = vector.broadcast %eq3A_857 : i32 to vector<16xi32>
      %eq3A_859 = arith.cmpi eq, %iota3A, %eq3A_858 : vector<16xi32>
      tpu.vector_store_idx %arg10[%get3A_789], %broadcast_in_dim3A_856 masked %eq3A_859 : memref<10000xf32, #tpu.memory_space<vmem>>[vector<16xi32>], vector<16xf32>, vector<16xi1>
      %broadcast_in_dim3A_860 = arith.constant 3.300000e+01 : f32
      %broadcast_in_dim3A_861 = vector.broadcast %broadcast_in_dim3A_860 : f32 to vector<16xf32>
      %eq3A_862 = arith.constant 1 : i32
      %eq3A_863 = vector.broadcast %eq3A_862 : i32 to vector<16xi32>
      %eq3A_864 = arith.cmpi eq, %iota3A, %eq3A_863 : vector<16xi32>
      tpu.vector_store_idx %arg10[%get3A_789], %broadcast_in_dim3A_861 masked %eq3A_864 : memref<10000xf32, #tpu.memory_space<vmem>>[vector<16xi32>], vector<16xf32>, vector<16xi1>
      %broadcast_in_dim3A_865 = arith.constant 3.200000e+01 : f32
      %broadcast_in_dim3A_866 = vector.broadcast %broadcast_in_dim3A_865 : f32 to vector<16xf32>
      %eq3A_867 = arith.constant 0 : i32
      %eq3A_868 = vector.broadcast %eq3A_867 : i32 to vector<16xi32>
      %eq3A_869 = arith.cmpi eq, %iota3A, %eq3A_868 : vector<16xi32>
      tpu.vector_store_idx %arg10[%get3A_789], %broadcast_in_dim3A_866 masked %eq3A_869 : memref<10000xf32, #tpu.memory_space<vmem>>[vector<16xi32>], vector<16xf32>, vector<16xi1>
      %get3A_870 = arith.constant 16 : index
      %get3A_871 = tpu.vector_load %arg9[%get3A_870] {strides = array<i32>} : memref<208xi32, #tpu.memory_space<vmem>>, vector<16xi32>,
      %broadcast_in_dim3A_872 = arith.constant 3.100000e+01 : f32
      %broadcast_in_dim3A_873 = vector.broadcast %broadcast_in_dim3A_872 : f32 to vector<16xf32>
      %eq3A_874 = arith.constant 15 : i32
      %eq3A_875 = vector.broadcast %eq3A_874 : i32 to vector<16xi32>
      %eq3A_876 = arith.cmpi eq, %iota3A, %eq3A_875 : vector<16xi32>
      tpu.vector_store_idx %arg10[%get3A_871], %broadcast_in_dim3A_873 masked %eq3A_876 : memref<10000xf32, #tpu.memory_space<vmem>>[vector<16xi32>], vector<16xf32>, vector<16xi1>
      %broadcast_in_dim3A_877 = arith.constant 3.000000e+01 : f32
      %broadcast_in_dim3A_878 = vector.broadcast %broadcast_in_dim3A_877 : f32 to vector<16xf32>
      %eq3A_879 = arith.constant 14 : i32
      %eq3A_880 = vector.broadcast %eq3A_879 : i32 to vector<16xi32>
      %eq3A_881 = arith.cmpi eq, %iota3A, %eq3A_880 : vector<16xi32>
      tpu.vector_store_idx %arg10[%get3A_871], %broadcast_in_dim3A_878 masked %eq3A_881 : memref<10000xf32, #tpu.memory_space<vmem>>[vector<16xi32>], vector<16xf32>, vector<16xi1>
      %broadcast_in_dim3A_882 = arith.constant 2.900000e+01 : f32
      %broadcast_in_dim3A_883 = vector.broadcast %broadcast_in_dim3A_882 : f32 to vector<16xf32>
      %eq3A_884 = arith.constant 13 : i32
      %eq3A_885 = vector.broadcast %eq3A_884 : i32 to vector<16xi32>
      %eq3A_886 = arith.cmpi eq, %iota3A, %eq3A_885 : vector<16xi32>
      tpu.vector_store_idx %arg10[%get3A_871], %broadcast_in_dim3A_883 masked %eq3A_886 : memref<10000xf32, #tpu.memory_space<vmem>>[vector<16xi32>], vector<16xf32>, vector<16xi1>
      %broadcast_in_dim3A_887 = arith.constant 2.800000e+01 : f32
      %broadcast_in_dim3A_888 = vector.broadcast %broadcast_in_dim3A_887 : f32 to vector<16xf32>
      %eq3A_889 = arith.constant 12 : i32
      %eq3A_890 = vector.broadcast %eq3A_889 : i32 to vector<16xi32>
      %eq3A_891 = arith.cmpi eq, %iota3A, %eq3A_890 : vector<16xi32>
      tpu.vector_store_idx %arg10[%get3A_871], %broadcast_in_dim3A_888 masked %eq3A_891 : memref<10000xf32, #tpu.memory_space<vmem>>[vector<16xi32>], vector<16xf32>, vector<16xi1>
      %broadcast_in_dim3A_892 = arith.constant 2.700000e+01 : f32
      %broadcast_in_dim3A_893 = vector.broadcast %broadcast_in_dim3A_892 : f32 to vector<16xf32>
      %eq3A_894 = arith.constant 11 : i32
      %eq3A_895 = vector.broadcast %eq3A_894 : i32 to vector<16xi32>
      %eq3A_896 = arith.cmpi eq, %iota3A, %eq3A_895 : vector<16xi32>
      tpu.vector_store_idx %arg10[%get3A_871], %broadcast_in_dim3A_893 masked %eq3A_896 : memref<10000xf32, #tpu.memory_space<vmem>>[vector<16xi32>], vector<16xf32>, vector<16xi1>
      %broadcast_in_dim3A_897 = arith.constant 2.600000e+01 : f32
      %broadcast_in_dim3A_898 = vector.broadcast %broadcast_in_dim3A_897 : f32 to vector<16xf32>
      %eq3A_899 = arith.constant 10 : i32
      %eq3A_900 = vector.broadcast %eq3A_899 : i32 to vector<16xi32>
      %eq3A_901 = arith.cmpi eq, %iota3A, %eq3A_900 : vector<16xi32>
      tpu.vector_store_idx %arg10[%get3A_871], %broadcast_in_dim3A_898 masked %eq3A_901 : memref<10000xf32, #tpu.memory_space<vmem>>[vector<16xi32>], vector<16xf32>, vector<16xi1>
      %broadcast_in_dim3A_902 = arith.constant 2.500000e+01 : f32
      %broadcast_in_dim3A_903 = vector.broadcast %broadcast_in_dim3A_902 : f32 to vector<16xf32>
      %eq3A_904 = arith.constant 9 : i32
      %eq3A_905 = vector.broadcast %eq3A_904 : i32 to vector<16xi32>
      %eq3A_906 = arith.cmpi eq, %iota3A, %eq3A_905 : vector<16xi32>
      tpu.vector_store_idx %arg10[%get3A_871], %broadcast_in_dim3A_903 masked %eq3A_906 : memref<10000xf32, #tpu.memory_space<vmem>>[vector<16xi32>], vector<16xf32>, vector<16xi1>
      %broadcast_in_dim3A_907 = arith.constant 2.400000e+01 : f32
      %broadcast_in_dim3A_908 = vector.broadcast %broadcast_in_dim3A_907 : f32 to vector<16xf32>
      %eq3A_909 = arith.constant 8 : i32
      %eq3A_910 = vector.broadcast %eq3A_909 : i32 to vector<16xi32>
      %eq3A_911 = arith.cmpi eq, %iota3A, %eq3A_910 : vector<16xi32>
      tpu.vector_store_idx %arg10[%get3A_871], %broadcast_in_dim3A_908 masked %eq3A_911 : memref<10000xf32, #tpu.memory_space<vmem>>[vector<16xi32>], vector<16xf32>, vector<16xi1>
      %broadcast_in_dim3A_912 = arith.constant 2.300000e+01 : f32
      %broadcast_in_dim3A_913 = vector.broadcast %broadcast_in_dim3A_912 : f32 to vector<16xf32>
      %eq3A_914 = arith.constant 7 : i32
      %eq3A_915 = vector.broadcast %eq3A_914 : i32 to vector<16xi32>
      %eq3A_916 = arith.cmpi eq, %iota3A, %eq3A_915 : vector<16xi32>
      tpu.vector_store_idx %arg10[%get3A_871], %broadcast_in_dim3A_913 masked %eq3A_916 : memref<10000xf32, #tpu.memory_space<vmem>>[vector<16xi32>], vector<16xf32>, vector<16xi1>
      %broadcast_in_dim3A_917 = arith.constant 2.200000e+01 : f32
      %broadcast_in_dim3A_918 = vector.broadcast %broadcast_in_dim3A_917 : f32 to vector<16xf32>
      %eq3A_919 = arith.constant 6 : i32
      %eq3A_920 = vector.broadcast %eq3A_919 : i32 to vector<16xi32>
      %eq3A_921 = arith.cmpi eq, %iota3A, %eq3A_920 : vector<16xi32>
      tpu.vector_store_idx %arg10[%get3A_871], %broadcast_in_dim3A_918 masked %eq3A_921 : memref<10000xf32, #tpu.memory_space<vmem>>[vector<16xi32>], vector<16xf32>, vector<16xi1>
      %broadcast_in_dim3A_922 = arith.constant 2.100000e+01 : f32
      %broadcast_in_dim3A_923 = vector.broadcast %broadcast_in_dim3A_922 : f32 to vector<16xf32>
      %eq3A_924 = arith.constant 5 : i32
      %eq3A_925 = vector.broadcast %eq3A_924 : i32 to vector<16xi32>
      %eq3A_926 = arith.cmpi eq, %iota3A, %eq3A_925 : vector<16xi32>
      tpu.vector_store_idx %arg10[%get3A_871], %broadcast_in_dim3A_923 masked %eq3A_926 : memref<10000xf32, #tpu.memory_space<vmem>>[vector<16xi32>], vector<16xf32>, vector<16xi1>
      %broadcast_in_dim3A_927 = arith.constant 2.000000e+01 : f32
      %broadcast_in_dim3A_928 = vector.broadcast %broadcast_in_dim3A_927 : f32 to vector<16xf32>
      %eq3A_929 = arith.constant 4 : i32
      %eq3A_930 = vector.broadcast %eq3A_929 : i32 to vector<16xi32>
      %eq3A_931 = arith.cmpi eq, %iota3A, %eq3A_930 : vector<16xi32>
      tpu.vector_store_idx %arg10[%get3A_871], %broadcast_in_dim3A_928 masked %eq3A_931 : memref<10000xf32, #tpu.memory_space<vmem>>[vector<16xi32>], vector<16xf32>, vector<16xi1>
      %broadcast_in_dim3A_932 = arith.constant 1.900000e+01 : f32
      %broadcast_in_dim3A_933 = vector.broadcast %broadcast_in_dim3A_932 : f32 to vector<16xf32>
      %eq3A_934 = arith.constant 3 : i32
      %eq3A_935 = vector.broadcast %eq3A_934 : i32 to vector<16xi32>
      %eq3A_936 = arith.cmpi eq, %iota3A, %eq3A_935 : vector<16xi32>
      tpu.vector_store_idx %arg10[%get3A_871], %broadcast_in_dim3A_933 masked %eq3A_936 : memref<10000xf32, #tpu.memory_space<vmem>>[vector<16xi32>], vector<16xf32>, vector<16xi1>
      %broadcast_in_dim3A_937 = arith.constant 1.800000e+01 : f32
      %broadcast_in_dim3A_938 = vector.broadcast %broadcast_in_dim3A_937 : f32 to vector<16xf32>
      %eq3A_939 = arith.constant 2 : i32
      %eq3A_940 = vector.broadcast %eq3A_939 : i32 to vector<16xi32>
      %eq3A_941 = arith.cmpi eq, %iota3A, %eq3A_940 : vector<16xi32>
      tpu.vector_store_idx %arg10[%get3A_871], %broadcast_in_dim3A_938 masked %eq3A_941 : memref<10000xf32, #tpu.memory_space<vmem>>[vector<16xi32>], vector<16xf32>, vector<16xi1>
      %broadcast_in_dim3A_942 = arith.constant 1.700000e+01 : f32
      %broadcast_in_dim3A_943 = vector.broadcast %broadcast_in_dim3A_942 : f32 to vector<16xf32>
      %eq3A_944 = arith.constant 1 : i32
      %eq3A_945 = vector.broadcast %eq3A_944 : i32 to vector<16xi32>
      %eq3A_946 = arith.cmpi eq, %iota3A, %eq3A_945 : vector<16xi32>
      tpu.vector_store_idx %arg10[%get3A_871], %broadcast_in_dim3A_943 masked %eq3A_946 : memref<10000xf32, #tpu.memory_space<vmem>>[vector<16xi32>], vector<16xf32>, vector<16xi1>
      %broadcast_in_dim3A_947 = arith.constant 1.600000e+01 : f32
      %broadcast_in_dim3A_948 = vector.broadcast %broadcast_in_dim3A_947 : f32 to vector<16xf32>
      %eq3A_949 = arith.constant 0 : i32
      %eq3A_950 = vector.broadcast %eq3A_949 : i32 to vector<16xi32>
      %eq3A_951 = arith.cmpi eq, %iota3A, %eq3A_950 : vector<16xi32>
      tpu.vector_store_idx %arg10[%get3A_871], %broadcast_in_dim3A_948 masked %eq3A_951 : memref<10000xf32, #tpu.memory_space<vmem>>[vector<16xi32>], vector<16xf32>, vector<16xi1>
      %get3A_952 = arith.constant 0 : index
      %get3A_953 = tpu.vector_load %arg9[%get3A_952] {strides = array<i32>} : memref<208xi32, #tpu.memory_space<vmem>>, vector<16xi32>,
      %broadcast_in_dim3A_954 = arith.constant 1.500000e+01 : f32
      %broadcast_in_dim3A_955 = vector.broadcast %broadcast_in_dim3A_954 : f32 to vector<16xf32>
      %eq3A_956 = arith.constant 15 : i32
      %eq3A_957 = vector.broadcast %eq3A_956 : i32 to vector<16xi32>
      %eq3A_958 = arith.cmpi eq, %iota3A, %eq3A_957 : vector<16xi32>
      tpu.vector_store_idx %arg10[%get3A_953], %broadcast_in_dim3A_955 masked %eq3A_958 : memref<10000xf32, #tpu.memory_space<vmem>>[vector<16xi32>], vector<16xf32>, vector<16xi1>
      %broadcast_in_dim3A_959 = arith.constant 1.400000e+01 : f32
      %broadcast_in_dim3A_960 = vector.broadcast %broadcast_in_dim3A_959 : f32 to vector<16xf32>
      %eq3A_961 = arith.constant 14 : i32
      %eq3A_962 = vector.broadcast %eq3A_961 : i32 to vector<16xi32>
      %eq3A_963 = arith.cmpi eq, %iota3A, %eq3A_962 : vector<16xi32>
      tpu.vector_store_idx %arg10[%get3A_953], %broadcast_in_dim3A_960 masked %eq3A_963 : memref<10000xf32, #tpu.memory_space<vmem>>[vector<16xi32>], vector<16xf32>, vector<16xi1>
      %broadcast_in_dim3A_964 = arith.constant 1.300000e+01 : f32
      %broadcast_in_dim3A_965 = vector.broadcast %broadcast_in_dim3A_964 : f32 to vector<16xf32>
      %eq3A_966 = arith.constant 13 : i32
      %eq3A_967 = vector.broadcast %eq3A_966 : i32 to vector<16xi32>
      %eq3A_968 = arith.cmpi eq, %iota3A, %eq3A_967 : vector<16xi32>
      tpu.vector_store_idx %arg10[%get3A_953], %broadcast_in_dim3A_965 masked %eq3A_968 : memref<10000xf32, #tpu.memory_space<vmem>>[vector<16xi32>], vector<16xf32>, vector<16xi1>
      %broadcast_in_dim3A_969 = arith.constant 1.200000e+01 : f32
      %broadcast_in_dim3A_970 = vector.broadcast %broadcast_in_dim3A_969 : f32 to vector<16xf32>
      %eq3A_971 = arith.constant 12 : i32
      %eq3A_972 = vector.broadcast %eq3A_971 : i32 to vector<16xi32>
      %eq3A_973 = arith.cmpi eq, %iota3A, %eq3A_972 : vector<16xi32>
      tpu.vector_store_idx %arg10[%get3A_953], %broadcast_in_dim3A_970 masked %eq3A_973 : memref<10000xf32, #tpu.memory_space<vmem>>[vector<16xi32>], vector<16xf32>, vector<16xi1>
      %broadcast_in_dim3A_974 = arith.constant 1.100000e+01 : f32
      %broadcast_in_dim3A_975 = vector.broadcast %broadcast_in_dim3A_974 : f32 to vector<16xf32>
      %eq3A_976 = arith.constant 11 : i32
      %eq3A_977 = vector.broadcast %eq3A_976 : i32 to vector<16xi32>
      %eq3A_978 = arith.cmpi eq, %iota3A, %eq3A_977 : vector<16xi32>
      tpu.vector_store_idx %arg10[%get3A_953], %broadcast_in_dim3A_975 masked %eq3A_978 : memref<10000xf32, #tpu.memory_space<vmem>>[vector<16xi32>], vector<16xf32>, vector<16xi1>
      %broadcast_in_dim3A_979 = arith.constant 1.000000e+01 : f32
      %broadcast_in_dim3A_980 = vector.broadcast %broadcast_in_dim3A_979 : f32 to vector<16xf32>
      %eq3A_981 = arith.constant 10 : i32
      %eq3A_982 = vector.broadcast %eq3A_981 : i32 to vector<16xi32>
      %eq3A_983 = arith.cmpi eq, %iota3A, %eq3A_982 : vector<16xi32>
      tpu.vector_store_idx %arg10[%get3A_953], %broadcast_in_dim3A_980 masked %eq3A_983 : memref<10000xf32, #tpu.memory_space<vmem>>[vector<16xi32>], vector<16xf32>, vector<16xi1>
      %broadcast_in_dim3A_984 = arith.constant 9.000000e+00 : f32
      %broadcast_in_dim3A_985 = vector.broadcast %broadcast_in_dim3A_984 : f32 to vector<16xf32>
      %eq3A_986 = arith.constant 9 : i32
      %eq3A_987 = vector.broadcast %eq3A_986 : i32 to vector<16xi32>
      %eq3A_988 = arith.cmpi eq, %iota3A, %eq3A_987 : vector<16xi32>
      tpu.vector_store_idx %arg10[%get3A_953], %broadcast_in_dim3A_985 masked %eq3A_988 : memref<10000xf32, #tpu.memory_space<vmem>>[vector<16xi32>], vector<16xf32>, vector<16xi1>
      %broadcast_in_dim3A_989 = arith.constant 8.000000e+00 : f32
      %broadcast_in_dim3A_990 = vector.broadcast %broadcast_in_dim3A_989 : f32 to vector<16xf32>
      %eq3A_991 = arith.constant 8 : i32
      %eq3A_992 = vector.broadcast %eq3A_991 : i32 to vector<16xi32>
      %eq3A_993 = arith.cmpi eq, %iota3A, %eq3A_992 : vector<16xi32>
      tpu.vector_store_idx %arg10[%get3A_953], %broadcast_in_dim3A_990 masked %eq3A_993 : memref<10000xf32, #tpu.memory_space<vmem>>[vector<16xi32>], vector<16xf32>, vector<16xi1>
      %broadcast_in_dim3A_994 = arith.constant 7.000000e+00 : f32
      %broadcast_in_dim3A_995 = vector.broadcast %broadcast_in_dim3A_994 : f32 to vector<16xf32>
      %eq3A_996 = arith.constant 7 : i32
      %eq3A_997 = vector.broadcast %eq3A_996 : i32 to vector<16xi32>
      %eq3A_998 = arith.cmpi eq, %iota3A, %eq3A_997 : vector<16xi32>
      tpu.vector_store_idx %arg10[%get3A_953], %broadcast_in_dim3A_995 masked %eq3A_998 : memref<10000xf32, #tpu.memory_space<vmem>>[vector<16xi32>], vector<16xf32>, vector<16xi1>
      %broadcast_in_dim3A_999 = arith.constant 6.000000e+00 : f32
      %broadcast_in_dim3A_1000 = vector.broadcast %broadcast_in_dim3A_999 : f32 to vector<16xf32>
      %eq3A_1001 = arith.constant 6 : i32
      %eq3A_1002 = vector.broadcast %eq3A_1001 : i32 to vector<16xi32>
      %eq3A_1003 = arith.cmpi eq, %iota3A, %eq3A_1002 : vector<16xi32>
      tpu.vector_store_idx %arg10[%get3A_953], %broadcast_in_dim3A_1000 masked %eq3A_1003 : memref<10000xf32, #tpu.memory_space<vmem>>[vector<16xi32>], vector<16xf32>, vector<16xi1>
      %broadcast_in_dim3A_1004 = arith.constant 5.000000e+00 : f32
      %broadcast_in_dim3A_1005 = vector.broadcast %broadcast_in_dim3A_1004 : f32 to vector<16xf32>
      %eq3A_1006 = arith.constant 5 : i32
      %eq3A_1007 = vector.broadcast %eq3A_1006 : i32 to vector<16xi32>
      %eq3A_1008 = arith.cmpi eq, %iota3A, %eq3A_1007 : vector<16xi32>
      tpu.vector_store_idx %arg10[%get3A_953], %broadcast_in_dim3A_1005 masked %eq3A_1008 : memref<10000xf32, #tpu.memory_space<vmem>>[vector<16xi32>], vector<16xf32>, vector<16xi1>
      %broadcast_in_dim3A_1009 = arith.constant 4.000000e+00 : f32
      %broadcast_in_dim3A_1010 = vector.broadcast %broadcast_in_dim3A_1009 : f32 to vector<16xf32>
      %eq3A_1011 = arith.constant 4 : i32
      %eq3A_1012 = vector.broadcast %eq3A_1011 : i32 to vector<16xi32>
      %eq3A_1013 = arith.cmpi eq, %iota3A, %eq3A_1012 : vector<16xi32>
      tpu.vector_store_idx %arg10[%get3A_953], %broadcast_in_dim3A_1010 masked %eq3A_1013 : memref<10000xf32, #tpu.memory_space<vmem>>[vector<16xi32>], vector<16xf32>, vector<16xi1>
      %broadcast_in_dim3A_1014 = arith.constant 3.000000e+00 : f32
      %broadcast_in_dim3A_1015 = vector.broadcast %broadcast_in_dim3A_1014 : f32 to vector<16xf32>
      %eq3A_1016 = arith.constant 3 : i32
      %eq3A_1017 = vector.broadcast %eq3A_1016 : i32 to vector<16xi32>
      %eq3A_1018 = arith.cmpi eq, %iota3A, %eq3A_1017 : vector<16xi32>
      tpu.vector_store_idx %arg10[%get3A_953], %broadcast_in_dim3A_1015 masked %eq3A_1018 : memref<10000xf32, #tpu.memory_space<vmem>>[vector<16xi32>], vector<16xf32>, vector<16xi1>
      %broadcast_in_dim3A_1019 = arith.constant 2.000000e+00 : f32
      %broadcast_in_dim3A_1020 = vector.broadcast %broadcast_in_dim3A_1019 : f32 to vector<16xf32>
      %eq3A_1021 = arith.constant 2 : i32
      %eq3A_1022 = vector.broadcast %eq3A_1021 : i32 to vector<16xi32>
      %eq3A_1023 = arith.cmpi eq, %iota3A, %eq3A_1022 : vector<16xi32>
      tpu.vector_store_idx %arg10[%get3A_953], %broadcast_in_dim3A_1020 masked %eq3A_1023 : memref<10000xf32, #tpu.memory_space<vmem>>[vector<16xi32>], vector<16xf32>, vector<16xi1>
      %broadcast_in_dim3A_1024 = arith.constant 1.000000e+00 : f32
      %broadcast_in_dim3A_1025 = vector.broadcast %broadcast_in_dim3A_1024 : f32 to vector<16xf32>
      %eq3A_1026 = arith.constant 1 : i32
      %eq3A_1027 = vector.broadcast %eq3A_1026 : i32 to vector<16xi32>
      %eq3A_1028 = arith.cmpi eq, %iota3A, %eq3A_1027 : vector<16xi32>
      tpu.vector_store_idx %arg10[%get3A_953], %broadcast_in_dim3A_1025 masked %eq3A_1028 : memref<10000xf32, #tpu.memory_space<vmem>>[vector<16xi32>], vector<16xf32>, vector<16xi1>
      %broadcast_in_dim3A_1029 = arith.constant 0.000000e+00 : f32
      %broadcast_in_dim3A_1030 = vector.broadcast %broadcast_in_dim3A_1029 : f32 to vector<16xf32>
      %eq3A_1031 = arith.constant 0 : i32
      %eq3A_1032 = vector.broadcast %eq3A_1031 : i32 to vector<16xi32>
      %eq3A_1033 = arith.cmpi eq, %iota3A, %eq3A_1032 : vector<16xi32>
      tpu.vector_store_idx %arg10[%get3A_953], %broadcast_in_dim3A_1030 masked %eq3A_1033 : memref<10000xf32, #tpu.memory_space<vmem>>[vector<16xi32>], vector<16xf32>, vector<16xi1>
      %get3A_1034 = arith.constant 0 : index
      %get3A_1035 = tpu.vector_load %arg10[%get3A_1034] {strides = array<i32>} : memref<10000xf32, #tpu.memory_space<vmem>>, vector<16xf32>,
      %eq3A_1036 = arith.constant 0 : i32
      %eq3A_1037 = vector.broadcast %eq3A_1036 : i32 to vector<16xi32>
      %eq3A_1038 = arith.cmpi eq, %iota3A, %eq3A_1037 : vector<16xi32>
      %jit3A = arith.constant 0.000000e+00 : f32
      %broadcast_in_dim3A_1039 = vector.broadcast %jit3A : f32 to vector<16xf32>
      %select_n3A = arith.select %eq3A_1038, %broadcast_in_dim3A_1039, %get3A_1035 : vector<16xi1>, vector<16xf32>
      %swap3A = arith.constant 0 : index
      %swap3A_1040 = tpu.vector_load %arg10[%swap3A] {strides = array<i32>} : memref<10000xf32, #tpu.memory_space<vmem>>, vector<16xf32>,
      tpu.vector_store %arg10[%swap3A], %select_n3A {strides = array<i32>} : memref<10000xf32, #tpu.memory_space<vmem>>, vector<16xf32>,
      %mul3A_1041 = arith.constant 10000 : i32
      %mul3A_1042 = arith.muli %add3A, %mul3A_1041 : i32
      "tpu.region"() ({
        %run_scoped3A = tpu.sem_alloc : memref<!tpu.dma_semaphore, #tpu.memory_space<semaphore_mem>>
        %dma_start3A_1043 = tpu.memref_slice %arg6[%mul3A_1042] : memref<160000xf32, #tpu.memory_space<hbm>> -> memref<10000xf32, #tpu.memory_space<hbm>>
        %dma_start3A_1044 = tpu.memref_slice %arg6[%mul3A_1042] : memref<160000xf32, #tpu.memory_space<hbm>> -> memref<10000xf32, #tpu.memory_space<hbm>>
        tpu.enqueue_dma source(%arg10 : memref<10000xf32, #tpu.memory_space<vmem>>) target(%dma_start3A_1044 : memref<10000xf32, #tpu.memory_space<hbm>>) target_semaphore(%run_scoped3A : memref<!tpu.dma_semaphore, #tpu.memory_space<semaphore_mem>>)
        %dma_wait3A_1045 = tpu.memref_slice %arg6[%mul3A_1042] : memref<160000xf32, #tpu.memory_space<hbm>> -> memref<10000xf32, #tpu.memory_space<hbm>>
        %dma_wait3A_1046 = tpu.memref_slice %arg6[%mul3A_1042] : memref<160000xf32, #tpu.memory_space<hbm>> -> memref<10000xf32, #tpu.memory_space<hbm>>
        tpu.wait_dma2 semaphore(%run_scoped3A : memref<!tpu.dma_semaphore, #tpu.memory_space<semaphore_mem>>) src(%arg10 : memref<10000xf32, #tpu.memory_space<vmem>>) dst(%dma_wait3A_1046 : memref<10000xf32, #tpu.memory_space<hbm>>)
        tpu.yield
      }) : () -> ()
    } else {
    }
    return
  }
}

#map = affine_map<(d0, d1) -> (0, 0)>
#map1 = affine_map<(d0, d1) -> (0)>
module attributes {stable_mosaic.version = 14 : i64} {
  func.func @_scatter_body(%arg0: i32, %arg1: i32, %arg2: memref<10000x128xf32, #tpu.memory_space<hbm>>, %arg3: memref<160000xi32, #tpu.memory_space<hbm>>, %arg4: memref<160000xi32, #tpu.memory_space<hbm>>, %arg5: memref<10000x128xf32, #tpu.memory_space<hbm>>, %arg6: memref<128xi32, #tpu.memory_space<vmem>>, %arg7: memref<128xi32, #tpu.memory_space<vmem>>, %arg8: memref<128x128xf32, #tpu.memory_space<vmem>>, %arg9: memref<128xi32, #tpu.memory_space<vmem>>, %arg10: memref<128xi32, #tpu.memory_space<vmem>>, %arg11: memref<128x128xf32, #tpu.memory_space<vmem>>, %arg12: memref<16xi32, #tpu.memory_space<vmem>>, %arg13: memref<16xi32, #tpu.memory_space<vmem>>, %arg14: memref<16x128xf32, #tpu.memory_space<vmem>>, %arg15: memref<320x128xf32, #tpu.memory_space<vmem>>, %arg16: memref<5008x128xf32, #tpu.memory_space<vmem_shared>>, %arg17: memref<!tpu.dma_semaphore, #tpu.memory_space<semaphore_mem>>, %arg18: memref<!tpu.dma_semaphore, #tpu.memory_space<semaphore_mem>>) attributes {dimension_semantics = [#tpu.dimension_semantics<core_parallel>, #tpu.dimension_semantics<subcore_parallel>], iteration_bounds = array<i64: 2, 16>, scalar_prefetch = 0 : i64, scratch_operands = 13 : i64, tpu.core_type = #tpu.core_type<sc_vector_subcore>, window_params = [{transform_indices = #map}, {transform_indices = #map1}, {transform_indices = #map1}, {transform_indices = #map}]} {
    %mul3A = arith.constant 5000 : i32
    %mul3A_0 = arith.muli %arg0, %mul3A : i32
    %lt3A = arith.constant 15 : i32
    %lt3A_1 = arith.cmpi slt, %arg1, %lt3A : i32
    %convert_element_type3A = arith.extui %lt3A_1 : i1 to i32
    %cond3A = arith.constant 0 : i32
    %cond3A_2 = arith.cmpi ne, %convert_element_type3A, %cond3A : i32
    scf.if %cond3A_2 {
      %mul3A_236 = arith.constant 320 : i32
      %mul3A_237 = arith.muli %arg1, %mul3A_236 : i32
      %add3A_238 = arith.addi %mul3A_0, %mul3A_237 : i32
      "tpu.region"() ({
        %run_scoped3A = tpu.sem_alloc : memref<!tpu.dma_semaphore, #tpu.memory_space<semaphore_mem>>
        %dma_start3A_241 = arith.constant 0 : i32
        %dma_start3A_242 = tpu.memref_slice %arg2[%add3A_238, %dma_start3A_241] : memref<10000x128xf32, #tpu.memory_space<hbm>> -> memref<320x128xf32, #tpu.memory_space<hbm>>
        %dma_start3A_243 = arith.constant 0 : i32
        %dma_start3A_244 = tpu.memref_slice %arg2[%add3A_238, %dma_start3A_243] : memref<10000x128xf32, #tpu.memory_space<hbm>> -> memref<320x128xf32, #tpu.memory_space<hbm>>
        tpu.enqueue_dma source(%dma_start3A_244 : memref<320x128xf32, #tpu.memory_space<hbm>>) target(%arg15 : memref<320x128xf32, #tpu.memory_space<vmem>>) target_semaphore(%run_scoped3A : memref<!tpu.dma_semaphore, #tpu.memory_space<semaphore_mem>>)
        %dma_wait3A_245 = arith.constant 0 : i32
        %dma_wait3A_246 = tpu.memref_slice %arg2[%add3A_238, %dma_wait3A_245] : memref<10000x128xf32, #tpu.memory_space<hbm>> -> memref<320x128xf32, #tpu.memory_space<hbm>>
        %dma_wait3A_247 = arith.constant 0 : i32
        %dma_wait3A_248 = tpu.memref_slice %arg2[%add3A_238, %dma_wait3A_247] : memref<10000x128xf32, #tpu.memory_space<hbm>> -> memref<320x128xf32, #tpu.memory_space<hbm>>
        tpu.wait_dma2 semaphore(%run_scoped3A : memref<!tpu.dma_semaphore, #tpu.memory_space<semaphore_mem>>) src(%dma_wait3A_248 : memref<320x128xf32, #tpu.memory_space<hbm>>) dst(%arg15 : memref<320x128xf32, #tpu.memory_space<vmem>>)
        tpu.yield
      }) : () -> ()
      %mul3A_239 = arith.constant 320 : i32
      %mul3A_240 = arith.muli %arg1, %mul3A_239 : i32
      "tpu.region"() ({
        %run_scoped3A = tpu.sem_alloc : memref<!tpu.dma_semaphore, #tpu.memory_space<semaphore_mem>>
        %dma_start3A_241 = arith.constant 0 : i32
        %dma_start3A_242 = tpu.memref_slice %arg16[%mul3A_240, %dma_start3A_241] : memref<5008x128xf32, #tpu.memory_space<vmem_shared>> -> memref<320x128xf32, #tpu.memory_space<vmem_shared>>
        %dma_start3A_243 = arith.constant 0 : i32
        %dma_start3A_244 = tpu.memref_slice %arg16[%mul3A_240, %dma_start3A_243] : memref<5008x128xf32, #tpu.memory_space<vmem_shared>> -> memref<320x128xf32, #tpu.memory_space<vmem_shared>>
        tpu.enqueue_dma source(%arg15 : memref<320x128xf32, #tpu.memory_space<vmem>>) target(%dma_start3A_244 : memref<320x128xf32, #tpu.memory_space<vmem_shared>>) target_semaphore(%run_scoped3A : memref<!tpu.dma_semaphore, #tpu.memory_space<semaphore_mem>>)
        %dma_wait3A_245 = arith.constant 0 : i32
        %dma_wait3A_246 = tpu.memref_slice %arg16[%mul3A_240, %dma_wait3A_245] : memref<5008x128xf32, #tpu.memory_space<vmem_shared>> -> memref<320x128xf32, #tpu.memory_space<vmem_shared>>
        %dma_wait3A_247 = arith.constant 0 : i32
        %dma_wait3A_248 = tpu.memref_slice %arg16[%mul3A_240, %dma_wait3A_247] : memref<5008x128xf32, #tpu.memory_space<vmem_shared>> -> memref<320x128xf32, #tpu.memory_space<vmem_shared>>
        tpu.wait_dma2 semaphore(%run_scoped3A : memref<!tpu.dma_semaphore, #tpu.memory_space<semaphore_mem>>) src(%arg15 : memref<320x128xf32, #tpu.memory_space<vmem>>) dst(%dma_wait3A_248 : memref<320x128xf32, #tpu.memory_space<vmem_shared>>)
        tpu.yield
      }) : () -> ()
    } else {
    }
    %eq3A = arith.constant 15 : i32
    %eq3A_3 = arith.cmpi eq, %arg1, %eq3A : i32
    %convert_element_type3A_4 = arith.extui %eq3A_3 : i1 to i32
    %cond3A_5 = arith.constant 0 : i32
    %cond3A_6 = arith.cmpi ne, %convert_element_type3A_4, %cond3A_5 : i32
    scf.if %cond3A_6 {
      %add3A_236 = arith.constant 4800 : i32
      %add3A_237 = arith.addi %mul3A_0, %add3A_236 : i32
      "tpu.region"() ({
        %run_scoped3A = tpu.sem_alloc : memref<!tpu.dma_semaphore, #tpu.memory_space<semaphore_mem>>
        %dma_start3A_238 = arith.constant 0 : i32
        %dma_start3A_239 = arith.constant 0 : i32
        %dma_start3A_240 = tpu.memref_slice %arg15[%dma_start3A_238, %dma_start3A_239] : memref<320x128xf32, #tpu.memory_space<vmem>> -> memref<200x128xf32, #tpu.memory_space<vmem>>
        %dma_start3A_241 = arith.constant 0 : i32
        %dma_start3A_242 = tpu.memref_slice %arg2[%add3A_237, %dma_start3A_241] : memref<10000x128xf32, #tpu.memory_space<hbm>> -> memref<200x128xf32, #tpu.memory_space<hbm>>
        %dma_start3A_243 = arith.constant 0 : i32
        %dma_start3A_244 = arith.constant 0 : i32
        %dma_start3A_245 = tpu.memref_slice %arg15[%dma_start3A_243, %dma_start3A_244] : memref<320x128xf32, #tpu.memory_space<vmem>> -> memref<200x128xf32, #tpu.memory_space<vmem>>
        %dma_start3A_246 = arith.constant 0 : i32
        %dma_start3A_247 = tpu.memref_slice %arg2[%add3A_237, %dma_start3A_246] : memref<10000x128xf32, #tpu.memory_space<hbm>> -> memref<200x128xf32, #tpu.memory_space<hbm>>
        tpu.enqueue_dma source(%dma_start3A_247 : memref<200x128xf32, #tpu.memory_space<hbm>>) target(%dma_start3A_245 : memref<200x128xf32, #tpu.memory_space<vmem>>) target_semaphore(%run_scoped3A : memref<!tpu.dma_semaphore, #tpu.memory_space<semaphore_mem>>)
        %dma_wait3A_248 = arith.constant 0 : i32
        %dma_wait3A_249 = arith.constant 0 : i32
        %dma_wait3A_250 = tpu.memref_slice %arg15[%dma_wait3A_248, %dma_wait3A_249] : memref<320x128xf32, #tpu.memory_space<vmem>> -> memref<200x128xf32, #tpu.memory_space<vmem>>
        %dma_wait3A_251 = arith.constant 0 : i32
        %dma_wait3A_252 = tpu.memref_slice %arg2[%add3A_237, %dma_wait3A_251] : memref<10000x128xf32, #tpu.memory_space<hbm>> -> memref<200x128xf32, #tpu.memory_space<hbm>>
        %dma_wait3A_253 = arith.constant 0 : i32
        %dma_wait3A_254 = arith.constant 0 : i32
        %dma_wait3A_255 = tpu.memref_slice %arg15[%dma_wait3A_253, %dma_wait3A_254] : memref<320x128xf32, #tpu.memory_space<vmem>> -> memref<200x128xf32, #tpu.memory_space<vmem>>
        %dma_wait3A_256 = arith.constant 0 : i32
        %dma_wait3A_257 = tpu.memref_slice %arg2[%add3A_237, %dma_wait3A_256] : memref<10000x128xf32, #tpu.memory_space<hbm>> -> memref<200x128xf32, #tpu.memory_space<hbm>>
        tpu.wait_dma2 semaphore(%run_scoped3A : memref<!tpu.dma_semaphore, #tpu.memory_space<semaphore_mem>>) src(%dma_wait3A_257 : memref<200x128xf32, #tpu.memory_space<hbm>>) dst(%dma_wait3A_255 : memref<200x128xf32, #tpu.memory_space<vmem>>)
        tpu.yield
      }) : () -> ()
      "tpu.region"() ({
        %run_scoped3A = tpu.sem_alloc : memref<!tpu.dma_semaphore, #tpu.memory_space<semaphore_mem>>
        %dma_start3A_238 = arith.constant 0 : i32
        %dma_start3A_239 = arith.constant 0 : i32
        %dma_start3A_240 = tpu.memref_slice %arg15[%dma_start3A_238, %dma_start3A_239] : memref<320x128xf32, #tpu.memory_space<vmem>> -> memref<200x128xf32, #tpu.memory_space<vmem>>
        %dma_start3A_241 = arith.constant 4800 : i32
        %dma_start3A_242 = arith.constant 0 : i32
        %dma_start3A_243 = tpu.memref_slice %arg16[%dma_start3A_241, %dma_start3A_242] : memref<5008x128xf32, #tpu.memory_space<vmem_shared>> -> memref<200x128xf32, #tpu.memory_space<vmem_shared>>
        %dma_start3A_244 = arith.constant 4800 : i32
        %dma_start3A_245 = arith.constant 0 : i32
        %dma_start3A_246 = tpu.memref_slice %arg16[%dma_start3A_244, %dma_start3A_245] : memref<5008x128xf32, #tpu.memory_space<vmem_shared>> -> memref<200x128xf32, #tpu.memory_space<vmem_shared>>
        %dma_start3A_247 = arith.constant 0 : i32
        %dma_start3A_248 = arith.constant 0 : i32
        %dma_start3A_249 = tpu.memref_slice %arg15[%dma_start3A_247, %dma_start3A_248] : memref<320x128xf32, #tpu.memory_space<vmem>> -> memref<200x128xf32, #tpu.memory_space<vmem>>
        tpu.enqueue_dma source(%dma_start3A_249 : memref<200x128xf32, #tpu.memory_space<vmem>>) target(%dma_start3A_246 : memref<200x128xf32, #tpu.memory_space<vmem_shared>>) target_semaphore(%run_scoped3A : memref<!tpu.dma_semaphore, #tpu.memory_space<semaphore_mem>>)
        %dma_wait3A_250 = arith.constant 0 : i32
        %dma_wait3A_251 = arith.constant 0 : i32
        %dma_wait3A_252 = tpu.memref_slice %arg15[%dma_wait3A_250, %dma_wait3A_251] : memref<320x128xf32, #tpu.memory_space<vmem>> -> memref<200x128xf32, #tpu.memory_space<vmem>>
        %dma_wait3A_253 = arith.constant 4800 : i32
        %dma_wait3A_254 = arith.constant 0 : i32
        %dma_wait3A_255 = tpu.memref_slice %arg16[%dma_wait3A_253, %dma_wait3A_254] : memref<5008x128xf32, #tpu.memory_space<vmem_shared>> -> memref<200x128xf32, #tpu.memory_space<vmem_shared>>
        %dma_wait3A_256 = arith.constant 4800 : i32
        %dma_wait3A_257 = arith.constant 0 : i32
        %dma_wait3A_258 = tpu.memref_slice %arg16[%dma_wait3A_256, %dma_wait3A_257] : memref<5008x128xf32, #tpu.memory_space<vmem_shared>> -> memref<200x128xf32, #tpu.memory_space<vmem_shared>>
        %dma_wait3A_259 = arith.constant 0 : i32
        %dma_wait3A_260 = arith.constant 0 : i32
        %dma_wait3A_261 = tpu.memref_slice %arg15[%dma_wait3A_259, %dma_wait3A_260] : memref<320x128xf32, #tpu.memory_space<vmem>> -> memref<200x128xf32, #tpu.memory_space<vmem>>
        tpu.wait_dma2 semaphore(%run_scoped3A : memref<!tpu.dma_semaphore, #tpu.memory_space<semaphore_mem>>) src(%dma_wait3A_261 : memref<200x128xf32, #tpu.memory_space<vmem>>) dst(%dma_wait3A_258 : memref<200x128xf32, #tpu.memory_space<vmem_shared>>)
        tpu.yield
      }) : () -> ()
    } else {
    }
    %barrier3A = arith.constant 0 : index
    tpu.barrier barrier_id(%barrier3A)
    %mul3A_7 = arith.constant 10000 : i32
    %mul3A_8 = arith.muli %arg1, %mul3A_7 : i32
    %add3A = arith.constant 0 : i32
    %add3A_9 = arith.addi %mul3A_8, %add3A : i32
    "tpu.region"() ({
      %run_scoped3A = tpu.sem_alloc : memref<!tpu.dma_semaphore, #tpu.memory_space<semaphore_mem>>
      %dma_start3A_236 = tpu.memref_slice %arg3[%add3A_9] : memref<160000xi32, #tpu.memory_space<hbm>> -> memref<128xi32, #tpu.memory_space<hbm>>
      %dma_start3A_237 = tpu.memref_slice %arg3[%add3A_9] : memref<160000xi32, #tpu.memory_space<hbm>> -> memref<128xi32, #tpu.memory_space<hbm>>
      tpu.enqueue_dma source(%dma_start3A_237 : memref<128xi32, #tpu.memory_space<hbm>>) target(%arg6 : memref<128xi32, #tpu.memory_space<vmem>>) target_semaphore(%run_scoped3A : memref<!tpu.dma_semaphore, #tpu.memory_space<semaphore_mem>>)
      %dma_wait3A_238 = tpu.memref_slice %arg3[%add3A_9] : memref<160000xi32, #tpu.memory_space<hbm>> -> memref<128xi32, #tpu.memory_space<hbm>>
      %dma_wait3A_239 = tpu.memref_slice %arg3[%add3A_9] : memref<160000xi32, #tpu.memory_space<hbm>> -> memref<128xi32, #tpu.memory_space<hbm>>
      tpu.wait_dma2 semaphore(%run_scoped3A : memref<!tpu.dma_semaphore, #tpu.memory_space<semaphore_mem>>) src(%dma_wait3A_239 : memref<128xi32, #tpu.memory_space<hbm>>) dst(%arg6 : memref<128xi32, #tpu.memory_space<vmem>>)
      tpu.yield
    }) : () -> ()
    "tpu.region"() ({
      %run_scoped3A = tpu.sem_alloc : memref<!tpu.dma_semaphore, #tpu.memory_space<semaphore_mem>>
      %dma_start3A_236 = tpu.memref_slice %arg4[%add3A_9] : memref<160000xi32, #tpu.memory_space<hbm>> -> memref<128xi32, #tpu.memory_space<hbm>>
      %dma_start3A_237 = tpu.memref_slice %arg4[%add3A_9] : memref<160000xi32, #tpu.memory_space<hbm>> -> memref<128xi32, #tpu.memory_space<hbm>>
      tpu.enqueue_dma source(%dma_start3A_237 : memref<128xi32, #tpu.memory_space<hbm>>) target(%arg7 : memref<128xi32, #tpu.memory_space<vmem>>) target_semaphore(%run_scoped3A : memref<!tpu.dma_semaphore, #tpu.memory_space<semaphore_mem>>)
      %dma_wait3A_238 = tpu.memref_slice %arg4[%add3A_9] : memref<160000xi32, #tpu.memory_space<hbm>> -> memref<128xi32, #tpu.memory_space<hbm>>
      %dma_wait3A_239 = tpu.memref_slice %arg4[%add3A_9] : memref<160000xi32, #tpu.memory_space<hbm>> -> memref<128xi32, #tpu.memory_space<hbm>>
      tpu.wait_dma2 semaphore(%run_scoped3A : memref<!tpu.dma_semaphore, #tpu.memory_space<semaphore_mem>>) src(%dma_wait3A_239 : memref<128xi32, #tpu.memory_space<hbm>>) dst(%arg7 : memref<128xi32, #tpu.memory_space<vmem>>)
      tpu.yield
    }) : () -> ()
    %get3A = arith.constant 0 : index
    %get3A_10 = tpu.vector_load %arg7[%get3A] {strides = array<i32>} : memref<128xi32, #tpu.memory_space<vmem>>, vector<16xi32>,
    %get3A_11 = vector.shape_cast %get3A_10 : vector<16xi32> to vector<16xi32>
    %sub3A = vector.broadcast %mul3A_0 : i32 to vector<16xi32>
    %sub3A_12 = arith.subi %get3A_11, %sub3A : vector<16xi32>
    %ge3A = arith.constant 0 : i32
    %ge3A_13 = vector.broadcast %ge3A : i32 to vector<16xi32>
    %ge3A_14 = arith.cmpi sge, %sub3A_12, %ge3A_13 : vector<16xi32>
    %lt3A_15 = arith.constant 5000 : i32
    %lt3A_16 = vector.broadcast %lt3A_15 : i32 to vector<16xi32>
    %lt3A_17 = arith.cmpi slt, %sub3A_12, %lt3A_16 : vector<16xi32>
    %and3A = arith.andi %ge3A_14, %lt3A_17 : vector<16xi1>
    %and3A_18 = arith.constant 7 : i32
    %and3A_19 = vector.broadcast %and3A_18 : i32 to vector<16xi32>
    %and3A_20 = arith.andi %get3A_11, %and3A_19 : vector<16xi32>
    %add3A_21 = arith.constant 5000 : i32
    %add3A_22 = vector.broadcast %add3A_21 : i32 to vector<16xi32>
    %add3A_23 = arith.addi %add3A_22, %and3A_20 : vector<16xi32>
    %select_n3A = arith.select %and3A, %sub3A_12, %add3A_23 : vector<16xi1>, vector<16xi32>
    %swap3A = arith.constant 0 : index
    %swap3A_24 = tpu.vector_load %arg7[%swap3A] {strides = array<i32>} : memref<128xi32, #tpu.memory_space<vmem>>, vector<16xi32>,
    %swap3A_25 = vector.shape_cast %swap3A_24 : vector<16xi32> to vector<16xi32>
    %swap3A_26 = vector.shape_cast %select_n3A : vector<16xi32> to vector<16xi32>
    tpu.vector_store %arg7[%swap3A], %swap3A_26 {strides = array<i32>} : memref<128xi32, #tpu.memory_space<vmem>>, vector<16xi32>,
    %get3A_27 = arith.constant 16 : index
    %get3A_28 = tpu.vector_load %arg7[%get3A_27] {strides = array<i32>} : memref<128xi32, #tpu.memory_space<vmem>>, vector<16xi32>,
    %get3A_29 = vector.shape_cast %get3A_28 : vector<16xi32> to vector<16xi32>
    %sub3A_30 = vector.broadcast %mul3A_0 : i32 to vector<16xi32>
    %sub3A_31 = arith.subi %get3A_29, %sub3A_30 : vector<16xi32>
    %ge3A_32 = arith.constant 0 : i32
    %ge3A_33 = vector.broadcast %ge3A_32 : i32 to vector<16xi32>
    %ge3A_34 = arith.cmpi sge, %sub3A_31, %ge3A_33 : vector<16xi32>
    %lt3A_35 = arith.constant 5000 : i32
    %lt3A_36 = vector.broadcast %lt3A_35 : i32 to vector<16xi32>
    %lt3A_37 = arith.cmpi slt, %sub3A_31, %lt3A_36 : vector<16xi32>
    %and3A_38 = arith.andi %ge3A_34, %lt3A_37 : vector<16xi1>
    %and3A_39 = arith.constant 7 : i32
    %and3A_40 = vector.broadcast %and3A_39 : i32 to vector<16xi32>
    %and3A_41 = arith.andi %get3A_29, %and3A_40 : vector<16xi32>
    %add3A_42 = arith.constant 5000 : i32
    %add3A_43 = vector.broadcast %add3A_42 : i32 to vector<16xi32>
    %add3A_44 = arith.addi %add3A_43, %and3A_41 : vector<16xi32>
    %select_n3A_45 = arith.select %and3A_38, %sub3A_31, %add3A_44 : vector<16xi1>, vector<16xi32>
    %swap3A_46 = arith.constant 16 : index
    %swap3A_47 = tpu.vector_load %arg7[%swap3A_46] {strides = array<i32>} : memref<128xi32, #tpu.memory_space<vmem>>, vector<16xi32>,
    %swap3A_48 = vector.shape_cast %swap3A_47 : vector<16xi32> to vector<16xi32>
    %swap3A_49 = vector.shape_cast %select_n3A_45 : vector<16xi32> to vector<16xi32>
    tpu.vector_store %arg7[%swap3A_46], %swap3A_49 {strides = array<i32>} : memref<128xi32, #tpu.memory_space<vmem>>, vector<16xi32>,
    %get3A_50 = arith.constant 32 : index
    %get3A_51 = tpu.vector_load %arg7[%get3A_50] {strides = array<i32>} : memref<128xi32, #tpu.memory_space<vmem>>, vector<16xi32>,
    %get3A_52 = vector.shape_cast %get3A_51 : vector<16xi32> to vector<16xi32>
    %sub3A_53 = vector.broadcast %mul3A_0 : i32 to vector<16xi32>
    %sub3A_54 = arith.subi %get3A_52, %sub3A_53 : vector<16xi32>
    %ge3A_55 = arith.constant 0 : i32
    %ge3A_56 = vector.broadcast %ge3A_55 : i32 to vector<16xi32>
    %ge3A_57 = arith.cmpi sge, %sub3A_54, %ge3A_56 : vector<16xi32>
    %lt3A_58 = arith.constant 5000 : i32
    %lt3A_59 = vector.broadcast %lt3A_58 : i32 to vector<16xi32>
    %lt3A_60 = arith.cmpi slt, %sub3A_54, %lt3A_59 : vector<16xi32>
    %and3A_61 = arith.andi %ge3A_57, %lt3A_60 : vector<16xi1>
    %and3A_62 = arith.constant 7 : i32
    %and3A_63 = vector.broadcast %and3A_62 : i32 to vector<16xi32>
    %and3A_64 = arith.andi %get3A_52, %and3A_63 : vector<16xi32>
    %add3A_65 = arith.constant 5000 : i32
    %add3A_66 = vector.broadcast %add3A_65 : i32 to vector<16xi32>
    %add3A_67 = arith.addi %add3A_66, %and3A_64 : vector<16xi32>
    %select_n3A_68 = arith.select %and3A_61, %sub3A_54, %add3A_67 : vector<16xi1>, vector<16xi32>
    %swap3A_69 = arith.constant 32 : index
    %swap3A_70 = tpu.vector_load %arg7[%swap3A_69] {strides = array<i32>} : memref<128xi32, #tpu.memory_space<vmem>>, vector<16xi32>,
    %swap3A_71 = vector.shape_cast %swap3A_70 : vector<16xi32> to vector<16xi32>
    %swap3A_72 = vector.shape_cast %select_n3A_68 : vector<16xi32> to vector<16xi32>
    tpu.vector_store %arg7[%swap3A_69], %swap3A_72 {strides = array<i32>} : memref<128xi32, #tpu.memory_space<vmem>>, vector<16xi32>,
    %get3A_73 = arith.constant 48 : index
    %get3A_74 = tpu.vector_load %arg7[%get3A_73] {strides = array<i32>} : memref<128xi32, #tpu.memory_space<vmem>>, vector<16xi32>,
    %get3A_75 = vector.shape_cast %get3A_74 : vector<16xi32> to vector<16xi32>
    %sub3A_76 = vector.broadcast %mul3A_0 : i32 to vector<16xi32>
    %sub3A_77 = arith.subi %get3A_75, %sub3A_76 : vector<16xi32>
    %ge3A_78 = arith.constant 0 : i32
    %ge3A_79 = vector.broadcast %ge3A_78 : i32 to vector<16xi32>
    %ge3A_80 = arith.cmpi sge, %sub3A_77, %ge3A_79 : vector<16xi32>
    %lt3A_81 = arith.constant 5000 : i32
    %lt3A_82 = vector.broadcast %lt3A_81 : i32 to vector<16xi32>
    %lt3A_83 = arith.cmpi slt, %sub3A_77, %lt3A_82 : vector<16xi32>
    %and3A_84 = arith.andi %ge3A_80, %lt3A_83 : vector<16xi1>
    %and3A_85 = arith.constant 7 : i32
    %and3A_86 = vector.broadcast %and3A_85 : i32 to vector<16xi32>
    %and3A_87 = arith.andi %get3A_75, %and3A_86 : vector<16xi32>
    %add3A_88 = arith.constant 5000 : i32
    %add3A_89 = vector.broadcast %add3A_88 : i32 to vector<16xi32>
    %add3A_90 = arith.addi %add3A_89, %and3A_87 : vector<16xi32>
    %select_n3A_91 = arith.select %and3A_84, %sub3A_77, %add3A_90 : vector<16xi1>, vector<16xi32>
    %swap3A_92 = arith.constant 48 : index
    %swap3A_93 = tpu.vector_load %arg7[%swap3A_92] {strides = array<i32>} : memref<128xi32, #tpu.memory_space<vmem>>, vector<16xi32>,
    %swap3A_94 = vector.shape_cast %swap3A_93 : vector<16xi32> to vector<16xi32>
    %swap3A_95 = vector.shape_cast %select_n3A_91 : vector<16xi32> to vector<16xi32>
    tpu.vector_store %arg7[%swap3A_92], %swap3A_95 {strides = array<i32>} : memref<128xi32, #tpu.memory_space<vmem>>, vector<16xi32>,
    %get3A_96 = arith.constant 64 : index
    %get3A_97 = tpu.vector_load %arg7[%get3A_96] {strides = array<i32>} : memref<128xi32, #tpu.memory_space<vmem>>, vector<16xi32>,
    %get3A_98 = vector.shape_cast %get3A_97 : vector<16xi32> to vector<16xi32>
    %sub3A_99 = vector.broadcast %mul3A_0 : i32 to vector<16xi32>
    %sub3A_100 = arith.subi %get3A_98, %sub3A_99 : vector<16xi32>
    %ge3A_101 = arith.constant 0 : i32
    %ge3A_102 = vector.broadcast %ge3A_101 : i32 to vector<16xi32>
    %ge3A_103 = arith.cmpi sge, %sub3A_100, %ge3A_102 : vector<16xi32>
    %lt3A_104 = arith.constant 5000 : i32
    %lt3A_105 = vector.broadcast %lt3A_104 : i32 to vector<16xi32>
    %lt3A_106 = arith.cmpi slt, %sub3A_100, %lt3A_105 : vector<16xi32>
    %and3A_107 = arith.andi %ge3A_103, %lt3A_106 : vector<16xi1>
    %and3A_108 = arith.constant 7 : i32
    %and3A_109 = vector.broadcast %and3A_108 : i32 to vector<16xi32>
    %and3A_110 = arith.andi %get3A_98, %and3A_109 : vector<16xi32>
    %add3A_111 = arith.constant 5000 : i32
    %add3A_112 = vector.broadcast %add3A_111 : i32 to vector<16xi32>
    %add3A_113 = arith.addi %add3A_112, %and3A_110 : vector<16xi32>
    %select_n3A_114 = arith.select %and3A_107, %sub3A_100, %add3A_113 : vector<16xi1>, vector<16xi32>
    %swap3A_115 = arith.constant 64 : index
    %swap3A_116 = tpu.vector_load %arg7[%swap3A_115] {strides = array<i32>} : memref<128xi32, #tpu.memory_space<vmem>>, vector<16xi32>,
    %swap3A_117 = vector.shape_cast %swap3A_116 : vector<16xi32> to vector<16xi32>
    %swap3A_118 = vector.shape_cast %select_n3A_114 : vector<16xi32> to vector<16xi32>
    tpu.vector_store %arg7[%swap3A_115], %swap3A_118 {strides = array<i32>} : memref<128xi32, #tpu.memory_space<vmem>>, vector<16xi32>,
    %get3A_119 = arith.constant 80 : index
    %get3A_120 = tpu.vector_load %arg7[%get3A_119] {strides = array<i32>} : memref<128xi32, #tpu.memory_space<vmem>>, vector<16xi32>,
    %get3A_121 = vector.shape_cast %get3A_120 : vector<16xi32> to vector<16xi32>
    %sub3A_122 = vector.broadcast %mul3A_0 : i32 to vector<16xi32>
    %sub3A_123 = arith.subi %get3A_121, %sub3A_122 : vector<16xi32>
    %ge3A_124 = arith.constant 0 : i32
    %ge3A_125 = vector.broadcast %ge3A_124 : i32 to vector<16xi32>
    %ge3A_126 = arith.cmpi sge, %sub3A_123, %ge3A_125 : vector<16xi32>
    %lt3A_127 = arith.constant 5000 : i32
    %lt3A_128 = vector.broadcast %lt3A_127 : i32 to vector<16xi32>
    %lt3A_129 = arith.cmpi slt, %sub3A_123, %lt3A_128 : vector<16xi32>
    %and3A_130 = arith.andi %ge3A_126, %lt3A_129 : vector<16xi1>
    %and3A_131 = arith.constant 7 : i32
    %and3A_132 = vector.broadcast %and3A_131 : i32 to vector<16xi32>
    %and3A_133 = arith.andi %get3A_121, %and3A_132 : vector<16xi32>
    %add3A_134 = arith.constant 5000 : i32
    %add3A_135 = vector.broadcast %add3A_134 : i32 to vector<16xi32>
    %add3A_136 = arith.addi %add3A_135, %and3A_133 : vector<16xi32>
    %select_n3A_137 = arith.select %and3A_130, %sub3A_123, %add3A_136 : vector<16xi1>, vector<16xi32>
    %swap3A_138 = arith.constant 80 : index
    %swap3A_139 = tpu.vector_load %arg7[%swap3A_138] {strides = array<i32>} : memref<128xi32, #tpu.memory_space<vmem>>, vector<16xi32>,
    %swap3A_140 = vector.shape_cast %swap3A_139 : vector<16xi32> to vector<16xi32>
    %swap3A_141 = vector.shape_cast %select_n3A_137 : vector<16xi32> to vector<16xi32>
    tpu.vector_store %arg7[%swap3A_138], %swap3A_141 {strides = array<i32>} : memref<128xi32, #tpu.memory_space<vmem>>, vector<16xi32>,
    %get3A_142 = arith.constant 96 : index
    %get3A_143 = tpu.vector_load %arg7[%get3A_142] {strides = array<i32>} : memref<128xi32, #tpu.memory_space<vmem>>, vector<16xi32>,
    %get3A_144 = vector.shape_cast %get3A_143 : vector<16xi32> to vector<16xi32>
    %sub3A_145 = vector.broadcast %mul3A_0 : i32 to vector<16xi32>
    %sub3A_146 = arith.subi %get3A_144, %sub3A_145 : vector<16xi32>
    %ge3A_147 = arith.constant 0 : i32
    %ge3A_148 = vector.broadcast %ge3A_147 : i32 to vector<16xi32>
    %ge3A_149 = arith.cmpi sge, %sub3A_146, %ge3A_148 : vector<16xi32>
    %lt3A_150 = arith.constant 5000 : i32
    %lt3A_151 = vector.broadcast %lt3A_150 : i32 to vector<16xi32>
    %lt3A_152 = arith.cmpi slt, %sub3A_146, %lt3A_151 : vector<16xi32>
    %and3A_153 = arith.andi %ge3A_149, %lt3A_152 : vector<16xi1>
    %and3A_154 = arith.constant 7 : i32
    %and3A_155 = vector.broadcast %and3A_154 : i32 to vector<16xi32>
    %and3A_156 = arith.andi %get3A_144, %and3A_155 : vector<16xi32>
    %add3A_157 = arith.constant 5000 : i32
    %add3A_158 = vector.broadcast %add3A_157 : i32 to vector<16xi32>
    %add3A_159 = arith.addi %add3A_158, %and3A_156 : vector<16xi32>
    %select_n3A_160 = arith.select %and3A_153, %sub3A_146, %add3A_159 : vector<16xi1>, vector<16xi32>
    %swap3A_161 = arith.constant 96 : index
    %swap3A_162 = tpu.vector_load %arg7[%swap3A_161] {strides = array<i32>} : memref<128xi32, #tpu.memory_space<vmem>>, vector<16xi32>,
    %swap3A_163 = vector.shape_cast %swap3A_162 : vector<16xi32> to vector<16xi32>
    %swap3A_164 = vector.shape_cast %select_n3A_160 : vector<16xi32> to vector<16xi32>
    tpu.vector_store %arg7[%swap3A_161], %swap3A_164 {strides = array<i32>} : memref<128xi32, #tpu.memory_space<vmem>>, vector<16xi32>,
    %get3A_165 = arith.constant 112 : index
    %get3A_166 = tpu.vector_load %arg7[%get3A_165] {strides = array<i32>} : memref<128xi32, #tpu.memory_space<vmem>>, vector<16xi32>,
    %get3A_167 = vector.shape_cast %get3A_166 : vector<16xi32> to vector<16xi32>
    %sub3A_168 = vector.broadcast %mul3A_0 : i32 to vector<16xi32>
    %sub3A_169 = arith.subi %get3A_167, %sub3A_168 : vector<16xi32>
    %ge3A_170 = arith.constant 0 : i32
    %ge3A_171 = vector.broadcast %ge3A_170 : i32 to vector<16xi32>
    %ge3A_172 = arith.cmpi sge, %sub3A_169, %ge3A_171 : vector<16xi32>
    %lt3A_173 = arith.constant 5000 : i32
    %lt3A_174 = vector.broadcast %lt3A_173 : i32 to vector<16xi32>
    %lt3A_175 = arith.cmpi slt, %sub3A_169, %lt3A_174 : vector<16xi32>
    %and3A_176 = arith.andi %ge3A_172, %lt3A_175 : vector<16xi1>
    %and3A_177 = arith.constant 7 : i32
    %and3A_178 = vector.broadcast %and3A_177 : i32 to vector<16xi32>
    %and3A_179 = arith.andi %get3A_167, %and3A_178 : vector<16xi32>
    %add3A_180 = arith.constant 5000 : i32
    %add3A_181 = vector.broadcast %add3A_180 : i32 to vector<16xi32>
    %add3A_182 = arith.addi %add3A_181, %and3A_179 : vector<16xi32>
    %select_n3A_183 = arith.select %and3A_176, %sub3A_169, %add3A_182 : vector<16xi1>, vector<16xi32>
    %swap3A_184 = arith.constant 112 : index
    %swap3A_185 = tpu.vector_load %arg7[%swap3A_184] {strides = array<i32>} : memref<128xi32, #tpu.memory_space<vmem>>, vector<16xi32>,
    %swap3A_186 = vector.shape_cast %swap3A_185 : vector<16xi32> to vector<16xi32>
    %swap3A_187 = vector.shape_cast %select_n3A_183 : vector<16xi32> to vector<16xi32>
    tpu.vector_store %arg7[%swap3A_184], %swap3A_187 {strides = array<i32>} : memref<128xi32, #tpu.memory_space<vmem>>, vector<16xi32>,
    %dma_start3A = arith.constant 0 : i32
    %dma_start3A_188 = arith.constant 0 : i32
    %dma_start3A_189 = tpu.memref_slice %arg2[%dma_start3A, %dma_start3A_188] : memref<10000x128xf32, #tpu.memory_space<hbm>> -> memref<10000x128xf32, #tpu.memory_space<hbm>>
    tpu.enqueue_indirect_dma source(%dma_start3A_189 : memref<10000x128xf32, #tpu.memory_space<hbm>>) target(%arg8 : memref<128x128xf32, #tpu.memory_space<vmem>>) offsets(%arg6 : memref<128xi32, #tpu.memory_space<vmem>>) semaphore(%arg17 : memref<!tpu.dma_semaphore, #tpu.memory_space<semaphore_mem>>)
    %scan3A = arith.constant 0 : i32
    %scan3A_190 = arith.constant 0 : i32
    %scan3A_191 = arith.constant 39 : i32
    %scan3A_192 = arith.addi %scan3A_190, %scan3A_191 : i32
    %scan3A_193 = arith.constant 1 : i32
    scf.for %scan3A_236 = %scan3A_190 to %scan3A_192 step %scan3A_193  : i32 {
      %mul3A_237 = arith.constant 2 : i32
      %mul3A_238 = arith.muli %mul3A_237, %scan3A_236 : i32
      %add3A_239 = arith.constant 1 : i32
      %add3A_240 = arith.addi %mul3A_238, %add3A_239 : i32
      %mul3A_241 = arith.constant 128 : i32
      %mul3A_242 = arith.muli %add3A_240, %mul3A_241 : i32
      %add3A_243 = arith.addi %mul3A_8, %mul3A_242 : i32
      "tpu.region"() ({
        %run_scoped3A = tpu.sem_alloc : memref<!tpu.dma_semaphore, #tpu.memory_space<semaphore_mem>>
        %dma_start3A_444 = tpu.memref_slice %arg3[%add3A_243] : memref<160000xi32, #tpu.memory_space<hbm>> -> memref<128xi32, #tpu.memory_space<hbm>>
        %dma_start3A_445 = tpu.memref_slice %arg3[%add3A_243] : memref<160000xi32, #tpu.memory_space<hbm>> -> memref<128xi32, #tpu.memory_space<hbm>>
        tpu.enqueue_dma source(%dma_start3A_445 : memref<128xi32, #tpu.memory_space<hbm>>) target(%arg9 : memref<128xi32, #tpu.memory_space<vmem>>) target_semaphore(%run_scoped3A : memref<!tpu.dma_semaphore, #tpu.memory_space<semaphore_mem>>)
        %dma_wait3A_446 = tpu.memref_slice %arg3[%add3A_243] : memref<160000xi32, #tpu.memory_space<hbm>> -> memref<128xi32, #tpu.memory_space<hbm>>
        %dma_wait3A_447 = tpu.memref_slice %arg3[%add3A_243] : memref<160000xi32, #tpu.memory_space<hbm>> -> memref<128xi32, #tpu.memory_space<hbm>>
        tpu.wait_dma2 semaphore(%run_scoped3A : memref<!tpu.dma_semaphore, #tpu.memory_space<semaphore_mem>>) src(%dma_wait3A_447 : memref<128xi32, #tpu.memory_space<hbm>>) dst(%arg9 : memref<128xi32, #tpu.memory_space<vmem>>)
        tpu.yield
      }) : () -> ()
      "tpu.region"() ({
        %run_scoped3A = tpu.sem_alloc : memref<!tpu.dma_semaphore, #tpu.memory_space<semaphore_mem>>
        %dma_start3A_444 = tpu.memref_slice %arg4[%add3A_243] : memref<160000xi32, #tpu.memory_space<hbm>> -> memref<128xi32, #tpu.memory_space<hbm>>
        %dma_start3A_445 = tpu.memref_slice %arg4[%add3A_243] : memref<160000xi32, #tpu.memory_space<hbm>> -> memref<128xi32, #tpu.memory_space<hbm>>
        tpu.enqueue_dma source(%dma_start3A_445 : memref<128xi32, #tpu.memory_space<hbm>>) target(%arg10 : memref<128xi32, #tpu.memory_space<vmem>>) target_semaphore(%run_scoped3A : memref<!tpu.dma_semaphore, #tpu.memory_space<semaphore_mem>>)
        %dma_wait3A_446 = tpu.memref_slice %arg4[%add3A_243] : memref<160000xi32, #tpu.memory_space<hbm>> -> memref<128xi32, #tpu.memory_space<hbm>>
        %dma_wait3A_447 = tpu.memref_slice %arg4[%add3A_243] : memref<160000xi32, #tpu.memory_space<hbm>> -> memref<128xi32, #tpu.memory_space<hbm>>
        tpu.wait_dma2 semaphore(%run_scoped3A : memref<!tpu.dma_semaphore, #tpu.memory_space<semaphore_mem>>) src(%dma_wait3A_447 : memref<128xi32, #tpu.memory_space<hbm>>) dst(%arg10 : memref<128xi32, #tpu.memory_space<vmem>>)
        tpu.yield
      }) : () -> ()
      %get3A_244 = arith.constant 0 : index
      %get3A_245 = tpu.vector_load %arg10[%get3A_244] {strides = array<i32>} : memref<128xi32, #tpu.memory_space<vmem>>, vector<16xi32>,
      %get3A_246 = vector.shape_cast %get3A_245 : vector<16xi32> to vector<16xi32>
      %sub3A_247 = vector.broadcast %mul3A_0 : i32 to vector<16xi32>
      %sub3A_248 = arith.subi %get3A_246, %sub3A_247 : vector<16xi32>
      %ge3A_249 = arith.constant 0 : i32
      %ge3A_250 = vector.broadcast %ge3A_249 : i32 to vector<16xi32>
      %ge3A_251 = arith.cmpi sge, %sub3A_248, %ge3A_250 : vector<16xi32>
      %lt3A_252 = arith.constant 5000 : i32
      %lt3A_253 = vector.broadcast %lt3A_252 : i32 to vector<16xi32>
      %lt3A_254 = arith.cmpi slt, %sub3A_248, %lt3A_253 : vector<16xi32>
      %and3A_255 = arith.andi %ge3A_251, %lt3A_254 : vector<16xi1>
      %and3A_256 = arith.constant 7 : i32
      %and3A_257 = vector.broadcast %and3A_256 : i32 to vector<16xi32>
      %and3A_258 = arith.andi %get3A_246, %and3A_257 : vector<16xi32>
      %add3A_259 = arith.constant 5000 : i32
      %add3A_260 = vector.broadcast %add3A_259 : i32 to vector<16xi32>
      %add3A_261 = arith.addi %add3A_260, %and3A_258 : vector<16xi32>
      %select_n3A_262 = arith.select %and3A_255, %sub3A_248, %add3A_261 : vector<16xi1>, vector<16xi32>
      %swap3A_263 = arith.constant 0 : index
      %swap3A_264 = tpu.vector_load %arg10[%swap3A_263] {strides = array<i32>} : memref<128xi32, #tpu.memory_space<vmem>>, vector<16xi32>,
      %swap3A_265 = vector.shape_cast %swap3A_264 : vector<16xi32> to vector<16xi32>
      %swap3A_266 = vector.shape_cast %select_n3A_262 : vector<16xi32> to vector<16xi32>
      tpu.vector_store %arg10[%swap3A_263], %swap3A_266 {strides = array<i32>} : memref<128xi32, #tpu.memory_space<vmem>>, vector<16xi32>,
      %get3A_267 = arith.constant 16 : index
      %get3A_268 = tpu.vector_load %arg10[%get3A_267] {strides = array<i32>} : memref<128xi32, #tpu.memory_space<vmem>>, vector<16xi32>,
      %get3A_269 = vector.shape_cast %get3A_268 : vector<16xi32> to vector<16xi32>
      %sub3A_270 = vector.broadcast %mul3A_0 : i32 to vector<16xi32>
      %sub3A_271 = arith.subi %get3A_269, %sub3A_270 : vector<16xi32>
      %ge3A_272 = arith.constant 0 : i32
      %ge3A_273 = vector.broadcast %ge3A_272 : i32 to vector<16xi32>
      %ge3A_274 = arith.cmpi sge, %sub3A_271, %ge3A_273 : vector<16xi32>
      %lt3A_275 = arith.constant 5000 : i32
      %lt3A_276 = vector.broadcast %lt3A_275 : i32 to vector<16xi32>
      %lt3A_277 = arith.cmpi slt, %sub3A_271, %lt3A_276 : vector<16xi32>
      %and3A_278 = arith.andi %ge3A_274, %lt3A_277 : vector<16xi1>
      %and3A_279 = arith.constant 7 : i32
      %and3A_280 = vector.broadcast %and3A_279 : i32 to vector<16xi32>
      %and3A_281 = arith.andi %get3A_269, %and3A_280 : vector<16xi32>
      %add3A_282 = arith.constant 5000 : i32
      %add3A_283 = vector.broadcast %add3A_282 : i32 to vector<16xi32>
      %add3A_284 = arith.addi %add3A_283, %and3A_281 : vector<16xi32>
      %select_n3A_285 = arith.select %and3A_278, %sub3A_271, %add3A_284 : vector<16xi1>, vector<16xi32>
      %swap3A_286 = arith.constant 16 : index
      %swap3A_287 = tpu.vector_load %arg10[%swap3A_286] {strides = array<i32>} : memref<128xi32, #tpu.memory_space<vmem>>, vector<16xi32>,
      %swap3A_288 = vector.shape_cast %swap3A_287 : vector<16xi32> to vector<16xi32>
      %swap3A_289 = vector.shape_cast %select_n3A_285 : vector<16xi32> to vector<16xi32>
      tpu.vector_store %arg10[%swap3A_286], %swap3A_289 {strides = array<i32>} : memref<128xi32, #tpu.memory_space<vmem>>, vector<16xi32>,
      %get3A_290 = arith.constant 32 : index
      %get3A_291 = tpu.vector_load %arg10[%get3A_290] {strides = array<i32>} : memref<128xi32, #tpu.memory_space<vmem>>, vector<16xi32>,
      %get3A_292 = vector.shape_cast %get3A_291 : vector<16xi32> to vector<16xi32>
      %sub3A_293 = vector.broadcast %mul3A_0 : i32 to vector<16xi32>
      %sub3A_294 = arith.subi %get3A_292, %sub3A_293 : vector<16xi32>
      %ge3A_295 = arith.constant 0 : i32
      %ge3A_296 = vector.broadcast %ge3A_295 : i32 to vector<16xi32>
      %ge3A_297 = arith.cmpi sge, %sub3A_294, %ge3A_296 : vector<16xi32>
      %lt3A_298 = arith.constant 5000 : i32
      %lt3A_299 = vector.broadcast %lt3A_298 : i32 to vector<16xi32>
      %lt3A_300 = arith.cmpi slt, %sub3A_294, %lt3A_299 : vector<16xi32>
      %and3A_301 = arith.andi %ge3A_297, %lt3A_300 : vector<16xi1>
      %and3A_302 = arith.constant 7 : i32
      %and3A_303 = vector.broadcast %and3A_302 : i32 to vector<16xi32>
      %and3A_304 = arith.andi %get3A_292, %and3A_303 : vector<16xi32>
      %add3A_305 = arith.constant 5000 : i32
      %add3A_306 = vector.broadcast %add3A_305 : i32 to vector<16xi32>
      %add3A_307 = arith.addi %add3A_306, %and3A_304 : vector<16xi32>
      %select_n3A_308 = arith.select %and3A_301, %sub3A_294, %add3A_307 : vector<16xi1>, vector<16xi32>
      %swap3A_309 = arith.constant 32 : index
      %swap3A_310 = tpu.vector_load %arg10[%swap3A_309] {strides = array<i32>} : memref<128xi32, #tpu.memory_space<vmem>>, vector<16xi32>,
      %swap3A_311 = vector.shape_cast %swap3A_310 : vector<16xi32> to vector<16xi32>
      %swap3A_312 = vector.shape_cast %select_n3A_308 : vector<16xi32> to vector<16xi32>
      tpu.vector_store %arg10[%swap3A_309], %swap3A_312 {strides = array<i32>} : memref<128xi32, #tpu.memory_space<vmem>>, vector<16xi32>,
      %get3A_313 = arith.constant 48 : index
      %get3A_314 = tpu.vector_load %arg10[%get3A_313] {strides = array<i32>} : memref<128xi32, #tpu.memory_space<vmem>>, vector<16xi32>,
      %get3A_315 = vector.shape_cast %get3A_314 : vector<16xi32> to vector<16xi32>
      %sub3A_316 = vector.broadcast %mul3A_0 : i32 to vector<16xi32>
      %sub3A_317 = arith.subi %get3A_315, %sub3A_316 : vector<16xi32>
      %ge3A_318 = arith.constant 0 : i32
      %ge3A_319 = vector.broadcast %ge3A_318 : i32 to vector<16xi32>
      %ge3A_320 = arith.cmpi sge, %sub3A_317, %ge3A_319 : vector<16xi32>
      %lt3A_321 = arith.constant 5000 : i32
      %lt3A_322 = vector.broadcast %lt3A_321 : i32 to vector<16xi32>
      %lt3A_323 = arith.cmpi slt, %sub3A_317, %lt3A_322 : vector<16xi32>
      %and3A_324 = arith.andi %ge3A_320, %lt3A_323 : vector<16xi1>
      %and3A_325 = arith.constant 7 : i32
      %and3A_326 = vector.broadcast %and3A_325 : i32 to vector<16xi32>
      %and3A_327 = arith.andi %get3A_315, %and3A_326 : vector<16xi32>
      %add3A_328 = arith.constant 5000 : i32
      %add3A_329 = vector.broadcast %add3A_328 : i32 to vector<16xi32>
      %add3A_330 = arith.addi %add3A_329, %and3A_327 : vector<16xi32>
      %select_n3A_331 = arith.select %and3A_324, %sub3A_317, %add3A_330 : vector<16xi1>, vector<16xi32>
      %swap3A_332 = arith.constant 48 : index
      %swap3A_333 = tpu.vector_load %arg10[%swap3A_332] {strides = array<i32>} : memref<128xi32, #tpu.memory_space<vmem>>, vector<16xi32>,
      %swap3A_334 = vector.shape_cast %swap3A_333 : vector<16xi32> to vector<16xi32>
      %swap3A_335 = vector.shape_cast %select_n3A_331 : vector<16xi32> to vector<16xi32>
      tpu.vector_store %arg10[%swap3A_332], %swap3A_335 {strides = array<i32>} : memref<128xi32, #tpu.memory_space<vmem>>, vector<16xi32>,
      %get3A_336 = arith.constant 64 : index
      %get3A_337 = tpu.vector_load %arg10[%get3A_336] {strides = array<i32>} : memref<128xi32, #tpu.memory_space<vmem>>, vector<16xi32>,
      %get3A_338 = vector.shape_cast %get3A_337 : vector<16xi32> to vector<16xi32>
      %sub3A_339 = vector.broadcast %mul3A_0 : i32 to vector<16xi32>
      %sub3A_340 = arith.subi %get3A_338, %sub3A_339 : vector<16xi32>
      %ge3A_341 = arith.constant 0 : i32
      %ge3A_342 = vector.broadcast %ge3A_341 : i32 to vector<16xi32>
      %ge3A_343 = arith.cmpi sge, %sub3A_340, %ge3A_342 : vector<16xi32>
      %lt3A_344 = arith.constant 5000 : i32
      %lt3A_345 = vector.broadcast %lt3A_344 : i32 to vector<16xi32>
      %lt3A_346 = arith.cmpi slt, %sub3A_340, %lt3A_345 : vector<16xi32>
      %and3A_347 = arith.andi %ge3A_343, %lt3A_346 : vector<16xi1>
      %and3A_348 = arith.constant 7 : i32
      %and3A_349 = vector.broadcast %and3A_348 : i32 to vector<16xi32>
      %and3A_350 = arith.andi %get3A_338, %and3A_349 : vector<16xi32>
      %add3A_351 = arith.constant 5000 : i32
      %add3A_352 = vector.broadcast %add3A_351 : i32 to vector<16xi32>
      %add3A_353 = arith.addi %add3A_352, %and3A_350 : vector<16xi32>
      %select_n3A_354 = arith.select %and3A_347, %sub3A_340, %add3A_353 : vector<16xi1>, vector<16xi32>
      %swap3A_355 = arith.constant 64 : index
      %swap3A_356 = tpu.vector_load %arg10[%swap3A_355] {strides = array<i32>} : memref<128xi32, #tpu.memory_space<vmem>>, vector<16xi32>,
      %swap3A_357 = vector.shape_cast %swap3A_356 : vector<16xi32> to vector<16xi32>
      %swap3A_358 = vector.shape_cast %select_n3A_354 : vector<16xi32> to vector<16xi32>
      tpu.vector_store %arg10[%swap3A_355], %swap3A_358 {strides = array<i32>} : memref<128xi32, #tpu.memory_space<vmem>>, vector<16xi32>,
      %get3A_359 = arith.constant 80 : index
      %get3A_360 = tpu.vector_load %arg10[%get3A_359] {strides = array<i32>} : memref<128xi32, #tpu.memory_space<vmem>>, vector<16xi32>,
      %get3A_361 = vector.shape_cast %get3A_360 : vector<16xi32> to vector<16xi32>
      %sub3A_362 = vector.broadcast %mul3A_0 : i32 to vector<16xi32>
      %sub3A_363 = arith.subi %get3A_361, %sub3A_362 : vector<16xi32>
      %ge3A_364 = arith.constant 0 : i32
      %ge3A_365 = vector.broadcast %ge3A_364 : i32 to vector<16xi32>
      %ge3A_366 = arith.cmpi sge, %sub3A_363, %ge3A_365 : vector<16xi32>
      %lt3A_367 = arith.constant 5000 : i32
      %lt3A_368 = vector.broadcast %lt3A_367 : i32 to vector<16xi32>
      %lt3A_369 = arith.cmpi slt, %sub3A_363, %lt3A_368 : vector<16xi32>
      %and3A_370 = arith.andi %ge3A_366, %lt3A_369 : vector<16xi1>
      %and3A_371 = arith.constant 7 : i32
      %and3A_372 = vector.broadcast %and3A_371 : i32 to vector<16xi32>
      %and3A_373 = arith.andi %get3A_361, %and3A_372 : vector<16xi32>
      %add3A_374 = arith.constant 5000 : i32
      %add3A_375 = vector.broadcast %add3A_374 : i32 to vector<16xi32>
      %add3A_376 = arith.addi %add3A_375, %and3A_373 : vector<16xi32>
      %select_n3A_377 = arith.select %and3A_370, %sub3A_363, %add3A_376 : vector<16xi1>, vector<16xi32>
      %swap3A_378 = arith.constant 80 : index
      %swap3A_379 = tpu.vector_load %arg10[%swap3A_378] {strides = array<i32>} : memref<128xi32, #tpu.memory_space<vmem>>, vector<16xi32>,
      %swap3A_380 = vector.shape_cast %swap3A_379 : vector<16xi32> to vector<16xi32>
      %swap3A_381 = vector.shape_cast %select_n3A_377 : vector<16xi32> to vector<16xi32>
      tpu.vector_store %arg10[%swap3A_378], %swap3A_381 {strides = array<i32>} : memref<128xi32, #tpu.memory_space<vmem>>, vector<16xi32>,
      %get3A_382 = arith.constant 96 : index
      %get3A_383 = tpu.vector_load %arg10[%get3A_382] {strides = array<i32>} : memref<128xi32, #tpu.memory_space<vmem>>, vector<16xi32>,
      %get3A_384 = vector.shape_cast %get3A_383 : vector<16xi32> to vector<16xi32>
      %sub3A_385 = vector.broadcast %mul3A_0 : i32 to vector<16xi32>
      %sub3A_386 = arith.subi %get3A_384, %sub3A_385 : vector<16xi32>
      %ge3A_387 = arith.constant 0 : i32
      %ge3A_388 = vector.broadcast %ge3A_387 : i32 to vector<16xi32>
      %ge3A_389 = arith.cmpi sge, %sub3A_386, %ge3A_388 : vector<16xi32>
      %lt3A_390 = arith.constant 5000 : i32
      %lt3A_391 = vector.broadcast %lt3A_390 : i32 to vector<16xi32>
      %lt3A_392 = arith.cmpi slt, %sub3A_386, %lt3A_391 : vector<16xi32>
      %and3A_393 = arith.andi %ge3A_389, %lt3A_392 : vector<16xi1>
      %and3A_394 = arith.constant 7 : i32
      %and3A_395 = vector.broadcast %and3A_394 : i32 to vector<16xi32>
      %and3A_396 = arith.andi %get3A_384, %and3A_395 : vector<16xi32>
      %add3A_397 = arith.constant 5000 : i32
      %add3A_398 = vector.broadcast %add3A_397 : i32 to vector<16xi32>
      %add3A_399 = arith.addi %add3A_398, %and3A_396 : vector<16xi32>
      %select_n3A_400 = arith.select %and3A_393, %sub3A_386, %add3A_399 : vector<16xi1>, vector<16xi32>
      %swap3A_401 = arith.constant 96 : index
      %swap3A_402 = tpu.vector_load %arg10[%swap3A_401] {strides = array<i32>} : memref<128xi32, #tpu.memory_space<vmem>>, vector<16xi32>,
      %swap3A_403 = vector.shape_cast %swap3A_402 : vector<16xi32> to vector<16xi32>
      %swap3A_404 = vector.shape_cast %select_n3A_400 : vector<16xi32> to vector<16xi32>
      tpu.vector_store %arg10[%swap3A_401], %swap3A_404 {strides = array<i32>} : memref<128xi32, #tpu.memory_space<vmem>>, vector<16xi32>,
      %get3A_405 = arith.constant 112 : index
      %get3A_406 = tpu.vector_load %arg10[%get3A_405] {strides = array<i32>} : memref<128xi32, #tpu.memory_space<vmem>>, vector<16xi32>,
      %get3A_407 = vector.shape_cast %get3A_406 : vector<16xi32> to vector<16xi32>
      %sub3A_408 = vector.broadcast %mul3A_0 : i32 to vector<16xi32>
      %sub3A_409 = arith.subi %get3A_407, %sub3A_408 : vector<16xi32>
      %ge3A_410 = arith.constant 0 : i32
      %ge3A_411 = vector.broadcast %ge3A_410 : i32 to vector<16xi32>
      %ge3A_412 = arith.cmpi sge, %sub3A_409, %ge3A_411 : vector<16xi32>
      %lt3A_413 = arith.constant 5000 : i32
      %lt3A_414 = vector.broadcast %lt3A_413 : i32 to vector<16xi32>
      %lt3A_415 = arith.cmpi slt, %sub3A_409, %lt3A_414 : vector<16xi32>
      %and3A_416 = arith.andi %ge3A_412, %lt3A_415 : vector<16xi1>
      %and3A_417 = arith.constant 7 : i32
      %and3A_418 = vector.broadcast %and3A_417 : i32 to vector<16xi32>
      %and3A_419 = arith.andi %get3A_407, %and3A_418 : vector<16xi32>
      %add3A_420 = arith.constant 5000 : i32
      %add3A_421 = vector.broadcast %add3A_420 : i32 to vector<16xi32>
      %add3A_422 = arith.addi %add3A_421, %and3A_419 : vector<16xi32>
      %select_n3A_423 = arith.select %and3A_416, %sub3A_409, %add3A_422 : vector<16xi1>, vector<16xi32>
      %swap3A_424 = arith.constant 112 : index
      %swap3A_425 = tpu.vector_load %arg10[%swap3A_424] {strides = array<i32>} : memref<128xi32, #tpu.memory_space<vmem>>, vector<16xi32>,
      %swap3A_426 = vector.shape_cast %swap3A_425 : vector<16xi32> to vector<16xi32>
      %swap3A_427 = vector.shape_cast %select_n3A_423 : vector<16xi32> to vector<16xi32>
      tpu.vector_store %arg10[%swap3A_424], %swap3A_427 {strides = array<i32>} : memref<128xi32, #tpu.memory_space<vmem>>, vector<16xi32>,
      %dma_start3A_428 = arith.constant 0 : i32
      %dma_start3A_429 = arith.constant 0 : i32
      %dma_start3A_430 = tpu.memref_slice %arg2[%dma_start3A_428, %dma_start3A_429] : memref<10000x128xf32, #tpu.memory_space<hbm>> -> memref<10000x128xf32, #tpu.memory_space<hbm>>
      tpu.enqueue_indirect_dma source(%dma_start3A_430 : memref<10000x128xf32, #tpu.memory_space<hbm>>) target(%arg11 : memref<128x128xf32, #tpu.memory_space<vmem>>) offsets(%arg9 : memref<128xi32, #tpu.memory_space<vmem>>) semaphore(%arg18 : memref<!tpu.dma_semaphore, #tpu.memory_space<semaphore_mem>>)
      %dma_wait3A_431 = arith.constant 0 : i32
      %dma_wait3A_432 = arith.constant 0 : i32
      %dma_wait3A_433 = tpu.memref_slice %arg2[%dma_wait3A_431, %dma_wait3A_432] : memref<10000x128xf32, #tpu.memory_space<hbm>> -> memref<10000x128xf32, #tpu.memory_space<hbm>>
      tpu.wait_indirect_dma semaphore(%arg17 : memref<!tpu.dma_semaphore, #tpu.memory_space<semaphore_mem>>) src(%dma_wait3A_433 : memref<10000x128xf32, #tpu.memory_space<hbm>>) dst(%arg8 : memref<128x128xf32, #tpu.memory_space<vmem>>)
      "tpu.region"() ({
        %run_scoped3A = tpu.sem_alloc : memref<!tpu.dma_semaphore, #tpu.memory_space<semaphore_mem>>
        %dma_start3A_444 = arith.constant 0 : i32
        %dma_start3A_445 = arith.constant 0 : i32
        %dma_start3A_446 = tpu.memref_slice %arg16[%dma_start3A_444, %dma_start3A_445] : memref<5008x128xf32, #tpu.memory_space<vmem_shared>> -> memref<5008x128xf32, #tpu.memory_space<vmem_shared>>
        tpu.enqueue_indirect_dma source(%arg8 : memref<128x128xf32, #tpu.memory_space<vmem>>) target(%dma_start3A_446 : memref<5008x128xf32, #tpu.memory_space<vmem_shared>>) offsets(%arg7 : memref<128xi32, #tpu.memory_space<vmem>>) semaphore(%run_scoped3A : memref<!tpu.dma_semaphore, #tpu.memory_space<semaphore_mem>>) {add = true}
        %dma_wait3A_447 = arith.constant 0 : i32
        %dma_wait3A_448 = arith.constant 0 : i32
        %dma_wait3A_449 = tpu.memref_slice %arg16[%dma_wait3A_447, %dma_wait3A_448] : memref<5008x128xf32, #tpu.memory_space<vmem_shared>> -> memref<5008x128xf32, #tpu.memory_space<vmem_shared>>
        tpu.wait_indirect_dma semaphore(%run_scoped3A : memref<!tpu.dma_semaphore, #tpu.memory_space<semaphore_mem>>) src(%arg8 : memref<128x128xf32, #tpu.memory_space<vmem>>) dst(%dma_wait3A_449 : memref<5008x128xf32, #tpu.memory_space<vmem_shared>>)
        tpu.yield
      }) : () -> ()
      %add3A_434 = arith.constant 1 : i32
      %add3A_435 = arith.addi %scan3A_236, %add3A_434 : i32
      %lt3A_436 = arith.constant 39 : i32
      %lt3A_437 = arith.cmpi slt, %add3A_435, %lt3A_436 : i32
      %convert_element_type3A_438 = arith.extui %lt3A_437 : i1 to i32
      %cond3A_439 = arith.constant 0 : i32
      %cond3A_440 = arith.cmpi ne, %convert_element_type3A_438, %cond3A_439 : i32
      scf.if %cond3A_440 {
        %mul3A_444 = arith.constant 2 : i32
        %mul3A_445 = arith.muli %mul3A_444, %scan3A_236 : i32
        %add3A_446 = arith.constant 2 : i32
        %add3A_447 = arith.addi %mul3A_445, %add3A_446 : i32
        %mul3A_448 = arith.constant 128 : i32
        %mul3A_449 = arith.muli %add3A_447, %mul3A_448 : i32
        %add3A_450 = arith.addi %mul3A_8, %mul3A_449 : i32
        "tpu.region"() ({
          %run_scoped3A = tpu.sem_alloc : memref<!tpu.dma_semaphore, #tpu.memory_space<semaphore_mem>>
          %dma_start3A_638 = tpu.memref_slice %arg3[%add3A_450] : memref<160000xi32, #tpu.memory_space<hbm>> -> memref<128xi32, #tpu.memory_space<hbm>>
          %dma_start3A_639 = tpu.memref_slice %arg3[%add3A_450] : memref<160000xi32, #tpu.memory_space<hbm>> -> memref<128xi32, #tpu.memory_space<hbm>>
          tpu.enqueue_dma source(%dma_start3A_639 : memref<128xi32, #tpu.memory_space<hbm>>) target(%arg6 : memref<128xi32, #tpu.memory_space<vmem>>) target_semaphore(%run_scoped3A : memref<!tpu.dma_semaphore, #tpu.memory_space<semaphore_mem>>)
          %dma_wait3A_640 = tpu.memref_slice %arg3[%add3A_450] : memref<160000xi32, #tpu.memory_space<hbm>> -> memref<128xi32, #tpu.memory_space<hbm>>
          %dma_wait3A_641 = tpu.memref_slice %arg3[%add3A_450] : memref<160000xi32, #tpu.memory_space<hbm>> -> memref<128xi32, #tpu.memory_space<hbm>>
          tpu.wait_dma2 semaphore(%run_scoped3A : memref<!tpu.dma_semaphore, #tpu.memory_space<semaphore_mem>>) src(%dma_wait3A_641 : memref<128xi32, #tpu.memory_space<hbm>>) dst(%arg6 : memref<128xi32, #tpu.memory_space<vmem>>)
          tpu.yield
        }) : () -> ()
        "tpu.region"() ({
          %run_scoped3A = tpu.sem_alloc : memref<!tpu.dma_semaphore, #tpu.memory_space<semaphore_mem>>
          %dma_start3A_638 = tpu.memref_slice %arg4[%add3A_450] : memref<160000xi32, #tpu.memory_space<hbm>> -> memref<128xi32, #tpu.memory_space<hbm>>
          %dma_start3A_639 = tpu.memref_slice %arg4[%add3A_450] : memref<160000xi32, #tpu.memory_space<hbm>> -> memref<128xi32, #tpu.memory_space<hbm>>
          tpu.enqueue_dma source(%dma_start3A_639 : memref<128xi32, #tpu.memory_space<hbm>>) target(%arg7 : memref<128xi32, #tpu.memory_space<vmem>>) target_semaphore(%run_scoped3A : memref<!tpu.dma_semaphore, #tpu.memory_space<semaphore_mem>>)
          %dma_wait3A_640 = tpu.memref_slice %arg4[%add3A_450] : memref<160000xi32, #tpu.memory_space<hbm>> -> memref<128xi32, #tpu.memory_space<hbm>>
          %dma_wait3A_641 = tpu.memref_slice %arg4[%add3A_450] : memref<160000xi32, #tpu.memory_space<hbm>> -> memref<128xi32, #tpu.memory_space<hbm>>
          tpu.wait_dma2 semaphore(%run_scoped3A : memref<!tpu.dma_semaphore, #tpu.memory_space<semaphore_mem>>) src(%dma_wait3A_641 : memref<128xi32, #tpu.memory_space<hbm>>) dst(%arg7 : memref<128xi32, #tpu.memory_space<vmem>>)
          tpu.yield
        }) : () -> ()
        %get3A_451 = arith.constant 0 : index
        %get3A_452 = tpu.vector_load %arg7[%get3A_451] {strides = array<i32>} : memref<128xi32, #tpu.memory_space<vmem>>, vector<16xi32>,
        %get3A_453 = vector.shape_cast %get3A_452 : vector<16xi32> to vector<16xi32>
        %sub3A_454 = vector.broadcast %mul3A_0 : i32 to vector<16xi32>
        %sub3A_455 = arith.subi %get3A_453, %sub3A_454 : vector<16xi32>
        %ge3A_456 = arith.constant 0 : i32
        %ge3A_457 = vector.broadcast %ge3A_456 : i32 to vector<16xi32>
        %ge3A_458 = arith.cmpi sge, %sub3A_455, %ge3A_457 : vector<16xi32>
        %lt3A_459 = arith.constant 5000 : i32
        %lt3A_460 = vector.broadcast %lt3A_459 : i32 to vector<16xi32>
        %lt3A_461 = arith.cmpi slt, %sub3A_455, %lt3A_460 : vector<16xi32>
        %and3A_462 = arith.andi %ge3A_458, %lt3A_461 : vector<16xi1>
        %and3A_463 = arith.constant 7 : i32
        %and3A_464 = vector.broadcast %and3A_463 : i32 to vector<16xi32>
        %and3A_465 = arith.andi %get3A_453, %and3A_464 : vector<16xi32>
        %add3A_466 = arith.constant 5000 : i32
        %add3A_467 = vector.broadcast %add3A_466 : i32 to vector<16xi32>
        %add3A_468 = arith.addi %add3A_467, %and3A_465 : vector<16xi32>
        %select_n3A_469 = arith.select %and3A_462, %sub3A_455, %add3A_468 : vector<16xi1>, vector<16xi32>
        %swap3A_470 = arith.constant 0 : index
        %swap3A_471 = tpu.vector_load %arg7[%swap3A_470] {strides = array<i32>} : memref<128xi32, #tpu.memory_space<vmem>>, vector<16xi32>,
        %swap3A_472 = vector.shape_cast %swap3A_471 : vector<16xi32> to vector<16xi32>
        %swap3A_473 = vector.shape_cast %select_n3A_469 : vector<16xi32> to vector<16xi32>
        tpu.vector_store %arg7[%swap3A_470], %swap3A_473 {strides = array<i32>} : memref<128xi32, #tpu.memory_space<vmem>>, vector<16xi32>,
        %get3A_474 = arith.constant 16 : index
        %get3A_475 = tpu.vector_load %arg7[%get3A_474] {strides = array<i32>} : memref<128xi32, #tpu.memory_space<vmem>>, vector<16xi32>,
        %get3A_476 = vector.shape_cast %get3A_475 : vector<16xi32> to vector<16xi32>
        %sub3A_477 = vector.broadcast %mul3A_0 : i32 to vector<16xi32>
        %sub3A_478 = arith.subi %get3A_476, %sub3A_477 : vector<16xi32>
        %ge3A_479 = arith.constant 0 : i32
        %ge3A_480 = vector.broadcast %ge3A_479 : i32 to vector<16xi32>
        %ge3A_481 = arith.cmpi sge, %sub3A_478, %ge3A_480 : vector<16xi32>
        %lt3A_482 = arith.constant 5000 : i32
        %lt3A_483 = vector.broadcast %lt3A_482 : i32 to vector<16xi32>
        %lt3A_484 = arith.cmpi slt, %sub3A_478, %lt3A_483 : vector<16xi32>
        %and3A_485 = arith.andi %ge3A_481, %lt3A_484 : vector<16xi1>
        %and3A_486 = arith.constant 7 : i32
        %and3A_487 = vector.broadcast %and3A_486 : i32 to vector<16xi32>
        %and3A_488 = arith.andi %get3A_476, %and3A_487 : vector<16xi32>
        %add3A_489 = arith.constant 5000 : i32
        %add3A_490 = vector.broadcast %add3A_489 : i32 to vector<16xi32>
        %add3A_491 = arith.addi %add3A_490, %and3A_488 : vector<16xi32>
        %select_n3A_492 = arith.select %and3A_485, %sub3A_478, %add3A_491 : vector<16xi1>, vector<16xi32>
        %swap3A_493 = arith.constant 16 : index
        %swap3A_494 = tpu.vector_load %arg7[%swap3A_493] {strides = array<i32>} : memref<128xi32, #tpu.memory_space<vmem>>, vector<16xi32>,
        %swap3A_495 = vector.shape_cast %swap3A_494 : vector<16xi32> to vector<16xi32>
        %swap3A_496 = vector.shape_cast %select_n3A_492 : vector<16xi32> to vector<16xi32>
        tpu.vector_store %arg7[%swap3A_493], %swap3A_496 {strides = array<i32>} : memref<128xi32, #tpu.memory_space<vmem>>, vector<16xi32>,
        %get3A_497 = arith.constant 32 : index
        %get3A_498 = tpu.vector_load %arg7[%get3A_497] {strides = array<i32>} : memref<128xi32, #tpu.memory_space<vmem>>, vector<16xi32>,
        %get3A_499 = vector.shape_cast %get3A_498 : vector<16xi32> to vector<16xi32>
        %sub3A_500 = vector.broadcast %mul3A_0 : i32 to vector<16xi32>
        %sub3A_501 = arith.subi %get3A_499, %sub3A_500 : vector<16xi32>
        %ge3A_502 = arith.constant 0 : i32
        %ge3A_503 = vector.broadcast %ge3A_502 : i32 to vector<16xi32>
        %ge3A_504 = arith.cmpi sge, %sub3A_501, %ge3A_503 : vector<16xi32>
        %lt3A_505 = arith.constant 5000 : i32
        %lt3A_506 = vector.broadcast %lt3A_505 : i32 to vector<16xi32>
        %lt3A_507 = arith.cmpi slt, %sub3A_501, %lt3A_506 : vector<16xi32>
        %and3A_508 = arith.andi %ge3A_504, %lt3A_507 : vector<16xi1>
        %and3A_509 = arith.constant 7 : i32
        %and3A_510 = vector.broadcast %and3A_509 : i32 to vector<16xi32>
        %and3A_511 = arith.andi %get3A_499, %and3A_510 : vector<16xi32>
        %add3A_512 = arith.constant 5000 : i32
        %add3A_513 = vector.broadcast %add3A_512 : i32 to vector<16xi32>
        %add3A_514 = arith.addi %add3A_513, %and3A_511 : vector<16xi32>
        %select_n3A_515 = arith.select %and3A_508, %sub3A_501, %add3A_514 : vector<16xi1>, vector<16xi32>
        %swap3A_516 = arith.constant 32 : index
        %swap3A_517 = tpu.vector_load %arg7[%swap3A_516] {strides = array<i32>} : memref<128xi32, #tpu.memory_space<vmem>>, vector<16xi32>,
        %swap3A_518 = vector.shape_cast %swap3A_517 : vector<16xi32> to vector<16xi32>
        %swap3A_519 = vector.shape_cast %select_n3A_515 : vector<16xi32> to vector<16xi32>
        tpu.vector_store %arg7[%swap3A_516], %swap3A_519 {strides = array<i32>} : memref<128xi32, #tpu.memory_space<vmem>>, vector<16xi32>,
        %get3A_520 = arith.constant 48 : index
        %get3A_521 = tpu.vector_load %arg7[%get3A_520] {strides = array<i32>} : memref<128xi32, #tpu.memory_space<vmem>>, vector<16xi32>,
        %get3A_522 = vector.shape_cast %get3A_521 : vector<16xi32> to vector<16xi32>
        %sub3A_523 = vector.broadcast %mul3A_0 : i32 to vector<16xi32>
        %sub3A_524 = arith.subi %get3A_522, %sub3A_523 : vector<16xi32>
        %ge3A_525 = arith.constant 0 : i32
        %ge3A_526 = vector.broadcast %ge3A_525 : i32 to vector<16xi32>
        %ge3A_527 = arith.cmpi sge, %sub3A_524, %ge3A_526 : vector<16xi32>
        %lt3A_528 = arith.constant 5000 : i32
        %lt3A_529 = vector.broadcast %lt3A_528 : i32 to vector<16xi32>
        %lt3A_530 = arith.cmpi slt, %sub3A_524, %lt3A_529 : vector<16xi32>
        %and3A_531 = arith.andi %ge3A_527, %lt3A_530 : vector<16xi1>
        %and3A_532 = arith.constant 7 : i32
        %and3A_533 = vector.broadcast %and3A_532 : i32 to vector<16xi32>
        %and3A_534 = arith.andi %get3A_522, %and3A_533 : vector<16xi32>
        %add3A_535 = arith.constant 5000 : i32
        %add3A_536 = vector.broadcast %add3A_535 : i32 to vector<16xi32>
        %add3A_537 = arith.addi %add3A_536, %and3A_534 : vector<16xi32>
        %select_n3A_538 = arith.select %and3A_531, %sub3A_524, %add3A_537 : vector<16xi1>, vector<16xi32>
        %swap3A_539 = arith.constant 48 : index
        %swap3A_540 = tpu.vector_load %arg7[%swap3A_539] {strides = array<i32>} : memref<128xi32, #tpu.memory_space<vmem>>, vector<16xi32>,
        %swap3A_541 = vector.shape_cast %swap3A_540 : vector<16xi32> to vector<16xi32>
        %swap3A_542 = vector.shape_cast %select_n3A_538 : vector<16xi32> to vector<16xi32>
        tpu.vector_store %arg7[%swap3A_539], %swap3A_542 {strides = array<i32>} : memref<128xi32, #tpu.memory_space<vmem>>, vector<16xi32>,
        %get3A_543 = arith.constant 64 : index
        %get3A_544 = tpu.vector_load %arg7[%get3A_543] {strides = array<i32>} : memref<128xi32, #tpu.memory_space<vmem>>, vector<16xi32>,
        %get3A_545 = vector.shape_cast %get3A_544 : vector<16xi32> to vector<16xi32>
        %sub3A_546 = vector.broadcast %mul3A_0 : i32 to vector<16xi32>
        %sub3A_547 = arith.subi %get3A_545, %sub3A_546 : vector<16xi32>
        %ge3A_548 = arith.constant 0 : i32
        %ge3A_549 = vector.broadcast %ge3A_548 : i32 to vector<16xi32>
        %ge3A_550 = arith.cmpi sge, %sub3A_547, %ge3A_549 : vector<16xi32>
        %lt3A_551 = arith.constant 5000 : i32
        %lt3A_552 = vector.broadcast %lt3A_551 : i32 to vector<16xi32>
        %lt3A_553 = arith.cmpi slt, %sub3A_547, %lt3A_552 : vector<16xi32>
        %and3A_554 = arith.andi %ge3A_550, %lt3A_553 : vector<16xi1>
        %and3A_555 = arith.constant 7 : i32
        %and3A_556 = vector.broadcast %and3A_555 : i32 to vector<16xi32>
        %and3A_557 = arith.andi %get3A_545, %and3A_556 : vector<16xi32>
        %add3A_558 = arith.constant 5000 : i32
        %add3A_559 = vector.broadcast %add3A_558 : i32 to vector<16xi32>
        %add3A_560 = arith.addi %add3A_559, %and3A_557 : vector<16xi32>
        %select_n3A_561 = arith.select %and3A_554, %sub3A_547, %add3A_560 : vector<16xi1>, vector<16xi32>
        %swap3A_562 = arith.constant 64 : index
        %swap3A_563 = tpu.vector_load %arg7[%swap3A_562] {strides = array<i32>} : memref<128xi32, #tpu.memory_space<vmem>>, vector<16xi32>,
        %swap3A_564 = vector.shape_cast %swap3A_563 : vector<16xi32> to vector<16xi32>
        %swap3A_565 = vector.shape_cast %select_n3A_561 : vector<16xi32> to vector<16xi32>
        tpu.vector_store %arg7[%swap3A_562], %swap3A_565 {strides = array<i32>} : memref<128xi32, #tpu.memory_space<vmem>>, vector<16xi32>,
        %get3A_566 = arith.constant 80 : index
        %get3A_567 = tpu.vector_load %arg7[%get3A_566] {strides = array<i32>} : memref<128xi32, #tpu.memory_space<vmem>>, vector<16xi32>,
        %get3A_568 = vector.shape_cast %get3A_567 : vector<16xi32> to vector<16xi32>
        %sub3A_569 = vector.broadcast %mul3A_0 : i32 to vector<16xi32>
        %sub3A_570 = arith.subi %get3A_568, %sub3A_569 : vector<16xi32>
        %ge3A_571 = arith.constant 0 : i32
        %ge3A_572 = vector.broadcast %ge3A_571 : i32 to vector<16xi32>
        %ge3A_573 = arith.cmpi sge, %sub3A_570, %ge3A_572 : vector<16xi32>
        %lt3A_574 = arith.constant 5000 : i32
        %lt3A_575 = vector.broadcast %lt3A_574 : i32 to vector<16xi32>
        %lt3A_576 = arith.cmpi slt, %sub3A_570, %lt3A_575 : vector<16xi32>
        %and3A_577 = arith.andi %ge3A_573, %lt3A_576 : vector<16xi1>
        %and3A_578 = arith.constant 7 : i32
        %and3A_579 = vector.broadcast %and3A_578 : i32 to vector<16xi32>
        %and3A_580 = arith.andi %get3A_568, %and3A_579 : vector<16xi32>
        %add3A_581 = arith.constant 5000 : i32
        %add3A_582 = vector.broadcast %add3A_581 : i32 to vector<16xi32>
        %add3A_583 = arith.addi %add3A_582, %and3A_580 : vector<16xi32>
        %select_n3A_584 = arith.select %and3A_577, %sub3A_570, %add3A_583 : vector<16xi1>, vector<16xi32>
        %swap3A_585 = arith.constant 80 : index
        %swap3A_586 = tpu.vector_load %arg7[%swap3A_585] {strides = array<i32>} : memref<128xi32, #tpu.memory_space<vmem>>, vector<16xi32>,
        %swap3A_587 = vector.shape_cast %swap3A_586 : vector<16xi32> to vector<16xi32>
        %swap3A_588 = vector.shape_cast %select_n3A_584 : vector<16xi32> to vector<16xi32>
        tpu.vector_store %arg7[%swap3A_585], %swap3A_588 {strides = array<i32>} : memref<128xi32, #tpu.memory_space<vmem>>, vector<16xi32>,
        %get3A_589 = arith.constant 96 : index
        %get3A_590 = tpu.vector_load %arg7[%get3A_589] {strides = array<i32>} : memref<128xi32, #tpu.memory_space<vmem>>, vector<16xi32>,
        %get3A_591 = vector.shape_cast %get3A_590 : vector<16xi32> to vector<16xi32>
        %sub3A_592 = vector.broadcast %mul3A_0 : i32 to vector<16xi32>
        %sub3A_593 = arith.subi %get3A_591, %sub3A_592 : vector<16xi32>
        %ge3A_594 = arith.constant 0 : i32
        %ge3A_595 = vector.broadcast %ge3A_594 : i32 to vector<16xi32>
        %ge3A_596 = arith.cmpi sge, %sub3A_593, %ge3A_595 : vector<16xi32>
        %lt3A_597 = arith.constant 5000 : i32
        %lt3A_598 = vector.broadcast %lt3A_597 : i32 to vector<16xi32>
        %lt3A_599 = arith.cmpi slt, %sub3A_593, %lt3A_598 : vector<16xi32>
        %and3A_600 = arith.andi %ge3A_596, %lt3A_599 : vector<16xi1>
        %and3A_601 = arith.constant 7 : i32
        %and3A_602 = vector.broadcast %and3A_601 : i32 to vector<16xi32>
        %and3A_603 = arith.andi %get3A_591, %and3A_602 : vector<16xi32>
        %add3A_604 = arith.constant 5000 : i32
        %add3A_605 = vector.broadcast %add3A_604 : i32 to vector<16xi32>
        %add3A_606 = arith.addi %add3A_605, %and3A_603 : vector<16xi32>
        %select_n3A_607 = arith.select %and3A_600, %sub3A_593, %add3A_606 : vector<16xi1>, vector<16xi32>
        %swap3A_608 = arith.constant 96 : index
        %swap3A_609 = tpu.vector_load %arg7[%swap3A_608] {strides = array<i32>} : memref<128xi32, #tpu.memory_space<vmem>>, vector<16xi32>,
        %swap3A_610 = vector.shape_cast %swap3A_609 : vector<16xi32> to vector<16xi32>
        %swap3A_611 = vector.shape_cast %select_n3A_607 : vector<16xi32> to vector<16xi32>
        tpu.vector_store %arg7[%swap3A_608], %swap3A_611 {strides = array<i32>} : memref<128xi32, #tpu.memory_space<vmem>>, vector<16xi32>,
        %get3A_612 = arith.constant 112 : index
        %get3A_613 = tpu.vector_load %arg7[%get3A_612] {strides = array<i32>} : memref<128xi32, #tpu.memory_space<vmem>>, vector<16xi32>,
        %get3A_614 = vector.shape_cast %get3A_613 : vector<16xi32> to vector<16xi32>
        %sub3A_615 = vector.broadcast %mul3A_0 : i32 to vector<16xi32>
        %sub3A_616 = arith.subi %get3A_614, %sub3A_615 : vector<16xi32>
        %ge3A_617 = arith.constant 0 : i32
        %ge3A_618 = vector.broadcast %ge3A_617 : i32 to vector<16xi32>
        %ge3A_619 = arith.cmpi sge, %sub3A_616, %ge3A_618 : vector<16xi32>
        %lt3A_620 = arith.constant 5000 : i32
        %lt3A_621 = vector.broadcast %lt3A_620 : i32 to vector<16xi32>
        %lt3A_622 = arith.cmpi slt, %sub3A_616, %lt3A_621 : vector<16xi32>
        %and3A_623 = arith.andi %ge3A_619, %lt3A_622 : vector<16xi1>
        %and3A_624 = arith.constant 7 : i32
        %and3A_625 = vector.broadcast %and3A_624 : i32 to vector<16xi32>
        %and3A_626 = arith.andi %get3A_614, %and3A_625 : vector<16xi32>
        %add3A_627 = arith.constant 5000 : i32
        %add3A_628 = vector.broadcast %add3A_627 : i32 to vector<16xi32>
        %add3A_629 = arith.addi %add3A_628, %and3A_626 : vector<16xi32>
        %select_n3A_630 = arith.select %and3A_623, %sub3A_616, %add3A_629 : vector<16xi1>, vector<16xi32>
        %swap3A_631 = arith.constant 112 : index
        %swap3A_632 = tpu.vector_load %arg7[%swap3A_631] {strides = array<i32>} : memref<128xi32, #tpu.memory_space<vmem>>, vector<16xi32>,
        %swap3A_633 = vector.shape_cast %swap3A_632 : vector<16xi32> to vector<16xi32>
        %swap3A_634 = vector.shape_cast %select_n3A_630 : vector<16xi32> to vector<16xi32>
        tpu.vector_store %arg7[%swap3A_631], %swap3A_634 {strides = array<i32>} : memref<128xi32, #tpu.memory_space<vmem>>, vector<16xi32>,
        %dma_start3A_635 = arith.constant 0 : i32
        %dma_start3A_636 = arith.constant 0 : i32
        %dma_start3A_637 = tpu.memref_slice %arg2[%dma_start3A_635, %dma_start3A_636] : memref<10000x128xf32, #tpu.memory_space<hbm>> -> memref<10000x128xf32, #tpu.memory_space<hbm>>
        tpu.enqueue_indirect_dma source(%dma_start3A_637 : memref<10000x128xf32, #tpu.memory_space<hbm>>) target(%arg8 : memref<128x128xf32, #tpu.memory_space<vmem>>) offsets(%arg6 : memref<128xi32, #tpu.memory_space<vmem>>) semaphore(%arg17 : memref<!tpu.dma_semaphore, #tpu.memory_space<semaphore_mem>>)
      } else {
      }
      %dma_wait3A_441 = arith.constant 0 : i32
      %dma_wait3A_442 = arith.constant 0 : i32
      %dma_wait3A_443 = tpu.memref_slice %arg2[%dma_wait3A_441, %dma_wait3A_442] : memref<10000x128xf32, #tpu.memory_space<hbm>> -> memref<10000x128xf32, #tpu.memory_space<hbm>>
      tpu.wait_indirect_dma semaphore(%arg18 : memref<!tpu.dma_semaphore, #tpu.memory_space<semaphore_mem>>) src(%dma_wait3A_443 : memref<10000x128xf32, #tpu.memory_space<hbm>>) dst(%arg11 : memref<128x128xf32, #tpu.memory_space<vmem>>)
      "tpu.region"() ({
        %run_scoped3A = tpu.sem_alloc : memref<!tpu.dma_semaphore, #tpu.memory_space<semaphore_mem>>
        %dma_start3A_444 = arith.constant 0 : i32
        %dma_start3A_445 = arith.constant 0 : i32
        %dma_start3A_446 = tpu.memref_slice %arg16[%dma_start3A_444, %dma_start3A_445] : memref<5008x128xf32, #tpu.memory_space<vmem_shared>> -> memref<5008x128xf32, #tpu.memory_space<vmem_shared>>
        tpu.enqueue_indirect_dma source(%arg11 : memref<128x128xf32, #tpu.memory_space<vmem>>) target(%dma_start3A_446 : memref<5008x128xf32, #tpu.memory_space<vmem_shared>>) offsets(%arg10 : memref<128xi32, #tpu.memory_space<vmem>>) semaphore(%run_scoped3A : memref<!tpu.dma_semaphore, #tpu.memory_space<semaphore_mem>>) {add = true}
        %dma_wait3A_447 = arith.constant 0 : i32
        %dma_wait3A_448 = arith.constant 0 : i32
        %dma_wait3A_449 = tpu.memref_slice %arg16[%dma_wait3A_447, %dma_wait3A_448] : memref<5008x128xf32, #tpu.memory_space<vmem_shared>> -> memref<5008x128xf32, #tpu.memory_space<vmem_shared>>
        tpu.wait_indirect_dma semaphore(%run_scoped3A : memref<!tpu.dma_semaphore, #tpu.memory_space<semaphore_mem>>) src(%arg11 : memref<128x128xf32, #tpu.memory_space<vmem>>) dst(%dma_wait3A_449 : memref<5008x128xf32, #tpu.memory_space<vmem_shared>>)
        tpu.yield
      }) : () -> ()
    }
    %scan3A_194 = arith.constant 39 : i32
    %add3A_195 = arith.constant 9984 : i32
    %add3A_196 = arith.addi %mul3A_8, %add3A_195 : i32
    "tpu.region"() ({
      %run_scoped3A = tpu.sem_alloc : memref<!tpu.dma_semaphore, #tpu.memory_space<semaphore_mem>>
      %dma_start3A_236 = tpu.memref_slice %arg3[%add3A_196] : memref<160000xi32, #tpu.memory_space<hbm>> -> memref<16xi32, #tpu.memory_space<hbm>>
      %dma_start3A_237 = tpu.memref_slice %arg3[%add3A_196] : memref<160000xi32, #tpu.memory_space<hbm>> -> memref<16xi32, #tpu.memory_space<hbm>>
      tpu.enqueue_dma source(%dma_start3A_237 : memref<16xi32, #tpu.memory_space<hbm>>) target(%arg12 : memref<16xi32, #tpu.memory_space<vmem>>) target_semaphore(%run_scoped3A : memref<!tpu.dma_semaphore, #tpu.memory_space<semaphore_mem>>)
      %dma_wait3A_238 = tpu.memref_slice %arg3[%add3A_196] : memref<160000xi32, #tpu.memory_space<hbm>> -> memref<16xi32, #tpu.memory_space<hbm>>
      %dma_wait3A_239 = tpu.memref_slice %arg3[%add3A_196] : memref<160000xi32, #tpu.memory_space<hbm>> -> memref<16xi32, #tpu.memory_space<hbm>>
      tpu.wait_dma2 semaphore(%run_scoped3A : memref<!tpu.dma_semaphore, #tpu.memory_space<semaphore_mem>>) src(%dma_wait3A_239 : memref<16xi32, #tpu.memory_space<hbm>>) dst(%arg12 : memref<16xi32, #tpu.memory_space<vmem>>)
      tpu.yield
    }) : () -> ()
    "tpu.region"() ({
      %run_scoped3A = tpu.sem_alloc : memref<!tpu.dma_semaphore, #tpu.memory_space<semaphore_mem>>
      %dma_start3A_236 = tpu.memref_slice %arg4[%add3A_196] : memref<160000xi32, #tpu.memory_space<hbm>> -> memref<16xi32, #tpu.memory_space<hbm>>
      %dma_start3A_237 = tpu.memref_slice %arg4[%add3A_196] : memref<160000xi32, #tpu.memory_space<hbm>> -> memref<16xi32, #tpu.memory_space<hbm>>
      tpu.enqueue_dma source(%dma_start3A_237 : memref<16xi32, #tpu.memory_space<hbm>>) target(%arg13 : memref<16xi32, #tpu.memory_space<vmem>>) target_semaphore(%run_scoped3A : memref<!tpu.dma_semaphore, #tpu.memory_space<semaphore_mem>>)
      %dma_wait3A_238 = tpu.memref_slice %arg4[%add3A_196] : memref<160000xi32, #tpu.memory_space<hbm>> -> memref<16xi32, #tpu.memory_space<hbm>>
      %dma_wait3A_239 = tpu.memref_slice %arg4[%add3A_196] : memref<160000xi32, #tpu.memory_space<hbm>> -> memref<16xi32, #tpu.memory_space<hbm>>
      tpu.wait_dma2 semaphore(%run_scoped3A : memref<!tpu.dma_semaphore, #tpu.memory_space<semaphore_mem>>) src(%dma_wait3A_239 : memref<16xi32, #tpu.memory_space<hbm>>) dst(%arg13 : memref<16xi32, #tpu.memory_space<vmem>>)
      tpu.yield
    }) : () -> ()
    %get3A_197 = arith.constant 0 : index
    %get3A_198 = tpu.vector_load %arg13[%get3A_197] {strides = array<i32>} : memref<16xi32, #tpu.memory_space<vmem>>, vector<16xi32>,
    %get3A_199 = vector.shape_cast %get3A_198 : vector<16xi32> to vector<16xi32>
    %sub3A_200 = vector.broadcast %mul3A_0 : i32 to vector<16xi32>
    %sub3A_201 = arith.subi %get3A_199, %sub3A_200 : vector<16xi32>
    %ge3A_202 = arith.constant 0 : i32
    %ge3A_203 = vector.broadcast %ge3A_202 : i32 to vector<16xi32>
    %ge3A_204 = arith.cmpi sge, %sub3A_201, %ge3A_203 : vector<16xi32>
    %lt3A_205 = arith.constant 5000 : i32
    %lt3A_206 = vector.broadcast %lt3A_205 : i32 to vector<16xi32>
    %lt3A_207 = arith.cmpi slt, %sub3A_201, %lt3A_206 : vector<16xi32>
    %and3A_208 = arith.andi %ge3A_204, %lt3A_207 : vector<16xi1>
    %and3A_209 = arith.constant 7 : i32
    %and3A_210 = vector.broadcast %and3A_209 : i32 to vector<16xi32>
    %and3A_211 = arith.andi %get3A_199, %and3A_210 : vector<16xi32>
    %add3A_212 = arith.constant 5000 : i32
    %add3A_213 = vector.broadcast %add3A_212 : i32 to vector<16xi32>
    %add3A_214 = arith.addi %add3A_213, %and3A_211 : vector<16xi32>
    %select_n3A_215 = arith.select %and3A_208, %sub3A_201, %add3A_214 : vector<16xi1>, vector<16xi32>
    %swap3A_216 = arith.constant 0 : index
    %swap3A_217 = tpu.vector_load %arg13[%swap3A_216] {strides = array<i32>} : memref<16xi32, #tpu.memory_space<vmem>>, vector<16xi32>,
    %swap3A_218 = vector.shape_cast %swap3A_217 : vector<16xi32> to vector<16xi32>
    %swap3A_219 = vector.shape_cast %select_n3A_215 : vector<16xi32> to vector<16xi32>
    tpu.vector_store %arg13[%swap3A_216], %swap3A_219 {strides = array<i32>} : memref<16xi32, #tpu.memory_space<vmem>>, vector<16xi32>,
    %dma_start3A_220 = arith.constant 0 : i32
    %dma_start3A_221 = arith.constant 0 : i32
    %dma_start3A_222 = tpu.memref_slice %arg2[%dma_start3A_220, %dma_start3A_221] : memref<10000x128xf32, #tpu.memory_space<hbm>> -> memref<10000x128xf32, #tpu.memory_space<hbm>>
    tpu.enqueue_indirect_dma source(%dma_start3A_222 : memref<10000x128xf32, #tpu.memory_space<hbm>>) target(%arg14 : memref<16x128xf32, #tpu.memory_space<vmem>>) offsets(%arg12 : memref<16xi32, #tpu.memory_space<vmem>>) semaphore(%arg17 : memref<!tpu.dma_semaphore, #tpu.memory_space<semaphore_mem>>)
    %dma_wait3A = arith.constant 0 : i32
    %dma_wait3A_223 = arith.constant 0 : i32
    %dma_wait3A_224 = tpu.memref_slice %arg2[%dma_wait3A, %dma_wait3A_223] : memref<10000x128xf32, #tpu.memory_space<hbm>> -> memref<10000x128xf32, #tpu.memory_space<hbm>>
    tpu.wait_indirect_dma semaphore(%arg17 : memref<!tpu.dma_semaphore, #tpu.memory_space<semaphore_mem>>) src(%dma_wait3A_224 : memref<10000x128xf32, #tpu.memory_space<hbm>>) dst(%arg14 : memref<16x128xf32, #tpu.memory_space<vmem>>)
    "tpu.region"() ({
      %run_scoped3A = tpu.sem_alloc : memref<!tpu.dma_semaphore, #tpu.memory_space<semaphore_mem>>
      %dma_start3A_236 = arith.constant 0 : i32
      %dma_start3A_237 = arith.constant 0 : i32
      %dma_start3A_238 = tpu.memref_slice %arg16[%dma_start3A_236, %dma_start3A_237] : memref<5008x128xf32, #tpu.memory_space<vmem_shared>> -> memref<5008x128xf32, #tpu.memory_space<vmem_shared>>
      tpu.enqueue_indirect_dma source(%arg14 : memref<16x128xf32, #tpu.memory_space<vmem>>) target(%dma_start3A_238 : memref<5008x128xf32, #tpu.memory_space<vmem_shared>>) offsets(%arg13 : memref<16xi32, #tpu.memory_space<vmem>>) semaphore(%run_scoped3A : memref<!tpu.dma_semaphore, #tpu.memory_space<semaphore_mem>>) {add = true}
      %dma_wait3A_239 = arith.constant 0 : i32
      %dma_wait3A_240 = arith.constant 0 : i32
      %dma_wait3A_241 = tpu.memref_slice %arg16[%dma_wait3A_239, %dma_wait3A_240] : memref<5008x128xf32, #tpu.memory_space<vmem_shared>> -> memref<5008x128xf32, #tpu.memory_space<vmem_shared>>
      tpu.wait_indirect_dma semaphore(%run_scoped3A : memref<!tpu.dma_semaphore, #tpu.memory_space<semaphore_mem>>) src(%arg14 : memref<16x128xf32, #tpu.memory_space<vmem>>) dst(%dma_wait3A_241 : memref<5008x128xf32, #tpu.memory_space<vmem_shared>>)
      tpu.yield
    }) : () -> ()
    %barrier3A_225 = arith.constant 0 : index
    tpu.barrier barrier_id(%barrier3A_225)
    %lt3A_226 = arith.constant 15 : i32
    %lt3A_227 = arith.cmpi slt, %arg1, %lt3A_226 : i32
    %convert_element_type3A_228 = arith.extui %lt3A_227 : i1 to i32
    %cond3A_229 = arith.constant 0 : i32
    %cond3A_230 = arith.cmpi ne, %convert_element_type3A_228, %cond3A_229 : i32
    scf.if %cond3A_230 {
      %mul3A_236 = arith.constant 320 : i32
      %mul3A_237 = arith.muli %arg1, %mul3A_236 : i32
      "tpu.region"() ({
        %run_scoped3A = tpu.sem_alloc : memref<!tpu.dma_semaphore, #tpu.memory_space<semaphore_mem>>
        %dma_start3A_241 = arith.constant 0 : i32
        %dma_start3A_242 = tpu.memref_slice %arg16[%mul3A_237, %dma_start3A_241] : memref<5008x128xf32, #tpu.memory_space<vmem_shared>> -> memref<320x128xf32, #tpu.memory_space<vmem_shared>>
        %dma_start3A_243 = arith.constant 0 : i32
        %dma_start3A_244 = tpu.memref_slice %arg16[%mul3A_237, %dma_start3A_243] : memref<5008x128xf32, #tpu.memory_space<vmem_shared>> -> memref<320x128xf32, #tpu.memory_space<vmem_shared>>
        tpu.enqueue_dma source(%dma_start3A_244 : memref<320x128xf32, #tpu.memory_space<vmem_shared>>) target(%arg15 : memref<320x128xf32, #tpu.memory_space<vmem>>) target_semaphore(%run_scoped3A : memref<!tpu.dma_semaphore, #tpu.memory_space<semaphore_mem>>)
        %dma_wait3A_245 = arith.constant 0 : i32
        %dma_wait3A_246 = tpu.memref_slice %arg16[%mul3A_237, %dma_wait3A_245] : memref<5008x128xf32, #tpu.memory_space<vmem_shared>> -> memref<320x128xf32, #tpu.memory_space<vmem_shared>>
        %dma_wait3A_247 = arith.constant 0 : i32
        %dma_wait3A_248 = tpu.memref_slice %arg16[%mul3A_237, %dma_wait3A_247] : memref<5008x128xf32, #tpu.memory_space<vmem_shared>> -> memref<320x128xf32, #tpu.memory_space<vmem_shared>>
        tpu.wait_dma2 semaphore(%run_scoped3A : memref<!tpu.dma_semaphore, #tpu.memory_space<semaphore_mem>>) src(%dma_wait3A_248 : memref<320x128xf32, #tpu.memory_space<vmem_shared>>) dst(%arg15 : memref<320x128xf32, #tpu.memory_space<vmem>>)
        tpu.yield
      }) : () -> ()
      %mul3A_238 = arith.constant 320 : i32
      %mul3A_239 = arith.muli %arg1, %mul3A_238 : i32
      %add3A_240 = arith.addi %mul3A_0, %mul3A_239 : i32
      "tpu.region"() ({
        %run_scoped3A = tpu.sem_alloc : memref<!tpu.dma_semaphore, #tpu.memory_space<semaphore_mem>>
        %dma_start3A_241 = arith.constant 0 : i32
        %dma_start3A_242 = tpu.memref_slice %arg5[%add3A_240, %dma_start3A_241] : memref<10000x128xf32, #tpu.memory_space<hbm>> -> memref<320x128xf32, #tpu.memory_space<hbm>>
        %dma_start3A_243 = arith.constant 0 : i32
        %dma_start3A_244 = tpu.memref_slice %arg5[%add3A_240, %dma_start3A_243] : memref<10000x128xf32, #tpu.memory_space<hbm>> -> memref<320x128xf32, #tpu.memory_space<hbm>>
        tpu.enqueue_dma source(%arg15 : memref<320x128xf32, #tpu.memory_space<vmem>>) target(%dma_start3A_244 : memref<320x128xf32, #tpu.memory_space<hbm>>) target_semaphore(%run_scoped3A : memref<!tpu.dma_semaphore, #tpu.memory_space<semaphore_mem>>)
        %dma_wait3A_245 = arith.constant 0 : i32
        %dma_wait3A_246 = tpu.memref_slice %arg5[%add3A_240, %dma_wait3A_245] : memref<10000x128xf32, #tpu.memory_space<hbm>> -> memref<320x128xf32, #tpu.memory_space<hbm>>
        %dma_wait3A_247 = arith.constant 0 : i32
        %dma_wait3A_248 = tpu.memref_slice %arg5[%add3A_240, %dma_wait3A_247] : memref<10000x128xf32, #tpu.memory_space<hbm>> -> memref<320x128xf32, #tpu.memory_space<hbm>>
        tpu.wait_dma2 semaphore(%run_scoped3A : memref<!tpu.dma_semaphore, #tpu.memory_space<semaphore_mem>>) src(%arg15 : memref<320x128xf32, #tpu.memory_space<vmem>>) dst(%dma_wait3A_248 : memref<320x128xf32, #tpu.memory_space<hbm>>)
        tpu.yield
      }) : () -> ()
    } else {
    }
    %eq3A_231 = arith.constant 15 : i32
    %eq3A_232 = arith.cmpi eq, %arg1, %eq3A_231 : i32
    %convert_element_type3A_233 = arith.extui %eq3A_232 : i1 to i32
    %cond3A_234 = arith.constant 0 : i32
    %cond3A_235 = arith.cmpi ne, %convert_element_type3A_233, %cond3A_234 : i32
    scf.if %cond3A_235 {
      "tpu.region"() ({
        %run_scoped3A = tpu.sem_alloc : memref<!tpu.dma_semaphore, #tpu.memory_space<semaphore_mem>>
        %dma_start3A_238 = arith.constant 0 : i32
        %dma_start3A_239 = arith.constant 0 : i32
        %dma_start3A_240 = tpu.memref_slice %arg15[%dma_start3A_238, %dma_start3A_239] : memref<320x128xf32, #tpu.memory_space<vmem>> -> memref<200x128xf32, #tpu.memory_space<vmem>>
        %dma_start3A_241 = arith.constant 4800 : i32
        %dma_start3A_242 = arith.constant 0 : i32
        %dma_start3A_243 = tpu.memref_slice %arg16[%dma_start3A_241, %dma_start3A_242] : memref<5008x128xf32, #tpu.memory_space<vmem_shared>> -> memref<200x128xf32, #tpu.memory_space<vmem_shared>>
        %dma_start3A_244 = arith.constant 0 : i32
        %dma_start3A_245 = arith.constant 0 : i32
        %dma_start3A_246 = tpu.memref_slice %arg15[%dma_start3A_244, %dma_start3A_245] : memref<320x128xf32, #tpu.memory_space<vmem>> -> memref<200x128xf32, #tpu.memory_space<vmem>>
        %dma_start3A_247 = arith.constant 4800 : i32
        %dma_start3A_248 = arith.constant 0 : i32
        %dma_start3A_249 = tpu.memref_slice %arg16[%dma_start3A_247, %dma_start3A_248] : memref<5008x128xf32, #tpu.memory_space<vmem_shared>> -> memref<200x128xf32, #tpu.memory_space<vmem_shared>>
        tpu.enqueue_dma source(%dma_start3A_249 : memref<200x128xf32, #tpu.memory_space<vmem_shared>>) target(%dma_start3A_246 : memref<200x128xf32, #tpu.memory_space<vmem>>) target_semaphore(%run_scoped3A : memref<!tpu.dma_semaphore, #tpu.memory_space<semaphore_mem>>)
        %dma_wait3A_250 = arith.constant 0 : i32
        %dma_wait3A_251 = arith.constant 0 : i32
        %dma_wait3A_252 = tpu.memref_slice %arg15[%dma_wait3A_250, %dma_wait3A_251] : memref<320x128xf32, #tpu.memory_space<vmem>> -> memref<200x128xf32, #tpu.memory_space<vmem>>
        %dma_wait3A_253 = arith.constant 4800 : i32
        %dma_wait3A_254 = arith.constant 0 : i32
        %dma_wait3A_255 = tpu.memref_slice %arg16[%dma_wait3A_253, %dma_wait3A_254] : memref<5008x128xf32, #tpu.memory_space<vmem_shared>> -> memref<200x128xf32, #tpu.memory_space<vmem_shared>>
        %dma_wait3A_256 = arith.constant 0 : i32
        %dma_wait3A_257 = arith.constant 0 : i32
        %dma_wait3A_258 = tpu.memref_slice %arg15[%dma_wait3A_256, %dma_wait3A_257] : memref<320x128xf32, #tpu.memory_space<vmem>> -> memref<200x128xf32, #tpu.memory_space<vmem>>
        %dma_wait3A_259 = arith.constant 4800 : i32
        %dma_wait3A_260 = arith.constant 0 : i32
        %dma_wait3A_261 = tpu.memref_slice %arg16[%dma_wait3A_259, %dma_wait3A_260] : memref<5008x128xf32, #tpu.memory_space<vmem_shared>> -> memref<200x128xf32, #tpu.memory_space<vmem_shared>>
        tpu.wait_dma2 semaphore(%run_scoped3A : memref<!tpu.dma_semaphore, #tpu.memory_space<semaphore_mem>>) src(%dma_wait3A_261 : memref<200x128xf32, #tpu.memory_space<vmem_shared>>) dst(%dma_wait3A_258 : memref<200x128xf32, #tpu.memory_space<vmem>>)
        tpu.yield
      }) : () -> ()
      %add3A_236 = arith.constant 4800 : i32
      %add3A_237 = arith.addi %mul3A_0, %add3A_236 : i32
      "tpu.region"() ({
        %run_scoped3A = tpu.sem_alloc : memref<!tpu.dma_semaphore, #tpu.memory_space<semaphore_mem>>
        %dma_start3A_238 = arith.constant 0 : i32
        %dma_start3A_239 = arith.constant 0 : i32
        %dma_start3A_240 = tpu.memref_slice %arg15[%dma_start3A_238, %dma_start3A_239] : memref<320x128xf32, #tpu.memory_space<vmem>> -> memref<200x128xf32, #tpu.memory_space<vmem>>
        %dma_start3A_241 = arith.constant 0 : i32
        %dma_start3A_242 = tpu.memref_slice %arg5[%add3A_237, %dma_start3A_241] : memref<10000x128xf32, #tpu.memory_space<hbm>> -> memref<200x128xf32, #tpu.memory_space<hbm>>
        %dma_start3A_243 = arith.constant 0 : i32
        %dma_start3A_244 = tpu.memref_slice %arg5[%add3A_237, %dma_start3A_243] : memref<10000x128xf32, #tpu.memory_space<hbm>> -> memref<200x128xf32, #tpu.memory_space<hbm>>
        %dma_start3A_245 = arith.constant 0 : i32
        %dma_start3A_246 = arith.constant 0 : i32
        %dma_start3A_247 = tpu.memref_slice %arg15[%dma_start3A_245, %dma_start3A_246] : memref<320x128xf32, #tpu.memory_space<vmem>> -> memref<200x128xf32, #tpu.memory_space<vmem>>
        tpu.enqueue_dma source(%dma_start3A_247 : memref<200x128xf32, #tpu.memory_space<vmem>>) target(%dma_start3A_244 : memref<200x128xf32, #tpu.memory_space<hbm>>) target_semaphore(%run_scoped3A : memref<!tpu.dma_semaphore, #tpu.memory_space<semaphore_mem>>)
        %dma_wait3A_248 = arith.constant 0 : i32
        %dma_wait3A_249 = arith.constant 0 : i32
        %dma_wait3A_250 = tpu.memref_slice %arg15[%dma_wait3A_248, %dma_wait3A_249] : memref<320x128xf32, #tpu.memory_space<vmem>> -> memref<200x128xf32, #tpu.memory_space<vmem>>
        %dma_wait3A_251 = arith.constant 0 : i32
        %dma_wait3A_252 = tpu.memref_slice %arg5[%add3A_237, %dma_wait3A_251] : memref<10000x128xf32, #tpu.memory_space<hbm>> -> memref<200x128xf32, #tpu.memory_space<hbm>>
        %dma_wait3A_253 = arith.constant 0 : i32
        %dma_wait3A_254 = tpu.memref_slice %arg5[%add3A_237, %dma_wait3A_253] : memref<10000x128xf32, #tpu.memory_space<hbm>> -> memref<200x128xf32, #tpu.memory_space<hbm>>
        %dma_wait3A_255 = arith.constant 0 : i32
        %dma_wait3A_256 = arith.constant 0 : i32
        %dma_wait3A_257 = tpu.memref_slice %arg15[%dma_wait3A_255, %dma_wait3A_256] : memref<320x128xf32, #tpu.memory_space<vmem>> -> memref<200x128xf32, #tpu.memory_space<vmem>>
        tpu.wait_dma2 semaphore(%run_scoped3A : memref<!tpu.dma_semaphore, #tpu.memory_space<semaphore_mem>>) src(%dma_wait3A_257 : memref<200x128xf32, #tpu.memory_space<vmem>>) dst(%dma_wait3A_254 : memref<200x128xf32, #tpu.memory_space<hbm>>)
        tpu.yield
      }) : () -> ()
    } else {
    }
    return
  }
}

#map = affine_map<(d0, d1) -> (0)>
module attributes {stable_mosaic.version = 14 : i64} {
  func.func @_hist_body(%arg0: i32, %arg1: i32, %arg2: memref<160000xi32, #tpu.memory_space<hbm>>, %arg3: memref<128xf32, #tpu.memory_space<hbm>>, %arg4: memref<20000xf32, #tpu.memory_space<hbm>>, %arg5: memref<128xi32, #tpu.memory_space<vmem>>, %arg6: memref<8xi32, #tpu.memory_space<vmem>>, %arg7: memref<128xf32, #tpu.memory_space<vmem>>, %arg8: memref<8xf32, #tpu.memory_space<vmem>>, %arg9: memref<640xf32, #tpu.memory_space<vmem>>, %arg10: memref<10000xf32, #tpu.memory_space<vmem_shared>>) attributes {dimension_semantics = [#tpu.dimension_semantics<core_parallel>, #tpu.dimension_semantics<subcore_parallel>], iteration_bounds = array<i64: 2, 16>, scalar_prefetch = 0 : i64, scratch_operands = 6 : i64, tpu.core_type = #tpu.core_type<sc_vector_subcore>, window_params = [{transform_indices = #map}, {transform_indices = #map}, {transform_indices = #map}]} {
    "tpu.region"() ({
      %run_scoped3A = tpu.sem_alloc : memref<!tpu.dma_semaphore, #tpu.memory_space<semaphore_mem>>
      tpu.enqueue_dma source(%arg3 : memref<128xf32, #tpu.memory_space<hbm>>) target(%arg7 : memref<128xf32, #tpu.memory_space<vmem>>) target_semaphore(%run_scoped3A : memref<!tpu.dma_semaphore, #tpu.memory_space<semaphore_mem>>)
      tpu.wait_dma2 semaphore(%run_scoped3A : memref<!tpu.dma_semaphore, #tpu.memory_space<semaphore_mem>>) src(%arg3 : memref<128xf32, #tpu.memory_space<hbm>>) dst(%arg7 : memref<128xf32, #tpu.memory_space<vmem>>)
      tpu.yield
    }) : () -> ()
    "tpu.region"() ({
      %run_scoped3A = tpu.sem_alloc : memref<!tpu.dma_semaphore, #tpu.memory_space<semaphore_mem>>
      %dma_start3A = arith.constant 0 : i32
      %dma_start3A_265 = tpu.memref_slice %arg3[%dma_start3A] : memref<128xf32, #tpu.memory_space<hbm>> -> memref<8xf32, #tpu.memory_space<hbm>>
      %dma_start3A_266 = arith.constant 0 : i32
      %dma_start3A_267 = tpu.memref_slice %arg3[%dma_start3A_266] : memref<128xf32, #tpu.memory_space<hbm>> -> memref<8xf32, #tpu.memory_space<hbm>>
      tpu.enqueue_dma source(%dma_start3A_267 : memref<8xf32, #tpu.memory_space<hbm>>) target(%arg8 : memref<8xf32, #tpu.memory_space<vmem>>) target_semaphore(%run_scoped3A : memref<!tpu.dma_semaphore, #tpu.memory_space<semaphore_mem>>)
      %dma_wait3A = arith.constant 0 : i32
      %dma_wait3A_268 = tpu.memref_slice %arg3[%dma_wait3A] : memref<128xf32, #tpu.memory_space<hbm>> -> memref<8xf32, #tpu.memory_space<hbm>>
      %dma_wait3A_269 = arith.constant 0 : i32
      %dma_wait3A_270 = tpu.memref_slice %arg3[%dma_wait3A_269] : memref<128xf32, #tpu.memory_space<hbm>> -> memref<8xf32, #tpu.memory_space<hbm>>
      tpu.wait_dma2 semaphore(%run_scoped3A : memref<!tpu.dma_semaphore, #tpu.memory_space<semaphore_mem>>) src(%dma_wait3A_270 : memref<8xf32, #tpu.memory_space<hbm>>) dst(%arg8 : memref<8xf32, #tpu.memory_space<vmem>>)
      tpu.yield
    }) : () -> ()
    %broadcast_in_dim3A = arith.constant 0.000000e+00 : f32
    %broadcast_in_dim3A_0 = vector.broadcast %broadcast_in_dim3A : f32 to vector<16xf32>
    %swap3A = arith.constant 0 : index
    %swap3A_1 = tpu.vector_load %arg9[%swap3A] {strides = array<i32>} : memref<640xf32, #tpu.memory_space<vmem>>, vector<16xf32>,
    %swap3A_2 = vector.shape_cast %swap3A_1 : vector<16xf32> to vector<16xf32>
    %swap3A_3 = vector.shape_cast %broadcast_in_dim3A_0 : vector<16xf32> to vector<16xf32>
    tpu.vector_store %arg9[%swap3A], %swap3A_3 {strides = array<i32>} : memref<640xf32, #tpu.memory_space<vmem>>, vector<16xf32>,
    %broadcast_in_dim3A_4 = arith.constant 0.000000e+00 : f32
    %broadcast_in_dim3A_5 = vector.broadcast %broadcast_in_dim3A_4 : f32 to vector<16xf32>
    %swap3A_6 = arith.constant 16 : index
    %swap3A_7 = tpu.vector_load %arg9[%swap3A_6] {strides = array<i32>} : memref<640xf32, #tpu.memory_space<vmem>>, vector<16xf32>,
    %swap3A_8 = vector.shape_cast %swap3A_7 : vector<16xf32> to vector<16xf32>
    %swap3A_9 = vector.shape_cast %broadcast_in_dim3A_5 : vector<16xf32> to vector<16xf32>
    tpu.vector_store %arg9[%swap3A_6], %swap3A_9 {strides = array<i32>} : memref<640xf32, #tpu.memory_space<vmem>>, vector<16xf32>,
    %broadcast_in_dim3A_10 = arith.constant 0.000000e+00 : f32
    %broadcast_in_dim3A_11 = vector.broadcast %broadcast_in_dim3A_10 : f32 to vector<16xf32>
    %swap3A_12 = arith.constant 32 : index
    %swap3A_13 = tpu.vector_load %arg9[%swap3A_12] {strides = array<i32>} : memref<640xf32, #tpu.memory_space<vmem>>, vector<16xf32>,
    %swap3A_14 = vector.shape_cast %swap3A_13 : vector<16xf32> to vector<16xf32>
    %swap3A_15 = vector.shape_cast %broadcast_in_dim3A_11 : vector<16xf32> to vector<16xf32>
    tpu.vector_store %arg9[%swap3A_12], %swap3A_15 {strides = array<i32>} : memref<640xf32, #tpu.memory_space<vmem>>, vector<16xf32>,
    %broadcast_in_dim3A_16 = arith.constant 0.000000e+00 : f32
    %broadcast_in_dim3A_17 = vector.broadcast %broadcast_in_dim3A_16 : f32 to vector<16xf32>
    %swap3A_18 = arith.constant 48 : index
    %swap3A_19 = tpu.vector_load %arg9[%swap3A_18] {strides = array<i32>} : memref<640xf32, #tpu.memory_space<vmem>>, vector<16xf32>,
    %swap3A_20 = vector.shape_cast %swap3A_19 : vector<16xf32> to vector<16xf32>
    %swap3A_21 = vector.shape_cast %broadcast_in_dim3A_17 : vector<16xf32> to vector<16xf32>
    tpu.vector_store %arg9[%swap3A_18], %swap3A_21 {strides = array<i32>} : memref<640xf32, #tpu.memory_space<vmem>>, vector<16xf32>,
    %broadcast_in_dim3A_22 = arith.constant 0.000000e+00 : f32
    %broadcast_in_dim3A_23 = vector.broadcast %broadcast_in_dim3A_22 : f32 to vector<16xf32>
    %swap3A_24 = arith.constant 64 : index
    %swap3A_25 = tpu.vector_load %arg9[%swap3A_24] {strides = array<i32>} : memref<640xf32, #tpu.memory_space<vmem>>, vector<16xf32>,
    %swap3A_26 = vector.shape_cast %swap3A_25 : vector<16xf32> to vector<16xf32>
    %swap3A_27 = vector.shape_cast %broadcast_in_dim3A_23 : vector<16xf32> to vector<16xf32>
    tpu.vector_store %arg9[%swap3A_24], %swap3A_27 {strides = array<i32>} : memref<640xf32, #tpu.memory_space<vmem>>, vector<16xf32>,
    %broadcast_in_dim3A_28 = arith.constant 0.000000e+00 : f32
    %broadcast_in_dim3A_29 = vector.broadcast %broadcast_in_dim3A_28 : f32 to vector<16xf32>
    %swap3A_30 = arith.constant 80 : index
    %swap3A_31 = tpu.vector_load %arg9[%swap3A_30] {strides = array<i32>} : memref<640xf32, #tpu.memory_space<vmem>>, vector<16xf32>,
    %swap3A_32 = vector.shape_cast %swap3A_31 : vector<16xf32> to vector<16xf32>
    %swap3A_33 = vector.shape_cast %broadcast_in_dim3A_29 : vector<16xf32> to vector<16xf32>
    tpu.vector_store %arg9[%swap3A_30], %swap3A_33 {strides = array<i32>} : memref<640xf32, #tpu.memory_space<vmem>>, vector<16xf32>,
    %broadcast_in_dim3A_34 = arith.constant 0.000000e+00 : f32
    %broadcast_in_dim3A_35 = vector.broadcast %broadcast_in_dim3A_34 : f32 to vector<16xf32>
    %swap3A_36 = arith.constant 96 : index
    %swap3A_37 = tpu.vector_load %arg9[%swap3A_36] {strides = array<i32>} : memref<640xf32, #tpu.memory_space<vmem>>, vector<16xf32>,
    %swap3A_38 = vector.shape_cast %swap3A_37 : vector<16xf32> to vector<16xf32>
    %swap3A_39 = vector.shape_cast %broadcast_in_dim3A_35 : vector<16xf32> to vector<16xf32>
    tpu.vector_store %arg9[%swap3A_36], %swap3A_39 {strides = array<i32>} : memref<640xf32, #tpu.memory_space<vmem>>, vector<16xf32>,
    %broadcast_in_dim3A_40 = arith.constant 0.000000e+00 : f32
    %broadcast_in_dim3A_41 = vector.broadcast %broadcast_in_dim3A_40 : f32 to vector<16xf32>
    %swap3A_42 = arith.constant 112 : index
    %swap3A_43 = tpu.vector_load %arg9[%swap3A_42] {strides = array<i32>} : memref<640xf32, #tpu.memory_space<vmem>>, vector<16xf32>,
    %swap3A_44 = vector.shape_cast %swap3A_43 : vector<16xf32> to vector<16xf32>
    %swap3A_45 = vector.shape_cast %broadcast_in_dim3A_41 : vector<16xf32> to vector<16xf32>
    tpu.vector_store %arg9[%swap3A_42], %swap3A_45 {strides = array<i32>} : memref<640xf32, #tpu.memory_space<vmem>>, vector<16xf32>,
    %broadcast_in_dim3A_46 = arith.constant 0.000000e+00 : f32
    %broadcast_in_dim3A_47 = vector.broadcast %broadcast_in_dim3A_46 : f32 to vector<16xf32>
    %swap3A_48 = arith.constant 128 : index
    %swap3A_49 = tpu.vector_load %arg9[%swap3A_48] {strides = array<i32>} : memref<640xf32, #tpu.memory_space<vmem>>, vector<16xf32>,
    %swap3A_50 = vector.shape_cast %swap3A_49 : vector<16xf32> to vector<16xf32>
    %swap3A_51 = vector.shape_cast %broadcast_in_dim3A_47 : vector<16xf32> to vector<16xf32>
    tpu.vector_store %arg9[%swap3A_48], %swap3A_51 {strides = array<i32>} : memref<640xf32, #tpu.memory_space<vmem>>, vector<16xf32>,
    %broadcast_in_dim3A_52 = arith.constant 0.000000e+00 : f32
    %broadcast_in_dim3A_53 = vector.broadcast %broadcast_in_dim3A_52 : f32 to vector<16xf32>
    %swap3A_54 = arith.constant 144 : index
    %swap3A_55 = tpu.vector_load %arg9[%swap3A_54] {strides = array<i32>} : memref<640xf32, #tpu.memory_space<vmem>>, vector<16xf32>,
    %swap3A_56 = vector.shape_cast %swap3A_55 : vector<16xf32> to vector<16xf32>
    %swap3A_57 = vector.shape_cast %broadcast_in_dim3A_53 : vector<16xf32> to vector<16xf32>
    tpu.vector_store %arg9[%swap3A_54], %swap3A_57 {strides = array<i32>} : memref<640xf32, #tpu.memory_space<vmem>>, vector<16xf32>,
    %broadcast_in_dim3A_58 = arith.constant 0.000000e+00 : f32
    %broadcast_in_dim3A_59 = vector.broadcast %broadcast_in_dim3A_58 : f32 to vector<16xf32>
    %swap3A_60 = arith.constant 160 : index
    %swap3A_61 = tpu.vector_load %arg9[%swap3A_60] {strides = array<i32>} : memref<640xf32, #tpu.memory_space<vmem>>, vector<16xf32>,
    %swap3A_62 = vector.shape_cast %swap3A_61 : vector<16xf32> to vector<16xf32>
    %swap3A_63 = vector.shape_cast %broadcast_in_dim3A_59 : vector<16xf32> to vector<16xf32>
    tpu.vector_store %arg9[%swap3A_60], %swap3A_63 {strides = array<i32>} : memref<640xf32, #tpu.memory_space<vmem>>, vector<16xf32>,
    %broadcast_in_dim3A_64 = arith.constant 0.000000e+00 : f32
    %broadcast_in_dim3A_65 = vector.broadcast %broadcast_in_dim3A_64 : f32 to vector<16xf32>
    %swap3A_66 = arith.constant 176 : index
    %swap3A_67 = tpu.vector_load %arg9[%swap3A_66] {strides = array<i32>} : memref<640xf32, #tpu.memory_space<vmem>>, vector<16xf32>,
    %swap3A_68 = vector.shape_cast %swap3A_67 : vector<16xf32> to vector<16xf32>
    %swap3A_69 = vector.shape_cast %broadcast_in_dim3A_65 : vector<16xf32> to vector<16xf32>
    tpu.vector_store %arg9[%swap3A_66], %swap3A_69 {strides = array<i32>} : memref<640xf32, #tpu.memory_space<vmem>>, vector<16xf32>,
    %broadcast_in_dim3A_70 = arith.constant 0.000000e+00 : f32
    %broadcast_in_dim3A_71 = vector.broadcast %broadcast_in_dim3A_70 : f32 to vector<16xf32>
    %swap3A_72 = arith.constant 192 : index
    %swap3A_73 = tpu.vector_load %arg9[%swap3A_72] {strides = array<i32>} : memref<640xf32, #tpu.memory_space<vmem>>, vector<16xf32>,
    %swap3A_74 = vector.shape_cast %swap3A_73 : vector<16xf32> to vector<16xf32>
    %swap3A_75 = vector.shape_cast %broadcast_in_dim3A_71 : vector<16xf32> to vector<16xf32>
    tpu.vector_store %arg9[%swap3A_72], %swap3A_75 {strides = array<i32>} : memref<640xf32, #tpu.memory_space<vmem>>, vector<16xf32>,
    %broadcast_in_dim3A_76 = arith.constant 0.000000e+00 : f32
    %broadcast_in_dim3A_77 = vector.broadcast %broadcast_in_dim3A_76 : f32 to vector<16xf32>
    %swap3A_78 = arith.constant 208 : index
    %swap3A_79 = tpu.vector_load %arg9[%swap3A_78] {strides = array<i32>} : memref<640xf32, #tpu.memory_space<vmem>>, vector<16xf32>,
    %swap3A_80 = vector.shape_cast %swap3A_79 : vector<16xf32> to vector<16xf32>
    %swap3A_81 = vector.shape_cast %broadcast_in_dim3A_77 : vector<16xf32> to vector<16xf32>
    tpu.vector_store %arg9[%swap3A_78], %swap3A_81 {strides = array<i32>} : memref<640xf32, #tpu.memory_space<vmem>>, vector<16xf32>,
    %broadcast_in_dim3A_82 = arith.constant 0.000000e+00 : f32
    %broadcast_in_dim3A_83 = vector.broadcast %broadcast_in_dim3A_82 : f32 to vector<16xf32>
    %swap3A_84 = arith.constant 224 : index
    %swap3A_85 = tpu.vector_load %arg9[%swap3A_84] {strides = array<i32>} : memref<640xf32, #tpu.memory_space<vmem>>, vector<16xf32>,
    %swap3A_86 = vector.shape_cast %swap3A_85 : vector<16xf32> to vector<16xf32>
    %swap3A_87 = vector.shape_cast %broadcast_in_dim3A_83 : vector<16xf32> to vector<16xf32>
    tpu.vector_store %arg9[%swap3A_84], %swap3A_87 {strides = array<i32>} : memref<640xf32, #tpu.memory_space<vmem>>, vector<16xf32>,
    %broadcast_in_dim3A_88 = arith.constant 0.000000e+00 : f32
    %broadcast_in_dim3A_89 = vector.broadcast %broadcast_in_dim3A_88 : f32 to vector<16xf32>
    %swap3A_90 = arith.constant 240 : index
    %swap3A_91 = tpu.vector_load %arg9[%swap3A_90] {strides = array<i32>} : memref<640xf32, #tpu.memory_space<vmem>>, vector<16xf32>,
    %swap3A_92 = vector.shape_cast %swap3A_91 : vector<16xf32> to vector<16xf32>
    %swap3A_93 = vector.shape_cast %broadcast_in_dim3A_89 : vector<16xf32> to vector<16xf32>
    tpu.vector_store %arg9[%swap3A_90], %swap3A_93 {strides = array<i32>} : memref<640xf32, #tpu.memory_space<vmem>>, vector<16xf32>,
    %broadcast_in_dim3A_94 = arith.constant 0.000000e+00 : f32
    %broadcast_in_dim3A_95 = vector.broadcast %broadcast_in_dim3A_94 : f32 to vector<16xf32>
    %swap3A_96 = arith.constant 256 : index
    %swap3A_97 = tpu.vector_load %arg9[%swap3A_96] {strides = array<i32>} : memref<640xf32, #tpu.memory_space<vmem>>, vector<16xf32>,
    %swap3A_98 = vector.shape_cast %swap3A_97 : vector<16xf32> to vector<16xf32>
    %swap3A_99 = vector.shape_cast %broadcast_in_dim3A_95 : vector<16xf32> to vector<16xf32>
    tpu.vector_store %arg9[%swap3A_96], %swap3A_99 {strides = array<i32>} : memref<640xf32, #tpu.memory_space<vmem>>, vector<16xf32>,
    %broadcast_in_dim3A_100 = arith.constant 0.000000e+00 : f32
    %broadcast_in_dim3A_101 = vector.broadcast %broadcast_in_dim3A_100 : f32 to vector<16xf32>
    %swap3A_102 = arith.constant 272 : index
    %swap3A_103 = tpu.vector_load %arg9[%swap3A_102] {strides = array<i32>} : memref<640xf32, #tpu.memory_space<vmem>>, vector<16xf32>,
    %swap3A_104 = vector.shape_cast %swap3A_103 : vector<16xf32> to vector<16xf32>
    %swap3A_105 = vector.shape_cast %broadcast_in_dim3A_101 : vector<16xf32> to vector<16xf32>
    tpu.vector_store %arg9[%swap3A_102], %swap3A_105 {strides = array<i32>} : memref<640xf32, #tpu.memory_space<vmem>>, vector<16xf32>,
    %broadcast_in_dim3A_106 = arith.constant 0.000000e+00 : f32
    %broadcast_in_dim3A_107 = vector.broadcast %broadcast_in_dim3A_106 : f32 to vector<16xf32>
    %swap3A_108 = arith.constant 288 : index
    %swap3A_109 = tpu.vector_load %arg9[%swap3A_108] {strides = array<i32>} : memref<640xf32, #tpu.memory_space<vmem>>, vector<16xf32>,
    %swap3A_110 = vector.shape_cast %swap3A_109 : vector<16xf32> to vector<16xf32>
    %swap3A_111 = vector.shape_cast %broadcast_in_dim3A_107 : vector<16xf32> to vector<16xf32>
    tpu.vector_store %arg9[%swap3A_108], %swap3A_111 {strides = array<i32>} : memref<640xf32, #tpu.memory_space<vmem>>, vector<16xf32>,
    %broadcast_in_dim3A_112 = arith.constant 0.000000e+00 : f32
    %broadcast_in_dim3A_113 = vector.broadcast %broadcast_in_dim3A_112 : f32 to vector<16xf32>
    %swap3A_114 = arith.constant 304 : index
    %swap3A_115 = tpu.vector_load %arg9[%swap3A_114] {strides = array<i32>} : memref<640xf32, #tpu.memory_space<vmem>>, vector<16xf32>,
    %swap3A_116 = vector.shape_cast %swap3A_115 : vector<16xf32> to vector<16xf32>
    %swap3A_117 = vector.shape_cast %broadcast_in_dim3A_113 : vector<16xf32> to vector<16xf32>
    tpu.vector_store %arg9[%swap3A_114], %swap3A_117 {strides = array<i32>} : memref<640xf32, #tpu.memory_space<vmem>>, vector<16xf32>,
    %broadcast_in_dim3A_118 = arith.constant 0.000000e+00 : f32
    %broadcast_in_dim3A_119 = vector.broadcast %broadcast_in_dim3A_118 : f32 to vector<16xf32>
    %swap3A_120 = arith.constant 320 : index
    %swap3A_121 = tpu.vector_load %arg9[%swap3A_120] {strides = array<i32>} : memref<640xf32, #tpu.memory_space<vmem>>, vector<16xf32>,
    %swap3A_122 = vector.shape_cast %swap3A_121 : vector<16xf32> to vector<16xf32>
    %swap3A_123 = vector.shape_cast %broadcast_in_dim3A_119 : vector<16xf32> to vector<16xf32>
    tpu.vector_store %arg9[%swap3A_120], %swap3A_123 {strides = array<i32>} : memref<640xf32, #tpu.memory_space<vmem>>, vector<16xf32>,
    %broadcast_in_dim3A_124 = arith.constant 0.000000e+00 : f32
    %broadcast_in_dim3A_125 = vector.broadcast %broadcast_in_dim3A_124 : f32 to vector<16xf32>
    %swap3A_126 = arith.constant 336 : index
    %swap3A_127 = tpu.vector_load %arg9[%swap3A_126] {strides = array<i32>} : memref<640xf32, #tpu.memory_space<vmem>>, vector<16xf32>,
    %swap3A_128 = vector.shape_cast %swap3A_127 : vector<16xf32> to vector<16xf32>
    %swap3A_129 = vector.shape_cast %broadcast_in_dim3A_125 : vector<16xf32> to vector<16xf32>
    tpu.vector_store %arg9[%swap3A_126], %swap3A_129 {strides = array<i32>} : memref<640xf32, #tpu.memory_space<vmem>>, vector<16xf32>,
    %broadcast_in_dim3A_130 = arith.constant 0.000000e+00 : f32
    %broadcast_in_dim3A_131 = vector.broadcast %broadcast_in_dim3A_130 : f32 to vector<16xf32>
    %swap3A_132 = arith.constant 352 : index
    %swap3A_133 = tpu.vector_load %arg9[%swap3A_132] {strides = array<i32>} : memref<640xf32, #tpu.memory_space<vmem>>, vector<16xf32>,
    %swap3A_134 = vector.shape_cast %swap3A_133 : vector<16xf32> to vector<16xf32>
    %swap3A_135 = vector.shape_cast %broadcast_in_dim3A_131 : vector<16xf32> to vector<16xf32>
    tpu.vector_store %arg9[%swap3A_132], %swap3A_135 {strides = array<i32>} : memref<640xf32, #tpu.memory_space<vmem>>, vector<16xf32>,
    %broadcast_in_dim3A_136 = arith.constant 0.000000e+00 : f32
    %broadcast_in_dim3A_137 = vector.broadcast %broadcast_in_dim3A_136 : f32 to vector<16xf32>
    %swap3A_138 = arith.constant 368 : index
    %swap3A_139 = tpu.vector_load %arg9[%swap3A_138] {strides = array<i32>} : memref<640xf32, #tpu.memory_space<vmem>>, vector<16xf32>,
    %swap3A_140 = vector.shape_cast %swap3A_139 : vector<16xf32> to vector<16xf32>
    %swap3A_141 = vector.shape_cast %broadcast_in_dim3A_137 : vector<16xf32> to vector<16xf32>
    tpu.vector_store %arg9[%swap3A_138], %swap3A_141 {strides = array<i32>} : memref<640xf32, #tpu.memory_space<vmem>>, vector<16xf32>,
    %broadcast_in_dim3A_142 = arith.constant 0.000000e+00 : f32
    %broadcast_in_dim3A_143 = vector.broadcast %broadcast_in_dim3A_142 : f32 to vector<16xf32>
    %swap3A_144 = arith.constant 384 : index
    %swap3A_145 = tpu.vector_load %arg9[%swap3A_144] {strides = array<i32>} : memref<640xf32, #tpu.memory_space<vmem>>, vector<16xf32>,
    %swap3A_146 = vector.shape_cast %swap3A_145 : vector<16xf32> to vector<16xf32>
    %swap3A_147 = vector.shape_cast %broadcast_in_dim3A_143 : vector<16xf32> to vector<16xf32>
    tpu.vector_store %arg9[%swap3A_144], %swap3A_147 {strides = array<i32>} : memref<640xf32, #tpu.memory_space<vmem>>, vector<16xf32>,
    %broadcast_in_dim3A_148 = arith.constant 0.000000e+00 : f32
    %broadcast_in_dim3A_149 = vector.broadcast %broadcast_in_dim3A_148 : f32 to vector<16xf32>
    %swap3A_150 = arith.constant 400 : index
    %swap3A_151 = tpu.vector_load %arg9[%swap3A_150] {strides = array<i32>} : memref<640xf32, #tpu.memory_space<vmem>>, vector<16xf32>,
    %swap3A_152 = vector.shape_cast %swap3A_151 : vector<16xf32> to vector<16xf32>
    %swap3A_153 = vector.shape_cast %broadcast_in_dim3A_149 : vector<16xf32> to vector<16xf32>
    tpu.vector_store %arg9[%swap3A_150], %swap3A_153 {strides = array<i32>} : memref<640xf32, #tpu.memory_space<vmem>>, vector<16xf32>,
    %broadcast_in_dim3A_154 = arith.constant 0.000000e+00 : f32
    %broadcast_in_dim3A_155 = vector.broadcast %broadcast_in_dim3A_154 : f32 to vector<16xf32>
    %swap3A_156 = arith.constant 416 : index
    %swap3A_157 = tpu.vector_load %arg9[%swap3A_156] {strides = array<i32>} : memref<640xf32, #tpu.memory_space<vmem>>, vector<16xf32>,
    %swap3A_158 = vector.shape_cast %swap3A_157 : vector<16xf32> to vector<16xf32>
    %swap3A_159 = vector.shape_cast %broadcast_in_dim3A_155 : vector<16xf32> to vector<16xf32>
    tpu.vector_store %arg9[%swap3A_156], %swap3A_159 {strides = array<i32>} : memref<640xf32, #tpu.memory_space<vmem>>, vector<16xf32>,
    %broadcast_in_dim3A_160 = arith.constant 0.000000e+00 : f32
    %broadcast_in_dim3A_161 = vector.broadcast %broadcast_in_dim3A_160 : f32 to vector<16xf32>
    %swap3A_162 = arith.constant 432 : index
    %swap3A_163 = tpu.vector_load %arg9[%swap3A_162] {strides = array<i32>} : memref<640xf32, #tpu.memory_space<vmem>>, vector<16xf32>,
    %swap3A_164 = vector.shape_cast %swap3A_163 : vector<16xf32> to vector<16xf32>
    %swap3A_165 = vector.shape_cast %broadcast_in_dim3A_161 : vector<16xf32> to vector<16xf32>
    tpu.vector_store %arg9[%swap3A_162], %swap3A_165 {strides = array<i32>} : memref<640xf32, #tpu.memory_space<vmem>>, vector<16xf32>,
    %broadcast_in_dim3A_166 = arith.constant 0.000000e+00 : f32
    %broadcast_in_dim3A_167 = vector.broadcast %broadcast_in_dim3A_166 : f32 to vector<16xf32>
    %swap3A_168 = arith.constant 448 : index
    %swap3A_169 = tpu.vector_load %arg9[%swap3A_168] {strides = array<i32>} : memref<640xf32, #tpu.memory_space<vmem>>, vector<16xf32>,
    %swap3A_170 = vector.shape_cast %swap3A_169 : vector<16xf32> to vector<16xf32>
    %swap3A_171 = vector.shape_cast %broadcast_in_dim3A_167 : vector<16xf32> to vector<16xf32>
    tpu.vector_store %arg9[%swap3A_168], %swap3A_171 {strides = array<i32>} : memref<640xf32, #tpu.memory_space<vmem>>, vector<16xf32>,
    %broadcast_in_dim3A_172 = arith.constant 0.000000e+00 : f32
    %broadcast_in_dim3A_173 = vector.broadcast %broadcast_in_dim3A_172 : f32 to vector<16xf32>
    %swap3A_174 = arith.constant 464 : index
    %swap3A_175 = tpu.vector_load %arg9[%swap3A_174] {strides = array<i32>} : memref<640xf32, #tpu.memory_space<vmem>>, vector<16xf32>,
    %swap3A_176 = vector.shape_cast %swap3A_175 : vector<16xf32> to vector<16xf32>
    %swap3A_177 = vector.shape_cast %broadcast_in_dim3A_173 : vector<16xf32> to vector<16xf32>
    tpu.vector_store %arg9[%swap3A_174], %swap3A_177 {strides = array<i32>} : memref<640xf32, #tpu.memory_space<vmem>>, vector<16xf32>,
    %broadcast_in_dim3A_178 = arith.constant 0.000000e+00 : f32
    %broadcast_in_dim3A_179 = vector.broadcast %broadcast_in_dim3A_178 : f32 to vector<16xf32>
    %swap3A_180 = arith.constant 480 : index
    %swap3A_181 = tpu.vector_load %arg9[%swap3A_180] {strides = array<i32>} : memref<640xf32, #tpu.memory_space<vmem>>, vector<16xf32>,
    %swap3A_182 = vector.shape_cast %swap3A_181 : vector<16xf32> to vector<16xf32>
    %swap3A_183 = vector.shape_cast %broadcast_in_dim3A_179 : vector<16xf32> to vector<16xf32>
    tpu.vector_store %arg9[%swap3A_180], %swap3A_183 {strides = array<i32>} : memref<640xf32, #tpu.memory_space<vmem>>, vector<16xf32>,
    %broadcast_in_dim3A_184 = arith.constant 0.000000e+00 : f32
    %broadcast_in_dim3A_185 = vector.broadcast %broadcast_in_dim3A_184 : f32 to vector<16xf32>
    %swap3A_186 = arith.constant 496 : index
    %swap3A_187 = tpu.vector_load %arg9[%swap3A_186] {strides = array<i32>} : memref<640xf32, #tpu.memory_space<vmem>>, vector<16xf32>,
    %swap3A_188 = vector.shape_cast %swap3A_187 : vector<16xf32> to vector<16xf32>
    %swap3A_189 = vector.shape_cast %broadcast_in_dim3A_185 : vector<16xf32> to vector<16xf32>
    tpu.vector_store %arg9[%swap3A_186], %swap3A_189 {strides = array<i32>} : memref<640xf32, #tpu.memory_space<vmem>>, vector<16xf32>,
    %broadcast_in_dim3A_190 = arith.constant 0.000000e+00 : f32
    %broadcast_in_dim3A_191 = vector.broadcast %broadcast_in_dim3A_190 : f32 to vector<16xf32>
    %swap3A_192 = arith.constant 512 : index
    %swap3A_193 = tpu.vector_load %arg9[%swap3A_192] {strides = array<i32>} : memref<640xf32, #tpu.memory_space<vmem>>, vector<16xf32>,
    %swap3A_194 = vector.shape_cast %swap3A_193 : vector<16xf32> to vector<16xf32>
    %swap3A_195 = vector.shape_cast %broadcast_in_dim3A_191 : vector<16xf32> to vector<16xf32>
    tpu.vector_store %arg9[%swap3A_192], %swap3A_195 {strides = array<i32>} : memref<640xf32, #tpu.memory_space<vmem>>, vector<16xf32>,
    %broadcast_in_dim3A_196 = arith.constant 0.000000e+00 : f32
    %broadcast_in_dim3A_197 = vector.broadcast %broadcast_in_dim3A_196 : f32 to vector<16xf32>
    %swap3A_198 = arith.constant 528 : index
    %swap3A_199 = tpu.vector_load %arg9[%swap3A_198] {strides = array<i32>} : memref<640xf32, #tpu.memory_space<vmem>>, vector<16xf32>,
    %swap3A_200 = vector.shape_cast %swap3A_199 : vector<16xf32> to vector<16xf32>
    %swap3A_201 = vector.shape_cast %broadcast_in_dim3A_197 : vector<16xf32> to vector<16xf32>
    tpu.vector_store %arg9[%swap3A_198], %swap3A_201 {strides = array<i32>} : memref<640xf32, #tpu.memory_space<vmem>>, vector<16xf32>,
    %broadcast_in_dim3A_202 = arith.constant 0.000000e+00 : f32
    %broadcast_in_dim3A_203 = vector.broadcast %broadcast_in_dim3A_202 : f32 to vector<16xf32>
    %swap3A_204 = arith.constant 544 : index
    %swap3A_205 = tpu.vector_load %arg9[%swap3A_204] {strides = array<i32>} : memref<640xf32, #tpu.memory_space<vmem>>, vector<16xf32>,
    %swap3A_206 = vector.shape_cast %swap3A_205 : vector<16xf32> to vector<16xf32>
    %swap3A_207 = vector.shape_cast %broadcast_in_dim3A_203 : vector<16xf32> to vector<16xf32>
    tpu.vector_store %arg9[%swap3A_204], %swap3A_207 {strides = array<i32>} : memref<640xf32, #tpu.memory_space<vmem>>, vector<16xf32>,
    %broadcast_in_dim3A_208 = arith.constant 0.000000e+00 : f32
    %broadcast_in_dim3A_209 = vector.broadcast %broadcast_in_dim3A_208 : f32 to vector<16xf32>
    %swap3A_210 = arith.constant 560 : index
    %swap3A_211 = tpu.vector_load %arg9[%swap3A_210] {strides = array<i32>} : memref<640xf32, #tpu.memory_space<vmem>>, vector<16xf32>,
    %swap3A_212 = vector.shape_cast %swap3A_211 : vector<16xf32> to vector<16xf32>
    %swap3A_213 = vector.shape_cast %broadcast_in_dim3A_209 : vector<16xf32> to vector<16xf32>
    tpu.vector_store %arg9[%swap3A_210], %swap3A_213 {strides = array<i32>} : memref<640xf32, #tpu.memory_space<vmem>>, vector<16xf32>,
    %broadcast_in_dim3A_214 = arith.constant 0.000000e+00 : f32
    %broadcast_in_dim3A_215 = vector.broadcast %broadcast_in_dim3A_214 : f32 to vector<16xf32>
    %swap3A_216 = arith.constant 576 : index
    %swap3A_217 = tpu.vector_load %arg9[%swap3A_216] {strides = array<i32>} : memref<640xf32, #tpu.memory_space<vmem>>, vector<16xf32>,
    %swap3A_218 = vector.shape_cast %swap3A_217 : vector<16xf32> to vector<16xf32>
    %swap3A_219 = vector.shape_cast %broadcast_in_dim3A_215 : vector<16xf32> to vector<16xf32>
    tpu.vector_store %arg9[%swap3A_216], %swap3A_219 {strides = array<i32>} : memref<640xf32, #tpu.memory_space<vmem>>, vector<16xf32>,
    %broadcast_in_dim3A_220 = arith.constant 0.000000e+00 : f32
    %broadcast_in_dim3A_221 = vector.broadcast %broadcast_in_dim3A_220 : f32 to vector<16xf32>
    %swap3A_222 = arith.constant 592 : index
    %swap3A_223 = tpu.vector_load %arg9[%swap3A_222] {strides = array<i32>} : memref<640xf32, #tpu.memory_space<vmem>>, vector<16xf32>,
    %swap3A_224 = vector.shape_cast %swap3A_223 : vector<16xf32> to vector<16xf32>
    %swap3A_225 = vector.shape_cast %broadcast_in_dim3A_221 : vector<16xf32> to vector<16xf32>
    tpu.vector_store %arg9[%swap3A_222], %swap3A_225 {strides = array<i32>} : memref<640xf32, #tpu.memory_space<vmem>>, vector<16xf32>,
    %broadcast_in_dim3A_226 = arith.constant 0.000000e+00 : f32
    %broadcast_in_dim3A_227 = vector.broadcast %broadcast_in_dim3A_226 : f32 to vector<16xf32>
    %swap3A_228 = arith.constant 608 : index
    %swap3A_229 = tpu.vector_load %arg9[%swap3A_228] {strides = array<i32>} : memref<640xf32, #tpu.memory_space<vmem>>, vector<16xf32>,
    %swap3A_230 = vector.shape_cast %swap3A_229 : vector<16xf32> to vector<16xf32>
    %swap3A_231 = vector.shape_cast %broadcast_in_dim3A_227 : vector<16xf32> to vector<16xf32>
    tpu.vector_store %arg9[%swap3A_228], %swap3A_231 {strides = array<i32>} : memref<640xf32, #tpu.memory_space<vmem>>, vector<16xf32>,
    %broadcast_in_dim3A_232 = arith.constant 0.000000e+00 : f32
    %broadcast_in_dim3A_233 = vector.broadcast %broadcast_in_dim3A_232 : f32 to vector<16xf32>
    %swap3A_234 = arith.constant 624 : index
    %swap3A_235 = tpu.vector_load %arg9[%swap3A_234] {strides = array<i32>} : memref<640xf32, #tpu.memory_space<vmem>>, vector<16xf32>,
    %swap3A_236 = vector.shape_cast %swap3A_235 : vector<16xf32> to vector<16xf32>
    %swap3A_237 = vector.shape_cast %broadcast_in_dim3A_233 : vector<16xf32> to vector<16xf32>
    tpu.vector_store %arg9[%swap3A_234], %swap3A_237 {strides = array<i32>} : memref<640xf32, #tpu.memory_space<vmem>>, vector<16xf32>,
    %lt3A = arith.constant 15 : i32
    %lt3A_238 = arith.cmpi slt, %arg1, %lt3A : i32
    %convert_element_type3A = arith.extui %lt3A_238 : i1 to i32
    %cond3A = arith.constant 0 : i32
    %cond3A_239 = arith.cmpi ne, %convert_element_type3A, %cond3A : i32
    scf.if %cond3A_239 {
      %mul3A_265 = arith.constant 640 : i32
      %mul3A_266 = arith.muli %arg1, %mul3A_265 : i32
      "tpu.region"() ({
        %run_scoped3A = tpu.sem_alloc : memref<!tpu.dma_semaphore, #tpu.memory_space<semaphore_mem>>
        %dma_start3A = tpu.memref_slice %arg10[%mul3A_266] : memref<10000xf32, #tpu.memory_space<vmem_shared>> -> memref<640xf32, #tpu.memory_space<vmem_shared>>
        %dma_start3A_267 = tpu.memref_slice %arg10[%mul3A_266] : memref<10000xf32, #tpu.memory_space<vmem_shared>> -> memref<640xf32, #tpu.memory_space<vmem_shared>>
        tpu.enqueue_dma source(%arg9 : memref<640xf32, #tpu.memory_space<vmem>>) target(%dma_start3A_267 : memref<640xf32, #tpu.memory_space<vmem_shared>>) target_semaphore(%run_scoped3A : memref<!tpu.dma_semaphore, #tpu.memory_space<semaphore_mem>>)
        %dma_wait3A = tpu.memref_slice %arg10[%mul3A_266] : memref<10000xf32, #tpu.memory_space<vmem_shared>> -> memref<640xf32, #tpu.memory_space<vmem_shared>>
        %dma_wait3A_268 = tpu.memref_slice %arg10[%mul3A_266] : memref<10000xf32, #tpu.memory_space<vmem_shared>> -> memref<640xf32, #tpu.memory_space<vmem_shared>>
        tpu.wait_dma2 semaphore(%run_scoped3A : memref<!tpu.dma_semaphore, #tpu.memory_space<semaphore_mem>>) src(%arg9 : memref<640xf32, #tpu.memory_space<vmem>>) dst(%dma_wait3A_268 : memref<640xf32, #tpu.memory_space<vmem_shared>>)
        tpu.yield
      }) : () -> ()
    } else {
    }
    %eq3A = arith.constant 15 : i32
    %eq3A_240 = arith.cmpi eq, %arg1, %eq3A : i32
    %convert_element_type3A_241 = arith.extui %eq3A_240 : i1 to i32
    %cond3A_242 = arith.constant 0 : i32
    %cond3A_243 = arith.cmpi ne, %convert_element_type3A_241, %cond3A_242 : i32
    scf.if %cond3A_243 {
      "tpu.region"() ({
        %run_scoped3A = tpu.sem_alloc : memref<!tpu.dma_semaphore, #tpu.memory_space<semaphore_mem>>
        %dma_start3A = arith.constant 0 : i32
        %dma_start3A_265 = tpu.memref_slice %arg9[%dma_start3A] : memref<640xf32, #tpu.memory_space<vmem>> -> memref<400xf32, #tpu.memory_space<vmem>>
        %dma_start3A_266 = arith.constant 9600 : i32
        %dma_start3A_267 = tpu.memref_slice %arg10[%dma_start3A_266] : memref<10000xf32, #tpu.memory_space<vmem_shared>> -> memref<400xf32, #tpu.memory_space<vmem_shared>>
        %dma_start3A_268 = arith.constant 9600 : i32
        %dma_start3A_269 = tpu.memref_slice %arg10[%dma_start3A_268] : memref<10000xf32, #tpu.memory_space<vmem_shared>> -> memref<400xf32, #tpu.memory_space<vmem_shared>>
        %dma_start3A_270 = arith.constant 0 : i32
        %dma_start3A_271 = tpu.memref_slice %arg9[%dma_start3A_270] : memref<640xf32, #tpu.memory_space<vmem>> -> memref<400xf32, #tpu.memory_space<vmem>>
        tpu.enqueue_dma source(%dma_start3A_271 : memref<400xf32, #tpu.memory_space<vmem>>) target(%dma_start3A_269 : memref<400xf32, #tpu.memory_space<vmem_shared>>) target_semaphore(%run_scoped3A : memref<!tpu.dma_semaphore, #tpu.memory_space<semaphore_mem>>)
        %dma_wait3A = arith.constant 0 : i32
        %dma_wait3A_272 = tpu.memref_slice %arg9[%dma_wait3A] : memref<640xf32, #tpu.memory_space<vmem>> -> memref<400xf32, #tpu.memory_space<vmem>>
        %dma_wait3A_273 = arith.constant 9600 : i32
        %dma_wait3A_274 = tpu.memref_slice %arg10[%dma_wait3A_273] : memref<10000xf32, #tpu.memory_space<vmem_shared>> -> memref<400xf32, #tpu.memory_space<vmem_shared>>
        %dma_wait3A_275 = arith.constant 9600 : i32
        %dma_wait3A_276 = tpu.memref_slice %arg10[%dma_wait3A_275] : memref<10000xf32, #tpu.memory_space<vmem_shared>> -> memref<400xf32, #tpu.memory_space<vmem_shared>>
        %dma_wait3A_277 = arith.constant 0 : i32
        %dma_wait3A_278 = tpu.memref_slice %arg9[%dma_wait3A_277] : memref<640xf32, #tpu.memory_space<vmem>> -> memref<400xf32, #tpu.memory_space<vmem>>
        tpu.wait_dma2 semaphore(%run_scoped3A : memref<!tpu.dma_semaphore, #tpu.memory_space<semaphore_mem>>) src(%dma_wait3A_278 : memref<400xf32, #tpu.memory_space<vmem>>) dst(%dma_wait3A_276 : memref<400xf32, #tpu.memory_space<vmem_shared>>)
        tpu.yield
      }) : () -> ()
    } else {
    }
    %barrier3A = arith.constant 0 : index
    tpu.barrier barrier_id(%barrier3A)
    %mul3A = arith.constant 2 : i32
    %mul3A_244 = arith.muli %arg1, %mul3A : i32
    %add3A = arith.addi %mul3A_244, %arg0 : i32
    %mul3A_245 = arith.constant 5000 : i32
    %mul3A_246 = arith.muli %add3A, %mul3A_245 : i32
    %scan3A = arith.constant 0 : i32
    %scan3A_247 = arith.constant 0 : i32
    %scan3A_248 = arith.constant 39 : i32
    %scan3A_249 = arith.addi %scan3A_247, %scan3A_248 : i32
    %scan3A_250 = arith.constant 1 : i32
    scf.for %scan3A_265 = %scan3A_247 to %scan3A_249 step %scan3A_250  : i32 {
      %mul3A_266 = arith.constant 128 : i32
      %mul3A_267 = arith.muli %scan3A_265, %mul3A_266 : i32
      %add3A_268 = arith.addi %mul3A_246, %mul3A_267 : i32
      "tpu.region"() ({
        %run_scoped3A = tpu.sem_alloc : memref<!tpu.dma_semaphore, #tpu.memory_space<semaphore_mem>>
        %dma_start3A = tpu.memref_slice %arg2[%add3A_268] : memref<160000xi32, #tpu.memory_space<hbm>> -> memref<128xi32, #tpu.memory_space<hbm>>
        %dma_start3A_269 = tpu.memref_slice %arg2[%add3A_268] : memref<160000xi32, #tpu.memory_space<hbm>> -> memref<128xi32, #tpu.memory_space<hbm>>
        tpu.enqueue_dma source(%dma_start3A_269 : memref<128xi32, #tpu.memory_space<hbm>>) target(%arg5 : memref<128xi32, #tpu.memory_space<vmem>>) target_semaphore(%run_scoped3A : memref<!tpu.dma_semaphore, #tpu.memory_space<semaphore_mem>>)
        %dma_wait3A = tpu.memref_slice %arg2[%add3A_268] : memref<160000xi32, #tpu.memory_space<hbm>> -> memref<128xi32, #tpu.memory_space<hbm>>
        %dma_wait3A_270 = tpu.memref_slice %arg2[%add3A_268] : memref<160000xi32, #tpu.memory_space<hbm>> -> memref<128xi32, #tpu.memory_space<hbm>>
        tpu.wait_dma2 semaphore(%run_scoped3A : memref<!tpu.dma_semaphore, #tpu.memory_space<semaphore_mem>>) src(%dma_wait3A_270 : memref<128xi32, #tpu.memory_space<hbm>>) dst(%arg5 : memref<128xi32, #tpu.memory_space<vmem>>)
        tpu.yield
      }) : () -> ()
      "tpu.region"() ({
        %run_scoped3A = tpu.sem_alloc : memref<!tpu.dma_semaphore, #tpu.memory_space<semaphore_mem>>
        %dma_start3A = arith.constant 0 : i32
        %dma_start3A_269 = tpu.memref_slice %arg10[%dma_start3A] : memref<10000xf32, #tpu.memory_space<vmem_shared>> -> memref<10000xf32, #tpu.memory_space<vmem_shared>>
        tpu.enqueue_indirect_dma source(%arg7 : memref<128xf32, #tpu.memory_space<vmem>>) target(%dma_start3A_269 : memref<10000xf32, #tpu.memory_space<vmem_shared>>) offsets(%arg5 : memref<128xi32, #tpu.memory_space<vmem>>) semaphore(%run_scoped3A : memref<!tpu.dma_semaphore, #tpu.memory_space<semaphore_mem>>) {add = true}
        %dma_wait3A = arith.constant 0 : i32
        %dma_wait3A_270 = tpu.memref_slice %arg10[%dma_wait3A] : memref<10000xf32, #tpu.memory_space<vmem_shared>> -> memref<10000xf32, #tpu.memory_space<vmem_shared>>
        tpu.wait_indirect_dma semaphore(%run_scoped3A : memref<!tpu.dma_semaphore, #tpu.memory_space<semaphore_mem>>) src(%arg7 : memref<128xf32, #tpu.memory_space<vmem>>) dst(%dma_wait3A_270 : memref<10000xf32, #tpu.memory_space<vmem_shared>>)
        tpu.yield
      }) : () -> ()
    }
    %scan3A_251 = arith.constant 39 : i32
    %add3A_252 = arith.constant 4992 : i32
    %add3A_253 = arith.addi %mul3A_246, %add3A_252 : i32
    "tpu.region"() ({
      %run_scoped3A = tpu.sem_alloc : memref<!tpu.dma_semaphore, #tpu.memory_space<semaphore_mem>>
      %dma_start3A = tpu.memref_slice %arg2[%add3A_253] : memref<160000xi32, #tpu.memory_space<hbm>> -> memref<8xi32, #tpu.memory_space<hbm>>
      %dma_start3A_265 = tpu.memref_slice %arg2[%add3A_253] : memref<160000xi32, #tpu.memory_space<hbm>> -> memref<8xi32, #tpu.memory_space<hbm>>
      tpu.enqueue_dma source(%dma_start3A_265 : memref<8xi32, #tpu.memory_space<hbm>>) target(%arg6 : memref<8xi32, #tpu.memory_space<vmem>>) target_semaphore(%run_scoped3A : memref<!tpu.dma_semaphore, #tpu.memory_space<semaphore_mem>>)
      %dma_wait3A = tpu.memref_slice %arg2[%add3A_253] : memref<160000xi32, #tpu.memory_space<hbm>> -> memref<8xi32, #tpu.memory_space<hbm>>
      %dma_wait3A_266 = tpu.memref_slice %arg2[%add3A_253] : memref<160000xi32, #tpu.memory_space<hbm>> -> memref<8xi32, #tpu.memory_space<hbm>>
      tpu.wait_dma2 semaphore(%run_scoped3A : memref<!tpu.dma_semaphore, #tpu.memory_space<semaphore_mem>>) src(%dma_wait3A_266 : memref<8xi32, #tpu.memory_space<hbm>>) dst(%arg6 : memref<8xi32, #tpu.memory_space<vmem>>)
      tpu.yield
    }) : () -> ()
    "tpu.region"() ({
      %run_scoped3A = tpu.sem_alloc : memref<!tpu.dma_semaphore, #tpu.memory_space<semaphore_mem>>
      %dma_start3A = arith.constant 0 : i32
      %dma_start3A_265 = tpu.memref_slice %arg10[%dma_start3A] : memref<10000xf32, #tpu.memory_space<vmem_shared>> -> memref<10000xf32, #tpu.memory_space<vmem_shared>>
      tpu.enqueue_indirect_dma source(%arg8 : memref<8xf32, #tpu.memory_space<vmem>>) target(%dma_start3A_265 : memref<10000xf32, #tpu.memory_space<vmem_shared>>) offsets(%arg6 : memref<8xi32, #tpu.memory_space<vmem>>) semaphore(%run_scoped3A : memref<!tpu.dma_semaphore, #tpu.memory_space<semaphore_mem>>) {add = true}
      %dma_wait3A = arith.constant 0 : i32
      %dma_wait3A_266 = tpu.memref_slice %arg10[%dma_wait3A] : memref<10000xf32, #tpu.memory_space<vmem_shared>> -> memref<10000xf32, #tpu.memory_space<vmem_shared>>
      tpu.wait_indirect_dma semaphore(%run_scoped3A : memref<!tpu.dma_semaphore, #tpu.memory_space<semaphore_mem>>) src(%arg8 : memref<8xf32, #tpu.memory_space<vmem>>) dst(%dma_wait3A_266 : memref<10000xf32, #tpu.memory_space<vmem_shared>>)
      tpu.yield
    }) : () -> ()
    %barrier3A_254 = arith.constant 0 : index
    tpu.barrier barrier_id(%barrier3A_254)
    %lt3A_255 = arith.constant 15 : i32
    %lt3A_256 = arith.cmpi slt, %arg1, %lt3A_255 : i32
    %convert_element_type3A_257 = arith.extui %lt3A_256 : i1 to i32
    %cond3A_258 = arith.constant 0 : i32
    %cond3A_259 = arith.cmpi ne, %convert_element_type3A_257, %cond3A_258 : i32
    scf.if %cond3A_259 {
      %mul3A_265 = arith.constant 640 : i32
      %mul3A_266 = arith.muli %arg1, %mul3A_265 : i32
      "tpu.region"() ({
        %run_scoped3A = tpu.sem_alloc : memref<!tpu.dma_semaphore, #tpu.memory_space<semaphore_mem>>
        %dma_start3A = tpu.memref_slice %arg10[%mul3A_266] : memref<10000xf32, #tpu.memory_space<vmem_shared>> -> memref<640xf32, #tpu.memory_space<vmem_shared>>
        %dma_start3A_272 = tpu.memref_slice %arg10[%mul3A_266] : memref<10000xf32, #tpu.memory_space<vmem_shared>> -> memref<640xf32, #tpu.memory_space<vmem_shared>>
        tpu.enqueue_dma source(%dma_start3A_272 : memref<640xf32, #tpu.memory_space<vmem_shared>>) target(%arg9 : memref<640xf32, #tpu.memory_space<vmem>>) target_semaphore(%run_scoped3A : memref<!tpu.dma_semaphore, #tpu.memory_space<semaphore_mem>>)
        %dma_wait3A = tpu.memref_slice %arg10[%mul3A_266] : memref<10000xf32, #tpu.memory_space<vmem_shared>> -> memref<640xf32, #tpu.memory_space<vmem_shared>>
        %dma_wait3A_273 = tpu.memref_slice %arg10[%mul3A_266] : memref<10000xf32, #tpu.memory_space<vmem_shared>> -> memref<640xf32, #tpu.memory_space<vmem_shared>>
        tpu.wait_dma2 semaphore(%run_scoped3A : memref<!tpu.dma_semaphore, #tpu.memory_space<semaphore_mem>>) src(%dma_wait3A_273 : memref<640xf32, #tpu.memory_space<vmem_shared>>) dst(%arg9 : memref<640xf32, #tpu.memory_space<vmem>>)
        tpu.yield
      }) : () -> ()
      %mul3A_267 = arith.constant 10000 : i32
      %mul3A_268 = arith.muli %arg0, %mul3A_267 : i32
      %mul3A_269 = arith.constant 640 : i32
      %mul3A_270 = arith.muli %arg1, %mul3A_269 : i32
      %add3A_271 = arith.addi %mul3A_268, %mul3A_270 : i32
      "tpu.region"() ({
        %run_scoped3A = tpu.sem_alloc : memref<!tpu.dma_semaphore, #tpu.memory_space<semaphore_mem>>
        %dma_start3A = tpu.memref_slice %arg4[%add3A_271] : memref<20000xf32, #tpu.memory_space<hbm>> -> memref<640xf32, #tpu.memory_space<hbm>>
        %dma_start3A_272 = tpu.memref_slice %arg4[%add3A_271] : memref<20000xf32, #tpu.memory_space<hbm>> -> memref<640xf32, #tpu.memory_space<hbm>>
        tpu.enqueue_dma source(%arg9 : memref<640xf32, #tpu.memory_space<vmem>>) target(%dma_start3A_272 : memref<640xf32, #tpu.memory_space<hbm>>) target_semaphore(%run_scoped3A : memref<!tpu.dma_semaphore, #tpu.memory_space<semaphore_mem>>)
        %dma_wait3A = tpu.memref_slice %arg4[%add3A_271] : memref<20000xf32, #tpu.memory_space<hbm>> -> memref<640xf32, #tpu.memory_space<hbm>>
        %dma_wait3A_273 = tpu.memref_slice %arg4[%add3A_271] : memref<20000xf32, #tpu.memory_space<hbm>> -> memref<640xf32, #tpu.memory_space<hbm>>
        tpu.wait_dma2 semaphore(%run_scoped3A : memref<!tpu.dma_semaphore, #tpu.memory_space<semaphore_mem>>) src(%arg9 : memref<640xf32, #tpu.memory_space<vmem>>) dst(%dma_wait3A_273 : memref<640xf32, #tpu.memory_space<hbm>>)
        tpu.yield
      }) : () -> ()
    } else {
    }
    %eq3A_260 = arith.constant 15 : i32
    %eq3A_261 = arith.cmpi eq, %arg1, %eq3A_260 : i32
    %convert_element_type3A_262 = arith.extui %eq3A_261 : i1 to i32
    %cond3A_263 = arith.constant 0 : i32
    %cond3A_264 = arith.cmpi ne, %convert_element_type3A_262, %cond3A_263 : i32
    scf.if %cond3A_264 {
      "tpu.region"() ({
        %run_scoped3A = tpu.sem_alloc : memref<!tpu.dma_semaphore, #tpu.memory_space<semaphore_mem>>
        %dma_start3A = arith.constant 0 : i32
        %dma_start3A_269 = tpu.memref_slice %arg9[%dma_start3A] : memref<640xf32, #tpu.memory_space<vmem>> -> memref<400xf32, #tpu.memory_space<vmem>>
        %dma_start3A_270 = arith.constant 9600 : i32
        %dma_start3A_271 = tpu.memref_slice %arg10[%dma_start3A_270] : memref<10000xf32, #tpu.memory_space<vmem_shared>> -> memref<400xf32, #tpu.memory_space<vmem_shared>>
        %dma_start3A_272 = arith.constant 0 : i32
        %dma_start3A_273 = tpu.memref_slice %arg9[%dma_start3A_272] : memref<640xf32, #tpu.memory_space<vmem>> -> memref<400xf32, #tpu.memory_space<vmem>>
        %dma_start3A_274 = arith.constant 9600 : i32
        %dma_start3A_275 = tpu.memref_slice %arg10[%dma_start3A_274] : memref<10000xf32, #tpu.memory_space<vmem_shared>> -> memref<400xf32, #tpu.memory_space<vmem_shared>>
        tpu.enqueue_dma source(%dma_start3A_275 : memref<400xf32, #tpu.memory_space<vmem_shared>>) target(%dma_start3A_273 : memref<400xf32, #tpu.memory_space<vmem>>) target_semaphore(%run_scoped3A : memref<!tpu.dma_semaphore, #tpu.memory_space<semaphore_mem>>)
        %dma_wait3A = arith.constant 0 : i32
        %dma_wait3A_276 = tpu.memref_slice %arg9[%dma_wait3A] : memref<640xf32, #tpu.memory_space<vmem>> -> memref<400xf32, #tpu.memory_space<vmem>>
        %dma_wait3A_277 = arith.constant 9600 : i32
        %dma_wait3A_278 = tpu.memref_slice %arg10[%dma_wait3A_277] : memref<10000xf32, #tpu.memory_space<vmem_shared>> -> memref<400xf32, #tpu.memory_space<vmem_shared>>
        %dma_wait3A_279 = arith.constant 0 : i32
        %dma_wait3A_280 = tpu.memref_slice %arg9[%dma_wait3A_279] : memref<640xf32, #tpu.memory_space<vmem>> -> memref<400xf32, #tpu.memory_space<vmem>>
        %dma_wait3A_281 = arith.constant 9600 : i32
        %dma_wait3A_282 = tpu.memref_slice %arg10[%dma_wait3A_281] : memref<10000xf32, #tpu.memory_space<vmem_shared>> -> memref<400xf32, #tpu.memory_space<vmem_shared>>
        tpu.wait_dma2 semaphore(%run_scoped3A : memref<!tpu.dma_semaphore, #tpu.memory_space<semaphore_mem>>) src(%dma_wait3A_282 : memref<400xf32, #tpu.memory_space<vmem_shared>>) dst(%dma_wait3A_280 : memref<400xf32, #tpu.memory_space<vmem>>)
        tpu.yield
      }) : () -> ()
      %mul3A_265 = arith.constant 10000 : i32
      %mul3A_266 = arith.muli %arg0, %mul3A_265 : i32
      %add3A_267 = arith.constant 9600 : i32
      %add3A_268 = arith.addi %mul3A_266, %add3A_267 : i32
      "tpu.region"() ({
        %run_scoped3A = tpu.sem_alloc : memref<!tpu.dma_semaphore, #tpu.memory_space<semaphore_mem>>
        %dma_start3A = arith.constant 0 : i32
        %dma_start3A_269 = tpu.memref_slice %arg9[%dma_start3A] : memref<640xf32, #tpu.memory_space<vmem>> -> memref<400xf32, #tpu.memory_space<vmem>>
        %dma_start3A_270 = tpu.memref_slice %arg4[%add3A_268] : memref<20000xf32, #tpu.memory_space<hbm>> -> memref<400xf32, #tpu.memory_space<hbm>>
        %dma_start3A_271 = tpu.memref_slice %arg4[%add3A_268] : memref<20000xf32, #tpu.memory_space<hbm>> -> memref<400xf32, #tpu.memory_space<hbm>>
        %dma_start3A_272 = arith.constant 0 : i32
        %dma_start3A_273 = tpu.memref_slice %arg9[%dma_start3A_272] : memref<640xf32, #tpu.memory_space<vmem>> -> memref<400xf32, #tpu.memory_space<vmem>>
        tpu.enqueue_dma source(%dma_start3A_273 : memref<400xf32, #tpu.memory_space<vmem>>) target(%dma_start3A_271 : memref<400xf32, #tpu.memory_space<hbm>>) target_semaphore(%run_scoped3A : memref<!tpu.dma_semaphore, #tpu.memory_space<semaphore_mem>>)
        %dma_wait3A = arith.constant 0 : i32
        %dma_wait3A_274 = tpu.memref_slice %arg9[%dma_wait3A] : memref<640xf32, #tpu.memory_space<vmem>> -> memref<400xf32, #tpu.memory_space<vmem>>
        %dma_wait3A_275 = tpu.memref_slice %arg4[%add3A_268] : memref<20000xf32, #tpu.memory_space<hbm>> -> memref<400xf32, #tpu.memory_space<hbm>>
        %dma_wait3A_276 = tpu.memref_slice %arg4[%add3A_268] : memref<20000xf32, #tpu.memory_space<hbm>> -> memref<400xf32, #tpu.memory_space<hbm>>
        %dma_wait3A_277 = arith.constant 0 : i32
        %dma_wait3A_278 = tpu.memref_slice %arg9[%dma_wait3A_277] : memref<640xf32, #tpu.memory_space<vmem>> -> memref<400xf32, #tpu.memory_space<vmem>>
        tpu.wait_dma2 semaphore(%run_scoped3A : memref<!tpu.dma_semaphore, #tpu.memory_space<semaphore_mem>>) src(%dma_wait3A_278 : memref<400xf32, #tpu.memory_space<vmem>>) dst(%dma_wait3A_276 : memref<400xf32, #tpu.memory_space<hbm>>)
        tpu.yield
      }) : () -> ()
    } else {
    }
    return
  }
}

module attributes {stable_mosaic.version = 14 : i64} {
  func.func @_kr_body(%arg0: memref<2x10000xf32, #tpu.memory_space<vmem>>, %arg1: memref<1x10000xf32, #tpu.memory_space<vmem>>) attributes {dimension_semantics = [], scalar_prefetch = 0 : i64, scratch_operands = 0 : i64, tpu.core_type = #tpu.core_type<tc>} {
    %get3A = arith.constant 0 : index
    %get3A_0 = arith.constant 0 : index
    %get3A_1 = vector.load %arg0[%get3A, %get3A_0] : memref<2x10000xf32, #tpu.memory_space<vmem>>, vector<1x10000xf32>
    %add3A = arith.constant 1.000000e+00 : f32
    %add3A_2 = vector.broadcast %add3A : f32 to vector<1x10000xf32>
    %add3A_3 = arith.addf %add3A_2, %get3A_1 : vector<1x10000xf32>
    %get3A_4 = arith.constant 1 : index
    %get3A_5 = arith.constant 0 : index
    %get3A_6 = vector.load %arg0[%get3A_4, %get3A_5] : memref<2x10000xf32, #tpu.memory_space<vmem>>, vector<1x10000xf32>
    %add3A_7 = arith.addf %add3A_3, %get3A_6 : vector<1x10000xf32>
    %rsqrt3A = math.rsqrt %add3A_7 : vector<1x10000xf32>
    %swap3A = arith.constant 0 : index
    %swap3A_8 = arith.constant 0 : index
    %swap3A_9 = vector.load %arg1[%swap3A, %swap3A_8] : memref<1x10000xf32, #tpu.memory_space<vmem>>, vector<1x10000xf32>
    tpu.vector_store %arg1[%swap3A, %swap3A_8], %rsqrt3A {strides = array<i32>} : memref<1x10000xf32, #tpu.memory_space<vmem>>, vector<1x10000xf32>,
    return
  }
}

module attributes {stable_mosaic.version = 14 : i64} {
  func.func @_kxs_body(%arg0: memref<10000x128xf32, #tpu.memory_space<vmem>>, %arg1: memref<10000x1xf32, #tpu.memory_space<vmem>>, %arg2: memref<10000x128xf32, #tpu.memory_space<vmem>>) attributes {dimension_semantics = [], scalar_prefetch = 0 : i64, scratch_operands = 0 : i64, tpu.core_type = #tpu.core_type<tc>} {
    %get3A = arith.constant 0 : index
    %get3A_0 = arith.constant 0 : index
    %get3A_1 = vector.load %arg0[%get3A, %get3A_0] : memref<10000x128xf32, #tpu.memory_space<vmem>>, vector<10000x128xf32>
    %get3A_2 = arith.constant 0 : index
    %get3A_3 = arith.constant 0 : index
    %get3A_4 = vector.load %arg1[%get3A_2, %get3A_3] : memref<10000x1xf32, #tpu.memory_space<vmem>>, vector<10000x1xf32>
    %mul3A = vector.broadcast %get3A_4 : vector<10000x1xf32> to vector<10000x128xf32>
    %mul3A_5 = arith.mulf %get3A_1, %mul3A : vector<10000x128xf32>
    %swap3A = arith.constant 0 : index
    %swap3A_6 = arith.constant 0 : index
    %swap3A_7 = vector.load %arg2[%swap3A, %swap3A_6] : memref<10000x128xf32, #tpu.memory_space<vmem>>, vector<10000x128xf32>
    tpu.vector_store %arg2[%swap3A, %swap3A_6], %mul3A_5 {strides = array<i32>} : memref<10000x128xf32, #tpu.memory_space<vmem>>, vector<10000x128xf32>,
    return
  }
}

module attributes {stable_mosaic.version = 14 : i64} {
  func.func @_kmid_body(%arg0: memref<10000x128xf32, #tpu.memory_space<vmem>>, %arg1: memref<10000x1xf32, #tpu.memory_space<vmem>>, %arg2: memref<1x256xf32, #tpu.memory_space<vmem>>, %arg3: memref<128x256xf32, #tpu.memory_space<vmem>>, %arg4: memref<256x128xf32, #tpu.memory_space<vmem>>, %arg5: memref<10000x128xf32, #tpu.memory_space<vmem>>) attributes {dimension_semantics = [], scalar_prefetch = 0 : i64, scratch_operands = 0 : i64, tpu.core_type = #tpu.core_type<tc>} {
    %get3A = arith.constant 0 : index
    %get3A_0 = arith.constant 0 : index
    %get3A_1 = vector.load %arg1[%get3A, %get3A_0] : memref<10000x1xf32, #tpu.memory_space<vmem>>, vector<10000x1xf32>
    %get3A_2 = arith.constant 0 : index
    %get3A_3 = arith.constant 0 : index
    %get3A_4 = vector.load %arg0[%get3A_2, %get3A_3] : memref<10000x128xf32, #tpu.memory_space<vmem>>, vector<10000x128xf32>
    %mul3A = vector.broadcast %get3A_1 : vector<10000x1xf32> to vector<10000x128xf32>
    %mul3A_5 = arith.mulf %get3A_4, %mul3A : vector<10000x128xf32>
    %get3A_6 = arith.constant 0 : index
    %get3A_7 = arith.constant 0 : index
    %get3A_8 = vector.load %arg3[%get3A_6, %get3A_7] : memref<128x256xf32, #tpu.memory_space<vmem>>, vector<128x256xf32>
    %dot_general3A = arith.constant dense<0.000000e+00> : vector<10000x256xf32>
    %dot_general3A_9 = tpu.matmul %mul3A_5, %get3A_8, %dot_general3A {dimension_numbers = #tpu.dot_dimension_numbers<[1], [0], [0], [1], [0, 0, 1, 1], [], []>, transpose_lhs_hint = false} : vector<10000x128xf32>, vector<128x256xf32>, vector<10000x256xf32> -> vector<10000x256xf32>
    %get3A_10 = arith.constant 0 : index
    %get3A_11 = arith.constant 0 : index
    %get3A_12 = vector.load %arg2[%get3A_10, %get3A_11] : memref<1x256xf32, #tpu.memory_space<vmem>>, vector<1x256xf32>
    %add3A = vector.broadcast %get3A_12 : vector<1x256xf32> to vector<10000x256xf32>
    %add3A_13 = arith.addf %dot_general3A_9, %add3A : vector<10000x256xf32>
    %get3A_14 = arith.constant 0 : index
    %get3A_15 = arith.constant 0 : index
    %get3A_16 = vector.load %arg4[%get3A_14, %get3A_15] : memref<256x128xf32, #tpu.memory_space<vmem>>, vector<256x128xf32>
    %dot_general3A_17 = arith.constant dense<0.000000e+00> : vector<10000x128xf32>
    %dot_general3A_18 = tpu.matmul %add3A_13, %get3A_16, %dot_general3A_17 {dimension_numbers = #tpu.dot_dimension_numbers<[1], [0], [0], [1], [0, 0, 1, 1], [], []>, transpose_lhs_hint = false} : vector<10000x256xf32>, vector<256x128xf32>, vector<10000x128xf32> -> vector<10000x128xf32>
    %mul3A_19 = vector.broadcast %get3A_1 : vector<10000x1xf32> to vector<10000x128xf32>
    %mul3A_20 = arith.mulf %dot_general3A_18, %mul3A_19 : vector<10000x128xf32>
    %swap3A = arith.constant 0 : index
    %swap3A_21 = arith.constant 0 : index
    %swap3A_22 = vector.load %arg5[%swap3A, %swap3A_21] : memref<10000x128xf32, #tpu.memory_space<vmem>>, vector<10000x128xf32>
    tpu.vector_store %arg5[%swap3A, %swap3A_21], %mul3A_20 {strides = array<i32>} : memref<10000x128xf32, #tpu.memory_space<vmem>>, vector<10000x128xf32>,
    return
  }
}

module attributes {stable_mosaic.version = 14 : i64} {
  func.func @_kne_body(%arg0: memref<10000x128xf32, #tpu.memory_space<vmem>>, %arg1: memref<10000x1xf32, #tpu.memory_space<vmem>>, %arg2: memref<1x128xf32, #tpu.memory_space<vmem>>, %arg3: memref<10000x128xf32, #tpu.memory_space<vmem>>) attributes {dimension_semantics = [], scalar_prefetch = 0 : i64, scratch_operands = 0 : i64, tpu.core_type = #tpu.core_type<tc>} {
    %get3A = arith.constant 0 : index
    %get3A_0 = arith.constant 0 : index
    %get3A_1 = vector.load %arg0[%get3A, %get3A_0] : memref<10000x128xf32, #tpu.memory_space<vmem>>, vector<10000x128xf32>
    %get3A_2 = arith.constant 0 : index
    %get3A_3 = arith.constant 0 : index
    %get3A_4 = vector.load %arg1[%get3A_2, %get3A_3] : memref<10000x1xf32, #tpu.memory_space<vmem>>, vector<10000x1xf32>
    %mul3A = vector.broadcast %get3A_4 : vector<10000x1xf32> to vector<10000x128xf32>
    %mul3A_5 = arith.mulf %get3A_1, %mul3A : vector<10000x128xf32>
    %get3A_6 = arith.constant 0 : index
    %get3A_7 = arith.constant 0 : index
    %get3A_8 = vector.load %arg2[%get3A_6, %get3A_7] : memref<1x128xf32, #tpu.memory_space<vmem>>, vector<1x128xf32>
    %add3A = vector.broadcast %get3A_8 : vector<1x128xf32> to vector<10000x128xf32>
    %add3A_9 = arith.addf %mul3A_5, %add3A : vector<10000x128xf32>
    %swap3A = arith.constant 0 : index
    %swap3A_10 = arith.constant 0 : index
    %swap3A_11 = vector.load %arg3[%swap3A, %swap3A_10] : memref<10000x128xf32, #tpu.memory_space<vmem>>, vector<10000x128xf32>
    tpu.vector_store %arg3[%swap3A, %swap3A_10], %add3A_9 {strides = array<i32>} : memref<10000x128xf32, #tpu.memory_space<vmem>>, vector<10000x128xf32>,
    return
  }
}

module attributes {stable_mosaic.version = 14 : i64} {
  func.func @_t1_body(%arg0: i32, %arg1: memref<1x199x128xf32, #tpu.memory_space<vmem>>, %arg2: memref<199x8xf32, #tpu.memory_space<vmem>>, %arg3: memref<1x1x199xi32, #tpu.memory_space<vmem>>, %arg4: memref<136x136xf32, #tpu.memory_space<vmem>>, %arg5: memref<136x136xf32, #tpu.memory_space<vmem>>, %arg6: memref<136x136xf32, #tpu.memory_space<vmem>>, %arg7: memref<136x136xf32, #tpu.memory_space<vmem>>, %arg8: memref<136x136xf32, #tpu.memory_space<vmem>>, %arg9: memref<1x136xf32, #tpu.memory_space<vmem>>, %arg10: memref<136x136xf32, #tpu.memory_space<vmem>>, %arg11: memref<1x136xf32, #tpu.memory_space<vmem>>, %arg12: memref<1x199x136xf32, #tpu.memory_space<vmem>>) attributes {dimension_semantics = [#tpu.dimension_semantics<arbitrary>], iteration_bounds = array<i64: 16>, scalar_prefetch = 0 : i64, scratch_operands = 0 : i64, tpu.core_type = #tpu.core_type<tc>, window_params = [{transform_indices = @transform_0, window_bounds = array<i64: 1, 199, 128>}, {pipeline_mode = #tpu.pipeline_mode<synchronous>, transform_indices = @transform_1, window_bounds = array<i64: 199, 8>}, {transform_indices = @transform_2, window_bounds = array<i64: 1, 1, 199>}, {pipeline_mode = #tpu.pipeline_mode<synchronous>, transform_indices = @transform_3, window_bounds = array<i64: 136, 136>}, {pipeline_mode = #tpu.pipeline_mode<synchronous>, transform_indices = @transform_4, window_bounds = array<i64: 136, 136>}, {pipeline_mode = #tpu.pipeline_mode<synchronous>, transform_indices = @transform_5, window_bounds = array<i64: 136, 136>}, {pipeline_mode = #tpu.pipeline_mode<synchronous>, transform_indices = @transform_6, window_bounds = array<i64: 136, 136>}, {pipeline_mode = #tpu.pipeline_mode<synchronous>, transform_indices = @transform_7, window_bounds = array<i64: 136, 136>}, {pipeline_mode = #tpu.pipeline_mode<synchronous>, transform_indices = @transform_8, window_bounds = array<i64: 1, 136>}, {pipeline_mode = #tpu.pipeline_mode<synchronous>, transform_indices = @transform_9, window_bounds = array<i64: 136, 136>}, {pipeline_mode = #tpu.pipeline_mode<synchronous>, transform_indices = @transform_10, window_bounds = array<i64: 1, 136>}, {transform_indices = @transform_11, window_bounds = array<i64: 1, 199, 136>}]} {
    %get3A = arith.constant 0 : index
    %get3A_0 = arith.constant 0 : index
    %get3A_1 = arith.constant 0 : index
    %get3A_2 = vector.load %arg1[%get3A, %get3A_0, %get3A_1] : memref<1x199x128xf32, #tpu.memory_space<vmem>>, vector<1x199x128xf32>
    %get3A_3 = vector.shape_cast %get3A_2 : vector<1x199x128xf32> to vector<199x128xf32>
    %get3A_4 = arith.constant 0 : index
    %get3A_5 = arith.constant 0 : index
    %get3A_6 = vector.load %arg2[%get3A_4, %get3A_5] : memref<199x8xf32, #tpu.memory_space<vmem>>, vector<199x8xf32>
    %concatenate3A = tpu.concatenate %get3A_3, %get3A_6 in 1 : vector<199x128xf32>, vector<199x8xf32> -> vector<199x136xf32>
    %get3A_7 = arith.constant 0 : index
    %get3A_8 = arith.constant 0 : index
    %get3A_9 = vector.load %arg4[%get3A_7, %get3A_8] : memref<136x136xf32, #tpu.memory_space<vmem>>, vector<136x136xf32>
    %dot_general3A = arith.constant dense<0.000000e+00> : vector<199x136xf32>
    %dot_general3A_10 = tpu.matmul %concatenate3A, %get3A_9, %dot_general3A {dimension_numbers = #tpu.dot_dimension_numbers<[1], [0], [0], [1], [0, 0, 1, 1], [], []>, transpose_lhs_hint = false} : vector<199x136xf32>, vector<136x136xf32>, vector<199x136xf32> -> vector<199x136xf32>
    %get3A_11 = arith.constant 0 : index
    %get3A_12 = arith.constant 0 : index
    %get3A_13 = vector.load %arg5[%get3A_11, %get3A_12] : memref<136x136xf32, #tpu.memory_space<vmem>>, vector<136x136xf32>
    %dot_general3A_14 = arith.constant dense<0.000000e+00> : vector<199x136xf32>
    %dot_general3A_15 = tpu.matmul %concatenate3A, %get3A_13, %dot_general3A_14 {dimension_numbers = #tpu.dot_dimension_numbers<[1], [0], [0], [1], [0, 0, 1, 1], [], []>, transpose_lhs_hint = false} : vector<199x136xf32>, vector<136x136xf32>, vector<199x136xf32> -> vector<199x136xf32>
    %get3A_16 = arith.constant 0 : index
    %get3A_17 = arith.constant 0 : index
    %get3A_18 = vector.load %arg6[%get3A_16, %get3A_17] : memref<136x136xf32, #tpu.memory_space<vmem>>, vector<136x136xf32>
    %dot_general3A_19 = arith.constant dense<0.000000e+00> : vector<199x136xf32>
    %dot_general3A_20 = tpu.matmul %concatenate3A, %get3A_18, %dot_general3A_19 {dimension_numbers = #tpu.dot_dimension_numbers<[1], [0], [0], [1], [0, 0, 1, 1], [], []>, transpose_lhs_hint = false} : vector<199x136xf32>, vector<136x136xf32>, vector<199x136xf32> -> vector<199x136xf32>
    %get3A_21 = arith.constant 0 : index
    %get3A_22 = arith.constant 0 : index
    %get3A_23 = arith.constant 0 : index
    %get3A_24 = vector.load %arg3[%get3A_21, %get3A_22, %get3A_23] : memref<1x1x199xi32, #tpu.memory_space<vmem>>, vector<1x1x199xi32>
    %get3A_25 = vector.shape_cast %get3A_24 : vector<1x1x199xi32> to vector<1x199xi32>
    %eq3A = arith.constant 0 : i32
    %eq3A_26 = vector.broadcast %eq3A : i32 to vector<1x199xi32>
    %eq3A_27 = arith.cmpi eq, %get3A_25, %eq3A_26 : vector<1x199xi32>
    %iota3A = tpu.iota {dimensions = array<i32: 0>} : vector<199x199xi32>
    %iota3A_28 = tpu.iota {dimensions = array<i32: 1>} : vector<199x199xi32>
    %le3A = arith.cmpi sle, %iota3A_28, %iota3A : vector<199x199xi32>
    %broadcast_in_dim3A = vector.shape_cast %eq3A_27 : vector<1x199xi1> to vector<1x199xi1>
    %broadcast_in_dim3A_29 = vector.broadcast %broadcast_in_dim3A : vector<1x199xi1> to vector<199x199xi1>
    %iota3A_30 = tpu.iota {dimensions = array<i32: 1>} : vector<1x136xi32>
    %broadcast_in_dim3A_31 = arith.constant 0.000000e+00 : f32
    %broadcast_in_dim3A_32 = vector.broadcast %broadcast_in_dim3A_31 : f32 to vector<199x136xf32>
    %ge3A = arith.constant 0 : i32
    %ge3A_33 = vector.broadcast %ge3A : i32 to vector<1x136xi32>
    %ge3A_34 = arith.cmpi sge, %iota3A_30, %ge3A_33 : vector<1x136xi32>
    %lt3A = arith.constant 17 : i32
    %lt3A_35 = vector.broadcast %lt3A : i32 to vector<1x136xi32>
    %lt3A_36 = arith.cmpi slt, %iota3A_30, %lt3A_35 : vector<1x136xi32>
    %and3A = arith.andi %ge3A_34, %lt3A_36 : vector<1x136xi1>
    %convert_element_type3A = arith.extui %and3A : vector<1x136xi1> to vector<1x136xi32>
    %convert_element_type3A_37 = arith.sitofp %convert_element_type3A : vector<1x136xi32> to vector<1x136xf32>
    %mul3A = vector.broadcast %convert_element_type3A_37 : vector<1x136xf32> to vector<199x136xf32>
    %mul3A_38 = arith.mulf %dot_general3A_10, %mul3A : vector<199x136xf32>
    %mul3A_39 = vector.broadcast %convert_element_type3A_37 : vector<1x136xf32> to vector<199x136xf32>
    %mul3A_40 = arith.mulf %dot_general3A_15, %mul3A_39 : vector<199x136xf32>
    %dot_general3A_41 = arith.constant dense<0.000000e+00> : vector<199x199xf32>
    %dot_general3A_42 = tpu.matmul %mul3A_38, %mul3A_40, %dot_general3A_41 {dimension_numbers = #tpu.dot_dimension_numbers<[1], [1], [0], [0], [0, 0, 1, 0], [], []>, transpose_lhs_hint = false} : vector<199x136xf32>, vector<199x136xf32>, vector<199x199xf32> -> vector<199x199xf32>
    %mul3A_43 = arith.constant 0.242535621 : f32
    %mul3A_44 = vector.broadcast %mul3A_43 : f32 to vector<199x199xf32>
    %mul3A_45 = arith.mulf %dot_general3A_42, %mul3A_44 : vector<199x199xf32>
    %jit3A = arith.constant -1.000000e+09 : f32
    %broadcast_in_dim3A_46 = vector.broadcast %jit3A : f32 to vector<199x199xf32>
    %select_n3A = arith.select %le3A, %mul3A_45, %broadcast_in_dim3A_46 : vector<199x199xi1>, vector<199x199xf32>
    %jit3A_47 = arith.constant -1.000000e+09 : f32
    %broadcast_in_dim3A_48 = vector.broadcast %jit3A_47 : f32 to vector<199x199xf32>
    %select_n3A_49 = arith.select %broadcast_in_dim3A_29, %broadcast_in_dim3A_48, %select_n3A : vector<199x199xi1>, vector<199x199xf32>
    %reduce_max3A = arith.constant dense<0xFF800000> : vector<199xf32>
    %reduce_max3A_50 = vector.multi_reduction <maximumf>, %select_n3A_49, %reduce_max3A [1] : vector<199x199xf32> to vector<199xf32>
    %broadcast_in_dim3A_51 = vector.shape_cast %reduce_max3A_50 : vector<199xf32> to vector<199x1xf32>
    %sub3A = vector.broadcast %broadcast_in_dim3A_51 : vector<199x1xf32> to vector<199x199xf32>
    %sub3A_52 = arith.subf %select_n3A_49, %sub3A : vector<199x199xf32>
    %exp3A = math.exp %sub3A_52 : vector<199x199xf32>
    %reduce_sum3A = arith.constant dense<0.000000e+00> : vector<199xf32>
    %reduce_sum3A_53 = vector.multi_reduction <add>, %exp3A, %reduce_sum3A [1] : vector<199x199xf32> to vector<199xf32>
    %broadcast_in_dim3A_54 = vector.shape_cast %reduce_sum3A_53 : vector<199xf32> to vector<199x1xf32>
    %div3A = vector.broadcast %broadcast_in_dim3A_54 : vector<199x1xf32> to vector<199x199xf32>
    %div3A_55 = arith.divf %exp3A, %div3A : vector<199x199xf32>
    %mul3A_56 = vector.broadcast %convert_element_type3A_37 : vector<1x136xf32> to vector<199x136xf32>
    %mul3A_57 = arith.mulf %dot_general3A_20, %mul3A_56 : vector<199x136xf32>
    %dot_general3A_58 = arith.constant dense<0.000000e+00> : vector<199x136xf32>
    %dot_general3A_59 = tpu.matmul %div3A_55, %mul3A_57, %dot_general3A_58 {dimension_numbers = #tpu.dot_dimension_numbers<[1], [0], [0], [1], [0, 0, 1, 1], [], []>, transpose_lhs_hint = false} : vector<199x199xf32>, vector<199x136xf32>, vector<199x136xf32> -> vector<199x136xf32>
    %add3A = arith.addf %broadcast_in_dim3A_32, %dot_general3A_59 : vector<199x136xf32>
    %ge3A_60 = arith.constant 17 : i32
    %ge3A_61 = vector.broadcast %ge3A_60 : i32 to vector<1x136xi32>
    %ge3A_62 = arith.cmpi sge, %iota3A_30, %ge3A_61 : vector<1x136xi32>
    %lt3A_63 = arith.constant 34 : i32
    %lt3A_64 = vector.broadcast %lt3A_63 : i32 to vector<1x136xi32>
    %lt3A_65 = arith.cmpi slt, %iota3A_30, %lt3A_64 : vector<1x136xi32>
    %and3A_66 = arith.andi %ge3A_62, %lt3A_65 : vector<1x136xi1>
    %convert_element_type3A_67 = arith.extui %and3A_66 : vector<1x136xi1> to vector<1x136xi32>
    %convert_element_type3A_68 = arith.sitofp %convert_element_type3A_67 : vector<1x136xi32> to vector<1x136xf32>
    %mul3A_69 = vector.broadcast %convert_element_type3A_68 : vector<1x136xf32> to vector<199x136xf32>
    %mul3A_70 = arith.mulf %dot_general3A_10, %mul3A_69 : vector<199x136xf32>
    %mul3A_71 = vector.broadcast %convert_element_type3A_68 : vector<1x136xf32> to vector<199x136xf32>
    %mul3A_72 = arith.mulf %dot_general3A_15, %mul3A_71 : vector<199x136xf32>
    %dot_general3A_73 = arith.constant dense<0.000000e+00> : vector<199x199xf32>
    %dot_general3A_74 = tpu.matmul %mul3A_70, %mul3A_72, %dot_general3A_73 {dimension_numbers = #tpu.dot_dimension_numbers<[1], [1], [0], [0], [0, 0, 1, 0], [], []>, transpose_lhs_hint = false} : vector<199x136xf32>, vector<199x136xf32>, vector<199x199xf32> -> vector<199x199xf32>
    %mul3A_75 = arith.constant 0.242535621 : f32
    %mul3A_76 = vector.broadcast %mul3A_75 : f32 to vector<199x199xf32>
    %mul3A_77 = arith.mulf %dot_general3A_74, %mul3A_76 : vector<199x199xf32>
    %jit3A_78 = arith.constant -1.000000e+09 : f32
    %broadcast_in_dim3A_79 = vector.broadcast %jit3A_78 : f32 to vector<199x199xf32>
    %select_n3A_80 = arith.select %le3A, %mul3A_77, %broadcast_in_dim3A_79 : vector<199x199xi1>, vector<199x199xf32>
    %jit3A_81 = arith.constant -1.000000e+09 : f32
    %broadcast_in_dim3A_82 = vector.broadcast %jit3A_81 : f32 to vector<199x199xf32>
    %select_n3A_83 = arith.select %broadcast_in_dim3A_29, %broadcast_in_dim3A_82, %select_n3A_80 : vector<199x199xi1>, vector<199x199xf32>
    %reduce_max3A_84 = arith.constant dense<0xFF800000> : vector<199xf32>
    %reduce_max3A_85 = vector.multi_reduction <maximumf>, %select_n3A_83, %reduce_max3A_84 [1] : vector<199x199xf32> to vector<199xf32>
    %broadcast_in_dim3A_86 = vector.shape_cast %reduce_max3A_85 : vector<199xf32> to vector<199x1xf32>
    %sub3A_87 = vector.broadcast %broadcast_in_dim3A_86 : vector<199x1xf32> to vector<199x199xf32>
    %sub3A_88 = arith.subf %select_n3A_83, %sub3A_87 : vector<199x199xf32>
    %exp3A_89 = math.exp %sub3A_88 : vector<199x199xf32>
    %reduce_sum3A_90 = arith.constant dense<0.000000e+00> : vector<199xf32>
    %reduce_sum3A_91 = vector.multi_reduction <add>, %exp3A_89, %reduce_sum3A_90 [1] : vector<199x199xf32> to vector<199xf32>
    %broadcast_in_dim3A_92 = vector.shape_cast %reduce_sum3A_91 : vector<199xf32> to vector<199x1xf32>
    %div3A_93 = vector.broadcast %broadcast_in_dim3A_92 : vector<199x1xf32> to vector<199x199xf32>
    %div3A_94 = arith.divf %exp3A_89, %div3A_93 : vector<199x199xf32>
    %mul3A_95 = vector.broadcast %convert_element_type3A_68 : vector<1x136xf32> to vector<199x136xf32>
    %mul3A_96 = arith.mulf %dot_general3A_20, %mul3A_95 : vector<199x136xf32>
    %dot_general3A_97 = arith.constant dense<0.000000e+00> : vector<199x136xf32>
    %dot_general3A_98 = tpu.matmul %div3A_94, %mul3A_96, %dot_general3A_97 {dimension_numbers = #tpu.dot_dimension_numbers<[1], [0], [0], [1], [0, 0, 1, 1], [], []>, transpose_lhs_hint = false} : vector<199x199xf32>, vector<199x136xf32>, vector<199x136xf32> -> vector<199x136xf32>
    %add3A_99 = arith.addf %add3A, %dot_general3A_98 : vector<199x136xf32>
    %ge3A_100 = arith.constant 34 : i32
    %ge3A_101 = vector.broadcast %ge3A_100 : i32 to vector<1x136xi32>
    %ge3A_102 = arith.cmpi sge, %iota3A_30, %ge3A_101 : vector<1x136xi32>
    %lt3A_103 = arith.constant 51 : i32
    %lt3A_104 = vector.broadcast %lt3A_103 : i32 to vector<1x136xi32>
    %lt3A_105 = arith.cmpi slt, %iota3A_30, %lt3A_104 : vector<1x136xi32>
    %and3A_106 = arith.andi %ge3A_102, %lt3A_105 : vector<1x136xi1>
    %convert_element_type3A_107 = arith.extui %and3A_106 : vector<1x136xi1> to vector<1x136xi32>
    %convert_element_type3A_108 = arith.sitofp %convert_element_type3A_107 : vector<1x136xi32> to vector<1x136xf32>
    %mul3A_109 = vector.broadcast %convert_element_type3A_108 : vector<1x136xf32> to vector<199x136xf32>
    %mul3A_110 = arith.mulf %dot_general3A_10, %mul3A_109 : vector<199x136xf32>
    %mul3A_111 = vector.broadcast %convert_element_type3A_108 : vector<1x136xf32> to vector<199x136xf32>
    %mul3A_112 = arith.mulf %dot_general3A_15, %mul3A_111 : vector<199x136xf32>
    %dot_general3A_113 = arith.constant dense<0.000000e+00> : vector<199x199xf32>
    %dot_general3A_114 = tpu.matmul %mul3A_110, %mul3A_112, %dot_general3A_113 {dimension_numbers = #tpu.dot_dimension_numbers<[1], [1], [0], [0], [0, 0, 1, 0], [], []>, transpose_lhs_hint = false} : vector<199x136xf32>, vector<199x136xf32>, vector<199x199xf32> -> vector<199x199xf32>
    %mul3A_115 = arith.constant 0.242535621 : f32
    %mul3A_116 = vector.broadcast %mul3A_115 : f32 to vector<199x199xf32>
    %mul3A_117 = arith.mulf %dot_general3A_114, %mul3A_116 : vector<199x199xf32>
    %jit3A_118 = arith.constant -1.000000e+09 : f32
    %broadcast_in_dim3A_119 = vector.broadcast %jit3A_118 : f32 to vector<199x199xf32>
    %select_n3A_120 = arith.select %le3A, %mul3A_117, %broadcast_in_dim3A_119 : vector<199x199xi1>, vector<199x199xf32>
    %jit3A_121 = arith.constant -1.000000e+09 : f32
    %broadcast_in_dim3A_122 = vector.broadcast %jit3A_121 : f32 to vector<199x199xf32>
    %select_n3A_123 = arith.select %broadcast_in_dim3A_29, %broadcast_in_dim3A_122, %select_n3A_120 : vector<199x199xi1>, vector<199x199xf32>
    %reduce_max3A_124 = arith.constant dense<0xFF800000> : vector<199xf32>
    %reduce_max3A_125 = vector.multi_reduction <maximumf>, %select_n3A_123, %reduce_max3A_124 [1] : vector<199x199xf32> to vector<199xf32>
    %broadcast_in_dim3A_126 = vector.shape_cast %reduce_max3A_125 : vector<199xf32> to vector<199x1xf32>
    %sub3A_127 = vector.broadcast %broadcast_in_dim3A_126 : vector<199x1xf32> to vector<199x199xf32>
    %sub3A_128 = arith.subf %select_n3A_123, %sub3A_127 : vector<199x199xf32>
    %exp3A_129 = math.exp %sub3A_128 : vector<199x199xf32>
    %reduce_sum3A_130 = arith.constant dense<0.000000e+00> : vector<199xf32>
    %reduce_sum3A_131 = vector.multi_reduction <add>, %exp3A_129, %reduce_sum3A_130 [1] : vector<199x199xf32> to vector<199xf32>
    %broadcast_in_dim3A_132 = vector.shape_cast %reduce_sum3A_131 : vector<199xf32> to vector<199x1xf32>
    %div3A_133 = vector.broadcast %broadcast_in_dim3A_132 : vector<199x1xf32> to vector<199x199xf32>
    %div3A_134 = arith.divf %exp3A_129, %div3A_133 : vector<199x199xf32>
    %mul3A_135 = vector.broadcast %convert_element_type3A_108 : vector<1x136xf32> to vector<199x136xf32>
    %mul3A_136 = arith.mulf %dot_general3A_20, %mul3A_135 : vector<199x136xf32>
    %dot_general3A_137 = arith.constant dense<0.000000e+00> : vector<199x136xf32>
    %dot_general3A_138 = tpu.matmul %div3A_134, %mul3A_136, %dot_general3A_137 {dimension_numbers = #tpu.dot_dimension_numbers<[1], [0], [0], [1], [0, 0, 1, 1], [], []>, transpose_lhs_hint = false} : vector<199x199xf32>, vector<199x136xf32>, vector<199x136xf32> -> vector<199x136xf32>
    %add3A_139 = arith.addf %add3A_99, %dot_general3A_138 : vector<199x136xf32>
    %ge3A_140 = arith.constant 51 : i32
    %ge3A_141 = vector.broadcast %ge3A_140 : i32 to vector<1x136xi32>
    %ge3A_142 = arith.cmpi sge, %iota3A_30, %ge3A_141 : vector<1x136xi32>
    %lt3A_143 = arith.constant 68 : i32
    %lt3A_144 = vector.broadcast %lt3A_143 : i32 to vector<1x136xi32>
    %lt3A_145 = arith.cmpi slt, %iota3A_30, %lt3A_144 : vector<1x136xi32>
    %and3A_146 = arith.andi %ge3A_142, %lt3A_145 : vector<1x136xi1>
    %convert_element_type3A_147 = arith.extui %and3A_146 : vector<1x136xi1> to vector<1x136xi32>
    %convert_element_type3A_148 = arith.sitofp %convert_element_type3A_147 : vector<1x136xi32> to vector<1x136xf32>
    %mul3A_149 = vector.broadcast %convert_element_type3A_148 : vector<1x136xf32> to vector<199x136xf32>
    %mul3A_150 = arith.mulf %dot_general3A_10, %mul3A_149 : vector<199x136xf32>
    %mul3A_151 = vector.broadcast %convert_element_type3A_148 : vector<1x136xf32> to vector<199x136xf32>
    %mul3A_152 = arith.mulf %dot_general3A_15, %mul3A_151 : vector<199x136xf32>
    %dot_general3A_153 = arith.constant dense<0.000000e+00> : vector<199x199xf32>
    %dot_general3A_154 = tpu.matmul %mul3A_150, %mul3A_152, %dot_general3A_153 {dimension_numbers = #tpu.dot_dimension_numbers<[1], [1], [0], [0], [0, 0, 1, 0], [], []>, transpose_lhs_hint = false} : vector<199x136xf32>, vector<199x136xf32>, vector<199x199xf32> -> vector<199x199xf32>
    %mul3A_155 = arith.constant 0.242535621 : f32
    %mul3A_156 = vector.broadcast %mul3A_155 : f32 to vector<199x199xf32>
    %mul3A_157 = arith.mulf %dot_general3A_154, %mul3A_156 : vector<199x199xf32>
    %jit3A_158 = arith.constant -1.000000e+09 : f32
    %broadcast_in_dim3A_159 = vector.broadcast %jit3A_158 : f32 to vector<199x199xf32>
    %select_n3A_160 = arith.select %le3A, %mul3A_157, %broadcast_in_dim3A_159 : vector<199x199xi1>, vector<199x199xf32>
    %jit3A_161 = arith.constant -1.000000e+09 : f32
    %broadcast_in_dim3A_162 = vector.broadcast %jit3A_161 : f32 to vector<199x199xf32>
    %select_n3A_163 = arith.select %broadcast_in_dim3A_29, %broadcast_in_dim3A_162, %select_n3A_160 : vector<199x199xi1>, vector<199x199xf32>
    %reduce_max3A_164 = arith.constant dense<0xFF800000> : vector<199xf32>
    %reduce_max3A_165 = vector.multi_reduction <maximumf>, %select_n3A_163, %reduce_max3A_164 [1] : vector<199x199xf32> to vector<199xf32>
    %broadcast_in_dim3A_166 = vector.shape_cast %reduce_max3A_165 : vector<199xf32> to vector<199x1xf32>
    %sub3A_167 = vector.broadcast %broadcast_in_dim3A_166 : vector<199x1xf32> to vector<199x199xf32>
    %sub3A_168 = arith.subf %select_n3A_163, %sub3A_167 : vector<199x199xf32>
    %exp3A_169 = math.exp %sub3A_168 : vector<199x199xf32>
    %reduce_sum3A_170 = arith.constant dense<0.000000e+00> : vector<199xf32>
    %reduce_sum3A_171 = vector.multi_reduction <add>, %exp3A_169, %reduce_sum3A_170 [1] : vector<199x199xf32> to vector<199xf32>
    %broadcast_in_dim3A_172 = vector.shape_cast %reduce_sum3A_171 : vector<199xf32> to vector<199x1xf32>
    %div3A_173 = vector.broadcast %broadcast_in_dim3A_172 : vector<199x1xf32> to vector<199x199xf32>
    %div3A_174 = arith.divf %exp3A_169, %div3A_173 : vector<199x199xf32>
    %mul3A_175 = vector.broadcast %convert_element_type3A_148 : vector<1x136xf32> to vector<199x136xf32>
    %mul3A_176 = arith.mulf %dot_general3A_20, %mul3A_175 : vector<199x136xf32>
    %dot_general3A_177 = arith.constant dense<0.000000e+00> : vector<199x136xf32>
    %dot_general3A_178 = tpu.matmul %div3A_174, %mul3A_176, %dot_general3A_177 {dimension_numbers = #tpu.dot_dimension_numbers<[1], [0], [0], [1], [0, 0, 1, 1], [], []>, transpose_lhs_hint = false} : vector<199x199xf32>, vector<199x136xf32>, vector<199x136xf32> -> vector<199x136xf32>
    %add3A_179 = arith.addf %add3A_139, %dot_general3A_178 : vector<199x136xf32>
    %ge3A_180 = arith.constant 68 : i32
    %ge3A_181 = vector.broadcast %ge3A_180 : i32 to vector<1x136xi32>
    %ge3A_182 = arith.cmpi sge, %iota3A_30, %ge3A_181 : vector<1x136xi32>
    %lt3A_183 = arith.constant 85 : i32
    %lt3A_184 = vector.broadcast %lt3A_183 : i32 to vector<1x136xi32>
    %lt3A_185 = arith.cmpi slt, %iota3A_30, %lt3A_184 : vector<1x136xi32>
    %and3A_186 = arith.andi %ge3A_182, %lt3A_185 : vector<1x136xi1>
    %convert_element_type3A_187 = arith.extui %and3A_186 : vector<1x136xi1> to vector<1x136xi32>
    %convert_element_type3A_188 = arith.sitofp %convert_element_type3A_187 : vector<1x136xi32> to vector<1x136xf32>
    %mul3A_189 = vector.broadcast %convert_element_type3A_188 : vector<1x136xf32> to vector<199x136xf32>
    %mul3A_190 = arith.mulf %dot_general3A_10, %mul3A_189 : vector<199x136xf32>
    %mul3A_191 = vector.broadcast %convert_element_type3A_188 : vector<1x136xf32> to vector<199x136xf32>
    %mul3A_192 = arith.mulf %dot_general3A_15, %mul3A_191 : vector<199x136xf32>
    %dot_general3A_193 = arith.constant dense<0.000000e+00> : vector<199x199xf32>
    %dot_general3A_194 = tpu.matmul %mul3A_190, %mul3A_192, %dot_general3A_193 {dimension_numbers = #tpu.dot_dimension_numbers<[1], [1], [0], [0], [0, 0, 1, 0], [], []>, transpose_lhs_hint = false} : vector<199x136xf32>, vector<199x136xf32>, vector<199x199xf32> -> vector<199x199xf32>
    %mul3A_195 = arith.constant 0.242535621 : f32
    %mul3A_196 = vector.broadcast %mul3A_195 : f32 to vector<199x199xf32>
    %mul3A_197 = arith.mulf %dot_general3A_194, %mul3A_196 : vector<199x199xf32>
    %jit3A_198 = arith.constant -1.000000e+09 : f32
    %broadcast_in_dim3A_199 = vector.broadcast %jit3A_198 : f32 to vector<199x199xf32>
    %select_n3A_200 = arith.select %le3A, %mul3A_197, %broadcast_in_dim3A_199 : vector<199x199xi1>, vector<199x199xf32>
    %jit3A_201 = arith.constant -1.000000e+09 : f32
    %broadcast_in_dim3A_202 = vector.broadcast %jit3A_201 : f32 to vector<199x199xf32>
    %select_n3A_203 = arith.select %broadcast_in_dim3A_29, %broadcast_in_dim3A_202, %select_n3A_200 : vector<199x199xi1>, vector<199x199xf32>
    %reduce_max3A_204 = arith.constant dense<0xFF800000> : vector<199xf32>
    %reduce_max3A_205 = vector.multi_reduction <maximumf>, %select_n3A_203, %reduce_max3A_204 [1] : vector<199x199xf32> to vector<199xf32>
    %broadcast_in_dim3A_206 = vector.shape_cast %reduce_max3A_205 : vector<199xf32> to vector<199x1xf32>
    %sub3A_207 = vector.broadcast %broadcast_in_dim3A_206 : vector<199x1xf32> to vector<199x199xf32>
    %sub3A_208 = arith.subf %select_n3A_203, %sub3A_207 : vector<199x199xf32>
    %exp3A_209 = math.exp %sub3A_208 : vector<199x199xf32>
    %reduce_sum3A_210 = arith.constant dense<0.000000e+00> : vector<199xf32>
    %reduce_sum3A_211 = vector.multi_reduction <add>, %exp3A_209, %reduce_sum3A_210 [1] : vector<199x199xf32> to vector<199xf32>
    %broadcast_in_dim3A_212 = vector.shape_cast %reduce_sum3A_211 : vector<199xf32> to vector<199x1xf32>
    %div3A_213 = vector.broadcast %broadcast_in_dim3A_212 : vector<199x1xf32> to vector<199x199xf32>
    %div3A_214 = arith.divf %exp3A_209, %div3A_213 : vector<199x199xf32>
    %mul3A_215 = vector.broadcast %convert_element_type3A_188 : vector<1x136xf32> to vector<199x136xf32>
    %mul3A_216 = arith.mulf %dot_general3A_20, %mul3A_215 : vector<199x136xf32>
    %dot_general3A_217 = arith.constant dense<0.000000e+00> : vector<199x136xf32>
    %dot_general3A_218 = tpu.matmul %div3A_214, %mul3A_216, %dot_general3A_217 {dimension_numbers = #tpu.dot_dimension_numbers<[1], [0], [0], [1], [0, 0, 1, 1], [], []>, transpose_lhs_hint = false} : vector<199x199xf32>, vector<199x136xf32>, vector<199x136xf32> -> vector<199x136xf32>
    %add3A_219 = arith.addf %add3A_179, %dot_general3A_218 : vector<199x136xf32>
    %ge3A_220 = arith.constant 85 : i32
    %ge3A_221 = vector.broadcast %ge3A_220 : i32 to vector<1x136xi32>
    %ge3A_222 = arith.cmpi sge, %iota3A_30, %ge3A_221 : vector<1x136xi32>
    %lt3A_223 = arith.constant 102 : i32
    %lt3A_224 = vector.broadcast %lt3A_223 : i32 to vector<1x136xi32>
    %lt3A_225 = arith.cmpi slt, %iota3A_30, %lt3A_224 : vector<1x136xi32>
    %and3A_226 = arith.andi %ge3A_222, %lt3A_225 : vector<1x136xi1>
    %convert_element_type3A_227 = arith.extui %and3A_226 : vector<1x136xi1> to vector<1x136xi32>
    %convert_element_type3A_228 = arith.sitofp %convert_element_type3A_227 : vector<1x136xi32> to vector<1x136xf32>
    %mul3A_229 = vector.broadcast %convert_element_type3A_228 : vector<1x136xf32> to vector<199x136xf32>
    %mul3A_230 = arith.mulf %dot_general3A_10, %mul3A_229 : vector<199x136xf32>
    %mul3A_231 = vector.broadcast %convert_element_type3A_228 : vector<1x136xf32> to vector<199x136xf32>
    %mul3A_232 = arith.mulf %dot_general3A_15, %mul3A_231 : vector<199x136xf32>
    %dot_general3A_233 = arith.constant dense<0.000000e+00> : vector<199x199xf32>
    %dot_general3A_234 = tpu.matmul %mul3A_230, %mul3A_232, %dot_general3A_233 {dimension_numbers = #tpu.dot_dimension_numbers<[1], [1], [0], [0], [0, 0, 1, 0], [], []>, transpose_lhs_hint = false} : vector<199x136xf32>, vector<199x136xf32>, vector<199x199xf32> -> vector<199x199xf32>
    %mul3A_235 = arith.constant 0.242535621 : f32
    %mul3A_236 = vector.broadcast %mul3A_235 : f32 to vector<199x199xf32>
    %mul3A_237 = arith.mulf %dot_general3A_234, %mul3A_236 : vector<199x199xf32>
    %jit3A_238 = arith.constant -1.000000e+09 : f32
    %broadcast_in_dim3A_239 = vector.broadcast %jit3A_238 : f32 to vector<199x199xf32>
    %select_n3A_240 = arith.select %le3A, %mul3A_237, %broadcast_in_dim3A_239 : vector<199x199xi1>, vector<199x199xf32>
    %jit3A_241 = arith.constant -1.000000e+09 : f32
    %broadcast_in_dim3A_242 = vector.broadcast %jit3A_241 : f32 to vector<199x199xf32>
    %select_n3A_243 = arith.select %broadcast_in_dim3A_29, %broadcast_in_dim3A_242, %select_n3A_240 : vector<199x199xi1>, vector<199x199xf32>
    %reduce_max3A_244 = arith.constant dense<0xFF800000> : vector<199xf32>
    %reduce_max3A_245 = vector.multi_reduction <maximumf>, %select_n3A_243, %reduce_max3A_244 [1] : vector<199x199xf32> to vector<199xf32>
    %broadcast_in_dim3A_246 = vector.shape_cast %reduce_max3A_245 : vector<199xf32> to vector<199x1xf32>
    %sub3A_247 = vector.broadcast %broadcast_in_dim3A_246 : vector<199x1xf32> to vector<199x199xf32>
    %sub3A_248 = arith.subf %select_n3A_243, %sub3A_247 : vector<199x199xf32>
    %exp3A_249 = math.exp %sub3A_248 : vector<199x199xf32>
    %reduce_sum3A_250 = arith.constant dense<0.000000e+00> : vector<199xf32>
    %reduce_sum3A_251 = vector.multi_reduction <add>, %exp3A_249, %reduce_sum3A_250 [1] : vector<199x199xf32> to vector<199xf32>
    %broadcast_in_dim3A_252 = vector.shape_cast %reduce_sum3A_251 : vector<199xf32> to vector<199x1xf32>
    %div3A_253 = vector.broadcast %broadcast_in_dim3A_252 : vector<199x1xf32> to vector<199x199xf32>
    %div3A_254 = arith.divf %exp3A_249, %div3A_253 : vector<199x199xf32>
    %mul3A_255 = vector.broadcast %convert_element_type3A_228 : vector<1x136xf32> to vector<199x136xf32>
    %mul3A_256 = arith.mulf %dot_general3A_20, %mul3A_255 : vector<199x136xf32>
    %dot_general3A_257 = arith.constant dense<0.000000e+00> : vector<199x136xf32>
    %dot_general3A_258 = tpu.matmul %div3A_254, %mul3A_256, %dot_general3A_257 {dimension_numbers = #tpu.dot_dimension_numbers<[1], [0], [0], [1], [0, 0, 1, 1], [], []>, transpose_lhs_hint = false} : vector<199x199xf32>, vector<199x136xf32>, vector<199x136xf32> -> vector<199x136xf32>
    %add3A_259 = arith.addf %add3A_219, %dot_general3A_258 : vector<199x136xf32>
    %ge3A_260 = arith.constant 102 : i32
    %ge3A_261 = vector.broadcast %ge3A_260 : i32 to vector<1x136xi32>
    %ge3A_262 = arith.cmpi sge, %iota3A_30, %ge3A_261 : vector<1x136xi32>
    %lt3A_263 = arith.constant 119 : i32
    %lt3A_264 = vector.broadcast %lt3A_263 : i32 to vector<1x136xi32>
    %lt3A_265 = arith.cmpi slt, %iota3A_30, %lt3A_264 : vector<1x136xi32>
    %and3A_266 = arith.andi %ge3A_262, %lt3A_265 : vector<1x136xi1>
    %convert_element_type3A_267 = arith.extui %and3A_266 : vector<1x136xi1> to vector<1x136xi32>
    %convert_element_type3A_268 = arith.sitofp %convert_element_type3A_267 : vector<1x136xi32> to vector<1x136xf32>
    %mul3A_269 = vector.broadcast %convert_element_type3A_268 : vector<1x136xf32> to vector<199x136xf32>
    %mul3A_270 = arith.mulf %dot_general3A_10, %mul3A_269 : vector<199x136xf32>
    %mul3A_271 = vector.broadcast %convert_element_type3A_268 : vector<1x136xf32> to vector<199x136xf32>
    %mul3A_272 = arith.mulf %dot_general3A_15, %mul3A_271 : vector<199x136xf32>
    %dot_general3A_273 = arith.constant dense<0.000000e+00> : vector<199x199xf32>
    %dot_general3A_274 = tpu.matmul %mul3A_270, %mul3A_272, %dot_general3A_273 {dimension_numbers = #tpu.dot_dimension_numbers<[1], [1], [0], [0], [0, 0, 1, 0], [], []>, transpose_lhs_hint = false} : vector<199x136xf32>, vector<199x136xf32>, vector<199x199xf32> -> vector<199x199xf32>
    %mul3A_275 = arith.constant 0.242535621 : f32
    %mul3A_276 = vector.broadcast %mul3A_275 : f32 to vector<199x199xf32>
    %mul3A_277 = arith.mulf %dot_general3A_274, %mul3A_276 : vector<199x199xf32>
    %jit3A_278 = arith.constant -1.000000e+09 : f32
    %broadcast_in_dim3A_279 = vector.broadcast %jit3A_278 : f32 to vector<199x199xf32>
    %select_n3A_280 = arith.select %le3A, %mul3A_277, %broadcast_in_dim3A_279 : vector<199x199xi1>, vector<199x199xf32>
    %jit3A_281 = arith.constant -1.000000e+09 : f32
    %broadcast_in_dim3A_282 = vector.broadcast %jit3A_281 : f32 to vector<199x199xf32>
    %select_n3A_283 = arith.select %broadcast_in_dim3A_29, %broadcast_in_dim3A_282, %select_n3A_280 : vector<199x199xi1>, vector<199x199xf32>
    %reduce_max3A_284 = arith.constant dense<0xFF800000> : vector<199xf32>
    %reduce_max3A_285 = vector.multi_reduction <maximumf>, %select_n3A_283, %reduce_max3A_284 [1] : vector<199x199xf32> to vector<199xf32>
    %broadcast_in_dim3A_286 = vector.shape_cast %reduce_max3A_285 : vector<199xf32> to vector<199x1xf32>
    %sub3A_287 = vector.broadcast %broadcast_in_dim3A_286 : vector<199x1xf32> to vector<199x199xf32>
    %sub3A_288 = arith.subf %select_n3A_283, %sub3A_287 : vector<199x199xf32>
    %exp3A_289 = math.exp %sub3A_288 : vector<199x199xf32>
    %reduce_sum3A_290 = arith.constant dense<0.000000e+00> : vector<199xf32>
    %reduce_sum3A_291 = vector.multi_reduction <add>, %exp3A_289, %reduce_sum3A_290 [1] : vector<199x199xf32> to vector<199xf32>
    %broadcast_in_dim3A_292 = vector.shape_cast %reduce_sum3A_291 : vector<199xf32> to vector<199x1xf32>
    %div3A_293 = vector.broadcast %broadcast_in_dim3A_292 : vector<199x1xf32> to vector<199x199xf32>
    %div3A_294 = arith.divf %exp3A_289, %div3A_293 : vector<199x199xf32>
    %mul3A_295 = vector.broadcast %convert_element_type3A_268 : vector<1x136xf32> to vector<199x136xf32>
    %mul3A_296 = arith.mulf %dot_general3A_20, %mul3A_295 : vector<199x136xf32>
    %dot_general3A_297 = arith.constant dense<0.000000e+00> : vector<199x136xf32>
    %dot_general3A_298 = tpu.matmul %div3A_294, %mul3A_296, %dot_general3A_297 {dimension_numbers = #tpu.dot_dimension_numbers<[1], [0], [0], [1], [0, 0, 1, 1], [], []>, transpose_lhs_hint = false} : vector<199x199xf32>, vector<199x136xf32>, vector<199x136xf32> -> vector<199x136xf32>
    %add3A_299 = arith.addf %add3A_259, %dot_general3A_298 : vector<199x136xf32>
    %ge3A_300 = arith.constant 119 : i32
    %ge3A_301 = vector.broadcast %ge3A_300 : i32 to vector<1x136xi32>
    %ge3A_302 = arith.cmpi sge, %iota3A_30, %ge3A_301 : vector<1x136xi32>
    %lt3A_303 = arith.constant 136 : i32
    %lt3A_304 = vector.broadcast %lt3A_303 : i32 to vector<1x136xi32>
    %lt3A_305 = arith.cmpi slt, %iota3A_30, %lt3A_304 : vector<1x136xi32>
    %and3A_306 = arith.andi %ge3A_302, %lt3A_305 : vector<1x136xi1>
    %convert_element_type3A_307 = arith.extui %and3A_306 : vector<1x136xi1> to vector<1x136xi32>
    %convert_element_type3A_308 = arith.sitofp %convert_element_type3A_307 : vector<1x136xi32> to vector<1x136xf32>
    %mul3A_309 = vector.broadcast %convert_element_type3A_308 : vector<1x136xf32> to vector<199x136xf32>
    %mul3A_310 = arith.mulf %dot_general3A_10, %mul3A_309 : vector<199x136xf32>
    %mul3A_311 = vector.broadcast %convert_element_type3A_308 : vector<1x136xf32> to vector<199x136xf32>
    %mul3A_312 = arith.mulf %dot_general3A_15, %mul3A_311 : vector<199x136xf32>
    %dot_general3A_313 = arith.constant dense<0.000000e+00> : vector<199x199xf32>
    %dot_general3A_314 = tpu.matmul %mul3A_310, %mul3A_312, %dot_general3A_313 {dimension_numbers = #tpu.dot_dimension_numbers<[1], [1], [0], [0], [0, 0, 1, 0], [], []>, transpose_lhs_hint = false} : vector<199x136xf32>, vector<199x136xf32>, vector<199x199xf32> -> vector<199x199xf32>
    %mul3A_315 = arith.constant 0.242535621 : f32
    %mul3A_316 = vector.broadcast %mul3A_315 : f32 to vector<199x199xf32>
    %mul3A_317 = arith.mulf %dot_general3A_314, %mul3A_316 : vector<199x199xf32>
    %jit3A_318 = arith.constant -1.000000e+09 : f32
    %broadcast_in_dim3A_319 = vector.broadcast %jit3A_318 : f32 to vector<199x199xf32>
    %select_n3A_320 = arith.select %le3A, %mul3A_317, %broadcast_in_dim3A_319 : vector<199x199xi1>, vector<199x199xf32>
    %jit3A_321 = arith.constant -1.000000e+09 : f32
    %broadcast_in_dim3A_322 = vector.broadcast %jit3A_321 : f32 to vector<199x199xf32>
    %select_n3A_323 = arith.select %broadcast_in_dim3A_29, %broadcast_in_dim3A_322, %select_n3A_320 : vector<199x199xi1>, vector<199x199xf32>
    %reduce_max3A_324 = arith.constant dense<0xFF800000> : vector<199xf32>
    %reduce_max3A_325 = vector.multi_reduction <maximumf>, %select_n3A_323, %reduce_max3A_324 [1] : vector<199x199xf32> to vector<199xf32>
    %broadcast_in_dim3A_326 = vector.shape_cast %reduce_max3A_325 : vector<199xf32> to vector<199x1xf32>
    %sub3A_327 = vector.broadcast %broadcast_in_dim3A_326 : vector<199x1xf32> to vector<199x199xf32>
    %sub3A_328 = arith.subf %select_n3A_323, %sub3A_327 : vector<199x199xf32>
    %exp3A_329 = math.exp %sub3A_328 : vector<199x199xf32>
    %reduce_sum3A_330 = arith.constant dense<0.000000e+00> : vector<199xf32>
    %reduce_sum3A_331 = vector.multi_reduction <add>, %exp3A_329, %reduce_sum3A_330 [1] : vector<199x199xf32> to vector<199xf32>
    %broadcast_in_dim3A_332 = vector.shape_cast %reduce_sum3A_331 : vector<199xf32> to vector<199x1xf32>
    %div3A_333 = vector.broadcast %broadcast_in_dim3A_332 : vector<199x1xf32> to vector<199x199xf32>
    %div3A_334 = arith.divf %exp3A_329, %div3A_333 : vector<199x199xf32>
    %mul3A_335 = vector.broadcast %convert_element_type3A_308 : vector<1x136xf32> to vector<199x136xf32>
    %mul3A_336 = arith.mulf %dot_general3A_20, %mul3A_335 : vector<199x136xf32>
    %dot_general3A_337 = arith.constant dense<0.000000e+00> : vector<199x136xf32>
    %dot_general3A_338 = tpu.matmul %div3A_334, %mul3A_336, %dot_general3A_337 {dimension_numbers = #tpu.dot_dimension_numbers<[1], [0], [0], [1], [0, 0, 1, 1], [], []>, transpose_lhs_hint = false} : vector<199x199xf32>, vector<199x136xf32>, vector<199x136xf32> -> vector<199x136xf32>
    %add3A_339 = arith.addf %add3A_299, %dot_general3A_338 : vector<199x136xf32>
    %get3A_340 = arith.constant 0 : index
    %get3A_341 = arith.constant 0 : index
    %get3A_342 = vector.load %arg7[%get3A_340, %get3A_341] : memref<136x136xf32, #tpu.memory_space<vmem>>, vector<136x136xf32>
    %dot_general3A_343 = arith.constant dense<0.000000e+00> : vector<199x136xf32>
    %dot_general3A_344 = tpu.matmul %add3A_339, %get3A_342, %dot_general3A_343 {dimension_numbers = #tpu.dot_dimension_numbers<[1], [0], [0], [1], [0, 0, 1, 1], [], []>, transpose_lhs_hint = false} : vector<199x136xf32>, vector<136x136xf32>, vector<199x136xf32> -> vector<199x136xf32>
    %get3A_345 = arith.constant 0 : index
    %get3A_346 = arith.constant 0 : index
    %get3A_347 = vector.load %arg8[%get3A_345, %get3A_346] : memref<136x136xf32, #tpu.memory_space<vmem>>, vector<136x136xf32>
    %dot_general3A_348 = arith.constant dense<0.000000e+00> : vector<199x136xf32>
    %dot_general3A_349 = tpu.matmul %dot_general3A_344, %get3A_347, %dot_general3A_348 {dimension_numbers = #tpu.dot_dimension_numbers<[1], [0], [0], [1], [0, 0, 1, 1], [], []>, transpose_lhs_hint = false} : vector<199x136xf32>, vector<136x136xf32>, vector<199x136xf32> -> vector<199x136xf32>
    %get3A_350 = arith.constant 0 : index
    %get3A_351 = arith.constant 0 : index
    %get3A_352 = vector.load %arg9[%get3A_350, %get3A_351] : memref<1x136xf32, #tpu.memory_space<vmem>>, vector<1x136xf32>
    %add3A_353 = vector.broadcast %get3A_352 : vector<1x136xf32> to vector<199x136xf32>
    %add3A_354 = arith.addf %dot_general3A_349, %add3A_353 : vector<199x136xf32>
    %max3A = arith.constant 0.000000e+00 : f32
    %max3A_355 = vector.broadcast %max3A : f32 to vector<199x136xf32>
    %max3A_356 = arith.maximumf %add3A_354, %max3A_355 : vector<199x136xf32>
    %get3A_357 = arith.constant 0 : index
    %get3A_358 = arith.constant 0 : index
    %get3A_359 = vector.load %arg10[%get3A_357, %get3A_358] : memref<136x136xf32, #tpu.memory_space<vmem>>, vector<136x136xf32>
    %dot_general3A_360 = arith.constant dense<0.000000e+00> : vector<199x136xf32>
    %dot_general3A_361 = tpu.matmul %max3A_356, %get3A_359, %dot_general3A_360 {dimension_numbers = #tpu.dot_dimension_numbers<[1], [0], [0], [1], [0, 0, 1, 1], [], []>, transpose_lhs_hint = false} : vector<199x136xf32>, vector<136x136xf32>, vector<199x136xf32> -> vector<199x136xf32>
    %get3A_362 = arith.constant 0 : index
    %get3A_363 = arith.constant 0 : index
    %get3A_364 = vector.load %arg11[%get3A_362, %get3A_363] : memref<1x136xf32, #tpu.memory_space<vmem>>, vector<1x136xf32>
    %add3A_365 = vector.broadcast %get3A_364 : vector<1x136xf32> to vector<199x136xf32>
    %add3A_366 = arith.addf %dot_general3A_361, %add3A_365 : vector<199x136xf32>
    %add3A_367 = arith.addf %dot_general3A_344, %add3A_366 : vector<199x136xf32>
    %swap3A = arith.constant 0 : index
    %swap3A_368 = arith.constant 0 : index
    %swap3A_369 = arith.constant 0 : index
    %swap3A_370 = vector.load %arg12[%swap3A, %swap3A_368, %swap3A_369] : memref<1x199x136xf32, #tpu.memory_space<vmem>>, vector<1x199x136xf32>
    %swap3A_371 = vector.shape_cast %swap3A_370 : vector<1x199x136xf32> to vector<199x136xf32>
    %swap3A_372 = vector.shape_cast %add3A_367 : vector<199x136xf32> to vector<1x199x136xf32>
    tpu.vector_store %arg12[%swap3A, %swap3A_368, %swap3A_369], %swap3A_372 {strides = array<i32>} : memref<1x199x136xf32, #tpu.memory_space<vmem>>, vector<1x199x136xf32>,
    return
  }
  func.func @transform_0(%arg0: i32) -> (i32, i32, i32) {
    %c0_i32 = arith.constant 0 : i32
    %c0_i32_0 = arith.constant 0 : i32
    %c0_i32_1 = arith.constant 0 : i32
    return %arg0, %c0_i32, %c0_i32_0 : i32, i32, i32
  }
  func.func @transform_1(%arg0: i32) -> (i32, i32) {
    %c0_i32 = arith.constant 0 : i32
    %c0_i32_0 = arith.constant 0 : i32
    %c0_i32_1 = arith.constant 0 : i32
    return %c0_i32, %c0_i32_0 : i32, i32
  }
  func.func @transform_2(%arg0: i32) -> (i32, i32, i32) {
    %c0_i32 = arith.constant 0 : i32
    %c0_i32_0 = arith.constant 0 : i32
    %c0_i32_1 = arith.constant 0 : i32
    return %arg0, %c0_i32, %c0_i32_0 : i32, i32, i32
  }
  func.func @transform_3(%arg0: i32) -> (i32, i32) {
    %c0_i32 = arith.constant 0 : i32
    %c0_i32_0 = arith.constant 0 : i32
    %c0_i32_1 = arith.constant 0 : i32
    return %c0_i32, %c0_i32_0 : i32, i32
  }
  func.func @transform_4(%arg0: i32) -> (i32, i32) {
    %c0_i32 = arith.constant 0 : i32
    %c0_i32_0 = arith.constant 0 : i32
    %c0_i32_1 = arith.constant 0 : i32
    return %c0_i32, %c0_i32_0 : i32, i32
  }
  func.func @transform_5(%arg0: i32) -> (i32, i32) {
    %c0_i32 = arith.constant 0 : i32
    %c0_i32_0 = arith.constant 0 : i32
    %c0_i32_1 = arith.constant 0 : i32
    return %c0_i32, %c0_i32_0 : i32, i32
  }
  func.func @transform_6(%arg0: i32) -> (i32, i32) {
    %c0_i32 = arith.constant 0 : i32
    %c0_i32_0 = arith.constant 0 : i32
    %c0_i32_1 = arith.constant 0 : i32
    return %c0_i32, %c0_i32_0 : i32, i32
  }
  func.func @transform_7(%arg0: i32) -> (i32, i32) {
    %c0_i32 = arith.constant 0 : i32
    %c0_i32_0 = arith.constant 0 : i32
    %c0_i32_1 = arith.constant 0 : i32
    return %c0_i32, %c0_i32_0 : i32, i32
  }
  func.func @transform_8(%arg0: i32) -> (i32, i32) {
    %c0_i32 = arith.constant 0 : i32
    %c0_i32_0 = arith.constant 0 : i32
    %c0_i32_1 = arith.constant 0 : i32
    return %c0_i32, %c0_i32_0 : i32, i32
  }
  func.func @transform_9(%arg0: i32) -> (i32, i32) {
    %c0_i32 = arith.constant 0 : i32
    %c0_i32_0 = arith.constant 0 : i32
    %c0_i32_1 = arith.constant 0 : i32
    return %c0_i32, %c0_i32_0 : i32, i32
  }
  func.func @transform_10(%arg0: i32) -> (i32, i32) {
    %c0_i32 = arith.constant 0 : i32
    %c0_i32_0 = arith.constant 0 : i32
    %c0_i32_1 = arith.constant 0 : i32
    return %c0_i32, %c0_i32_0 : i32, i32
  }
  func.func @transform_11(%arg0: i32) -> (i32, i32, i32) {
    %c0_i32 = arith.constant 0 : i32
    %c0_i32_0 = arith.constant 0 : i32
    %c0_i32_1 = arith.constant 0 : i32
    return %arg0, %c0_i32, %c0_i32_0 : i32, i32, i32
  }
}

module attributes {stable_mosaic.version = 14 : i64} {
  func.func @_t2_body(%arg0: i32, %arg1: memref<16x199x136xf32, #tpu.memory_space<vmem>>, %arg2: memref<512x16xf32, #tpu.memory_space<vmem>>, %arg3: memref<136x512xf32, #tpu.memory_space<vmem>>, %arg4: memref<512x1xf32, #tpu.memory_space<vmem>>, %arg5: memref<512x3184xf32, #tpu.memory_space<vmem>>) attributes {dimension_semantics = [#tpu.dimension_semantics<arbitrary>], iteration_bounds = array<i64: 20>, scalar_prefetch = 0 : i64, scratch_operands = 0 : i64, tpu.core_type = #tpu.core_type<tc>, window_params = [{pipeline_mode = #tpu.pipeline_mode<synchronous>, transform_indices = @transform_0, window_bounds = array<i64: 16, 199, 136>}, {transform_indices = @transform_1, window_bounds = array<i64: 512, 16>}, {transform_indices = @transform_2, window_bounds = array<i64: 136, 512>}, {transform_indices = @transform_3, window_bounds = array<i64: 512, 1>}, {transform_indices = @transform_4, window_bounds = array<i64: 512, 3184>}]} {
    %get3A = arith.constant 0 : index
    %get3A_0 = arith.constant 0 : index
    %get3A_1 = vector.load %arg3[%get3A, %get3A_0] : memref<136x512xf32, #tpu.memory_space<vmem>>, vector<136x512xf32>
    %get3A_2 = arith.constant 0 : index
    %get3A_3 = arith.constant 0 : index
    %get3A_4 = vector.load %arg4[%get3A_2, %get3A_3] : memref<512x1xf32, #tpu.memory_space<vmem>>, vector<512x1xf32>
    %iota3A = tpu.iota {dimensions = array<i32: 1>} : vector<1x199xi32>
    %convert_element_type3A = arith.sitofp %iota3A : vector<1x199xi32> to vector<1x199xf32>
    %get3A_5 = arith.constant 0 : index
    %get3A_6 = arith.constant 0 : index
    %get3A_7 = arith.constant 0 : index
    %get3A_8 = vector.load %arg1[%get3A_5, %get3A_6, %get3A_7] : memref<16x199x136xf32, #tpu.memory_space<vmem>>, vector<1x199x136xf32>
    %get3A_9 = vector.shape_cast %get3A_8 : vector<1x199x136xf32> to vector<199x136xf32>
    %dot_general3A = arith.constant dense<0.000000e+00> : vector<512x199xf32>
    %dot_general3A_10 = tpu.matmul %get3A_1, %get3A_9, %dot_general3A {dimension_numbers = #tpu.dot_dimension_numbers<[0], [1], [1], [0], [0, 1, 1, 0], [], []>, transpose_lhs_hint = false} : vector<136x512xf32>, vector<199x136xf32>, vector<512x199xf32> -> vector<512x199xf32>
    %get3A_11 = arith.constant 0 : index
    %get3A_12 = arith.constant 0 : index
    %get3A_13 = vector.load %arg2[%get3A_11, %get3A_12] : memref<512x16xf32, #tpu.memory_space<vmem>>, vector<512x1xf32>
    %ge3A = vector.broadcast %convert_element_type3A : vector<1x199xf32> to vector<512x199xf32>
    %ge3A_14 = vector.broadcast %get3A_13 : vector<512x1xf32> to vector<512x199xf32>
    %ge3A_15 = arith.cmpf oge, %ge3A, %ge3A_14 : vector<512x199xf32>
    %jit3A = arith.constant 0xFF800000 : f32
    %jit3A_16 = arith.constant 0.000000e+00 : f32
    %broadcast_in_dim3A = vector.broadcast %jit3A : f32 to vector<512x199xf32>
    %broadcast_in_dim3A_17 = vector.broadcast %jit3A_16 : f32 to vector<512x199xf32>
    %select_n3A = arith.select %ge3A_15, %broadcast_in_dim3A, %broadcast_in_dim3A_17 : vector<512x199xi1>, vector<512x199xf32>
    %add3A = vector.broadcast %get3A_4 : vector<512x1xf32> to vector<512x199xf32>
    %add3A_18 = arith.addf %dot_general3A_10, %add3A : vector<512x199xf32>
    %add3A_19 = arith.addf %add3A_18, %select_n3A : vector<512x199xf32>
    %swap3A = arith.constant 0 : index
    %swap3A_20 = arith.constant 0 : index
    %swap3A_21 = vector.load %arg5[%swap3A, %swap3A_20] : memref<512x3184xf32, #tpu.memory_space<vmem>>, vector<512x199xf32>
    tpu.vector_store %arg5[%swap3A, %swap3A_20], %add3A_19 {strides = array<i32>} : memref<512x3184xf32, #tpu.memory_space<vmem>>, vector<512x199xf32>,
    %get3A_22 = arith.constant 1 : index
    %get3A_23 = arith.constant 0 : index
    %get3A_24 = arith.constant 0 : index
    %get3A_25 = vector.load %arg1[%get3A_22, %get3A_23, %get3A_24] : memref<16x199x136xf32, #tpu.memory_space<vmem>>, vector<1x199x136xf32>
    %get3A_26 = vector.shape_cast %get3A_25 : vector<1x199x136xf32> to vector<199x136xf32>
    %dot_general3A_27 = arith.constant dense<0.000000e+00> : vector<512x199xf32>
    %dot_general3A_28 = tpu.matmul %get3A_1, %get3A_26, %dot_general3A_27 {dimension_numbers = #tpu.dot_dimension_numbers<[0], [1], [1], [0], [0, 1, 1, 0], [], []>, transpose_lhs_hint = false} : vector<136x512xf32>, vector<199x136xf32>, vector<512x199xf32> -> vector<512x199xf32>
    %get3A_29 = arith.constant 0 : index
    %get3A_30 = arith.constant 1 : index
    %get3A_31 = vector.load %arg2[%get3A_29, %get3A_30] : memref<512x16xf32, #tpu.memory_space<vmem>>, vector<512x1xf32>
    %ge3A_32 = vector.broadcast %convert_element_type3A : vector<1x199xf32> to vector<512x199xf32>
    %ge3A_33 = vector.broadcast %get3A_31 : vector<512x1xf32> to vector<512x199xf32>
    %ge3A_34 = arith.cmpf oge, %ge3A_32, %ge3A_33 : vector<512x199xf32>
    %jit3A_35 = arith.constant 0xFF800000 : f32
    %jit3A_36 = arith.constant 0.000000e+00 : f32
    %broadcast_in_dim3A_37 = vector.broadcast %jit3A_35 : f32 to vector<512x199xf32>
    %broadcast_in_dim3A_38 = vector.broadcast %jit3A_36 : f32 to vector<512x199xf32>
    %select_n3A_39 = arith.select %ge3A_34, %broadcast_in_dim3A_37, %broadcast_in_dim3A_38 : vector<512x199xi1>, vector<512x199xf32>
    %add3A_40 = vector.broadcast %get3A_4 : vector<512x1xf32> to vector<512x199xf32>
    %add3A_41 = arith.addf %dot_general3A_28, %add3A_40 : vector<512x199xf32>
    %add3A_42 = arith.addf %add3A_41, %select_n3A_39 : vector<512x199xf32>
    %swap3A_43 = arith.constant 0 : index
    %swap3A_44 = arith.constant 199 : index
    %swap3A_45 = vector.load %arg5[%swap3A_43, %swap3A_44] : memref<512x3184xf32, #tpu.memory_space<vmem>>, vector<512x199xf32>
    tpu.vector_store %arg5[%swap3A_43, %swap3A_44], %add3A_42 {strides = array<i32>} : memref<512x3184xf32, #tpu.memory_space<vmem>>, vector<512x199xf32>,
    %get3A_46 = arith.constant 2 : index
    %get3A_47 = arith.constant 0 : index
    %get3A_48 = arith.constant 0 : index
    %get3A_49 = vector.load %arg1[%get3A_46, %get3A_47, %get3A_48] : memref<16x199x136xf32, #tpu.memory_space<vmem>>, vector<1x199x136xf32>
    %get3A_50 = vector.shape_cast %get3A_49 : vector<1x199x136xf32> to vector<199x136xf32>
    %dot_general3A_51 = arith.constant dense<0.000000e+00> : vector<512x199xf32>
    %dot_general3A_52 = tpu.matmul %get3A_1, %get3A_50, %dot_general3A_51 {dimension_numbers = #tpu.dot_dimension_numbers<[0], [1], [1], [0], [0, 1, 1, 0], [], []>, transpose_lhs_hint = false} : vector<136x512xf32>, vector<199x136xf32>, vector<512x199xf32> -> vector<512x199xf32>
    %get3A_53 = arith.constant 0 : index
    %get3A_54 = arith.constant 2 : index
    %get3A_55 = vector.load %arg2[%get3A_53, %get3A_54] : memref<512x16xf32, #tpu.memory_space<vmem>>, vector<512x1xf32>
    %ge3A_56 = vector.broadcast %convert_element_type3A : vector<1x199xf32> to vector<512x199xf32>
    %ge3A_57 = vector.broadcast %get3A_55 : vector<512x1xf32> to vector<512x199xf32>
    %ge3A_58 = arith.cmpf oge, %ge3A_56, %ge3A_57 : vector<512x199xf32>
    %jit3A_59 = arith.constant 0xFF800000 : f32
    %jit3A_60 = arith.constant 0.000000e+00 : f32
    %broadcast_in_dim3A_61 = vector.broadcast %jit3A_59 : f32 to vector<512x199xf32>
    %broadcast_in_dim3A_62 = vector.broadcast %jit3A_60 : f32 to vector<512x199xf32>
    %select_n3A_63 = arith.select %ge3A_58, %broadcast_in_dim3A_61, %broadcast_in_dim3A_62 : vector<512x199xi1>, vector<512x199xf32>
    %add3A_64 = vector.broadcast %get3A_4 : vector<512x1xf32> to vector<512x199xf32>
    %add3A_65 = arith.addf %dot_general3A_52, %add3A_64 : vector<512x199xf32>
    %add3A_66 = arith.addf %add3A_65, %select_n3A_63 : vector<512x199xf32>
    %swap3A_67 = arith.constant 0 : index
    %swap3A_68 = arith.constant 398 : index
    %swap3A_69 = vector.load %arg5[%swap3A_67, %swap3A_68] : memref<512x3184xf32, #tpu.memory_space<vmem>>, vector<512x199xf32>
    tpu.vector_store %arg5[%swap3A_67, %swap3A_68], %add3A_66 {strides = array<i32>} : memref<512x3184xf32, #tpu.memory_space<vmem>>, vector<512x199xf32>,
    %get3A_70 = arith.constant 3 : index
    %get3A_71 = arith.constant 0 : index
    %get3A_72 = arith.constant 0 : index
    %get3A_73 = vector.load %arg1[%get3A_70, %get3A_71, %get3A_72] : memref<16x199x136xf32, #tpu.memory_space<vmem>>, vector<1x199x136xf32>
    %get3A_74 = vector.shape_cast %get3A_73 : vector<1x199x136xf32> to vector<199x136xf32>
    %dot_general3A_75 = arith.constant dense<0.000000e+00> : vector<512x199xf32>
    %dot_general3A_76 = tpu.matmul %get3A_1, %get3A_74, %dot_general3A_75 {dimension_numbers = #tpu.dot_dimension_numbers<[0], [1], [1], [0], [0, 1, 1, 0], [], []>, transpose_lhs_hint = false} : vector<136x512xf32>, vector<199x136xf32>, vector<512x199xf32> -> vector<512x199xf32>
    %get3A_77 = arith.constant 0 : index
    %get3A_78 = arith.constant 3 : index
    %get3A_79 = vector.load %arg2[%get3A_77, %get3A_78] : memref<512x16xf32, #tpu.memory_space<vmem>>, vector<512x1xf32>
    %ge3A_80 = vector.broadcast %convert_element_type3A : vector<1x199xf32> to vector<512x199xf32>
    %ge3A_81 = vector.broadcast %get3A_79 : vector<512x1xf32> to vector<512x199xf32>
    %ge3A_82 = arith.cmpf oge, %ge3A_80, %ge3A_81 : vector<512x199xf32>
    %jit3A_83 = arith.constant 0xFF800000 : f32
    %jit3A_84 = arith.constant 0.000000e+00 : f32
    %broadcast_in_dim3A_85 = vector.broadcast %jit3A_83 : f32 to vector<512x199xf32>
    %broadcast_in_dim3A_86 = vector.broadcast %jit3A_84 : f32 to vector<512x199xf32>
    %select_n3A_87 = arith.select %ge3A_82, %broadcast_in_dim3A_85, %broadcast_in_dim3A_86 : vector<512x199xi1>, vector<512x199xf32>
    %add3A_88 = vector.broadcast %get3A_4 : vector<512x1xf32> to vector<512x199xf32>
    %add3A_89 = arith.addf %dot_general3A_76, %add3A_88 : vector<512x199xf32>
    %add3A_90 = arith.addf %add3A_89, %select_n3A_87 : vector<512x199xf32>
    %swap3A_91 = arith.constant 0 : index
    %swap3A_92 = arith.constant 597 : index
    %swap3A_93 = vector.load %arg5[%swap3A_91, %swap3A_92] : memref<512x3184xf32, #tpu.memory_space<vmem>>, vector<512x199xf32>
    tpu.vector_store %arg5[%swap3A_91, %swap3A_92], %add3A_90 {strides = array<i32>} : memref<512x3184xf32, #tpu.memory_space<vmem>>, vector<512x199xf32>,
    %get3A_94 = arith.constant 4 : index
    %get3A_95 = arith.constant 0 : index
    %get3A_96 = arith.constant 0 : index
    %get3A_97 = vector.load %arg1[%get3A_94, %get3A_95, %get3A_96] : memref<16x199x136xf32, #tpu.memory_space<vmem>>, vector<1x199x136xf32>
    %get3A_98 = vector.shape_cast %get3A_97 : vector<1x199x136xf32> to vector<199x136xf32>
    %dot_general3A_99 = arith.constant dense<0.000000e+00> : vector<512x199xf32>
    %dot_general3A_100 = tpu.matmul %get3A_1, %get3A_98, %dot_general3A_99 {dimension_numbers = #tpu.dot_dimension_numbers<[0], [1], [1], [0], [0, 1, 1, 0], [], []>, transpose_lhs_hint = false} : vector<136x512xf32>, vector<199x136xf32>, vector<512x199xf32> -> vector<512x199xf32>
    %get3A_101 = arith.constant 0 : index
    %get3A_102 = arith.constant 4 : index
    %get3A_103 = vector.load %arg2[%get3A_101, %get3A_102] : memref<512x16xf32, #tpu.memory_space<vmem>>, vector<512x1xf32>
    %ge3A_104 = vector.broadcast %convert_element_type3A : vector<1x199xf32> to vector<512x199xf32>
    %ge3A_105 = vector.broadcast %get3A_103 : vector<512x1xf32> to vector<512x199xf32>
    %ge3A_106 = arith.cmpf oge, %ge3A_104, %ge3A_105 : vector<512x199xf32>
    %jit3A_107 = arith.constant 0xFF800000 : f32
    %jit3A_108 = arith.constant 0.000000e+00 : f32
    %broadcast_in_dim3A_109 = vector.broadcast %jit3A_107 : f32 to vector<512x199xf32>
    %broadcast_in_dim3A_110 = vector.broadcast %jit3A_108 : f32 to vector<512x199xf32>
    %select_n3A_111 = arith.select %ge3A_106, %broadcast_in_dim3A_109, %broadcast_in_dim3A_110 : vector<512x199xi1>, vector<512x199xf32>
    %add3A_112 = vector.broadcast %get3A_4 : vector<512x1xf32> to vector<512x199xf32>
    %add3A_113 = arith.addf %dot_general3A_100, %add3A_112 : vector<512x199xf32>
    %add3A_114 = arith.addf %add3A_113, %select_n3A_111 : vector<512x199xf32>
    %swap3A_115 = arith.constant 0 : index
    %swap3A_116 = arith.constant 796 : index
    %swap3A_117 = vector.load %arg5[%swap3A_115, %swap3A_116] : memref<512x3184xf32, #tpu.memory_space<vmem>>, vector<512x199xf32>
    tpu.vector_store %arg5[%swap3A_115, %swap3A_116], %add3A_114 {strides = array<i32>} : memref<512x3184xf32, #tpu.memory_space<vmem>>, vector<512x199xf32>,
    %get3A_118 = arith.constant 5 : index
    %get3A_119 = arith.constant 0 : index
    %get3A_120 = arith.constant 0 : index
    %get3A_121 = vector.load %arg1[%get3A_118, %get3A_119, %get3A_120] : memref<16x199x136xf32, #tpu.memory_space<vmem>>, vector<1x199x136xf32>
    %get3A_122 = vector.shape_cast %get3A_121 : vector<1x199x136xf32> to vector<199x136xf32>
    %dot_general3A_123 = arith.constant dense<0.000000e+00> : vector<512x199xf32>
    %dot_general3A_124 = tpu.matmul %get3A_1, %get3A_122, %dot_general3A_123 {dimension_numbers = #tpu.dot_dimension_numbers<[0], [1], [1], [0], [0, 1, 1, 0], [], []>, transpose_lhs_hint = false} : vector<136x512xf32>, vector<199x136xf32>, vector<512x199xf32> -> vector<512x199xf32>
    %get3A_125 = arith.constant 0 : index
    %get3A_126 = arith.constant 5 : index
    %get3A_127 = vector.load %arg2[%get3A_125, %get3A_126] : memref<512x16xf32, #tpu.memory_space<vmem>>, vector<512x1xf32>
    %ge3A_128 = vector.broadcast %convert_element_type3A : vector<1x199xf32> to vector<512x199xf32>
    %ge3A_129 = vector.broadcast %get3A_127 : vector<512x1xf32> to vector<512x199xf32>
    %ge3A_130 = arith.cmpf oge, %ge3A_128, %ge3A_129 : vector<512x199xf32>
    %jit3A_131 = arith.constant 0xFF800000 : f32
    %jit3A_132 = arith.constant 0.000000e+00 : f32
    %broadcast_in_dim3A_133 = vector.broadcast %jit3A_131 : f32 to vector<512x199xf32>
    %broadcast_in_dim3A_134 = vector.broadcast %jit3A_132 : f32 to vector<512x199xf32>
    %select_n3A_135 = arith.select %ge3A_130, %broadcast_in_dim3A_133, %broadcast_in_dim3A_134 : vector<512x199xi1>, vector<512x199xf32>
    %add3A_136 = vector.broadcast %get3A_4 : vector<512x1xf32> to vector<512x199xf32>
    %add3A_137 = arith.addf %dot_general3A_124, %add3A_136 : vector<512x199xf32>
    %add3A_138 = arith.addf %add3A_137, %select_n3A_135 : vector<512x199xf32>
    %swap3A_139 = arith.constant 0 : index
    %swap3A_140 = arith.constant 995 : index
    %swap3A_141 = vector.load %arg5[%swap3A_139, %swap3A_140] : memref<512x3184xf32, #tpu.memory_space<vmem>>, vector<512x199xf32>
    tpu.vector_store %arg5[%swap3A_139, %swap3A_140], %add3A_138 {strides = array<i32>} : memref<512x3184xf32, #tpu.memory_space<vmem>>, vector<512x199xf32>,
    %get3A_142 = arith.constant 6 : index
    %get3A_143 = arith.constant 0 : index
    %get3A_144 = arith.constant 0 : index
    %get3A_145 = vector.load %arg1[%get3A_142, %get3A_143, %get3A_144] : memref<16x199x136xf32, #tpu.memory_space<vmem>>, vector<1x199x136xf32>
    %get3A_146 = vector.shape_cast %get3A_145 : vector<1x199x136xf32> to vector<199x136xf32>
    %dot_general3A_147 = arith.constant dense<0.000000e+00> : vector<512x199xf32>
    %dot_general3A_148 = tpu.matmul %get3A_1, %get3A_146, %dot_general3A_147 {dimension_numbers = #tpu.dot_dimension_numbers<[0], [1], [1], [0], [0, 1, 1, 0], [], []>, transpose_lhs_hint = false} : vector<136x512xf32>, vector<199x136xf32>, vector<512x199xf32> -> vector<512x199xf32>
    %get3A_149 = arith.constant 0 : index
    %get3A_150 = arith.constant 6 : index
    %get3A_151 = vector.load %arg2[%get3A_149, %get3A_150] : memref<512x16xf32, #tpu.memory_space<vmem>>, vector<512x1xf32>
    %ge3A_152 = vector.broadcast %convert_element_type3A : vector<1x199xf32> to vector<512x199xf32>
    %ge3A_153 = vector.broadcast %get3A_151 : vector<512x1xf32> to vector<512x199xf32>
    %ge3A_154 = arith.cmpf oge, %ge3A_152, %ge3A_153 : vector<512x199xf32>
    %jit3A_155 = arith.constant 0xFF800000 : f32
    %jit3A_156 = arith.constant 0.000000e+00 : f32
    %broadcast_in_dim3A_157 = vector.broadcast %jit3A_155 : f32 to vector<512x199xf32>
    %broadcast_in_dim3A_158 = vector.broadcast %jit3A_156 : f32 to vector<512x199xf32>
    %select_n3A_159 = arith.select %ge3A_154, %broadcast_in_dim3A_157, %broadcast_in_dim3A_158 : vector<512x199xi1>, vector<512x199xf32>
    %add3A_160 = vector.broadcast %get3A_4 : vector<512x1xf32> to vector<512x199xf32>
    %add3A_161 = arith.addf %dot_general3A_148, %add3A_160 : vector<512x199xf32>
    %add3A_162 = arith.addf %add3A_161, %select_n3A_159 : vector<512x199xf32>
    %swap3A_163 = arith.constant 0 : index
    %swap3A_164 = arith.constant 1194 : index
    %swap3A_165 = vector.load %arg5[%swap3A_163, %swap3A_164] : memref<512x3184xf32, #tpu.memory_space<vmem>>, vector<512x199xf32>
    tpu.vector_store %arg5[%swap3A_163, %swap3A_164], %add3A_162 {strides = array<i32>} : memref<512x3184xf32, #tpu.memory_space<vmem>>, vector<512x199xf32>,
    %get3A_166 = arith.constant 7 : index
    %get3A_167 = arith.constant 0 : index
    %get3A_168 = arith.constant 0 : index
    %get3A_169 = vector.load %arg1[%get3A_166, %get3A_167, %get3A_168] : memref<16x199x136xf32, #tpu.memory_space<vmem>>, vector<1x199x136xf32>
    %get3A_170 = vector.shape_cast %get3A_169 : vector<1x199x136xf32> to vector<199x136xf32>
    %dot_general3A_171 = arith.constant dense<0.000000e+00> : vector<512x199xf32>
    %dot_general3A_172 = tpu.matmul %get3A_1, %get3A_170, %dot_general3A_171 {dimension_numbers = #tpu.dot_dimension_numbers<[0], [1], [1], [0], [0, 1, 1, 0], [], []>, transpose_lhs_hint = false} : vector<136x512xf32>, vector<199x136xf32>, vector<512x199xf32> -> vector<512x199xf32>
    %get3A_173 = arith.constant 0 : index
    %get3A_174 = arith.constant 7 : index
    %get3A_175 = vector.load %arg2[%get3A_173, %get3A_174] : memref<512x16xf32, #tpu.memory_space<vmem>>, vector<512x1xf32>
    %ge3A_176 = vector.broadcast %convert_element_type3A : vector<1x199xf32> to vector<512x199xf32>
    %ge3A_177 = vector.broadcast %get3A_175 : vector<512x1xf32> to vector<512x199xf32>
    %ge3A_178 = arith.cmpf oge, %ge3A_176, %ge3A_177 : vector<512x199xf32>
    %jit3A_179 = arith.constant 0xFF800000 : f32
    %jit3A_180 = arith.constant 0.000000e+00 : f32
    %broadcast_in_dim3A_181 = vector.broadcast %jit3A_179 : f32 to vector<512x199xf32>
    %broadcast_in_dim3A_182 = vector.broadcast %jit3A_180 : f32 to vector<512x199xf32>
    %select_n3A_183 = arith.select %ge3A_178, %broadcast_in_dim3A_181, %broadcast_in_dim3A_182 : vector<512x199xi1>, vector<512x199xf32>
    %add3A_184 = vector.broadcast %get3A_4 : vector<512x1xf32> to vector<512x199xf32>
    %add3A_185 = arith.addf %dot_general3A_172, %add3A_184 : vector<512x199xf32>
    %add3A_186 = arith.addf %add3A_185, %select_n3A_183 : vector<512x199xf32>
    %swap3A_187 = arith.constant 0 : index
    %swap3A_188 = arith.constant 1393 : index
    %swap3A_189 = vector.load %arg5[%swap3A_187, %swap3A_188] : memref<512x3184xf32, #tpu.memory_space<vmem>>, vector<512x199xf32>
    tpu.vector_store %arg5[%swap3A_187, %swap3A_188], %add3A_186 {strides = array<i32>} : memref<512x3184xf32, #tpu.memory_space<vmem>>, vector<512x199xf32>,
    %get3A_190 = arith.constant 8 : index
    %get3A_191 = arith.constant 0 : index
    %get3A_192 = arith.constant 0 : index
    %get3A_193 = vector.load %arg1[%get3A_190, %get3A_191, %get3A_192] : memref<16x199x136xf32, #tpu.memory_space<vmem>>, vector<1x199x136xf32>
    %get3A_194 = vector.shape_cast %get3A_193 : vector<1x199x136xf32> to vector<199x136xf32>
    %dot_general3A_195 = arith.constant dense<0.000000e+00> : vector<512x199xf32>
    %dot_general3A_196 = tpu.matmul %get3A_1, %get3A_194, %dot_general3A_195 {dimension_numbers = #tpu.dot_dimension_numbers<[0], [1], [1], [0], [0, 1, 1, 0], [], []>, transpose_lhs_hint = false} : vector<136x512xf32>, vector<199x136xf32>, vector<512x199xf32> -> vector<512x199xf32>
    %get3A_197 = arith.constant 0 : index
    %get3A_198 = arith.constant 8 : index
    %get3A_199 = vector.load %arg2[%get3A_197, %get3A_198] : memref<512x16xf32, #tpu.memory_space<vmem>>, vector<512x1xf32>
    %ge3A_200 = vector.broadcast %convert_element_type3A : vector<1x199xf32> to vector<512x199xf32>
    %ge3A_201 = vector.broadcast %get3A_199 : vector<512x1xf32> to vector<512x199xf32>
    %ge3A_202 = arith.cmpf oge, %ge3A_200, %ge3A_201 : vector<512x199xf32>
    %jit3A_203 = arith.constant 0xFF800000 : f32
    %jit3A_204 = arith.constant 0.000000e+00 : f32
    %broadcast_in_dim3A_205 = vector.broadcast %jit3A_203 : f32 to vector<512x199xf32>
    %broadcast_in_dim3A_206 = vector.broadcast %jit3A_204 : f32 to vector<512x199xf32>
    %select_n3A_207 = arith.select %ge3A_202, %broadcast_in_dim3A_205, %broadcast_in_dim3A_206 : vector<512x199xi1>, vector<512x199xf32>
    %add3A_208 = vector.broadcast %get3A_4 : vector<512x1xf32> to vector<512x199xf32>
    %add3A_209 = arith.addf %dot_general3A_196, %add3A_208 : vector<512x199xf32>
    %add3A_210 = arith.addf %add3A_209, %select_n3A_207 : vector<512x199xf32>
    %swap3A_211 = arith.constant 0 : index
    %swap3A_212 = arith.constant 1592 : index
    %swap3A_213 = vector.load %arg5[%swap3A_211, %swap3A_212] : memref<512x3184xf32, #tpu.memory_space<vmem>>, vector<512x199xf32>
    tpu.vector_store %arg5[%swap3A_211, %swap3A_212], %add3A_210 {strides = array<i32>} : memref<512x3184xf32, #tpu.memory_space<vmem>>, vector<512x199xf32>,
    %get3A_214 = arith.constant 9 : index
    %get3A_215 = arith.constant 0 : index
    %get3A_216 = arith.constant 0 : index
    %get3A_217 = vector.load %arg1[%get3A_214, %get3A_215, %get3A_216] : memref<16x199x136xf32, #tpu.memory_space<vmem>>, vector<1x199x136xf32>
    %get3A_218 = vector.shape_cast %get3A_217 : vector<1x199x136xf32> to vector<199x136xf32>
    %dot_general3A_219 = arith.constant dense<0.000000e+00> : vector<512x199xf32>
    %dot_general3A_220 = tpu.matmul %get3A_1, %get3A_218, %dot_general3A_219 {dimension_numbers = #tpu.dot_dimension_numbers<[0], [1], [1], [0], [0, 1, 1, 0], [], []>, transpose_lhs_hint = false} : vector<136x512xf32>, vector<199x136xf32>, vector<512x199xf32> -> vector<512x199xf32>
    %get3A_221 = arith.constant 0 : index
    %get3A_222 = arith.constant 9 : index
    %get3A_223 = vector.load %arg2[%get3A_221, %get3A_222] : memref<512x16xf32, #tpu.memory_space<vmem>>, vector<512x1xf32>
    %ge3A_224 = vector.broadcast %convert_element_type3A : vector<1x199xf32> to vector<512x199xf32>
    %ge3A_225 = vector.broadcast %get3A_223 : vector<512x1xf32> to vector<512x199xf32>
    %ge3A_226 = arith.cmpf oge, %ge3A_224, %ge3A_225 : vector<512x199xf32>
    %jit3A_227 = arith.constant 0xFF800000 : f32
    %jit3A_228 = arith.constant 0.000000e+00 : f32
    %broadcast_in_dim3A_229 = vector.broadcast %jit3A_227 : f32 to vector<512x199xf32>
    %broadcast_in_dim3A_230 = vector.broadcast %jit3A_228 : f32 to vector<512x199xf32>
    %select_n3A_231 = arith.select %ge3A_226, %broadcast_in_dim3A_229, %broadcast_in_dim3A_230 : vector<512x199xi1>, vector<512x199xf32>
    %add3A_232 = vector.broadcast %get3A_4 : vector<512x1xf32> to vector<512x199xf32>
    %add3A_233 = arith.addf %dot_general3A_220, %add3A_232 : vector<512x199xf32>
    %add3A_234 = arith.addf %add3A_233, %select_n3A_231 : vector<512x199xf32>
    %swap3A_235 = arith.constant 0 : index
    %swap3A_236 = arith.constant 1791 : index
    %swap3A_237 = vector.load %arg5[%swap3A_235, %swap3A_236] : memref<512x3184xf32, #tpu.memory_space<vmem>>, vector<512x199xf32>
    tpu.vector_store %arg5[%swap3A_235, %swap3A_236], %add3A_234 {strides = array<i32>} : memref<512x3184xf32, #tpu.memory_space<vmem>>, vector<512x199xf32>,
    %get3A_238 = arith.constant 10 : index
    %get3A_239 = arith.constant 0 : index
    %get3A_240 = arith.constant 0 : index
    %get3A_241 = vector.load %arg1[%get3A_238, %get3A_239, %get3A_240] : memref<16x199x136xf32, #tpu.memory_space<vmem>>, vector<1x199x136xf32>
    %get3A_242 = vector.shape_cast %get3A_241 : vector<1x199x136xf32> to vector<199x136xf32>
    %dot_general3A_243 = arith.constant dense<0.000000e+00> : vector<512x199xf32>
    %dot_general3A_244 = tpu.matmul %get3A_1, %get3A_242, %dot_general3A_243 {dimension_numbers = #tpu.dot_dimension_numbers<[0], [1], [1], [0], [0, 1, 1, 0], [], []>, transpose_lhs_hint = false} : vector<136x512xf32>, vector<199x136xf32>, vector<512x199xf32> -> vector<512x199xf32>
    %get3A_245 = arith.constant 0 : index
    %get3A_246 = arith.constant 10 : index
    %get3A_247 = vector.load %arg2[%get3A_245, %get3A_246] : memref<512x16xf32, #tpu.memory_space<vmem>>, vector<512x1xf32>
    %ge3A_248 = vector.broadcast %convert_element_type3A : vector<1x199xf32> to vector<512x199xf32>
    %ge3A_249 = vector.broadcast %get3A_247 : vector<512x1xf32> to vector<512x199xf32>
    %ge3A_250 = arith.cmpf oge, %ge3A_248, %ge3A_249 : vector<512x199xf32>
    %jit3A_251 = arith.constant 0xFF800000 : f32
    %jit3A_252 = arith.constant 0.000000e+00 : f32
    %broadcast_in_dim3A_253 = vector.broadcast %jit3A_251 : f32 to vector<512x199xf32>
    %broadcast_in_dim3A_254 = vector.broadcast %jit3A_252 : f32 to vector<512x199xf32>
    %select_n3A_255 = arith.select %ge3A_250, %broadcast_in_dim3A_253, %broadcast_in_dim3A_254 : vector<512x199xi1>, vector<512x199xf32>
    %add3A_256 = vector.broadcast %get3A_4 : vector<512x1xf32> to vector<512x199xf32>
    %add3A_257 = arith.addf %dot_general3A_244, %add3A_256 : vector<512x199xf32>
    %add3A_258 = arith.addf %add3A_257, %select_n3A_255 : vector<512x199xf32>
    %swap3A_259 = arith.constant 0 : index
    %swap3A_260 = arith.constant 1990 : index
    %swap3A_261 = vector.load %arg5[%swap3A_259, %swap3A_260] : memref<512x3184xf32, #tpu.memory_space<vmem>>, vector<512x199xf32>
    tpu.vector_store %arg5[%swap3A_259, %swap3A_260], %add3A_258 {strides = array<i32>} : memref<512x3184xf32, #tpu.memory_space<vmem>>, vector<512x199xf32>,
    %get3A_262 = arith.constant 11 : index
    %get3A_263 = arith.constant 0 : index
    %get3A_264 = arith.constant 0 : index
    %get3A_265 = vector.load %arg1[%get3A_262, %get3A_263, %get3A_264] : memref<16x199x136xf32, #tpu.memory_space<vmem>>, vector<1x199x136xf32>
    %get3A_266 = vector.shape_cast %get3A_265 : vector<1x199x136xf32> to vector<199x136xf32>
    %dot_general3A_267 = arith.constant dense<0.000000e+00> : vector<512x199xf32>
    %dot_general3A_268 = tpu.matmul %get3A_1, %get3A_266, %dot_general3A_267 {dimension_numbers = #tpu.dot_dimension_numbers<[0], [1], [1], [0], [0, 1, 1, 0], [], []>, transpose_lhs_hint = false} : vector<136x512xf32>, vector<199x136xf32>, vector<512x199xf32> -> vector<512x199xf32>
    %get3A_269 = arith.constant 0 : index
    %get3A_270 = arith.constant 11 : index
    %get3A_271 = vector.load %arg2[%get3A_269, %get3A_270] : memref<512x16xf32, #tpu.memory_space<vmem>>, vector<512x1xf32>
    %ge3A_272 = vector.broadcast %convert_element_type3A : vector<1x199xf32> to vector<512x199xf32>
    %ge3A_273 = vector.broadcast %get3A_271 : vector<512x1xf32> to vector<512x199xf32>
    %ge3A_274 = arith.cmpf oge, %ge3A_272, %ge3A_273 : vector<512x199xf32>
    %jit3A_275 = arith.constant 0xFF800000 : f32
    %jit3A_276 = arith.constant 0.000000e+00 : f32
    %broadcast_in_dim3A_277 = vector.broadcast %jit3A_275 : f32 to vector<512x199xf32>
    %broadcast_in_dim3A_278 = vector.broadcast %jit3A_276 : f32 to vector<512x199xf32>
    %select_n3A_279 = arith.select %ge3A_274, %broadcast_in_dim3A_277, %broadcast_in_dim3A_278 : vector<512x199xi1>, vector<512x199xf32>
    %add3A_280 = vector.broadcast %get3A_4 : vector<512x1xf32> to vector<512x199xf32>
    %add3A_281 = arith.addf %dot_general3A_268, %add3A_280 : vector<512x199xf32>
    %add3A_282 = arith.addf %add3A_281, %select_n3A_279 : vector<512x199xf32>
    %swap3A_283 = arith.constant 0 : index
    %swap3A_284 = arith.constant 2189 : index
    %swap3A_285 = vector.load %arg5[%swap3A_283, %swap3A_284] : memref<512x3184xf32, #tpu.memory_space<vmem>>, vector<512x199xf32>
    tpu.vector_store %arg5[%swap3A_283, %swap3A_284], %add3A_282 {strides = array<i32>} : memref<512x3184xf32, #tpu.memory_space<vmem>>, vector<512x199xf32>,
    %get3A_286 = arith.constant 12 : index
    %get3A_287 = arith.constant 0 : index
    %get3A_288 = arith.constant 0 : index
    %get3A_289 = vector.load %arg1[%get3A_286, %get3A_287, %get3A_288] : memref<16x199x136xf32, #tpu.memory_space<vmem>>, vector<1x199x136xf32>
    %get3A_290 = vector.shape_cast %get3A_289 : vector<1x199x136xf32> to vector<199x136xf32>
    %dot_general3A_291 = arith.constant dense<0.000000e+00> : vector<512x199xf32>
    %dot_general3A_292 = tpu.matmul %get3A_1, %get3A_290, %dot_general3A_291 {dimension_numbers = #tpu.dot_dimension_numbers<[0], [1], [1], [0], [0, 1, 1, 0], [], []>, transpose_lhs_hint = false} : vector<136x512xf32>, vector<199x136xf32>, vector<512x199xf32> -> vector<512x199xf32>
    %get3A_293 = arith.constant 0 : index
    %get3A_294 = arith.constant 12 : index
    %get3A_295 = vector.load %arg2[%get3A_293, %get3A_294] : memref<512x16xf32, #tpu.memory_space<vmem>>, vector<512x1xf32>
    %ge3A_296 = vector.broadcast %convert_element_type3A : vector<1x199xf32> to vector<512x199xf32>
    %ge3A_297 = vector.broadcast %get3A_295 : vector<512x1xf32> to vector<512x199xf32>
    %ge3A_298 = arith.cmpf oge, %ge3A_296, %ge3A_297 : vector<512x199xf32>
    %jit3A_299 = arith.constant 0xFF800000 : f32
    %jit3A_300 = arith.constant 0.000000e+00 : f32
    %broadcast_in_dim3A_301 = vector.broadcast %jit3A_299 : f32 to vector<512x199xf32>
    %broadcast_in_dim3A_302 = vector.broadcast %jit3A_300 : f32 to vector<512x199xf32>
    %select_n3A_303 = arith.select %ge3A_298, %broadcast_in_dim3A_301, %broadcast_in_dim3A_302 : vector<512x199xi1>, vector<512x199xf32>
    %add3A_304 = vector.broadcast %get3A_4 : vector<512x1xf32> to vector<512x199xf32>
    %add3A_305 = arith.addf %dot_general3A_292, %add3A_304 : vector<512x199xf32>
    %add3A_306 = arith.addf %add3A_305, %select_n3A_303 : vector<512x199xf32>
    %swap3A_307 = arith.constant 0 : index
    %swap3A_308 = arith.constant 2388 : index
    %swap3A_309 = vector.load %arg5[%swap3A_307, %swap3A_308] : memref<512x3184xf32, #tpu.memory_space<vmem>>, vector<512x199xf32>
    tpu.vector_store %arg5[%swap3A_307, %swap3A_308], %add3A_306 {strides = array<i32>} : memref<512x3184xf32, #tpu.memory_space<vmem>>, vector<512x199xf32>,
    %get3A_310 = arith.constant 13 : index
    %get3A_311 = arith.constant 0 : index
    %get3A_312 = arith.constant 0 : index
    %get3A_313 = vector.load %arg1[%get3A_310, %get3A_311, %get3A_312] : memref<16x199x136xf32, #tpu.memory_space<vmem>>, vector<1x199x136xf32>
    %get3A_314 = vector.shape_cast %get3A_313 : vector<1x199x136xf32> to vector<199x136xf32>
    %dot_general3A_315 = arith.constant dense<0.000000e+00> : vector<512x199xf32>
    %dot_general3A_316 = tpu.matmul %get3A_1, %get3A_314, %dot_general3A_315 {dimension_numbers = #tpu.dot_dimension_numbers<[0], [1], [1], [0], [0, 1, 1, 0], [], []>, transpose_lhs_hint = false} : vector<136x512xf32>, vector<199x136xf32>, vector<512x199xf32> -> vector<512x199xf32>
    %get3A_317 = arith.constant 0 : index
    %get3A_318 = arith.constant 13 : index
    %get3A_319 = vector.load %arg2[%get3A_317, %get3A_318] : memref<512x16xf32, #tpu.memory_space<vmem>>, vector<512x1xf32>
    %ge3A_320 = vector.broadcast %convert_element_type3A : vector<1x199xf32> to vector<512x199xf32>
    %ge3A_321 = vector.broadcast %get3A_319 : vector<512x1xf32> to vector<512x199xf32>
    %ge3A_322 = arith.cmpf oge, %ge3A_320, %ge3A_321 : vector<512x199xf32>
    %jit3A_323 = arith.constant 0xFF800000 : f32
    %jit3A_324 = arith.constant 0.000000e+00 : f32
    %broadcast_in_dim3A_325 = vector.broadcast %jit3A_323 : f32 to vector<512x199xf32>
    %broadcast_in_dim3A_326 = vector.broadcast %jit3A_324 : f32 to vector<512x199xf32>
    %select_n3A_327 = arith.select %ge3A_322, %broadcast_in_dim3A_325, %broadcast_in_dim3A_326 : vector<512x199xi1>, vector<512x199xf32>
    %add3A_328 = vector.broadcast %get3A_4 : vector<512x1xf32> to vector<512x199xf32>
    %add3A_329 = arith.addf %dot_general3A_316, %add3A_328 : vector<512x199xf32>
    %add3A_330 = arith.addf %add3A_329, %select_n3A_327 : vector<512x199xf32>
    %swap3A_331 = arith.constant 0 : index
    %swap3A_332 = arith.constant 2587 : index
    %swap3A_333 = vector.load %arg5[%swap3A_331, %swap3A_332] : memref<512x3184xf32, #tpu.memory_space<vmem>>, vector<512x199xf32>
    tpu.vector_store %arg5[%swap3A_331, %swap3A_332], %add3A_330 {strides = array<i32>} : memref<512x3184xf32, #tpu.memory_space<vmem>>, vector<512x199xf32>,
    %get3A_334 = arith.constant 14 : index
    %get3A_335 = arith.constant 0 : index
    %get3A_336 = arith.constant 0 : index
    %get3A_337 = vector.load %arg1[%get3A_334, %get3A_335, %get3A_336] : memref<16x199x136xf32, #tpu.memory_space<vmem>>, vector<1x199x136xf32>
    %get3A_338 = vector.shape_cast %get3A_337 : vector<1x199x136xf32> to vector<199x136xf32>
    %dot_general3A_339 = arith.constant dense<0.000000e+00> : vector<512x199xf32>
    %dot_general3A_340 = tpu.matmul %get3A_1, %get3A_338, %dot_general3A_339 {dimension_numbers = #tpu.dot_dimension_numbers<[0], [1], [1], [0], [0, 1, 1, 0], [], []>, transpose_lhs_hint = false} : vector<136x512xf32>, vector<199x136xf32>, vector<512x199xf32> -> vector<512x199xf32>
    %get3A_341 = arith.constant 0 : index
    %get3A_342 = arith.constant 14 : index
    %get3A_343 = vector.load %arg2[%get3A_341, %get3A_342] : memref<512x16xf32, #tpu.memory_space<vmem>>, vector<512x1xf32>
    %ge3A_344 = vector.broadcast %convert_element_type3A : vector<1x199xf32> to vector<512x199xf32>
    %ge3A_345 = vector.broadcast %get3A_343 : vector<512x1xf32> to vector<512x199xf32>
    %ge3A_346 = arith.cmpf oge, %ge3A_344, %ge3A_345 : vector<512x199xf32>
    %jit3A_347 = arith.constant 0xFF800000 : f32
    %jit3A_348 = arith.constant 0.000000e+00 : f32
    %broadcast_in_dim3A_349 = vector.broadcast %jit3A_347 : f32 to vector<512x199xf32>
    %broadcast_in_dim3A_350 = vector.broadcast %jit3A_348 : f32 to vector<512x199xf32>
    %select_n3A_351 = arith.select %ge3A_346, %broadcast_in_dim3A_349, %broadcast_in_dim3A_350 : vector<512x199xi1>, vector<512x199xf32>
    %add3A_352 = vector.broadcast %get3A_4 : vector<512x1xf32> to vector<512x199xf32>
    %add3A_353 = arith.addf %dot_general3A_340, %add3A_352 : vector<512x199xf32>
    %add3A_354 = arith.addf %add3A_353, %select_n3A_351 : vector<512x199xf32>
    %swap3A_355 = arith.constant 0 : index
    %swap3A_356 = arith.constant 2786 : index
    %swap3A_357 = vector.load %arg5[%swap3A_355, %swap3A_356] : memref<512x3184xf32, #tpu.memory_space<vmem>>, vector<512x199xf32>
    tpu.vector_store %arg5[%swap3A_355, %swap3A_356], %add3A_354 {strides = array<i32>} : memref<512x3184xf32, #tpu.memory_space<vmem>>, vector<512x199xf32>,
    %get3A_358 = arith.constant 15 : index
    %get3A_359 = arith.constant 0 : index
    %get3A_360 = arith.constant 0 : index
    %get3A_361 = vector.load %arg1[%get3A_358, %get3A_359, %get3A_360] : memref<16x199x136xf32, #tpu.memory_space<vmem>>, vector<1x199x136xf32>
    %get3A_362 = vector.shape_cast %get3A_361 : vector<1x199x136xf32> to vector<199x136xf32>
    %dot_general3A_363 = arith.constant dense<0.000000e+00> : vector<512x199xf32>
    %dot_general3A_364 = tpu.matmul %get3A_1, %get3A_362, %dot_general3A_363 {dimension_numbers = #tpu.dot_dimension_numbers<[0], [1], [1], [0], [0, 1, 1, 0], [], []>, transpose_lhs_hint = false} : vector<136x512xf32>, vector<199x136xf32>, vector<512x199xf32> -> vector<512x199xf32>
    %get3A_365 = arith.constant 0 : index
    %get3A_366 = arith.constant 15 : index
    %get3A_367 = vector.load %arg2[%get3A_365, %get3A_366] : memref<512x16xf32, #tpu.memory_space<vmem>>, vector<512x1xf32>
    %ge3A_368 = vector.broadcast %convert_element_type3A : vector<1x199xf32> to vector<512x199xf32>
    %ge3A_369 = vector.broadcast %get3A_367 : vector<512x1xf32> to vector<512x199xf32>
    %ge3A_370 = arith.cmpf oge, %ge3A_368, %ge3A_369 : vector<512x199xf32>
    %jit3A_371 = arith.constant 0xFF800000 : f32
    %jit3A_372 = arith.constant 0.000000e+00 : f32
    %broadcast_in_dim3A_373 = vector.broadcast %jit3A_371 : f32 to vector<512x199xf32>
    %broadcast_in_dim3A_374 = vector.broadcast %jit3A_372 : f32 to vector<512x199xf32>
    %select_n3A_375 = arith.select %ge3A_370, %broadcast_in_dim3A_373, %broadcast_in_dim3A_374 : vector<512x199xi1>, vector<512x199xf32>
    %add3A_376 = vector.broadcast %get3A_4 : vector<512x1xf32> to vector<512x199xf32>
    %add3A_377 = arith.addf %dot_general3A_364, %add3A_376 : vector<512x199xf32>
    %add3A_378 = arith.addf %add3A_377, %select_n3A_375 : vector<512x199xf32>
    %swap3A_379 = arith.constant 0 : index
    %swap3A_380 = arith.constant 2985 : index
    %swap3A_381 = vector.load %arg5[%swap3A_379, %swap3A_380] : memref<512x3184xf32, #tpu.memory_space<vmem>>, vector<512x199xf32>
    tpu.vector_store %arg5[%swap3A_379, %swap3A_380], %add3A_378 {strides = array<i32>} : memref<512x3184xf32, #tpu.memory_space<vmem>>, vector<512x199xf32>,
    return
  }
  func.func @transform_0(%arg0: i32) -> (i32, i32, i32) {
    %c0_i32 = arith.constant 0 : i32
    %c0_i32_0 = arith.constant 0 : i32
    %c0_i32_1 = arith.constant 0 : i32
    %c0_i32_2 = arith.constant 0 : i32
    return %c0_i32, %c0_i32_0, %c0_i32_1 : i32, i32, i32
  }
  func.func @transform_1(%arg0: i32) -> (i32, i32) {
    %c0_i32 = arith.constant 0 : i32
    %c0_i32_0 = arith.constant 0 : i32
    return %arg0, %c0_i32 : i32, i32
  }
  func.func @transform_2(%arg0: i32) -> (i32, i32) {
    %c0_i32 = arith.constant 0 : i32
    %c0_i32_0 = arith.constant 0 : i32
    return %c0_i32, %arg0 : i32, i32
  }
  func.func @transform_3(%arg0: i32) -> (i32, i32) {
    %c0_i32 = arith.constant 0 : i32
    %c0_i32_0 = arith.constant 0 : i32
    return %arg0, %c0_i32 : i32, i32
  }
  func.func @transform_4(%arg0: i32) -> (i32, i32) {
    %c0_i32 = arith.constant 0 : i32
    %c0_i32_0 = arith.constant 0 : i32
    return %arg0, %c0_i32 : i32, i32
  }
}

</mosaic_0001>

<sc_bundles>
// kernel: kernel.12.cloned.1.call-start
scs
__scs_entry_jumppad:
0x0: {  	(pc) =	sbr.rel $0x88, $3  }
0x1: {  	(tag) =	ssettag $0x0;
	lr =	simm.s32 $0x1  }
0x2: {  	[smem:$0x3F8F] =	sst lr;
	_ =	strace $0xD0000000  }
0x3: {  	_ = 	snop  }
0x4: {  	_ = 	snop  }
0x5: {  	_ = 	snop  }
0x6: {  	_ = 	snop  }
0x7: {  	_ = 	snop  }
__scs_overlays_trampoline_lowered:
0x8: {  	[smem:$0x3F9E] =	sst s0  }
0x9: {  	[smem:$0x3F9F] =	sst s1  }
0xa: {  	[smem:$0x3FA0] =	sst s2  }
0xb: {  	[smem:$0x3FA1] =	sst s3  }
0xc: {  	[smem:$0x3FA2] =	sst s4  }
0xd: {  	[smem:$0x3FA3] =	sst s5  }
0xe: {  	[smem:$0x3FA4] =	sst s6  }
0xf: {  	[smem:$0x3FA5] =	sst s7  }
0x10: {  	[smem:$0x3FA6] =	sst s8  }
0x11: {  	[smem:$0x3FA7] =	sst s9;
	s0 =	simm.s32 @!p0 $0x0  }
0x12: {  	s1 =	sld [smem:$0x3F8D];
	s0 =	simm.s32 @p0 $0x1  }
0x13: {  	[smem:$0x3FA8] =	sst s0;
	s0 =	simm.s32 @!p1 $0x0  }
0x14: {  	s2 =	sld [smem:$0x3F8C];
	s0 =	simm.s32 @p1 $0x1  }
0x15: {  	[smem:$0x3FA9] =	sst s0;
	s0 =	simm.s32 @!p2 $0x0  }
0x16: {  	s3 =	sld [smem:$0x3FDB];
	s0 =	simm.s32 @p2 $0x1  }
0x17: {  	s4 =	simm.s32 $0x1BF5;
	[smem:$0x3FAB] =	sst s0  }
0x18: {  	s0 =	sld [smem:$0x3F8E];
	_ =	swait.ge [sflag:s4], $0x0  }
0x19: {  	s7 =	sld [smem:$0x3F8F]  }
0x1a: {  	s8 =	sadd.s32 $0xFFFFE003, lr  }
0x1b: {  	s9 =	sadd.s32 $0xFFFFFEF7, lr;
	s5 =	simm.s32 $0xFFFFFFFF;
	p2 =	slt.u32 s8, $0xFFFFF086  }
0x1c: {  	p1 =	slt.u32 s9, $0xF7A;
	s5 =	simm.s32 @!p2 $0x0  }
0x1d: {  	s5 =	simm.s32 @p1 $0x1;
	p0 =	seq.s32 s7, s2  }
0x1e: {  	s7 =	smul.u32 @!p0 $0xF7A, s2;
	p2 =	seq.s32 @!p0 s5, $0x0  }
0x1f: {  	s9 =	smul.u32 $0xF7A, s1;
	s8 =	simm.s32 @!p0 $0x1BF5;
	p2 =	por !p2, p0  }
0x20: {  	[sflag:s8] =	ssyncset.s32 @!p0 $0xFFFFF086;
	s6 =	sadd.s32 @!p0 s3, s7;
	s7 =	simm.s32 @!p0 $0x108  }
0x21: {  	s3 =	sadd.s32 s3, s9;
	s6 =	sadd.s32 @!p0 $0x88, s6;
	s7 =	simm.s32 @p2 $0x1082  }
0x22: {  	[simem:s7], [sflag:s8] =	dma.local @!p0 [hbm:s6], $0xF7A  }
0x23: {  	s9 =	sor.u32 $0xD0000000, s2;
	s6 =	simm.s32 $0x108;
	_ =	swait.ge @!p0 [sflag:s8], $0x0  }
0x24: {  	s3 =	sadd.s32 $0x88, s3;
	s6 =	simm.s32 @!p1 $0x1082;
	[sflag:s4] =	ssyncset.s32 $0xFFFFF086  }
0x25: {  	[simem:s6], [sflag:s4] =	dma.local [hbm:s3], $0xF7A  }
0x26: {  	[smem:$0x3F8F] =	sst s1;
	(tag) =	ssettag s2;
	_ =	strace s9  }
0x27: {  	s1 =	sld [smem:$0x3F9F]  }
0x28: {  	s2 =	sld [smem:$0x3FA0]  }
0x29: {  	s4 =	sld [smem:$0x3FA2]  }
0x2a: {  	p0 =	seq.s32 s5, $0x0;
	s5 =	sld [smem:$0x3FA3]  }
0x2b: {  	s6 =	sld [smem:$0x3FA4]  }
0x2c: {  	s7 =	sld [smem:$0x3FA5]  }
0x2d: {  	s3 =	simm.s32 $0x108;
	s8 =	sld [smem:$0x3FA6]  }
0x2e: {  	s3 =	simm.s32 @!p0 $0x1082;
	s9 =	sld [smem:$0x3FA7]  }
0x2f: {  	lr =	sadd.s32 s0, s3;
	s0 =	sld [smem:$0x3F9E]  }
0x30: {  	s3 =	sld [smem:$0x3FA1]  }
0x31: {  	[smem:$0x3FAA] =	sst s10  }
0x32: {  	s10 =	sld [smem:$0x3FA8];
	_ =	sdelay $0x3  }
0x33: {  	p0 =	seq.s32 s10, $0x1;
	s10 =	sld [smem:$0x3FAA];
	_ =	sdelay $0x3  }
0x34: {  	[smem:$0x3FAA] =	sst s10  }
0x35: {  	s10 =	sld [smem:$0x3FA9];
	_ =	sdelay $0x3  }
0x36: {  	p1 =	seq.s32 s10, $0x1;
	s10 =	sld [smem:$0x3FAA];
	_ =	sdelay $0x3  }
0x37: {  	[smem:$0x3FAA] =	sst s10  }
0x38: {  	s10 =	sld [smem:$0x3FAB]  }
0x39: {  	_ = 	snop;
	(pc) =	sbr.ind lr, $3  }
0x3a: {  	_ = 	snop  }
0x3b: {  	_ = 	snop  }
0x3c: {  	p2 =	seq.s32 s10, $0x1;
	s10 =	sld [smem:$0x3FAA]  }
0x3d: {  	_ =	shalt  }
0x3e: {  	_ =	shalt  }
0x3f: {  	_ =	shalt  }
0x40: {  	_ =	shalt  }
0x41: {  	_ =	shalt  }
0x42: {  	_ =	shalt  }
0x43: {  	_ =	shalt  }
0x44: {  	_ =	shalt  }
0x45: {  	_ =	shalt  }
0x46: {  	_ =	shalt  }
0x47: {  	_ =	shalt  }
0x48: {  	_ =	shalt  }
0x49: {  	_ =	shalt  }
0x4a: {  	_ =	shalt  }
0x4b: {  	_ =	shalt  }
0x4c: {  	_ =	shalt  }
0x4d: {  	_ =	shalt  }
0x4e: {  	_ =	shalt  }
0x4f: {  	_ =	shalt  }
0x50: {  	_ =	shalt  }
0x51: {  	_ =	shalt  }
0x52: {  	_ =	shalt  }
0x53: {  	_ =	shalt  }
0x54: {  	_ =	shalt  }
0x55: {  	_ =	shalt  }
0x56: {  	_ =	shalt  }
0x57: {  	_ =	shalt  }
0x58: {  	_ =	shalt  }
0x59: {  	_ =	shalt  }
0x5a: {  	_ =	shalt  }
0x5b: {  	_ =	shalt  }
0x5c: {  	_ =	shalt  }
0x5d: {  	_ =	shalt  }
0x5e: {  	_ =	shalt  }
0x5f: {  	_ =	shalt  }
0x60: {  	_ =	shalt  }
0x61: {  	_ =	shalt  }
0x62: {  	_ =	shalt  }
0x63: {  	_ =	shalt  }
0x64: {  	_ =	shalt  }
0x65: {  	_ =	shalt  }
0x66: {  	_ =	shalt  }
0x67: {  	_ =	shalt  }
0x68: {  	_ =	shalt  }
0x69: {  	_ =	shalt  }
0x6a: {  	_ =	shalt  }
0x6b: {  	_ =	shalt  }
0x6c: {  	_ =	shalt  }
0x6d: {  	_ =	shalt  }
0x6e: {  	_ =	shalt  }
0x6f: {  	_ =	shalt  }
0x70: {  	_ =	shalt  }
0x71: {  	_ =	shalt  }
0x72: {  	_ =	shalt  }
0x73: {  	_ =	shalt  }
0x74: {  	_ =	shalt  }
0x75: {  	_ =	shalt  }
0x76: {  	_ =	shalt  }
0x77: {  	_ =	shalt  }
0x78: {  	_ =	shalt  }
0x79: {  	_ =	shalt  }
0x7a: {  	_ =	shalt  }
0x7b: {  	_ =	shalt  }
0x7c: {  	_ =	shalt  }
0x7d: {  	_ =	shalt  }
0x7e: {  	_ =	shalt  }
0x7f: {  	_ =	shalt  }
0x80: {  	_ =	shalt  }
0x81: {  	_ =	shalt  }
0x82: {  	_ =	shalt  }
0x83: {  	_ =	shalt  }
0x84: {  	_ =	shalt  }
0x85: {  	_ =	shalt  }
0x86: {  	_ =	shalt  }
0x87: {  	_ =	shalt  }
.Lfunc_end0:
.L_simem_size_0:
called_computation_lowered:
.L_overlay_start_0:
0x88: {  	s2 =	sld [smem:$0x3FD9]  }
0x89: {  	s3 =	sld [smem:$0x3FFE];
	_ =	sdelay $0x1  }
0x8a: {  	s1 =	srdreg.scid  }
0x8b: {  	s0 =	sand.u32 $0x1, s1  }
0x8c: {  	s17 =	sshll.u32 s0, $0xA;
	s2 =	sadd.s32 s3, s2  }
0x8d: {  	s2 =	sadd.s32 s2, s17  }
0x8e: {  	[smem:$0x3FB6] =	sst s2  }
0x8f: {  	_ = 	snop  }
0x90: {  	s2 =	sld [smem:$0x3FD0];
	(tm) =	ssettm $0x1  }
0x91: {  	s18 =	sld [smem:$0x3FFB];
	_ =	sdelay $0x3  }
0x92: {  	_ =	strace s18  }
0x93: {  	s3 =	sld [smem:$0x3FFC];
	_ =	sdelay $0x3  }
0x94: {  	_ =	strace s3  }
0x95: {  	s3 =	sld [smem:$0x3FFD];
	_ =	sdelay $0x3  }
0x96: {  	_ =	strace s3  }
0x97: {  	_ =	strace $0x8FFFFFFF  }
0x98: {  	s19 =	sld [smem:$0x3FDB];
	_ =	sdelay $0x1  }
0x99: {  	s4 =	simm.s32 $_scs_section_size  }
0x9a: {  	s5 =	simm.s32 $_size__tile_overlayer_lowered;
	s6 =	simm.s32 $_tile_overlayer_lowered  }
0x9b: {  	s22 =	simm.s32 $0x1BFF;
	s21 =	sshll.u32 s6, $0x1;
	s3 =	sadd.s32 s4, s19  }
0x9c: {  	s7 =	simm.s32 $0x0;
	s20 =	sshll.u32 s5, $0x1;
	s5 =	sadd.s32 s21, s3  }
0x9d: {  	[timem:s7], [sflag:s22] =	dma.local [hbm:s5], s20  }
0x9e: {  	_ =	swait.ge [sflag:s22], s20  }
0x9f: {  	s4 =	ssub.s32 $0x0, s20;
	[sflag:s22] =	ssyncset.done $0x0  }
0xa0: {  	[sflag:s22] =	ssyncadd.s32 s4;
	_ =	sdelay $0x1  }
0xa1: {  	s23 =	simm.s32 $0x1B8B  }
0xa2: {  	_ =	swait.ge [sflag:s23], $0x1  }
0xa3: {  	[sflag:s23] =	ssyncset.done $0x0  }
0xa4: {  	s25 =	simm.s32 $0x1B8E;
	s24 =	sld [smem:$0x3FFE];
	[sflag:s23] =	ssyncadd.s32 $0xFFFFFFFF  }
0xa5: {  	s26 =	simm.s32 $execute0_lowered;
	[smem:$0x3FD2] =	sst s25  }
0xa6: {  	s5 =	sshll.u32 s26, $0x1;
	_ =	strace $0x80000046;
	[dreg:$0x1] =	wrdreg $0xFFFFFFFF  }
0xa7: {  	s28 =	simm.s32 $_size_execute0_lowered;
	s3 =	sadd.s32 s3, s5;
	[dreg:$0x0] =	wrdreg $0x0  }
0xa8: {  	s5 =	sshll.u32 s28, $0x1;
	[dreg:$0x2] =	wrdreg s3  }
0xa9: {  	[dreg:$0x3] =	wrdreg s5  }
0xaa: {  	[dreg:$0x4] =	wrdreg $0xC0  }
0xab: {  	_ =	task [dreg:s7], $0x5FFFF  }
0xac: {  	[dreg:$0x1] =	wrdreg $0xFFFFFFFF  }
0xad: {  	[dreg:$0x0] =	wrdreg $0x60  }
0xae: {  	[dreg:$0x2] =	wrdreg s24  }
0xaf: {  	[dreg:$0x3] =	wrdreg s2  }
0xb0: {  	[dreg:$0x4] =	wrdreg $0x4800  }
0xb1: {  	[dreg:$0x5] =	wrdreg $0x9  }
0xb2: {  	_ =	task.clear_ibuf [dreg:s7], $0x6FFFF;
	_ =	strace $0x90000046  }
0xb3: {  	s29 =	simm.s32 $0x9;
	_ =	strace $0x80000048  }
0xb4: {  	_ =	swait.ge [sflag:s29], $0x1  }
0xb5: {  	[sflag:s29] =	ssyncadd.s32 $0xFFFFFFFF  }
0xb6: {  	_ =	strace $0x90000048  }
0xb7: {  	_ =	sfence  }
0xb8: {  	s30 =	sld [smem:$0x0];
	_ =	sdelay $0x2  }
0xb9: {  	s31 =	sshll.u32 s1, $0xD;
	s1 =	sshrl.u32 s1, $0x2  }
0xba: {  	s3 =	sand.u32 $0x4000, s31;
	s1 =	sadd.s32 s1, s30  }
0xbb: {  	s0 =	sor.u32 s3, s0;
	s1 =	sshll.u32 s1, $0x11  }
0xbc: {  	s0 =	sor.u32 s1, s0  }
0xbd: {  	s0 =	sadd.s32 $0x8F2B, s0  }
0xbe: {  	[sflag:s0] =	ssyncadd.remote.s32 $0x1  }
0xbf: {  	_ =	sfence.sel $0xFFFF  }
0xc0: {  	[dreg:$0x0] =	wrdreg $0xFFFFFFFF;
	(pc) =	sbr.abs _section_cstart, $3  }
0xc1: {  	[dreg:$0x1] =	wrdreg $0xFFFFFFFF  }
0xc2: {  	_ =	task.clear_ibuf [dreg:s7], $0x2FFFF;
	_ =	strace $0x9FFFFFFF  }
0xc3: {  	(tm) =	ssettm $0x7FFFFFFF  }
tec
execute0_lowered:
.L_overlay_start_1:
0x0: {  	(tag) =	ssettag $0x1  }
0x1: {  	s4 =	rddreg [dreg:$0x0]  }
0x2: {  	s9 =	rddreg [dreg:$0x1]  }
0x3: {  	s1 =	rddreg [dreg:$0x2]  }
0x4: {  	s0 =	rddreg [dreg:$0x3];
	s3 =	simm.s32 $0x0  }
0x5: {  	s5 =	srdreg.scid;
	s2 =	stileid.u32;
	s16 =	simm.s32 $0x80  }
0x6: {  	s17 =	simm.s32 $0x8;
	s18 =	simm.s32 $0x0;
	s7 =	smul.u32 $0xA00, s2  }
0x7: {  	[smem:$0x7FF] =	sst s3;
	s8 =	sand.u32 $0x1, s5;
	s28 =	smul.u32 $0x280, s2  }
0x8: {  	s26 =	sshll.u32 s2, $0x1;
	s12 =	sadd.s32 $0x9200, s4;
	s14 =	smul.u32 $0x2710, s2  }
0x9: {  	s4 =	sadd.s32 $0xE200, s4;
	p0 =	seq.s32 s2, $0xF;
	s13 =	smul.u32 $0x2710, s8  }
0xa: {  	s6 =	ssub.s32 $0x2, s8;
	s5 =	sor.u32 s8, s26;
	s15 =	smul.u32 $0x1388, s8  }
0xb: {  	_ =	strace $0x80000047;
	s10 =	sshrl.u32 s6, $0x1;
	s5 =	smul.u32 $0x1388, s5  }
0xc: {  	s29 =	sshrl.u32 s7, $0x2;
	s8 =	sadd.s32 s28, s1;
	s11 =	ssub.s32 s6, s10  }
0xd: {  	s6 =	sadd.s32 $0x2580, s1;
	s10 =	sadd.s32 s28, s13;
	s13 =	sshrl.u32 s13, $0x3  }
0xe: {  	s14 =	sadd.s32 s15, s14;
	s15 =	simm.s32 $0x180;
	s30 =	sshrl.u32 s5, $0x3  }
0xf: {  	s5 =	sadd.s32 s29, s1;
	s10 =	sshrl.u32 s10, $0x3;
	s13 =	sadd.s32 s9, s13  }
0x10: {  	s31 =	sshrl.u32 s14, $0x3;
	s11 =	smax.u32 s11, $0x1;
	s14 =	simm.s32 $0x1  }
0x11: {  	s7 =	sadd.s32 s12, s30;
	s9 =	sadd.s32 s9, s10;
	s10 =	sadd.s32 $0x4B0, s13  }
0x12: {  	v0 =	vimm.f32 $0.0e+00;
	s12 =	sadd.s32 s31, s12;
	s13 =	simm.s32 $0x100;
	s7 =	sadd.s32 $0x270, s7  }
.LBB2_1:
0x13: {  	[tilespmem:s13], [sflag:$0x1] =	stream.linear.gather [hbm4b:s4+s3], $0x80, $0x38;
	[tilespmem:$0x6F8] =	vst v63  }
0x14: {  	_ =	swait.ge [sflag:s14], $0x80  }
0x15: {  	[sflag:s14] =	ssyncset.done $0x0  }
0x16: {  	[sflag:s14] =	ssyncadd.s32 $0xFFFFFF80  }
0x17: {  	[tilespmem:s15], [sflag:$0x1] =	stream.linear.gather [hbm4b:s4+s3], $0x8, $0x38;
	[tilespmem:$0x6F8] =	vst v63  }
0x18: {  	_ =	swait.ge [sflag:s14], $0x8  }
0x19: {  	[sflag:s14] =	ssyncset.done $0x0  }
0x1a: {  	[sflag:s14] =	ssyncadd.s32 $0xFFFFFFF8  }
0x1b: {  	[tilespmem:$0x200] =	vst v0  }
0x1c: {  	[tilespmem:$0x210] =	vst v0  }
0x1d: {  	[tilespmem:$0x220] =	vst v0  }
0x1e: {  	[tilespmem:$0x230] =	vst v0  }
0x1f: {  	[tilespmem:$0x240] =	vst v0  }
0x20: {  	[tilespmem:$0x250] =	vst v0  }
0x21: {  	[tilespmem:$0x260] =	vst v0  }
0x22: {  	[tilespmem:$0x270] =	vst v0  }
0x23: {  	[tilespmem:$0x280] =	vst v0  }
0x24: {  	[tilespmem:$0x290] =	vst v0  }
0x25: {  	[tilespmem:$0x2A0] =	vst v0  }
0x26: {  	[tilespmem:$0x2B0] =	vst v0  }
0x27: {  	[tilespmem:$0x2C0] =	vst v0  }
0x28: {  	[tilespmem:$0x2D0] =	vst v0  }
0x29: {  	[tilespmem:$0x2E0] =	vst v0  }
0x2a: {  	[tilespmem:$0x2F0] =	vst v0  }
0x2b: {  	[tilespmem:$0x300] =	vst v0  }
0x2c: {  	[tilespmem:$0x310] =	vst v0  }
0x2d: {  	[tilespmem:$0x320] =	vst v0  }
0x2e: {  	[tilespmem:$0x330] =	vst v0  }
0x2f: {  	[tilespmem:$0x340] =	vst v0  }
0x30: {  	[tilespmem:$0x350] =	vst v0  }
0x31: {  	[tilespmem:$0x360] =	vst v0  }
0x32: {  	[tilespmem:$0x370] =	vst v0  }
0x33: {  	[tilespmem:$0x380] =	vst v0  }
0x34: {  	[tilespmem:$0x390] =	vst v0  }
0x35: {  	[tilespmem:$0x3A0] =	vst v0  }
0x36: {  	[tilespmem:$0x3B0] =	vst v0  }
0x37: {  	[tilespmem:$0x3C0] =	vst v0  }
0x38: {  	[tilespmem:$0x3D0] =	vst v0  }
0x39: {  	[tilespmem:$0x3E0] =	vst v0  }
0x3a: {  	[tilespmem:$0x3F0] =	vst v0  }
0x3b: {  	[tilespmem:$0x400] =	vst v0  }
0x3c: {  	[tilespmem:$0x410] =	vst v0  }
0x3d: {  	[tilespmem:$0x420] =	vst v0  }
0x3e: {  	[tilespmem:$0x430] =	vst v0  }
0x3f: {  	[tilespmem:$0x440] =	vst v0  }
0x40: {  	[tilespmem:$0x450] =	vst v0  }
0x41: {  	[tilespmem:$0x460] =	vst v0  }
0x42: {  	s19 =	simm.s32 @p0 $0x200;
	[tilespmem:$0x470] =	vst v0  }
0x43: {  	[spmem:s6] =	stream.linear.scatter @p0 [tilespmem:s19], [sflag:$0x1], $0x190, $0x38;
	[tilespmem:$0x6F8] =	vst v63  }
0x44: {  	s19 =	simm.s32 @p0 $0x1  }
0x45: {  	_ =	swait.ge @p0 [sflag:s19], $0x190  }
0x46: {  	[sflag:s19] =	ssyncset.done @p0 $0x0  }
0x47: {  	[sflag:s19] =	ssyncadd.s32 @p0 $0xFFFFFE70;
	s19 =	simm.s32 @!p0 $0x200  }
0x48: {  	[spmem:s5] =	stream.linear.scatter @!p0 [tilespmem:s19], [sflag:$0x1], $0x280, $0x38;
	[tilespmem:$0x6F8] =	vst v63  }
0x49: {  	s19 =	simm.s32 @!p0 $0x1  }
0x4a: {  	_ =	swait.ge @!p0 [sflag:s19], $0x280  }
0x4b: {  	[sflag:s19] =	ssyncset.done @!p0 $0x0  }
0x4c: {  	[sflag:s19] =	ssyncadd.s32 @!p0 $0xFFFFFD80  }
0x4d: {  	s31 =	sadd.s32 $0x0, s12;
	[bflag:$0x0] =	sbarrier.arrive $0xFFFF  }
0x4e: {  	[tilespmem:s3], [sflag:$0x1] =	stream.linear.gather [hbm4b:s31+s3], $0x80, $0x38;
	[tilespmem:$0x6F8] =	vst v63  }
0x4f: {  	_ =	swait.ge [sflag:s14], $0x80  }
0x50: {  	[sflag:s14] =	ssyncset.done $0x0  }
0x51: {  	[sflag:s14] =	ssyncadd.s32 $0xFFFFFF80  }
0x52: {  	[spmem:s1] =	stream.indirect.scatter.add.f32 [tilespmem:s13], [sflag:$0x1], $0x1, s3, s16, $0xb8;
	[tilespmem:$0x6F8] =	vst v63  }
0x53: {  	_ =	swait.ge [sflag:s14], $0x80  }
0x54: {  	s20 =	simm.s32 $0x20;
	s19 =	simm.s32 $0x10;
	[sflag:s14] =	ssyncset.done $0x0  }
.LBB2_2:
0x55: {  	s21 =	sadd.s32 s19, s12  }
0x56: {  	[sflag:s14] =	ssyncadd.s32 $0xFFFFFF80;
	s19 =	smov.u32 s20;
	s22 =	sadd.s32 $0x10, s20  }
0x57: {  	[tilespmem:s3], [sflag:$0x1] =	stream.linear.gather [hbm4b:s21+s3], $0x80, $0x38;
	[tilespmem:$0x6F8] =	vst v63  }
0x58: {  	p1 =	sne.s32 s20, $0x260;
	_ =	swait.ge [sflag:s14], $0x80  }
.Ltmp0:
0x59: {  	[sflag:s14] =	ssyncset.done $0x0;
	(pc) =	sbr.rel @p1 .LBB2_2-.Ltmp0, $4  }
0x5a: {  	[sflag:s14] =	ssyncadd.s32 $0xFFFFFF80  }
0x5b: {  	[spmem:s1] =	stream.indirect.scatter.add.f32 [tilespmem:s13], [sflag:$0x1], $0x1, s3, s16, $0xb8;
	[tilespmem:$0x6F8] =	vst v63  }
0x5c: {  	_ =	swait.ge [sflag:s14], $0x80  }
0x5d: {  	s20 =	smov.u32 s22;
	[sflag:s14] =	ssyncset.done $0x0  }
0x5e: {  	s19 =	sadd.s32 s19, s12;
	[sflag:s14] =	ssyncadd.s32 $0xFFFFFF80  }
0x5f: {  	[tilespmem:s3], [sflag:$0x1] =	stream.linear.gather [hbm4b:s19+s3], $0x80, $0x38;
	[tilespmem:$0x6F8] =	vst v63  }
0x60: {  	_ =	swait.ge [sflag:s14], $0x80  }
0x61: {  	[sflag:s14] =	ssyncset.done $0x0  }
0x62: {  	[sflag:s14] =	ssyncadd.s32 $0xFFFFFF80  }
0x63: {  	[spmem:s1] =	stream.indirect.scatter.add.f32 [tilespmem:s13], [sflag:$0x1], $0x1, s3, s16, $0xb8;
	[tilespmem:$0x6F8] =	vst v63  }
0x64: {  	_ =	swait.ge [sflag:s14], $0x80  }
0x65: {  	[sflag:s14] =	ssyncset.done $0x0  }
0x66: {  	[sflag:s14] =	ssyncadd.s32 $0xFFFFFF80  }
0x67: {  	[tilespmem:s16], [sflag:$0x1] =	stream.linear.gather [hbm4b:s7+s3], $0x8, $0x38;
	[tilespmem:$0x6F8] =	vst v63  }
0x68: {  	_ =	swait.ge [sflag:s14], $0x8  }
0x69: {  	[sflag:s14] =	ssyncset.done $0x0  }
0x6a: {  	[sflag:s14] =	ssyncadd.s32 $0xFFFFFFF8  }
0x6b: {  	[spmem:s1] =	stream.indirect.scatter.add.f32 [tilespmem:s15], [sflag:$0x1], $0x1, s16, s17, $0xb8;
	[tilespmem:$0x6F8] =	vst v63  }
0x6c: {  	_ =	swait.ge [sflag:s14], $0x8  }
0x6d: {  	[sflag:s14] =	ssyncset.done $0x0  }
0x6e: {  	[sflag:s14] =	ssyncadd.s32 $0xFFFFFFF8  }
0x6f: {  	s20 =	simm.s32 @p0 $0x1;
	s19 =	simm.s32 @p0 $0x200;
	[bflag:$0x0] =	sbarrier.arrive $0xFFFF  }
0x70: {  	[tilespmem:s19], [sflag:$0x1] =	stream.linear.gather @p0 [spmem:s6], $0x190, $0x38;
	[tilespmem:$0x6F8] =	vst v63  }
0x71: {  	_ =	swait.ge @p0 [sflag:s20], $0x190  }
0x72: {  	[sflag:s20] =	ssyncset.done @p0 $0x0  }
0x73: {  	s21 =	simm.s32 @p0 $0x0;
	[sflag:s20] =	ssyncadd.s32 @p0 $0xFFFFFE70  }
0x74: {  	[hbm4b:s10+s21] =	stream.linear.scatter @p0 [tilespmem:s19], [sflag:$0x1], $0x190, $0x38;
	[tilespmem:$0x6F8] =	vst v63  }
0x75: {  	_ =	swait.ge @p0 [sflag:s20], $0x190  }
0x76: {  	[sflag:s20] =	ssyncset.done @p0 $0x0  }
0x77: {  	s19 =	simm.s32 @!p0 $0x200;
	[sflag:s20] =	ssyncadd.s32 @p0 $0xFFFFFE70;
	s20 =	simm.s32 @!p0 $0x1  }
0x78: {  	[tilespmem:s19], [sflag:$0x1] =	stream.linear.gather @!p0 [spmem:s8], $0x280, $0x38;
	[tilespmem:$0x6F8] =	vst v63  }
0x79: {  	s18 =	sadd.s32 $0x1, s18;
	_ =	swait.ge @!p0 [sflag:s20], $0x280  }
0x7a: {  	p1 =	sne.s32 s18, s11;
	[sflag:s20] =	ssyncset.done @!p0 $0x0  }
.Ltmp1:
0x7b: {  	s21 =	simm.s32 @!p0 $0x0;
	[sflag:s20] =	ssyncadd.s32 @!p0 $0xFFFFFD80;
	(pc) =	sbr.rel @p1 .LBB2_1-.Ltmp1, $4  }
0x7c: {  	[hbm4b:s9+s21] =	stream.linear.scatter @!p0 [tilespmem:s19], [sflag:$0x1], $0x280, $0x38;
	[tilespmem:$0x6F8] =	vst v63  }
0x7d: {  	_ =	swait.ge @!p0 [sflag:s20], $0x280  }
0x7e: {  	[sflag:s20] =	ssyncset.done @!p0 $0x0  }
0x7f: {  	[sflag:s20] =	ssyncadd.s32 @!p0 $0xFFFFFD80  }
0x80: {  	_ =	sfence.sel $0x180000  }
0x81: {  	[bflag:$0x0] =	sbarrier.arrive $0xFFFF  }
0x82: {  	p0 =	sne.s32 s2, $0x0;
	_ =	strace $0x90000047  }
0x83: {  	s0 =	sadd.s32 @!p0 $0x100000, s0;
	[bflag:$0x2] =	sbarrier.arrive $0xFFFF  }
0x84: {  	[sflag:s0] =	ssyncadd.tile.s32 @!p0 $0x1;
	_ =	shalt  }
.Lfunc_end2:
_tile_overlayer_lowered:
.L_overlay_start_2:
0x85: {  	(tag) =	ssettag $0x2  }
0x86: {  	s0 =	rddreg [dreg:$0x0];
	s2 =	stileid.u32  }
0x87: {  	s1 =	rddreg [dreg:$0x1];
	p0 =	sne.s32 s2, $0x0  }
0x88: {  	s3 =	rddreg [dreg:$0x2];
	[bflag:$0x3] =	sbarrier.arrive $0xFFFF;
	s2 =	simm.s32 @!p0 $0x1C01  }
0x89: {  	[timem:s3], [sflag:s2] =	dma.local @!p0 [hbm:s0], s1  }
0x8a: {  	s0 =	simm.s32 @!p0 $0x1  }
0x8b: {  	_ =	swait.ge @!p0 [sflag:s0], s1  }
0x8c: {  	s1 =	ssub.s32 @!p0 $0x0, s1;
	[sflag:s0] =	ssyncset.done @!p0 $0x0  }
0x8d: {  	[sflag:s0] =	ssyncadd.s32 @!p0 s1  }
0x8e: {  	[bflag:$0x3] =	sbarrier.arrive $0xFFFF  }
0x8f: {  	_ =	shalt  }

// kernel: kernel.15.cloned.1.call-start
scs
__scs_entry_jumppad:
0x0: {  	(pc) =	sbr.rel $0x88, $3  }
0x1: {  	(tag) =	ssettag $0x0;
	lr =	simm.s32 $0x1  }
0x2: {  	[smem:$0x3F8F] =	sst lr;
	_ =	strace $0xD0000000  }
0x3: {  	_ = 	snop  }
0x4: {  	_ = 	snop  }
0x5: {  	_ = 	snop  }
0x6: {  	_ = 	snop  }
0x7: {  	_ = 	snop  }
__scs_overlays_trampoline_lowered:
0x8: {  	[smem:$0x3F9E] =	sst s0  }
0x9: {  	[smem:$0x3F9F] =	sst s1  }
0xa: {  	[smem:$0x3FA0] =	sst s2  }
0xb: {  	[smem:$0x3FA1] =	sst s3  }
0xc: {  	[smem:$0x3FA2] =	sst s4  }
0xd: {  	[smem:$0x3FA3] =	sst s5  }
0xe: {  	[smem:$0x3FA4] =	sst s6  }
0xf: {  	[smem:$0x3FA5] =	sst s7  }
0x10: {  	[smem:$0x3FA6] =	sst s8  }
0x11: {  	[smem:$0x3FA7] =	sst s9;
	s0 =	simm.s32 @!p0 $0x0  }
0x12: {  	s1 =	sld [smem:$0x3F8D];
	s0 =	simm.s32 @p0 $0x1  }
0x13: {  	[smem:$0x3FA8] =	sst s0;
	s0 =	simm.s32 @!p1 $0x0  }
0x14: {  	s2 =	sld [smem:$0x3F8C];
	s0 =	simm.s32 @p1 $0x1  }
0x15: {  	[smem:$0x3FA9] =	sst s0;
	s0 =	simm.s32 @!p2 $0x0  }
0x16: {  	s3 =	sld [smem:$0x3FDB];
	s0 =	simm.s32 @p2 $0x1  }
0x17: {  	s4 =	simm.s32 $0x1BF5;
	[smem:$0x3FAB] =	sst s0  }
0x18: {  	s0 =	sld [smem:$0x3F8E];
	_ =	swait.ge [sflag:s4], $0x0  }
0x19: {  	s7 =	sld [smem:$0x3F8F]  }
0x1a: {  	s8 =	sadd.s32 $0xFFFFE003, lr  }
0x1b: {  	s9 =	sadd.s32 $0xFFFFFEF7, lr;
	s5 =	simm.s32 $0xFFFFFFFF;
	p2 =	slt.u32 s8, $0xFFFFF086  }
0x1c: {  	p1 =	slt.u32 s9, $0xF7A;
	s5 =	simm.s32 @!p2 $0x0  }
0x1d: {  	s5 =	simm.s32 @p1 $0x1;
	p0 =	seq.s32 s7, s2  }
0x1e: {  	s7 =	smul.u32 @!p0 $0xF7A, s2;
	p2 =	seq.s32 @!p0 s5, $0x0  }
0x1f: {  	s9 =	smul.u32 $0xF7A, s1;
	s8 =	simm.s32 @!p0 $0x1BF5;
	p2 =	por !p2, p0  }
0x20: {  	[sflag:s8] =	ssyncset.s32 @!p0 $0xFFFFF086;
	s6 =	sadd.s32 @!p0 s3, s7;
	s7 =	simm.s32 @!p0 $0x108  }
0x21: {  	s3 =	sadd.s32 s3, s9;
	s6 =	sadd.s32 @!p0 $0x88, s6;
	s7 =	simm.s32 @p2 $0x1082  }
0x22: {  	[simem:s7], [sflag:s8] =	dma.local @!p0 [hbm:s6], $0xF7A  }
0x23: {  	s9 =	sor.u32 $0xD0000000, s2;
	s6 =	simm.s32 $0x108;
	_ =	swait.ge @!p0 [sflag:s8], $0x0  }
0x24: {  	s3 =	sadd.s32 $0x88, s3;
	s6 =	simm.s32 @!p1 $0x1082;
	[sflag:s4] =	ssyncset.s32 $0xFFFFF086  }
0x25: {  	[simem:s6], [sflag:s4] =	dma.local [hbm:s3], $0xF7A  }
0x26: {  	[smem:$0x3F8F] =	sst s1;
	(tag) =	ssettag s2;
	_ =	strace s9  }
0x27: {  	s1 =	sld [smem:$0x3F9F]  }
0x28: {  	s2 =	sld [smem:$0x3FA0]  }
0x29: {  	s4 =	sld [smem:$0x3FA2]  }
0x2a: {  	p0 =	seq.s32 s5, $0x0;
	s5 =	sld [smem:$0x3FA3]  }
0x2b: {  	s6 =	sld [smem:$0x3FA4]  }
0x2c: {  	s7 =	sld [smem:$0x3FA5]  }
0x2d: {  	s3 =	simm.s32 $0x108;
	s8 =	sld [smem:$0x3FA6]  }
0x2e: {  	s3 =	simm.s32 @!p0 $0x1082;
	s9 =	sld [smem:$0x3FA7]  }
0x2f: {  	lr =	sadd.s32 s0, s3;
	s0 =	sld [smem:$0x3F9E]  }
0x30: {  	s3 =	sld [smem:$0x3FA1]  }
0x31: {  	[smem:$0x3FAA] =	sst s10  }
0x32: {  	s10 =	sld [smem:$0x3FA8];
	_ =	sdelay $0x3  }
0x33: {  	p0 =	seq.s32 s10, $0x1;
	s10 =	sld [smem:$0x3FAA];
	_ =	sdelay $0x3  }
0x34: {  	[smem:$0x3FAA] =	sst s10  }
0x35: {  	s10 =	sld [smem:$0x3FA9];
	_ =	sdelay $0x3  }
0x36: {  	p1 =	seq.s32 s10, $0x1;
	s10 =	sld [smem:$0x3FAA];
	_ =	sdelay $0x3  }
0x37: {  	[smem:$0x3FAA] =	sst s10  }
0x38: {  	s10 =	sld [smem:$0x3FAB]  }
0x39: {  	_ = 	snop;
	(pc) =	sbr.ind lr, $3  }
0x3a: {  	_ = 	snop  }
0x3b: {  	_ = 	snop  }
0x3c: {  	p2 =	seq.s32 s10, $0x1;
	s10 =	sld [smem:$0x3FAA]  }
0x3d: {  	_ =	shalt  }
0x3e: {  	_ =	shalt  }
0x3f: {  	_ =	shalt  }
0x40: {  	_ =	shalt  }
0x41: {  	_ =	shalt  }
0x42: {  	_ =	shalt  }
0x43: {  	_ =	shalt  }
0x44: {  	_ =	shalt  }
0x45: {  	_ =	shalt  }
0x46: {  	_ =	shalt  }
0x47: {  	_ =	shalt  }
0x48: {  	_ =	shalt  }
0x49: {  	_ =	shalt  }
0x4a: {  	_ =	shalt  }
0x4b: {  	_ =	shalt  }
0x4c: {  	_ =	shalt  }
0x4d: {  	_ =	shalt  }
0x4e: {  	_ =	shalt  }
0x4f: {  	_ =	shalt  }
0x50: {  	_ =	shalt  }
0x51: {  	_ =	shalt  }
0x52: {  	_ =	shalt  }
0x53: {  	_ =	shalt  }
0x54: {  	_ =	shalt  }
0x55: {  	_ =	shalt  }
0x56: {  	_ =	shalt  }
0x57: {  	_ =	shalt  }
0x58: {  	_ =	shalt  }
0x59: {  	_ =	shalt  }
0x5a: {  	_ =	shalt  }
0x5b: {  	_ =	shalt  }
0x5c: {  	_ =	shalt  }
0x5d: {  	_ =	shalt  }
0x5e: {  	_ =	shalt  }
0x5f: {  	_ =	shalt  }
0x60: {  	_ =	shalt  }
0x61: {  	_ =	shalt  }
0x62: {  	_ =	shalt  }
0x63: {  	_ =	shalt  }
0x64: {  	_ =	shalt  }
0x65: {  	_ =	shalt  }
0x66: {  	_ =	shalt  }
0x67: {  	_ =	shalt  }
0x68: {  	_ =	shalt  }
0x69: {  	_ =	shalt  }
0x6a: {  	_ =	shalt  }
0x6b: {  	_ =	shalt  }
0x6c: {  	_ =	shalt  }
0x6d: {  	_ =	shalt  }
0x6e: {  	_ =	shalt  }
0x6f: {  	_ =	shalt  }
0x70: {  	_ =	shalt  }
0x71: {  	_ =	shalt  }
0x72: {  	_ =	shalt  }
0x73: {  	_ =	shalt  }
0x74: {  	_ =	shalt  }
0x75: {  	_ =	shalt  }
0x76: {  	_ =	shalt  }
0x77: {  	_ =	shalt  }
0x78: {  	_ =	shalt  }
0x79: {  	_ =	shalt  }
0x7a: {  	_ =	shalt  }
0x7b: {  	_ =	shalt  }
0x7c: {  	_ =	shalt  }
0x7d: {  	_ =	shalt  }
0x7e: {  	_ =	shalt  }
0x7f: {  	_ =	shalt  }
0x80: {  	_ =	shalt  }
0x81: {  	_ =	shalt  }
0x82: {  	_ =	shalt  }
0x83: {  	_ =	shalt  }
0x84: {  	_ =	shalt  }
0x85: {  	_ =	shalt  }
0x86: {  	_ =	shalt  }
0x87: {  	_ =	shalt  }
.Lfunc_end0:
.L_simem_size_0:
called_computation.1_lowered:
.L_overlay_start_0:
0x88: {  	s2 =	sld [smem:$0x3FD9]  }
0x89: {  	s3 =	sld [smem:$0x3FFE];
	_ =	sdelay $0x1  }
0x8a: {  	s1 =	srdreg.scid  }
0x8b: {  	s0 =	sand.u32 $0x1, s1  }
0x8c: {  	s17 =	sshll.u32 s0, $0xA;
	s2 =	sadd.s32 s3, s2  }
0x8d: {  	s2 =	sadd.s32 s2, s17  }
0x8e: {  	[smem:$0x3FB6] =	sst s2  }
0x8f: {  	_ = 	snop  }
0x90: {  	s2 =	sld [smem:$0x3FD0];
	(tm) =	ssettm $0x1  }
0x91: {  	s18 =	sld [smem:$0x3FFB];
	_ =	sdelay $0x3  }
0x92: {  	_ =	strace s18  }
0x93: {  	s3 =	sld [smem:$0x3FFC];
	_ =	sdelay $0x3  }
0x94: {  	_ =	strace s3  }
0x95: {  	s3 =	sld [smem:$0x3FFD];
	_ =	sdelay $0x3  }
0x96: {  	_ =	strace s3  }
0x97: {  	_ =	strace $0x8FFFFFFF  }
0x98: {  	s19 =	sld [smem:$0x3FDB];
	_ =	sdelay $0x1  }
0x99: {  	s4 =	simm.s32 $_scs_section_size  }
0x9a: {  	s5 =	simm.s32 $_size__tile_overlayer_lowered;
	s6 =	simm.s32 $_tile_overlayer_lowered  }
0x9b: {  	s22 =	simm.s32 $0x1BFF;
	s21 =	sshll.u32 s6, $0x1;
	s3 =	sadd.s32 s4, s19  }
0x9c: {  	s7 =	simm.s32 $0x0;
	s20 =	sshll.u32 s5, $0x1;
	s5 =	sadd.s32 s21, s3  }
0x9d: {  	[timem:s7], [sflag:s22] =	dma.local [hbm:s5], s20  }
0x9e: {  	_ =	swait.ge [sflag:s22], s20  }
0x9f: {  	s4 =	ssub.s32 $0x0, s20;
	[sflag:s22] =	ssyncset.done $0x0  }
0xa0: {  	[sflag:s22] =	ssyncadd.s32 s4;
	_ =	sdelay $0x1  }
0xa1: {  	s23 =	simm.s32 $0x1B8B  }
0xa2: {  	_ =	swait.ge [sflag:s23], $0x1  }
0xa3: {  	[sflag:s23] =	ssyncset.done $0x0  }
0xa4: {  	s25 =	simm.s32 $0x1B8E;
	s24 =	sld [smem:$0x3FFE];
	[sflag:s23] =	ssyncadd.s32 $0xFFFFFFFF  }
0xa5: {  	s26 =	simm.s32 $execute0_lowered;
	[smem:$0x3FD2] =	sst s25  }
0xa6: {  	s5 =	sshll.u32 s26, $0x1;
	_ =	strace $0x80000049;
	[dreg:$0x1] =	wrdreg $0xFFFFFFFF  }
0xa7: {  	s28 =	simm.s32 $_size_execute0_lowered;
	s3 =	sadd.s32 s3, s5;
	[dreg:$0x0] =	wrdreg $0x0  }
0xa8: {  	s5 =	sshll.u32 s28, $0x1;
	[dreg:$0x2] =	wrdreg s3  }
0xa9: {  	[dreg:$0x3] =	wrdreg s5  }
0xaa: {  	[dreg:$0x4] =	wrdreg $0xC0  }
0xab: {  	_ =	task [dreg:s7], $0x5FFFF  }
0xac: {  	[dreg:$0x1] =	wrdreg $0xFFFFFFFF  }
0xad: {  	[dreg:$0x0] =	wrdreg $0x60  }
0xae: {  	[dreg:$0x2] =	wrdreg s2  }
0xaf: {  	[dreg:$0x3] =	wrdreg s24  }
0xb0: {  	[dreg:$0x4] =	wrdreg $0x12B000  }
0xb1: {  	[dreg:$0x5] =	wrdreg $0x9  }
0xb2: {  	_ =	task.clear_ibuf [dreg:s7], $0x6FFFF;
	_ =	strace $0x90000049  }
0xb3: {  	s29 =	simm.s32 $0x9;
	_ =	strace $0x8000004B  }
0xb4: {  	_ =	swait.ge [sflag:s29], $0x1  }
0xb5: {  	[sflag:s29] =	ssyncadd.s32 $0xFFFFFFFF  }
0xb6: {  	_ =	strace $0x9000004B  }
0xb7: {  	_ =	sfence  }
0xb8: {  	s30 =	sld [smem:$0x0];
	_ =	sdelay $0x2  }
0xb9: {  	s31 =	sshll.u32 s1, $0xD;
	s1 =	sshrl.u32 s1, $0x2  }
0xba: {  	s3 =	sand.u32 $0x4000, s31;
	s1 =	sadd.s32 s1, s30  }
0xbb: {  	s0 =	sor.u32 s3, s0;
	s1 =	sshll.u32 s1, $0x11  }
0xbc: {  	s0 =	sor.u32 s1, s0  }
0xbd: {  	s0 =	sadd.s32 $0x8F2B, s0  }
0xbe: {  	[sflag:s0] =	ssyncadd.remote.s32 $0x1  }
0xbf: {  	_ =	sfence.sel $0xFFFF  }
0xc0: {  	[dreg:$0x0] =	wrdreg $0xFFFFFFFF;
	(pc) =	sbr.abs _section_cstart, $3  }
0xc1: {  	[dreg:$0x1] =	wrdreg $0xFFFFFFFF  }
0xc2: {  	_ =	task.clear_ibuf [dreg:s7], $0x2FFFF;
	_ =	strace $0x9FFFFFFF  }
0xc3: {  	(tm) =	ssettm $0x7FFFFFFF  }
tec
execute0_lowered:
.L_overlay_start_1:
0x0: {  	(tag) =	ssettag $0x1  }
0x1: {  	s1 =	rddreg [dreg:$0x0]  }
0x2: {  	s0 =	rddreg [dreg:$0x1]  }
0x3: {  	s2 =	rddreg [dreg:$0x2];
	s3 =	simm.s32 $0x0  }
0x4: {  	s4 =	srdreg.scid;
	s19 =	stileid.u32;
	s20 =	simm.s32 $0x100  }
0x5: {  	s21 =	simm.s32 $0x4100;
	s22 =	simm.s32 $0x4180;
	s23 =	simm.s32 $0x4200  }
0x6: {  	s28 =	simm.s32 $0x8280;
	s29 =	simm.s32 $0x10;
	s30 =	simm.s32 $0x8300  }
0x7: {  	s31 =	simm.s32 $0x0;
	[smem:$0x7FF] =	sst s3;
	s6 =	smul.u32 $0x140, s19  }
0x8: {  	s4 =	sand.u32 $0x1, s4;
	s17 =	sadd.s32 $0x4200, s0;
	s8 =	smul.u32 $0x28000, s19  }
0x9: {  	s16 =	sadd.s32 $0x9200, s0;
	s0 =	sadd.s32 $0xE200, s0;
	s24 =	smul.u32 $0x2710, s19  }
0xa: {  	s18 =	smul.u32 $0x4E2, s19;
	p0 =	seq.s32 s19, $0xF;
	s19 =	simm.s32 $0x80  }
0xb: {  	_ =	strace $0x8000004A;
	s5 =	smul.u32 $0x1388, s4;
	s7 =	ssub.s32 $0x2, s4  }
0xc: {  	s4 =	smul.u32 $0x9C400, s4;
	s9 =	sshrl.u32 s7, $0x1;
	s25 =	sshrl.u32 s8, $0x2  }
0xd: {  	s11 =	sshrl.u32 s24, $0x3;
	s8 =	sadd.s32 $0x96000, s2;
	s24 =	simm.s32 $0x1  }
0xe: {  	s6 =	sadd.s32 s6, s5;
	s15 =	ssub.s32 s7, s9;
	s4 =	sshrl.u32 s4, $0x3  }
0xf: {  	s9 =	sadd.s32 s17, s11;
	s10 =	sadd.s32 s16, s11;
	s12 =	sadd.s32 $0x4E0, s11  }
0x10: {  	s13 =	sshll.u32 s6, $0x4;
	s4 =	sadd.s32 $0x12C00, s4;
	s11 =	sadd.s32 s17, s12  }
.Ltmp0:
0x11: {  	s12 =	sadd.s32 s16, s12;
	s15 =	smax.u32 s15, $0x1;
	(pc) =	sbr.rel .LBB2_1-.Ltmp0, $4  }
0x12: {  	s16 =	sadd.s32 s18, s16;
	s17 =	sadd.s32 s18, s17;
	s18 =	simm.s32 $0x3  }
0x13: {  	s6 =	sadd.s32 s1, s13;
	s26 =	sadd.s32 s1, s4;
	s13 =	sadd.s32 s0, s13  }
0x14: {  	s14 =	sadd.s32 s0, s4;
	[dreg:$0x4] =	wrdreg s6;
	s6 =	sadd.s32 s25, s2  }
0x15: {  	v0 =	vmov s5;
	[dreg:$0x5] =	wrdreg s26;
	s25 =	simm.s32 $0x2;
	s26 =	simm.s32 $0x8200  }
.LBB2_5:
0x16: {  	[tilespmem:s26], [sflag:$0x3] =	stream.linear.gather [hbm4b:s11+s3], $0x10, $0x38;
	[tilespmem:$0x1C780] =	vst v63  }
0x17: {  	_ =	swait.ge [sflag:s18], $0x10  }
0x18: {  	[sflag:s18] =	ssyncset.done $0x0  }
0x19: {  	[sflag:s18] =	ssyncadd.s32 $0xFFFFFFF0  }
0x1a: {  	[tilespmem:s28], [sflag:$0x3] =	stream.linear.gather [hbm4b:s12+s3], $0x10, $0x38;
	[tilespmem:$0x1C780] =	vst v63  }
0x1b: {  	_ =	swait.ge [sflag:s18], $0x10  }
0x1c: {  	[sflag:s18] =	ssyncset.done $0x0  }
0x1d: {  	[sflag:s18] =	ssyncadd.s32 $0xFFFFFFF0  }
0x1e: {  	v1 =	vld [tilespmem:$0x8280];
	_ =	sdelay $0x4  }
0x1f: {  	v2 =	vsub.s32 v1, v0;
	v1 =	vand.u32 $0x7, v1  }
0x20: {  	vm0 =	vlt.u32 v2, $0x1388;
	v1 =	vor.u32 $0x1388, v1  }
0x21: {  	v1 =	vsel vm0, v2, v1  }
0x22: {  	[tilespmem:$0x8280] =	vst v1  }
0x23: {  	[tilespmem:s30], [sflag:$0x1] =	stream.indirect.gather [hbm4b:s1+s29], $0x80, s26, s29, $0xb8;
	[tilespmem:$0x1C780] =	vst v63  }
0x24: {  	_ =	swait.ge [sflag:s24], $0x800  }
0x25: {  	[sflag:s24] =	ssyncset.done $0x0  }
0x26: {  	[sflag:s24] =	ssyncadd.s32 $0xFFFFF800  }
0x27: {  	[spmem:s2] =	stream.indirect.scatter.add.f32 [tilespmem:s30], [sflag:$0x3], $0x80, s28, s29, $0xb8;
	[tilespmem:$0x1C780] =	vst v63  }
0x28: {  	_ =	swait.ge [sflag:s18], $0x800  }
0x29: {  	[sflag:s18] =	ssyncset.done $0x0  }
0x2a: {  	[sflag:s18] =	ssyncadd.s32 $0xFFFFF800  }
0x2b: {  	s0 =	simm.s32 @p0 $0x8B00;
	s4 =	simm.s32 @p0 $0x3;
	[bflag:$0x0] =	sbarrier.arrive $0xFFFF  }
0x2c: {  	[tilespmem:s0], [sflag:$0x3] =	stream.linear.gather @p0 [spmem:s8], $0x6400, $0x38;
	[tilespmem:$0x1C780] =	vst v63  }
0x2d: {  	_ =	swait.ge @p0 [sflag:s4], $0x6400  }
0x2e: {  	[sflag:s4] =	ssyncset.done @p0 $0x0  }
0x2f: {  	s5 =	simm.s32 @p0 $0x0;
	[sflag:s4] =	ssyncadd.s32 @p0 $0xFFFF9C00  }
0x30: {  	[hbm4b:s14+s5] =	stream.linear.scatter @p0 [tilespmem:s0], [sflag:$0x3], $0x6400, $0x38;
	[tilespmem:$0x1C780] =	vst v63  }
0x31: {  	_ =	swait.ge @p0 [sflag:s4], $0x6400  }
0x32: {  	[sflag:s4] =	ssyncset.done @p0 $0x0  }
0x33: {  	s0 =	simm.s32 @!p0 $0x8B00;
	[sflag:s4] =	ssyncadd.s32 @p0 $0xFFFF9C00;
	s4 =	simm.s32 @!p0 $0x3  }
0x34: {  	[tilespmem:s0], [sflag:$0x3] =	stream.linear.gather @!p0 [spmem:s6], $0xA000, $0x38;
	[tilespmem:$0x1C780] =	vst v63  }
0x35: {  	s31 =	sadd.s32 $0x1, s31;
	_ =	swait.ge @!p0 [sflag:s4], $0xA000  }
0x36: {  	p1 =	sne.s32 s31, s15;
	[sflag:s4] =	ssyncset.done @!p0 $0x0  }
.Ltmp1:
0x37: {  	s5 =	simm.s32 @!p0 $0x0;
	[sflag:s4] =	ssyncadd.s32 @!p0 $0xFFFF6000;
	(pc) =	sbr.rel @!p1 .LBB2_6-.Ltmp1, $4  }
0x38: {  	[hbm4b:s13+s5] =	stream.linear.scatter @!p0 [tilespmem:s0], [sflag:$0x3], $0xA000, $0x38;
	[tilespmem:$0x1C780] =	vst v63  }
0x39: {  	_ =	swait.ge @!p0 [sflag:s4], $0xA000  }
0x3a: {  	[sflag:s4] =	ssyncset.done @!p0 $0x0  }
0x3b: {  	[sflag:s4] =	ssyncadd.s32 @!p0 $0xFFFF6000  }
.LBB2_1:
0x3c: {  	s0 =	simm.s32 @p0 $0x0;
	s4 =	simm.s32 @p0 $0x8B00;
	s5 =	rddreg [dreg:$0x5]  }
0x3d: {  	[tilespmem:s4], [sflag:$0x3] =	stream.linear.gather @p0 [hbm4b:s5+s0], $0x6400, $0x38;
	[tilespmem:$0x1C780] =	vst v63  }
0x3e: {  	s0 =	simm.s32 @p0 $0x3  }
0x3f: {  	_ =	swait.ge @p0 [sflag:s0], $0x6400  }
0x40: {  	[sflag:s0] =	ssyncset.done @p0 $0x0  }
0x41: {  	[sflag:s0] =	ssyncadd.s32 @p0 $0xFFFF9C00  }
0x42: {  	[spmem:s8] =	stream.linear.scatter @p0 [tilespmem:s4], [sflag:$0x3], $0x6400, $0x38;
	[tilespmem:$0x1C780] =	vst v63  }
0x43: {  	_ =	swait.ge @p0 [sflag:s0], $0x6400  }
0x44: {  	s4 =	simm.s32 @!p0 $0x8B00;
	[sflag:s0] =	ssyncset.done @p0 $0x0  }
0x45: {  	s5 =	rddreg [dreg:$0x4];
	[sflag:s0] =	ssyncadd.s32 @p0 $0xFFFF9C00;
	s0 =	simm.s32 @!p0 $0x0  }
0x46: {  	[tilespmem:s4], [sflag:$0x3] =	stream.linear.gather @!p0 [hbm4b:s5+s0], $0xA000, $0x38;
	[tilespmem:$0x1C780] =	vst v63  }
0x47: {  	s0 =	simm.s32 @!p0 $0x3  }
0x48: {  	_ =	swait.ge @!p0 [sflag:s0], $0xA000  }
0x49: {  	[sflag:s0] =	ssyncset.done @!p0 $0x0  }
0x4a: {  	[sflag:s0] =	ssyncadd.s32 @!p0 $0xFFFF6000  }
0x4b: {  	[spmem:s6] =	stream.linear.scatter @!p0 [tilespmem:s4], [sflag:$0x3], $0xA000, $0x38;
	[tilespmem:$0x1C780] =	vst v63  }
0x4c: {  	_ =	swait.ge @!p0 [sflag:s0], $0xA000  }
0x4d: {  	[sflag:s0] =	ssyncset.done @!p0 $0x0  }
0x4e: {  	[sflag:s0] =	ssyncadd.s32 @!p0 $0xFFFF6000  }
0x4f: {  	[bflag:$0x0] =	sbarrier.arrive $0xFFFF  }
0x50: {  	[tilespmem:s3], [sflag:$0x3] =	stream.linear.gather [hbm4b:s9+s3], $0x80, $0x38;
	[tilespmem:$0x1C780] =	vst v63  }
0x51: {  	_ =	swait.ge [sflag:s18], $0x80  }
0x52: {  	[sflag:s18] =	ssyncset.done $0x0  }
0x53: {  	[sflag:s18] =	ssyncadd.s32 $0xFFFFFF80  }
0x54: {  	[tilespmem:s19], [sflag:$0x3] =	stream.linear.gather [hbm4b:s10+s3], $0x80, $0x38;
	[tilespmem:$0x1C780] =	vst v63  }
0x55: {  	_ =	swait.ge [sflag:s18], $0x80  }
0x56: {  	[sflag:s18] =	ssyncset.done $0x0  }
0x57: {  	[sflag:s18] =	ssyncadd.s32 $0xFFFFFF80  }
0x58: {  	v1 =	vld [tilespmem:$0x80]  }
0x59: {  	v2 =	vld [tilespmem:$0x90]  }
0x5a: {  	v3 =	vld [tilespmem:$0xA0]  }
0x5b: {  	v5 =	vld [tilespmem:$0xB0]  }
0x5c: {  	v7 =	vld [tilespmem:$0xC0]  }
0x5d: {  	v56 =	vld [tilespmem:$0xD0]  }
0x5e: {  	v9 =	vld [tilespmem:$0xE0]  }
0x5f: {  	v10 =	vld [tilespmem:$0xF0]  }
0x60: {  	v4 =	vsub.s32 v1, v0;
	v1 =	vand.u32 $0x7, v1;
	v6 =	vsub.s32 v2, v0  }
0x61: {  	v2 =	vand.u32 $0x7, v2;
	v55 =	vsub.s32 v3, v0;
	v3 =	vand.u32 $0x7, v3  }
0x62: {  	v8 =	vsub.s32 v5, v0;
	v57 =	vand.u32 $0x7, v5;
	v58 =	vsub.s32 v7, v0  }
0x63: {  	v7 =	vand.u32 $0x7, v7;
	v60 =	vsub.s32 v56, v0;
	v61 =	vand.u32 $0x7, v56  }
0x64: {  	v62 =	vsub.s32 v9, v0;
	v63 =	vand.u32 $0x7, v10;
	vm0 =	vlt.u32 v4, $0x1388  }
0x65: {  	v1 =	vor.u32 $0x1388, v1;
	vm9 =	vlt.u32 v6, $0x1388;
	v2 =	vor.u32 $0x1388, v2  }
0x66: {  	vm10 =	vlt.u32 v55, $0x1388;
	v3 =	vor.u32 $0x1388, v3;
	v1 =	vsel vm0, v4, v1  }
0x67: {  	vm11 =	vlt.u32 v8, $0x1388;
	vm12 =	vlt.u32 v58, $0x1388;
	v2 =	vsel vm9, v6, v2;
	[tilespmem:$0x80] =	vst v1  }
0x68: {  	v59 =	vor.u32 $0x1388, v7;
	v3 =	vsel vm10, v55, v3;
	v4 =	vor.u32 $0x1388, v57;
	[tilespmem:$0x90] =	vst v2  }
0x69: {  	vm13 =	vlt.u32 v60, $0x1388;
	v1 =	vsel vm11, v8, v4;
	[tilespmem:$0xA0] =	vst v3;
	v3 =	vor.u32 $0x1388, v61  }
0x6a: {  	v2 =	vsel vm12, v58, v59;
	[tilespmem:$0xB0] =	vst v1;
	v1 =	vsel vm13, v60, v3;
	v3 =	vand.u32 $0x7, v9  }
.Ltmp2:
0x6b: {  	vm14 =	vlt.u32 v62, $0x1388;
	[tilespmem:$0xC0] =	vst v2;
	v2 =	vor.u32 $0x1388, v3;
	v3 =	vsub.s32 v10, v0;
	(pc) =	sbr.rel .LBB2_2-.Ltmp2, $4  }
0x6c: {  	[tilespmem:$0xD0] =	vst v1;
	v1 =	vsel vm14, v62, v2;
	vm15 =	vlt.u32 v3, $0x1388;
	v2 =	vor.u32 $0x1388, v63  }
0x6d: {  	[tilespmem:$0xE0] =	vst v1;
	v1 =	vsel vm15, v3, v2  }
0x6e: {  	s0 =	simm.s32 $0x0;
	[tilespmem:$0xF0] =	vst v1  }
0x6f: {  	[tilespmem:s20], [sflag:$0x1] =	stream.indirect.gather [hbm4b:s1+s19], $0x80, s3, s19, $0xb8;
	[tilespmem:$0x1C780] =	vst v63  }
.LBB2_4:
0x70: {  	_ =	swait.ge [sflag:s25], $0x4000;
	s0 =	sadd.s32 $0x20, s0  }
0x71: {  	[sflag:s25] =	ssyncset.done $0x0;
	p1 =	sne.s32 s0, $0x4E0  }
.Ltmp3:
0x72: {  	[sflag:s25] =	ssyncadd.s32 $0xFFFFC000;
	(pc) =	sbr.rel @!p1 .LBB2_5-.Ltmp3, $4  }
0x73: {  	[spmem:s2] =	stream.indirect.scatter.add.f32 [tilespmem:s23], [sflag:$0x3], $0x80, s22, s19, $0xb8;
	[tilespmem:$0x1C780] =	vst v63  }
0x74: {  	_ =	swait.ge [sflag:s18], $0x4000  }
0x75: {  	[sflag:s18] =	ssyncset.done $0x0  }
0x76: {  	[sflag:s18] =	ssyncadd.s32 $0xFFFFC000  }
.LBB2_2:
0x77: {  	s4 =	sadd.s32 s0, s17  }
0x78: {  	s5 =	sadd.s32 $0x10, s4  }
0x79: {  	[tilespmem:s21], [sflag:$0x3] =	stream.linear.gather [hbm4b:s5+s3], $0x80, $0x38;
	[tilespmem:$0x1C780] =	vst v63  }
0x7a: {  	_ =	swait.ge [sflag:s18], $0x80  }
0x7b: {  	s5 =	sadd.s32 s0, s16;
	[sflag:s18] =	ssyncset.done $0x0  }
0x7c: {  	s7 =	sadd.s32 $0x10, s5;
	[sflag:s18] =	ssyncadd.s32 $0xFFFFFF80  }
0x7d: {  	[tilespmem:s22], [sflag:$0x3] =	stream.linear.gather [hbm4b:s7+s3], $0x80, $0x38;
	[tilespmem:$0x1C780] =	vst v63  }
0x7e: {  	_ =	swait.ge [sflag:s18], $0x80  }
0x7f: {  	[sflag:s18] =	ssyncset.done $0x0  }
0x80: {  	[sflag:s18] =	ssyncadd.s32 $0xFFFFFF80  }
0x81: {  	v1 =	vld [tilespmem:$0x4180]  }
0x82: {  	v2 =	vld [tilespmem:$0x4190]  }
0x83: {  	v3 =	vld [tilespmem:$0x41A0]  }
0x84: {  	v5 =	vld [tilespmem:$0x41B0]  }
0x85: {  	v7 =	vld [tilespmem:$0x41C0]  }
0x86: {  	v56 =	vld [tilespmem:$0x41D0]  }
0x87: {  	v9 =	vld [tilespmem:$0x41E0]  }
0x88: {  	v10 =	vld [tilespmem:$0x41F0]  }
0x89: {  	v4 =	vsub.s32 v1, v0;
	v1 =	vand.u32 $0x7, v1;
	v6 =	vsub.s32 v2, v0  }
0x8a: {  	v2 =	vand.u32 $0x7, v2;
	v55 =	vsub.s32 v3, v0;
	v3 =	vand.u32 $0x7, v3  }
0x8b: {  	v8 =	vsub.s32 v5, v0;
	v57 =	vand.u32 $0x7, v5;
	v58 =	vsub.s32 v7, v0  }
0x8c: {  	v7 =	vand.u32 $0x7, v7;
	v60 =	vsub.s32 v56, v0;
	v61 =	vand.u32 $0x7, v56  }
0x8d: {  	v62 =	vsub.s32 v9, v0;
	v63 =	vand.u32 $0x7, v10;
	vm0 =	vlt.u32 v4, $0x1388  }
0x8e: {  	v1 =	vor.u32 $0x1388, v1;
	vm9 =	vlt.u32 v6, $0x1388;
	v2 =	vor.u32 $0x1388, v2  }
0x8f: {  	vm10 =	vlt.u32 v55, $0x1388;
	v3 =	vor.u32 $0x1388, v3;
	v1 =	vsel vm0, v4, v1  }
0x90: {  	vm11 =	vlt.u32 v8, $0x1388;
	vm12 =	vlt.u32 v58, $0x1388;
	v2 =	vsel vm9, v6, v2;
	[tilespmem:$0x4180] =	vst v1  }
0x91: {  	v59 =	vor.u32 $0x1388, v7;
	v3 =	vsel vm10, v55, v3;
	v4 =	vor.u32 $0x1388, v57;
	[tilespmem:$0x4190] =	vst v2  }
0x92: {  	vm13 =	vlt.u32 v60, $0x1388;
	v1 =	vsel vm11, v8, v4;
	[tilespmem:$0x41A0] =	vst v3;
	v3 =	vor.u32 $0x1388, v61  }
0x93: {  	v2 =	vsel vm12, v58, v59;
	[tilespmem:$0x41B0] =	vst v1;
	v1 =	vsel vm13, v60, v3;
	v3 =	vand.u32 $0x7, v9  }
0x94: {  	vm14 =	vlt.u32 v62, $0x1388;
	[tilespmem:$0x41C0] =	vst v2;
	v2 =	vor.u32 $0x1388, v3;
	v3 =	vsub.s32 v10, v0  }
0x95: {  	[tilespmem:$0x41D0] =	vst v1;
	v1 =	vsel vm14, v62, v2;
	vm15 =	vlt.u32 v3, $0x1388;
	v2 =	vor.u32 $0x1388, v63  }
0x96: {  	[tilespmem:$0x41E0] =	vst v1;
	v1 =	vsel vm15, v3, v2  }
0x97: {  	[tilespmem:$0x41F0] =	vst v1  }
0x98: {  	[tilespmem:s23], [sflag:$0x2] =	stream.indirect.gather [hbm4b:s1+s19], $0x80, s21, s19, $0xb8;
	[tilespmem:$0x1C780] =	vst v63  }
0x99: {  	_ =	swait.ge [sflag:s24], $0x4000  }
0x9a: {  	p1 =	seq.s32 s0, $0x4C0;
	[sflag:s24] =	ssyncset.done $0x0  }
.Ltmp4:
0x9b: {  	[sflag:s24] =	ssyncadd.s32 $0xFFFFC000;
	(pc) =	sbr.rel @p1 .LBB2_4-.Ltmp4, $4  }
0x9c: {  	[spmem:s2] =	stream.indirect.scatter.add.f32 [tilespmem:s20], [sflag:$0x3], $0x80, s19, s19, $0xb8;
	[tilespmem:$0x1C780] =	vst v63  }
0x9d: {  	_ =	swait.ge [sflag:s18], $0x4000  }
0x9e: {  	[sflag:s18] =	ssyncset.done $0x0  }
0x9f: {  	[sflag:s18] =	ssyncadd.s32 $0xFFFFC000  }
0xa0: {  	s4 =	sadd.s32 $0x20, s4  }
0xa1: {  	[tilespmem:s3], [sflag:$0x3] =	stream.linear.gather [hbm4b:s4+s3], $0x80, $0x38;
	[tilespmem:$0x1C780] =	vst v63  }
0xa2: {  	_ =	swait.ge [sflag:s18], $0x80  }
0xa3: {  	[sflag:s18] =	ssyncset.done $0x0  }
0xa4: {  	s7 =	sadd.s32 $0x20, s5;
	[sflag:s18] =	ssyncadd.s32 $0xFFFFFF80  }
0xa5: {  	[tilespmem:s19], [sflag:$0x3] =	stream.linear.gather [hbm4b:s7+s3], $0x80, $0x38;
	[tilespmem:$0x1C780] =	vst v63  }
0xa6: {  	_ =	swait.ge [sflag:s18], $0x80  }
0xa7: {  	[sflag:s18] =	ssyncset.done $0x0  }
0xa8: {  	[sflag:s18] =	ssyncadd.s32 $0xFFFFFF80  }
0xa9: {  	v1 =	vld [tilespmem:$0x80]  }
0xaa: {  	v2 =	vld [tilespmem:$0x90]  }
0xab: {  	v3 =	vld [tilespmem:$0xA0]  }
0xac: {  	v5 =	vld [tilespmem:$0xB0]  }
0xad: {  	v7 =	vld [tilespmem:$0xC0]  }
0xae: {  	v56 =	vld [tilespmem:$0xD0]  }
0xaf: {  	v9 =	vld [tilespmem:$0xE0]  }
0xb0: {  	v10 =	vld [tilespmem:$0xF0]  }
0xb1: {  	v4 =	vsub.s32 v1, v0;
	v1 =	vand.u32 $0x7, v1;
	v6 =	vsub.s32 v2, v0  }
0xb2: {  	v2 =	vand.u32 $0x7, v2;
	v55 =	vsub.s32 v3, v0;
	v3 =	vand.u32 $0x7, v3  }
0xb3: {  	v8 =	vsub.s32 v5, v0;
	v57 =	vand.u32 $0x7, v5;
	v58 =	vsub.s32 v7, v0  }
0xb4: {  	v7 =	vand.u32 $0x7, v7;
	v60 =	vsub.s32 v56, v0;
	v61 =	vand.u32 $0x7, v56  }
0xb5: {  	v62 =	vsub.s32 v9, v0;
	v63 =	vand.u32 $0x7, v10;
	vm0 =	vlt.u32 v4, $0x1388  }
0xb6: {  	v1 =	vor.u32 $0x1388, v1;
	vm9 =	vlt.u32 v6, $0x1388;
	v2 =	vor.u32 $0x1388, v2  }
0xb7: {  	vm10 =	vlt.u32 v55, $0x1388;
	v3 =	vor.u32 $0x1388, v3;
	v1 =	vsel vm0, v4, v1  }
0xb8: {  	vm11 =	vlt.u32 v8, $0x1388;
	vm12 =	vlt.u32 v58, $0x1388;
	v2 =	vsel vm9, v6, v2;
	[tilespmem:$0x80] =	vst v1  }
0xb9: {  	v59 =	vor.u32 $0x1388, v7;
	v3 =	vsel vm10, v55, v3;
	v4 =	vor.u32 $0x1388, v57;
	[tilespmem:$0x90] =	vst v2  }
0xba: {  	vm13 =	vlt.u32 v60, $0x1388;
	v1 =	vsel vm11, v8, v4;
	[tilespmem:$0xA0] =	vst v3;
	v3 =	vor.u32 $0x1388, v61  }
0xbb: {  	v2 =	vsel vm12, v58, v59;
	[tilespmem:$0xB0] =	vst v1;
	v1 =	vsel vm13, v60, v3;
	v3 =	vand.u32 $0x7, v9  }
.Ltmp5:
0xbc: {  	vm14 =	vlt.u32 v62, $0x1388;
	[tilespmem:$0xC0] =	vst v2;
	v2 =	vor.u32 $0x1388, v3;
	v3 =	vsub.s32 v10, v0;
	(pc) =	sbr.rel .LBB2_4-.Ltmp5, $4  }
0xbd: {  	[tilespmem:$0xD0] =	vst v1;
	v1 =	vsel vm14, v62, v2;
	vm15 =	vlt.u32 v3, $0x1388;
	v2 =	vor.u32 $0x1388, v63  }
0xbe: {  	[tilespmem:$0xE0] =	vst v1;
	v1 =	vsel vm15, v3, v2  }
0xbf: {  	[tilespmem:$0xF0] =	vst v1  }
0xc0: {  	[tilespmem:s20], [sflag:$0x1] =	stream.indirect.gather [hbm4b:s1+s19], $0x80, s3, s19, $0xb8;
	[tilespmem:$0x1C780] =	vst v63  }
.LBB2_6:
0xc1: {  	_ =	sfence.sel $0x180000  }
0xc2: {  	[bflag:$0x0] =	sbarrier.arrive $0xFFFF  }
0xc3: {  	_ =	strace $0x9000004A  }
0xc4: {  	s0 =	stileid.u32;
	[bflag:$0x2] =	sbarrier.arrive $0xFFFF  }
0xc5: {  	p0 =	sne.s32 s0, $0x0;
	s0 =	rddreg [dreg:$0x3]  }
0xc6: {  	s0 =	sadd.s32 @!p0 $0x100000, s0  }
0xc7: {  	[sflag:s0] =	ssyncadd.tile.s32 @!p0 $0x1;
	_ =	shalt  }
.Lfunc_end2:
_tile_overlayer_lowered:
.L_overlay_start_2:
0xc8: {  	(tag) =	ssettag $0x2  }
0xc9: {  	s0 =	rddreg [dreg:$0x0];
	s2 =	stileid.u32  }
0xca: {  	s1 =	rddreg [dreg:$0x1];
	p0 =	sne.s32 s2, $0x0  }
0xcb: {  	s3 =	rddreg [dreg:$0x2];
	[bflag:$0x3] =	sbarrier.arrive $0xFFFF;
	s2 =	simm.s32 @!p0 $0x1C03  }
0xcc: {  	[timem:s3], [sflag:s2] =	dma.local @!p0 [hbm:s0], s1  }
0xcd: {  	s0 =	simm.s32 @!p0 $0x3  }
0xce: {  	_ =	swait.ge @!p0 [sflag:s0], s1  }
0xcf: {  	s1 =	ssub.s32 @!p0 $0x0, s1;
	[sflag:s0] =	ssyncset.done @!p0 $0x0  }
0xd0: {  	[sflag:s0] =	ssyncadd.s32 @!p0 s1  }
0xd1: {  	[bflag:$0x3] =	sbarrier.arrive $0xFFFF  }
0xd2: {  	_ =	shalt  }

// kernel: kernel.18.cloned.1.call-start
scs
__scs_entry_jumppad:
0x0: {  	(pc) =	sbr.rel $0x88, $3  }
0x1: {  	(tag) =	ssettag $0x0;
	lr =	simm.s32 $0x1  }
0x2: {  	[smem:$0x3F8F] =	sst lr;
	_ =	strace $0xD0000000  }
0x3: {  	_ = 	snop  }
0x4: {  	_ = 	snop  }
0x5: {  	_ = 	snop  }
0x6: {  	_ = 	snop  }
0x7: {  	_ = 	snop  }
__scs_overlays_trampoline_lowered:
0x8: {  	[smem:$0x3F9E] =	sst s0  }
0x9: {  	[smem:$0x3F9F] =	sst s1  }
0xa: {  	[smem:$0x3FA0] =	sst s2  }
0xb: {  	[smem:$0x3FA1] =	sst s3  }
0xc: {  	[smem:$0x3FA2] =	sst s4  }
0xd: {  	[smem:$0x3FA3] =	sst s5  }
0xe: {  	[smem:$0x3FA4] =	sst s6  }
0xf: {  	[smem:$0x3FA5] =	sst s7  }
0x10: {  	[smem:$0x3FA6] =	sst s8  }
0x11: {  	[smem:$0x3FA7] =	sst s9;
	s0 =	simm.s32 @!p0 $0x0  }
0x12: {  	s1 =	sld [smem:$0x3F8D];
	s0 =	simm.s32 @p0 $0x1  }
0x13: {  	[smem:$0x3FA8] =	sst s0;
	s0 =	simm.s32 @!p1 $0x0  }
0x14: {  	s2 =	sld [smem:$0x3F8C];
	s0 =	simm.s32 @p1 $0x1  }
0x15: {  	[smem:$0x3FA9] =	sst s0;
	s0 =	simm.s32 @!p2 $0x0  }
0x16: {  	s3 =	sld [smem:$0x3FDB];
	s0 =	simm.s32 @p2 $0x1  }
0x17: {  	s4 =	simm.s32 $0x1BF5;
	[smem:$0x3FAB] =	sst s0  }
0x18: {  	s0 =	sld [smem:$0x3F8E];
	_ =	swait.ge [sflag:s4], $0x0  }
0x19: {  	s7 =	sld [smem:$0x3F8F]  }
0x1a: {  	s8 =	sadd.s32 $0xFFFFE003, lr  }
0x1b: {  	s9 =	sadd.s32 $0xFFFFFEF7, lr;
	s5 =	simm.s32 $0xFFFFFFFF;
	p2 =	slt.u32 s8, $0xFFFFF086  }
0x1c: {  	p1 =	slt.u32 s9, $0xF7A;
	s5 =	simm.s32 @!p2 $0x0  }
0x1d: {  	s5 =	simm.s32 @p1 $0x1;
	p0 =	seq.s32 s7, s2  }
0x1e: {  	s7 =	smul.u32 @!p0 $0xF7A, s2;
	p2 =	seq.s32 @!p0 s5, $0x0  }
0x1f: {  	s9 =	smul.u32 $0xF7A, s1;
	s8 =	simm.s32 @!p0 $0x1BF5;
	p2 =	por !p2, p0  }
0x20: {  	[sflag:s8] =	ssyncset.s32 @!p0 $0xFFFFF086;
	s6 =	sadd.s32 @!p0 s3, s7;
	s7 =	simm.s32 @!p0 $0x108  }
0x21: {  	s3 =	sadd.s32 s3, s9;
	s6 =	sadd.s32 @!p0 $0x88, s6;
	s7 =	simm.s32 @p2 $0x1082  }
0x22: {  	[simem:s7], [sflag:s8] =	dma.local @!p0 [hbm:s6], $0xF7A  }
0x23: {  	s9 =	sor.u32 $0xD0000000, s2;
	s6 =	simm.s32 $0x108;
	_ =	swait.ge @!p0 [sflag:s8], $0x0  }
0x24: {  	s3 =	sadd.s32 $0x88, s3;
	s6 =	simm.s32 @!p1 $0x1082;
	[sflag:s4] =	ssyncset.s32 $0xFFFFF086  }
0x25: {  	[simem:s6], [sflag:s4] =	dma.local [hbm:s3], $0xF7A  }
0x26: {  	[smem:$0x3F8F] =	sst s1;
	(tag) =	ssettag s2;
	_ =	strace s9  }
0x27: {  	s1 =	sld [smem:$0x3F9F]  }
0x28: {  	s2 =	sld [smem:$0x3FA0]  }
0x29: {  	s4 =	sld [smem:$0x3FA2]  }
0x2a: {  	p0 =	seq.s32 s5, $0x0;
	s5 =	sld [smem:$0x3FA3]  }
0x2b: {  	s6 =	sld [smem:$0x3FA4]  }
0x2c: {  	s7 =	sld [smem:$0x3FA5]  }
0x2d: {  	s3 =	simm.s32 $0x108;
	s8 =	sld [smem:$0x3FA6]  }
0x2e: {  	s3 =	simm.s32 @!p0 $0x1082;
	s9 =	sld [smem:$0x3FA7]  }
0x2f: {  	lr =	sadd.s32 s0, s3;
	s0 =	sld [smem:$0x3F9E]  }
0x30: {  	s3 =	sld [smem:$0x3FA1]  }
0x31: {  	[smem:$0x3FAA] =	sst s10  }
0x32: {  	s10 =	sld [smem:$0x3FA8];
	_ =	sdelay $0x3  }
0x33: {  	p0 =	seq.s32 s10, $0x1;
	s10 =	sld [smem:$0x3FAA];
	_ =	sdelay $0x3  }
0x34: {  	[smem:$0x3FAA] =	sst s10  }
0x35: {  	s10 =	sld [smem:$0x3FA9];
	_ =	sdelay $0x3  }
0x36: {  	p1 =	seq.s32 s10, $0x1;
	s10 =	sld [smem:$0x3FAA];
	_ =	sdelay $0x3  }
0x37: {  	[smem:$0x3FAA] =	sst s10  }
0x38: {  	s10 =	sld [smem:$0x3FAB]  }
0x39: {  	_ = 	snop;
	(pc) =	sbr.ind lr, $3  }
0x3a: {  	_ = 	snop  }
0x3b: {  	_ = 	snop  }
0x3c: {  	p2 =	seq.s32 s10, $0x1;
	s10 =	sld [smem:$0x3FAA]  }
0x3d: {  	_ =	shalt  }
0x3e: {  	_ =	shalt  }
0x3f: {  	_ =	shalt  }
0x40: {  	_ =	shalt  }
0x41: {  	_ =	shalt  }
0x42: {  	_ =	shalt  }
0x43: {  	_ =	shalt  }
0x44: {  	_ =	shalt  }
0x45: {  	_ =	shalt  }
0x46: {  	_ =	shalt  }
0x47: {  	_ =	shalt  }
0x48: {  	_ =	shalt  }
0x49: {  	_ =	shalt  }
0x4a: {  	_ =	shalt  }
0x4b: {  	_ =	shalt  }
0x4c: {  	_ =	shalt  }
0x4d: {  	_ =	shalt  }
0x4e: {  	_ =	shalt  }
0x4f: {  	_ =	shalt  }
0x50: {  	_ =	shalt  }
0x51: {  	_ =	shalt  }
0x52: {  	_ =	shalt  }
0x53: {  	_ =	shalt  }
0x54: {  	_ =	shalt  }
0x55: {  	_ =	shalt  }
0x56: {  	_ =	shalt  }
0x57: {  	_ =	shalt  }
0x58: {  	_ =	shalt  }
0x59: {  	_ =	shalt  }
0x5a: {  	_ =	shalt  }
0x5b: {  	_ =	shalt  }
0x5c: {  	_ =	shalt  }
0x5d: {  	_ =	shalt  }
0x5e: {  	_ =	shalt  }
0x5f: {  	_ =	shalt  }
0x60: {  	_ =	shalt  }
0x61: {  	_ =	shalt  }
0x62: {  	_ =	shalt  }
0x63: {  	_ =	shalt  }
0x64: {  	_ =	shalt  }
0x65: {  	_ =	shalt  }
0x66: {  	_ =	shalt  }
0x67: {  	_ =	shalt  }
0x68: {  	_ =	shalt  }
0x69: {  	_ =	shalt  }
0x6a: {  	_ =	shalt  }
0x6b: {  	_ =	shalt  }
0x6c: {  	_ =	shalt  }
0x6d: {  	_ =	shalt  }
0x6e: {  	_ =	shalt  }
0x6f: {  	_ =	shalt  }
0x70: {  	_ =	shalt  }
0x71: {  	_ =	shalt  }
0x72: {  	_ =	shalt  }
0x73: {  	_ =	shalt  }
0x74: {  	_ =	shalt  }
0x75: {  	_ =	shalt  }
0x76: {  	_ =	shalt  }
0x77: {  	_ =	shalt  }
0x78: {  	_ =	shalt  }
0x79: {  	_ =	shalt  }
0x7a: {  	_ =	shalt  }
0x7b: {  	_ =	shalt  }
0x7c: {  	_ =	shalt  }
0x7d: {  	_ =	shalt  }
0x7e: {  	_ =	shalt  }
0x7f: {  	_ =	shalt  }
0x80: {  	_ =	shalt  }
0x81: {  	_ =	shalt  }
0x82: {  	_ =	shalt  }
0x83: {  	_ =	shalt  }
0x84: {  	_ =	shalt  }
0x85: {  	_ =	shalt  }
0x86: {  	_ =	shalt  }
0x87: {  	_ =	shalt  }
.Lfunc_end0:
.L_simem_size_0:
called_computation.2_lowered:
.L_overlay_start_0:
0x88: {  	s2 =	sld [smem:$0x3FD9]  }
0x89: {  	s3 =	sld [smem:$0x3FFE];
	_ =	sdelay $0x1  }
0x8a: {  	s1 =	srdreg.scid  }
0x8b: {  	s0 =	sand.u32 $0x1, s1  }
0x8c: {  	s17 =	sshll.u32 s0, $0xA;
	s2 =	sadd.s32 s3, s2  }
0x8d: {  	s2 =	sadd.s32 s2, s17  }
0x8e: {  	[smem:$0x3FB6] =	sst s2  }
0x8f: {  	_ = 	snop  }
0x90: {  	s2 =	sld [smem:$0x3FD0];
	(tm) =	ssettm $0x1  }
0x91: {  	s18 =	sld [smem:$0x3FFB];
	_ =	sdelay $0x3  }
0x92: {  	_ =	strace s18  }
0x93: {  	s3 =	sld [smem:$0x3FFC];
	_ =	sdelay $0x3  }
0x94: {  	_ =	strace s3  }
0x95: {  	s3 =	sld [smem:$0x3FFD];
	_ =	sdelay $0x3  }
0x96: {  	_ =	strace s3  }
0x97: {  	_ =	strace $0x8FFFFFFF  }
0x98: {  	s19 =	sld [smem:$0x3FDB];
	_ =	sdelay $0x1  }
0x99: {  	s4 =	simm.s32 $_scs_section_size  }
0x9a: {  	s5 =	simm.s32 $_size__tile_overlayer_lowered;
	s6 =	simm.s32 $_tile_overlayer_lowered  }
0x9b: {  	s22 =	simm.s32 $0x1BFF;
	s21 =	sshll.u32 s6, $0x1;
	s3 =	sadd.s32 s4, s19  }
0x9c: {  	s7 =	simm.s32 $0x0;
	s20 =	sshll.u32 s5, $0x1;
	s5 =	sadd.s32 s21, s3  }
0x9d: {  	[timem:s7], [sflag:s22] =	dma.local [hbm:s5], s20  }
0x9e: {  	_ =	swait.ge [sflag:s22], s20  }
0x9f: {  	s4 =	ssub.s32 $0x0, s20;
	[sflag:s22] =	ssyncset.done $0x0  }
0xa0: {  	[sflag:s22] =	ssyncadd.s32 s4;
	_ =	sdelay $0x1  }
0xa1: {  	s23 =	simm.s32 $0x1B8B  }
0xa2: {  	_ =	swait.ge [sflag:s23], $0x1  }
0xa3: {  	[sflag:s23] =	ssyncset.done $0x0  }
0xa4: {  	s25 =	simm.s32 $0x1B8E;
	s24 =	sld [smem:$0x3FFE];
	[sflag:s23] =	ssyncadd.s32 $0xFFFFFFFF  }
0xa5: {  	s26 =	simm.s32 $execute0_lowered;
	[smem:$0x3FD2] =	sst s25  }
0xa6: {  	s5 =	sshll.u32 s26, $0x1;
	_ =	strace $0x8000004C;
	[dreg:$0x1] =	wrdreg $0xFFFFFFFF  }
0xa7: {  	s28 =	simm.s32 $_size_execute0_lowered;
	s3 =	sadd.s32 s3, s5;
	[dreg:$0x0] =	wrdreg $0x0  }
0xa8: {  	s5 =	sshll.u32 s28, $0x1;
	[dreg:$0x2] =	wrdreg s3  }
0xa9: {  	[dreg:$0x3] =	wrdreg s5  }
0xaa: {  	[dreg:$0x4] =	wrdreg $0xC0  }
0xab: {  	_ =	task [dreg:s7], $0x5FFFF  }
0xac: {  	[dreg:$0x1] =	wrdreg $0xFFFFFFFF  }
0xad: {  	[dreg:$0x0] =	wrdreg $0x60  }
0xae: {  	[dreg:$0x2] =	wrdreg s2  }
0xaf: {  	[dreg:$0x3] =	wrdreg s24  }
0xb0: {  	[dreg:$0x4] =	wrdreg $0x12B000  }
0xb1: {  	[dreg:$0x5] =	wrdreg $0x9  }
0xb2: {  	_ =	task.clear_ibuf [dreg:s7], $0x6FFFF;
	_ =	strace $0x9000004C  }
0xb3: {  	s29 =	simm.s32 $0x9;
	_ =	strace $0x8000004E  }
0xb4: {  	_ =	swait.ge [sflag:s29], $0x1  }
0xb5: {  	[sflag:s29] =	ssyncadd.s32 $0xFFFFFFFF  }
0xb6: {  	_ =	strace $0x9000004E  }
0xb7: {  	_ =	sfence  }
0xb8: {  	s30 =	sld [smem:$0x0];
	_ =	sdelay $0x2  }
0xb9: {  	s31 =	sshll.u32 s1, $0xD;
	s1 =	sshrl.u32 s1, $0x2  }
0xba: {  	s3 =	sand.u32 $0x4000, s31;
	s1 =	sadd.s32 s1, s30  }
0xbb: {  	s0 =	sor.u32 s3, s0;
	s1 =	sshll.u32 s1, $0x11  }
0xbc: {  	s0 =	sor.u32 s1, s0  }
0xbd: {  	s0 =	sadd.s32 $0x8F2B, s0  }
0xbe: {  	[sflag:s0] =	ssyncadd.remote.s32 $0x1  }
0xbf: {  	_ =	sfence.sel $0xFFFF  }
0xc0: {  	[dreg:$0x0] =	wrdreg $0xFFFFFFFF;
	(pc) =	sbr.abs _section_cstart, $3  }
0xc1: {  	[dreg:$0x1] =	wrdreg $0xFFFFFFFF  }
0xc2: {  	_ =	task.clear_ibuf [dreg:s7], $0x2FFFF;
	_ =	strace $0x9FFFFFFF  }
0xc3: {  	(tm) =	ssettm $0x7FFFFFFF  }
tec
execute0_lowered:
.L_overlay_start_1:
0x0: {  	(tag) =	ssettag $0x1  }
0x1: {  	s1 =	rddreg [dreg:$0x0]  }
0x2: {  	s0 =	rddreg [dreg:$0x1]  }
0x3: {  	s2 =	rddreg [dreg:$0x2];
	s3 =	simm.s32 $0x0  }
0x4: {  	s4 =	srdreg.scid;
	s19 =	stileid.u32;
	s20 =	simm.s32 $0x100  }
0x5: {  	s21 =	simm.s32 $0x4100;
	s22 =	simm.s32 $0x4180;
	s23 =	simm.s32 $0x4200  }
0x6: {  	s28 =	simm.s32 $0x8280;
	s29 =	simm.s32 $0x10;
	s30 =	simm.s32 $0x8300  }
0x7: {  	s31 =	simm.s32 $0x0;
	[smem:$0x7FF] =	sst s3;
	s6 =	smul.u32 $0x140, s19  }
0x8: {  	s4 =	sand.u32 $0x1, s4;
	s17 =	sadd.s32 $0x4200, s0;
	s8 =	smul.u32 $0x28000, s19  }
0x9: {  	s16 =	sadd.s32 $0x9200, s0;
	s0 =	sadd.s32 $0xE200, s0;
	s24 =	smul.u32 $0x2710, s19  }
0xa: {  	s18 =	smul.u32 $0x4E2, s19;
	p0 =	seq.s32 s19, $0xF;
	s19 =	simm.s32 $0x80  }
0xb: {  	_ =	strace $0x8000004D;
	s5 =	smul.u32 $0x1388, s4;
	s7 =	ssub.s32 $0x2, s4  }
0xc: {  	s4 =	smul.u32 $0x9C400, s4;
	s9 =	sshrl.u32 s7, $0x1;
	s25 =	sshrl.u32 s8, $0x2  }
0xd: {  	s11 =	sshrl.u32 s24, $0x3;
	s8 =	sadd.s32 $0x96000, s2;
	s24 =	simm.s32 $0x1  }
0xe: {  	s6 =	sadd.s32 s6, s5;
	s15 =	ssub.s32 s7, s9;
	s4 =	sshrl.u32 s4, $0x3  }
0xf: {  	s9 =	sadd.s32 s17, s11;
	s10 =	sadd.s32 s16, s11;
	s12 =	sadd.s32 $0x4E0, s11  }
0x10: {  	s13 =	sshll.u32 s6, $0x4;
	s4 =	sadd.s32 $0x12C00, s4;
	s11 =	sadd.s32 s17, s12  }
.Ltmp0:
0x11: {  	s12 =	sadd.s32 s16, s12;
	s15 =	smax.u32 s15, $0x1;
	(pc) =	sbr.rel .LBB2_1-.Ltmp0, $4  }
0x12: {  	s16 =	sadd.s32 s18, s16;
	s17 =	sadd.s32 s18, s17;
	s18 =	simm.s32 $0x3  }
0x13: {  	s6 =	sadd.s32 s1, s13;
	s26 =	sadd.s32 s1, s4;
	s13 =	sadd.s32 s0, s13  }
0x14: {  	s14 =	sadd.s32 s0, s4;
	[dreg:$0x4] =	wrdreg s6;
	s6 =	sadd.s32 s25, s2  }
0x15: {  	v0 =	vmov s5;
	[dreg:$0x5] =	wrdreg s26;
	s25 =	simm.s32 $0x2;
	s26 =	simm.s32 $0x8200  }
.LBB2_5:
0x16: {  	[tilespmem:s26], [sflag:$0x3] =	stream.linear.gather [hbm4b:s11+s3], $0x10, $0x38;
	[tilespmem:$0x1C780] =	vst v63  }
0x17: {  	_ =	swait.ge [sflag:s18], $0x10  }
0x18: {  	[sflag:s18] =	ssyncset.done $0x0  }
0x19: {  	[sflag:s18] =	ssyncadd.s32 $0xFFFFFFF0  }
0x1a: {  	[tilespmem:s28], [sflag:$0x3] =	stream.linear.gather [hbm4b:s12+s3], $0x10, $0x38;
	[tilespmem:$0x1C780] =	vst v63  }
0x1b: {  	_ =	swait.ge [sflag:s18], $0x10  }
0x1c: {  	[sflag:s18] =	ssyncset.done $0x0  }
0x1d: {  	[sflag:s18] =	ssyncadd.s32 $0xFFFFFFF0  }
0x1e: {  	v1 =	vld [tilespmem:$0x8280];
	_ =	sdelay $0x4  }
0x1f: {  	v2 =	vsub.s32 v1, v0;
	v1 =	vand.u32 $0x7, v1  }
0x20: {  	vm0 =	vlt.u32 v2, $0x1388;
	v1 =	vor.u32 $0x1388, v1  }
0x21: {  	v1 =	vsel vm0, v2, v1  }
0x22: {  	[tilespmem:$0x8280] =	vst v1  }
0x23: {  	[tilespmem:s30], [sflag:$0x1] =	stream.indirect.gather [hbm4b:s1+s29], $0x80, s26, s29, $0xb8;
	[tilespmem:$0x1C780] =	vst v63  }
0x24: {  	_ =	swait.ge [sflag:s24], $0x800  }
0x25: {  	[sflag:s24] =	ssyncset.done $0x0  }
0x26: {  	[sflag:s24] =	ssyncadd.s32 $0xFFFFF800  }
0x27: {  	[spmem:s2] =	stream.indirect.scatter.add.f32 [tilespmem:s30], [sflag:$0x3], $0x80, s28, s29, $0xb8;
	[tilespmem:$0x1C780] =	vst v63  }
0x28: {  	_ =	swait.ge [sflag:s18], $0x800  }
0x29: {  	[sflag:s18] =	ssyncset.done $0x0  }
0x2a: {  	[sflag:s18] =	ssyncadd.s32 $0xFFFFF800  }
0x2b: {  	s0 =	simm.s32 @p0 $0x8B00;
	s4 =	simm.s32 @p0 $0x3;
	[bflag:$0x0] =	sbarrier.arrive $0xFFFF  }
0x2c: {  	[tilespmem:s0], [sflag:$0x3] =	stream.linear.gather @p0 [spmem:s8], $0x6400, $0x38;
	[tilespmem:$0x1C780] =	vst v63  }
0x2d: {  	_ =	swait.ge @p0 [sflag:s4], $0x6400  }
0x2e: {  	[sflag:s4] =	ssyncset.done @p0 $0x0  }
0x2f: {  	s5 =	simm.s32 @p0 $0x0;
	[sflag:s4] =	ssyncadd.s32 @p0 $0xFFFF9C00  }
0x30: {  	[hbm4b:s14+s5] =	stream.linear.scatter @p0 [tilespmem:s0], [sflag:$0x3], $0x6400, $0x38;
	[tilespmem:$0x1C780] =	vst v63  }
0x31: {  	_ =	swait.ge @p0 [sflag:s4], $0x6400  }
0x32: {  	[sflag:s4] =	ssyncset.done @p0 $0x0  }
0x33: {  	s0 =	simm.s32 @!p0 $0x8B00;
	[sflag:s4] =	ssyncadd.s32 @p0 $0xFFFF9C00;
	s4 =	simm.s32 @!p0 $0x3  }
0x34: {  	[tilespmem:s0], [sflag:$0x3] =	stream.linear.gather @!p0 [spmem:s6], $0xA000, $0x38;
	[tilespmem:$0x1C780] =	vst v63  }
0x35: {  	s31 =	sadd.s32 $0x1, s31;
	_ =	swait.ge @!p0 [sflag:s4], $0xA000  }
0x36: {  	p1 =	sne.s32 s31, s15;
	[sflag:s4] =	ssyncset.done @!p0 $0x0  }
.Ltmp1:
0x37: {  	s5 =	simm.s32 @!p0 $0x0;
	[sflag:s4] =	ssyncadd.s32 @!p0 $0xFFFF6000;
	(pc) =	sbr.rel @!p1 .LBB2_6-.Ltmp1, $4  }
0x38: {  	[hbm4b:s13+s5] =	stream.linear.scatter @!p0 [tilespmem:s0], [sflag:$0x3], $0xA000, $0x38;
	[tilespmem:$0x1C780] =	vst v63  }
0x39: {  	_ =	swait.ge @!p0 [sflag:s4], $0xA000  }
0x3a: {  	[sflag:s4] =	ssyncset.done @!p0 $0x0  }
0x3b: {  	[sflag:s4] =	ssyncadd.s32 @!p0 $0xFFFF6000  }
.LBB2_1:
0x3c: {  	s0 =	simm.s32 @p0 $0x0;
	s4 =	simm.s32 @p0 $0x8B00;
	s5 =	rddreg [dreg:$0x5]  }
0x3d: {  	[tilespmem:s4], [sflag:$0x3] =	stream.linear.gather @p0 [hbm4b:s5+s0], $0x6400, $0x38;
	[tilespmem:$0x1C780] =	vst v63  }
0x3e: {  	s0 =	simm.s32 @p0 $0x3  }
0x3f: {  	_ =	swait.ge @p0 [sflag:s0], $0x6400  }
0x40: {  	[sflag:s0] =	ssyncset.done @p0 $0x0  }
0x41: {  	[sflag:s0] =	ssyncadd.s32 @p0 $0xFFFF9C00  }
0x42: {  	[spmem:s8] =	stream.linear.scatter @p0 [tilespmem:s4], [sflag:$0x3], $0x6400, $0x38;
	[tilespmem:$0x1C780] =	vst v63  }
0x43: {  	_ =	swait.ge @p0 [sflag:s0], $0x6400  }
0x44: {  	s4 =	simm.s32 @!p0 $0x8B00;
	[sflag:s0] =	ssyncset.done @p0 $0x0  }
0x45: {  	s5 =	rddreg [dreg:$0x4];
	[sflag:s0] =	ssyncadd.s32 @p0 $0xFFFF9C00;
	s0 =	simm.s32 @!p0 $0x0  }
0x46: {  	[tilespmem:s4], [sflag:$0x3] =	stream.linear.gather @!p0 [hbm4b:s5+s0], $0xA000, $0x38;
	[tilespmem:$0x1C780] =	vst v63  }
0x47: {  	s0 =	simm.s32 @!p0 $0x3  }
0x48: {  	_ =	swait.ge @!p0 [sflag:s0], $0xA000  }
0x49: {  	[sflag:s0] =	ssyncset.done @!p0 $0x0  }
0x4a: {  	[sflag:s0] =	ssyncadd.s32 @!p0 $0xFFFF6000  }
0x4b: {  	[spmem:s6] =	stream.linear.scatter @!p0 [tilespmem:s4], [sflag:$0x3], $0xA000, $0x38;
	[tilespmem:$0x1C780] =	vst v63  }
0x4c: {  	_ =	swait.ge @!p0 [sflag:s0], $0xA000  }
0x4d: {  	[sflag:s0] =	ssyncset.done @!p0 $0x0  }
0x4e: {  	[sflag:s0] =	ssyncadd.s32 @!p0 $0xFFFF6000  }
0x4f: {  	[bflag:$0x0] =	sbarrier.arrive $0xFFFF  }
0x50: {  	[tilespmem:s3], [sflag:$0x3] =	stream.linear.gather [hbm4b:s9+s3], $0x80, $0x38;
	[tilespmem:$0x1C780] =	vst v63  }
0x51: {  	_ =	swait.ge [sflag:s18], $0x80  }
0x52: {  	[sflag:s18] =	ssyncset.done $0x0  }
0x53: {  	[sflag:s18] =	ssyncadd.s32 $0xFFFFFF80  }
0x54: {  	[tilespmem:s19], [sflag:$0x3] =	stream.linear.gather [hbm4b:s10+s3], $0x80, $0x38;
	[tilespmem:$0x1C780] =	vst v63  }
0x55: {  	_ =	swait.ge [sflag:s18], $0x80  }
0x56: {  	[sflag:s18] =	ssyncset.done $0x0  }
0x57: {  	[sflag:s18] =	ssyncadd.s32 $0xFFFFFF80  }
0x58: {  	v1 =	vld [tilespmem:$0x80]  }
0x59: {  	v2 =	vld [tilespmem:$0x90]  }
0x5a: {  	v3 =	vld [tilespmem:$0xA0]  }
0x5b: {  	v5 =	vld [tilespmem:$0xB0]  }
0x5c: {  	v7 =	vld [tilespmem:$0xC0]  }
0x5d: {  	v56 =	vld [tilespmem:$0xD0]  }
0x5e: {  	v9 =	vld [tilespmem:$0xE0]  }
0x5f: {  	v10 =	vld [tilespmem:$0xF0]  }
0x60: {  	v4 =	vsub.s32 v1, v0;
	v1 =	vand.u32 $0x7, v1;
	v6 =	vsub.s32 v2, v0  }
0x61: {  	v2 =	vand.u32 $0x7, v2;
	v55 =	vsub.s32 v3, v0;
	v3 =	vand.u32 $0x7, v3  }
0x62: {  	v8 =	vsub.s32 v5, v0;
	v57 =	vand.u32 $0x7, v5;
	v58 =	vsub.s32 v7, v0  }
0x63: {  	v7 =	vand.u32 $0x7, v7;
	v60 =	vsub.s32 v56, v0;
	v61 =	vand.u32 $0x7, v56  }
0x64: {  	v62 =	vsub.s32 v9, v0;
	v63 =	vand.u32 $0x7, v10;
	vm0 =	vlt.u32 v4, $0x1388  }
0x65: {  	v1 =	vor.u32 $0x1388, v1;
	vm9 =	vlt.u32 v6, $0x1388;
	v2 =	vor.u32 $0x1388, v2  }
0x66: {  	vm10 =	vlt.u32 v55, $0x1388;
	v3 =	vor.u32 $0x1388, v3;
	v1 =	vsel vm0, v4, v1  }
0x67: {  	vm11 =	vlt.u32 v8, $0x1388;
	vm12 =	vlt.u32 v58, $0x1388;
	v2 =	vsel vm9, v6, v2;
	[tilespmem:$0x80] =	vst v1  }
0x68: {  	v59 =	vor.u32 $0x1388, v7;
	v3 =	vsel vm10, v55, v3;
	v4 =	vor.u32 $0x1388, v57;
	[tilespmem:$0x90] =	vst v2  }
0x69: {  	vm13 =	vlt.u32 v60, $0x1388;
	v1 =	vsel vm11, v8, v4;
	[tilespmem:$0xA0] =	vst v3;
	v3 =	vor.u32 $0x1388, v61  }
0x6a: {  	v2 =	vsel vm12, v58, v59;
	[tilespmem:$0xB0] =	vst v1;
	v1 =	vsel vm13, v60, v3;
	v3 =	vand.u32 $0x7, v9  }
.Ltmp2:
0x6b: {  	vm14 =	vlt.u32 v62, $0x1388;
	[tilespmem:$0xC0] =	vst v2;
	v2 =	vor.u32 $0x1388, v3;
	v3 =	vsub.s32 v10, v0;
	(pc) =	sbr.rel .LBB2_2-.Ltmp2, $4  }
0x6c: {  	[tilespmem:$0xD0] =	vst v1;
	v1 =	vsel vm14, v62, v2;
	vm15 =	vlt.u32 v3, $0x1388;
	v2 =	vor.u32 $0x1388, v63  }
0x6d: {  	[tilespmem:$0xE0] =	vst v1;
	v1 =	vsel vm15, v3, v2  }
0x6e: {  	s0 =	simm.s32 $0x0;
	[tilespmem:$0xF0] =	vst v1  }
0x6f: {  	[tilespmem:s20], [sflag:$0x1] =	stream.indirect.gather [hbm4b:s1+s19], $0x80, s3, s19, $0xb8;
	[tilespmem:$0x1C780] =	vst v63  }
.LBB2_4:
0x70: {  	_ =	swait.ge [sflag:s25], $0x4000;
	s0 =	sadd.s32 $0x20, s0  }
0x71: {  	[sflag:s25] =	ssyncset.done $0x0;
	p1 =	sne.s32 s0, $0x4E0  }
.Ltmp3:
0x72: {  	[sflag:s25] =	ssyncadd.s32 $0xFFFFC000;
	(pc) =	sbr.rel @!p1 .LBB2_5-.Ltmp3, $4  }
0x73: {  	[spmem:s2] =	stream.indirect.scatter.add.f32 [tilespmem:s23], [sflag:$0x3], $0x80, s22, s19, $0xb8;
	[tilespmem:$0x1C780] =	vst v63  }
0x74: {  	_ =	swait.ge [sflag:s18], $0x4000  }
0x75: {  	[sflag:s18] =	ssyncset.done $0x0  }
0x76: {  	[sflag:s18] =	ssyncadd.s32 $0xFFFFC000  }
.LBB2_2:
0x77: {  	s4 =	sadd.s32 s0, s17  }
0x78: {  	s5 =	sadd.s32 $0x10, s4  }
0x79: {  	[tilespmem:s21], [sflag:$0x3] =	stream.linear.gather [hbm4b:s5+s3], $0x80, $0x38;
	[tilespmem:$0x1C780] =	vst v63  }
0x7a: {  	_ =	swait.ge [sflag:s18], $0x80  }
0x7b: {  	s5 =	sadd.s32 s0, s16;
	[sflag:s18] =	ssyncset.done $0x0  }
0x7c: {  	s7 =	sadd.s32 $0x10, s5;
	[sflag:s18] =	ssyncadd.s32 $0xFFFFFF80  }
0x7d: {  	[tilespmem:s22], [sflag:$0x3] =	stream.linear.gather [hbm4b:s7+s3], $0x80, $0x38;
	[tilespmem:$0x1C780] =	vst v63  }
0x7e: {  	_ =	swait.ge [sflag:s18], $0x80  }
0x7f: {  	[sflag:s18] =	ssyncset.done $0x0  }
0x80: {  	[sflag:s18] =	ssyncadd.s32 $0xFFFFFF80  }
0x81: {  	v1 =	vld [tilespmem:$0x4180]  }
0x82: {  	v2 =	vld [tilespmem:$0x4190]  }
0x83: {  	v3 =	vld [tilespmem:$0x41A0]  }
0x84: {  	v5 =	vld [tilespmem:$0x41B0]  }
0x85: {  	v7 =	vld [tilespmem:$0x41C0]  }
0x86: {  	v56 =	vld [tilespmem:$0x41D0]  }
0x87: {  	v9 =	vld [tilespmem:$0x41E0]  }
0x88: {  	v10 =	vld [tilespmem:$0x41F0]  }
0x89: {  	v4 =	vsub.s32 v1, v0;
	v1 =	vand.u32 $0x7, v1;
	v6 =	vsub.s32 v2, v0  }
0x8a: {  	v2 =	vand.u32 $0x7, v2;
	v55 =	vsub.s32 v3, v0;
	v3 =	vand.u32 $0x7, v3  }
0x8b: {  	v8 =	vsub.s32 v5, v0;
	v57 =	vand.u32 $0x7, v5;
	v58 =	vsub.s32 v7, v0  }
0x8c: {  	v7 =	vand.u32 $0x7, v7;
	v60 =	vsub.s32 v56, v0;
	v61 =	vand.u32 $0x7, v56  }
0x8d: {  	v62 =	vsub.s32 v9, v0;
	v63 =	vand.u32 $0x7, v10;
	vm0 =	vlt.u32 v4, $0x1388  }
0x8e: {  	v1 =	vor.u32 $0x1388, v1;
	vm9 =	vlt.u32 v6, $0x1388;
	v2 =	vor.u32 $0x1388, v2  }
0x8f: {  	vm10 =	vlt.u32 v55, $0x1388;
	v3 =	vor.u32 $0x1388, v3;
	v1 =	vsel vm0, v4, v1  }
0x90: {  	vm11 =	vlt.u32 v8, $0x1388;
	vm12 =	vlt.u32 v58, $0x1388;
	v2 =	vsel vm9, v6, v2;
	[tilespmem:$0x4180] =	vst v1  }
0x91: {  	v59 =	vor.u32 $0x1388, v7;
	v3 =	vsel vm10, v55, v3;
	v4 =	vor.u32 $0x1388, v57;
	[tilespmem:$0x4190] =	vst v2  }
0x92: {  	vm13 =	vlt.u32 v60, $0x1388;
	v1 =	vsel vm11, v8, v4;
	[tilespmem:$0x41A0] =	vst v3;
	v3 =	vor.u32 $0x1388, v61  }
0x93: {  	v2 =	vsel vm12, v58, v59;
	[tilespmem:$0x41B0] =	vst v1;
	v1 =	vsel vm13, v60, v3;
	v3 =	vand.u32 $0x7, v9  }
0x94: {  	vm14 =	vlt.u32 v62, $0x1388;
	[tilespmem:$0x41C0] =	vst v2;
	v2 =	vor.u32 $0x1388, v3;
	v3 =	vsub.s32 v10, v0  }
0x95: {  	[tilespmem:$0x41D0] =	vst v1;
	v1 =	vsel vm14, v62, v2;
	vm15 =	vlt.u32 v3, $0x1388;
	v2 =	vor.u32 $0x1388, v63  }
0x96: {  	[tilespmem:$0x41E0] =	vst v1;
	v1 =	vsel vm15, v3, v2  }
0x97: {  	[tilespmem:$0x41F0] =	vst v1  }
0x98: {  	[tilespmem:s23], [sflag:$0x2] =	stream.indirect.gather [hbm4b:s1+s19], $0x80, s21, s19, $0xb8;
	[tilespmem:$0x1C780] =	vst v63  }
0x99: {  	_ =	swait.ge [sflag:s24], $0x4000  }
0x9a: {  	p1 =	seq.s32 s0, $0x4C0;
	[sflag:s24] =	ssyncset.done $0x0  }
.Ltmp4:
0x9b: {  	[sflag:s24] =	ssyncadd.s32 $0xFFFFC000;
	(pc) =	sbr.rel @p1 .LBB2_4-.Ltmp4, $4  }
0x9c: {  	[spmem:s2] =	stream.indirect.scatter.add.f32 [tilespmem:s20], [sflag:$0x3], $0x80, s19, s19, $0xb8;
	[tilespmem:$0x1C780] =	vst v63  }
0x9d: {  	_ =	swait.ge [sflag:s18], $0x4000  }
0x9e: {  	[sflag:s18] =	ssyncset.done $0x0  }
0x9f: {  	[sflag:s18] =	ssyncadd.s32 $0xFFFFC000  }
0xa0: {  	s4 =	sadd.s32 $0x20, s4  }
0xa1: {  	[tilespmem:s3], [sflag:$0x3] =	stream.linear.gather [hbm4b:s4+s3], $0x80, $0x38;
	[tilespmem:$0x1C780] =	vst v63  }
0xa2: {  	_ =	swait.ge [sflag:s18], $0x80  }
0xa3: {  	[sflag:s18] =	ssyncset.done $0x0  }
0xa4: {  	s7 =	sadd.s32 $0x20, s5;
	[sflag:s18] =	ssyncadd.s32 $0xFFFFFF80  }
0xa5: {  	[tilespmem:s19], [sflag:$0x3] =	stream.linear.gather [hbm4b:s7+s3], $0x80, $0x38;
	[tilespmem:$0x1C780] =	vst v63  }
0xa6: {  	_ =	swait.ge [sflag:s18], $0x80  }
0xa7: {  	[sflag:s18] =	ssyncset.done $0x0  }
0xa8: {  	[sflag:s18] =	ssyncadd.s32 $0xFFFFFF80  }
0xa9: {  	v1 =	vld [tilespmem:$0x80]  }
0xaa: {  	v2 =	vld [tilespmem:$0x90]  }
0xab: {  	v3 =	vld [tilespmem:$0xA0]  }
0xac: {  	v5 =	vld [tilespmem:$0xB0]  }
0xad: {  	v7 =	vld [tilespmem:$0xC0]  }
0xae: {  	v56 =	vld [tilespmem:$0xD0]  }
0xaf: {  	v9 =	vld [tilespmem:$0xE0]  }
0xb0: {  	v10 =	vld [tilespmem:$0xF0]  }
0xb1: {  	v4 =	vsub.s32 v1, v0;
	v1 =	vand.u32 $0x7, v1;
	v6 =	vsub.s32 v2, v0  }
0xb2: {  	v2 =	vand.u32 $0x7, v2;
	v55 =	vsub.s32 v3, v0;
	v3 =	vand.u32 $0x7, v3  }
0xb3: {  	v8 =	vsub.s32 v5, v0;
	v57 =	vand.u32 $0x7, v5;
	v58 =	vsub.s32 v7, v0  }
0xb4: {  	v7 =	vand.u32 $0x7, v7;
	v60 =	vsub.s32 v56, v0;
	v61 =	vand.u32 $0x7, v56  }
0xb5: {  	v62 =	vsub.s32 v9, v0;
	v63 =	vand.u32 $0x7, v10;
	vm0 =	vlt.u32 v4, $0x1388  }
0xb6: {  	v1 =	vor.u32 $0x1388, v1;
	vm9 =	vlt.u32 v6, $0x1388;
	v2 =	vor.u32 $0x1388, v2  }
0xb7: {  	vm10 =	vlt.u32 v55, $0x1388;
	v3 =	vor.u32 $0x1388, v3;
	v1 =	vsel vm0, v4, v1  }
0xb8: {  	vm11 =	vlt.u32 v8, $0x1388;
	vm12 =	vlt.u32 v58, $0x1388;
	v2 =	vsel vm9, v6, v2;
	[tilespmem:$0x80] =	vst v1  }
0xb9: {  	v59 =	vor.u32 $0x1388, v7;
	v3 =	vsel vm10, v55, v3;
	v4 =	vor.u32 $0x1388, v57;
	[tilespmem:$0x90] =	vst v2  }
0xba: {  	vm13 =	vlt.u32 v60, $0x1388;
	v1 =	vsel vm11, v8, v4;
	[tilespmem:$0xA0] =	vst v3;
	v3 =	vor.u32 $0x1388, v61  }
0xbb: {  	v2 =	vsel vm12, v58, v59;
	[tilespmem:$0xB0] =	vst v1;
	v1 =	vsel vm13, v60, v3;
	v3 =	vand.u32 $0x7, v9  }
.Ltmp5:
0xbc: {  	vm14 =	vlt.u32 v62, $0x1388;
	[tilespmem:$0xC0] =	vst v2;
	v2 =	vor.u32 $0x1388, v3;
	v3 =	vsub.s32 v10, v0;
	(pc) =	sbr.rel .LBB2_4-.Ltmp5, $4  }
0xbd: {  	[tilespmem:$0xD0] =	vst v1;
	v1 =	vsel vm14, v62, v2;
	vm15 =	vlt.u32 v3, $0x1388;
	v2 =	vor.u32 $0x1388, v63  }
0xbe: {  	[tilespmem:$0xE0] =	vst v1;
	v1 =	vsel vm15, v3, v2  }
0xbf: {  	[tilespmem:$0xF0] =	vst v1  }
0xc0: {  	[tilespmem:s20], [sflag:$0x1] =	stream.indirect.gather [hbm4b:s1+s19], $0x80, s3, s19, $0xb8;
	[tilespmem:$0x1C780] =	vst v63  }
.LBB2_6:
0xc1: {  	_ =	sfence.sel $0x180000  }
0xc2: {  	[bflag:$0x0] =	sbarrier.arrive $0xFFFF  }
0xc3: {  	_ =	strace $0x9000004D  }
0xc4: {  	s0 =	stileid.u32;
	[bflag:$0x2] =	sbarrier.arrive $0xFFFF  }
0xc5: {  	p0 =	sne.s32 s0, $0x0;
	s0 =	rddreg [dreg:$0x3]  }
0xc6: {  	s0 =	sadd.s32 @!p0 $0x100000, s0  }
0xc7: {  	[sflag:s0] =	ssyncadd.tile.s32 @!p0 $0x1;
	_ =	shalt  }
.Lfunc_end2:
_tile_overlayer_lowered:
.L_overlay_start_2:
0xc8: {  	(tag) =	ssettag $0x2  }
0xc9: {  	s0 =	rddreg [dreg:$0x0];
	s2 =	stileid.u32  }
0xca: {  	s1 =	rddreg [dreg:$0x1];
	p0 =	sne.s32 s2, $0x0  }
0xcb: {  	s3 =	rddreg [dreg:$0x2];
	[bflag:$0x3] =	sbarrier.arrive $0xFFFF;
	s2 =	simm.s32 @!p0 $0x1C03  }
0xcc: {  	[timem:s3], [sflag:s2] =	dma.local @!p0 [hbm:s0], s1  }
0xcd: {  	s0 =	simm.s32 @!p0 $0x3  }
0xce: {  	_ =	swait.ge @!p0 [sflag:s0], s1  }
0xcf: {  	s1 =	ssub.s32 @!p0 $0x0, s1;
	[sflag:s0] =	ssyncset.done @!p0 $0x0  }
0xd0: {  	[sflag:s0] =	ssyncadd.s32 @!p0 s1  }
0xd1: {  	[bflag:$0x3] =	sbarrier.arrive $0xFFFF  }
0xd2: {  	_ =	shalt  }

// kernel: kernel.21.cloned.1.call-start
scs
__scs_entry_jumppad:
0x0: {  	(pc) =	sbr.rel $0x88, $3  }
0x1: {  	(tag) =	ssettag $0x0;
	lr =	simm.s32 $0x1  }
0x2: {  	[smem:$0x3F8F] =	sst lr;
	_ =	strace $0xD0000000  }
0x3: {  	_ = 	snop  }
0x4: {  	_ = 	snop  }
0x5: {  	_ = 	snop  }
0x6: {  	_ = 	snop  }
0x7: {  	_ = 	snop  }
__scs_overlays_trampoline_lowered:
0x8: {  	[smem:$0x3F9E] =	sst s0  }
0x9: {  	[smem:$0x3F9F] =	sst s1  }
0xa: {  	[smem:$0x3FA0] =	sst s2  }
0xb: {  	[smem:$0x3FA1] =	sst s3  }
0xc: {  	[smem:$0x3FA2] =	sst s4  }
0xd: {  	[smem:$0x3FA3] =	sst s5  }
0xe: {  	[smem:$0x3FA4] =	sst s6  }
0xf: {  	[smem:$0x3FA5] =	sst s7  }
0x10: {  	[smem:$0x3FA6] =	sst s8  }
0x11: {  	[smem:$0x3FA7] =	sst s9;
	s0 =	simm.s32 @!p0 $0x0  }
0x12: {  	s1 =	sld [smem:$0x3F8D];
	s0 =	simm.s32 @p0 $0x1  }
0x13: {  	[smem:$0x3FA8] =	sst s0;
	s0 =	simm.s32 @!p1 $0x0  }
0x14: {  	s2 =	sld [smem:$0x3F8C];
	s0 =	simm.s32 @p1 $0x1  }
0x15: {  	[smem:$0x3FA9] =	sst s0;
	s0 =	simm.s32 @!p2 $0x0  }
0x16: {  	s3 =	sld [smem:$0x3FDB];
	s0 =	simm.s32 @p2 $0x1  }
0x17: {  	s4 =	simm.s32 $0x1BF5;
	[smem:$0x3FAB] =	sst s0  }
0x18: {  	s0 =	sld [smem:$0x3F8E];
	_ =	swait.ge [sflag:s4], $0x0  }
0x19: {  	s7 =	sld [smem:$0x3F8F]  }
0x1a: {  	s8 =	sadd.s32 $0xFFFFE003, lr  }
0x1b: {  	s9 =	sadd.s32 $0xFFFFFEF7, lr;
	s5 =	simm.s32 $0xFFFFFFFF;
	p2 =	slt.u32 s8, $0xFFFFF086  }
0x1c: {  	p1 =	slt.u32 s9, $0xF7A;
	s5 =	simm.s32 @!p2 $0x0  }
0x1d: {  	s5 =	simm.s32 @p1 $0x1;
	p0 =	seq.s32 s7, s2  }
0x1e: {  	s7 =	smul.u32 @!p0 $0xF7A, s2;
	p2 =	seq.s32 @!p0 s5, $0x0  }
0x1f: {  	s9 =	smul.u32 $0xF7A, s1;
	s8 =	simm.s32 @!p0 $0x1BF5;
	p2 =	por !p2, p0  }
0x20: {  	[sflag:s8] =	ssyncset.s32 @!p0 $0xFFFFF086;
	s6 =	sadd.s32 @!p0 s3, s7;
	s7 =	simm.s32 @!p0 $0x108  }
0x21: {  	s3 =	sadd.s32 s3, s9;
	s6 =	sadd.s32 @!p0 $0x88, s6;
	s7 =	simm.s32 @p2 $0x1082  }
0x22: {  	[simem:s7], [sflag:s8] =	dma.local @!p0 [hbm:s6], $0xF7A  }
0x23: {  	s9 =	sor.u32 $0xD0000000, s2;
	s6 =	simm.s32 $0x108;
	_ =	swait.ge @!p0 [sflag:s8], $0x0  }
0x24: {  	s3 =	sadd.s32 $0x88, s3;
	s6 =	simm.s32 @!p1 $0x1082;
	[sflag:s4] =	ssyncset.s32 $0xFFFFF086  }
0x25: {  	[simem:s6], [sflag:s4] =	dma.local [hbm:s3], $0xF7A  }
0x26: {  	[smem:$0x3F8F] =	sst s1;
	(tag) =	ssettag s2;
	_ =	strace s9  }
0x27: {  	s1 =	sld [smem:$0x3F9F]  }
0x28: {  	s2 =	sld [smem:$0x3FA0]  }
0x29: {  	s4 =	sld [smem:$0x3FA2]  }
0x2a: {  	p0 =	seq.s32 s5, $0x0;
	s5 =	sld [smem:$0x3FA3]  }
0x2b: {  	s6 =	sld [smem:$0x3FA4]  }
0x2c: {  	s7 =	sld [smem:$0x3FA5]  }
0x2d: {  	s3 =	simm.s32 $0x108;
	s8 =	sld [smem:$0x3FA6]  }
0x2e: {  	s3 =	simm.s32 @!p0 $0x1082;
	s9 =	sld [smem:$0x3FA7]  }
0x2f: {  	lr =	sadd.s32 s0, s3;
	s0 =	sld [smem:$0x3F9E]  }
0x30: {  	s3 =	sld [smem:$0x3FA1]  }
0x31: {  	[smem:$0x3FAA] =	sst s10  }
0x32: {  	s10 =	sld [smem:$0x3FA8];
	_ =	sdelay $0x3  }
0x33: {  	p0 =	seq.s32 s10, $0x1;
	s10 =	sld [smem:$0x3FAA];
	_ =	sdelay $0x3  }
0x34: {  	[smem:$0x3FAA] =	sst s10  }
0x35: {  	s10 =	sld [smem:$0x3FA9];
	_ =	sdelay $0x3  }
0x36: {  	p1 =	seq.s32 s10, $0x1;
	s10 =	sld [smem:$0x3FAA];
	_ =	sdelay $0x3  }
0x37: {  	[smem:$0x3FAA] =	sst s10  }
0x38: {  	s10 =	sld [smem:$0x3FAB]  }
0x39: {  	_ = 	snop;
	(pc) =	sbr.ind lr, $3  }
0x3a: {  	_ = 	snop  }
0x3b: {  	_ = 	snop  }
0x3c: {  	p2 =	seq.s32 s10, $0x1;
	s10 =	sld [smem:$0x3FAA]  }
0x3d: {  	_ =	shalt  }
0x3e: {  	_ =	shalt  }
0x3f: {  	_ =	shalt  }
0x40: {  	_ =	shalt  }
0x41: {  	_ =	shalt  }
0x42: {  	_ =	shalt  }
0x43: {  	_ =	shalt  }
0x44: {  	_ =	shalt  }
0x45: {  	_ =	shalt  }
0x46: {  	_ =	shalt  }
0x47: {  	_ =	shalt  }
0x48: {  	_ =	shalt  }
0x49: {  	_ =	shalt  }
0x4a: {  	_ =	shalt  }
0x4b: {  	_ =	shalt  }
0x4c: {  	_ =	shalt  }
0x4d: {  	_ =	shalt  }
0x4e: {  	_ =	shalt  }
0x4f: {  	_ =	shalt  }
0x50: {  	_ =	shalt  }
0x51: {  	_ =	shalt  }
0x52: {  	_ =	shalt  }
0x53: {  	_ =	shalt  }
0x54: {  	_ =	shalt  }
0x55: {  	_ =	shalt  }
0x56: {  	_ =	shalt  }
0x57: {  	_ =	shalt  }
0x58: {  	_ =	shalt  }
0x59: {  	_ =	shalt  }
0x5a: {  	_ =	shalt  }
0x5b: {  	_ =	shalt  }
0x5c: {  	_ =	shalt  }
0x5d: {  	_ =	shalt  }
0x5e: {  	_ =	shalt  }
0x5f: {  	_ =	shalt  }
0x60: {  	_ =	shalt  }
0x61: {  	_ =	shalt  }
0x62: {  	_ =	shalt  }
0x63: {  	_ =	shalt  }
0x64: {  	_ =	shalt  }
0x65: {  	_ =	shalt  }
0x66: {  	_ =	shalt  }
0x67: {  	_ =	shalt  }
0x68: {  	_ =	shalt  }
0x69: {  	_ =	shalt  }
0x6a: {  	_ =	shalt  }
0x6b: {  	_ =	shalt  }
0x6c: {  	_ =	shalt  }
0x6d: {  	_ =	shalt  }
0x6e: {  	_ =	shalt  }
0x6f: {  	_ =	shalt  }
0x70: {  	_ =	shalt  }
0x71: {  	_ =	shalt  }
0x72: {  	_ =	shalt  }
0x73: {  	_ =	shalt  }
0x74: {  	_ =	shalt  }
0x75: {  	_ =	shalt  }
0x76: {  	_ =	shalt  }
0x77: {  	_ =	shalt  }
0x78: {  	_ =	shalt  }
0x79: {  	_ =	shalt  }
0x7a: {  	_ =	shalt  }
0x7b: {  	_ =	shalt  }
0x7c: {  	_ =	shalt  }
0x7d: {  	_ =	shalt  }
0x7e: {  	_ =	shalt  }
0x7f: {  	_ =	shalt  }
0x80: {  	_ =	shalt  }
0x81: {  	_ =	shalt  }
0x82: {  	_ =	shalt  }
0x83: {  	_ =	shalt  }
0x84: {  	_ =	shalt  }
0x85: {  	_ =	shalt  }
0x86: {  	_ =	shalt  }
0x87: {  	_ =	shalt  }
.Lfunc_end0:
.L_simem_size_0:
called_computation.3_lowered:
.L_overlay_start_0:
0x88: {  	s2 =	sld [smem:$0x3FD9]  }
0x89: {  	s3 =	sld [smem:$0x3FFE];
	_ =	sdelay $0x1  }
0x8a: {  	s1 =	srdreg.scid  }
0x8b: {  	s0 =	sand.u32 $0x1, s1  }
0x8c: {  	s17 =	sshll.u32 s0, $0xA;
	s2 =	sadd.s32 s3, s2  }
0x8d: {  	s2 =	sadd.s32 s2, s17  }
0x8e: {  	[smem:$0x3FB6] =	sst s2  }
0x8f: {  	_ = 	snop  }
0x90: {  	s2 =	sld [smem:$0x3FD0];
	(tm) =	ssettm $0x1  }
0x91: {  	s18 =	sld [smem:$0x3FFB];
	_ =	sdelay $0x3  }
0x92: {  	_ =	strace s18  }
0x93: {  	s3 =	sld [smem:$0x3FFC];
	_ =	sdelay $0x3  }
0x94: {  	_ =	strace s3  }
0x95: {  	s3 =	sld [smem:$0x3FFD];
	_ =	sdelay $0x3  }
0x96: {  	_ =	strace s3  }
0x97: {  	_ =	strace $0x8FFFFFFF  }
0x98: {  	s19 =	sld [smem:$0x3FDB];
	_ =	sdelay $0x1  }
0x99: {  	s4 =	simm.s32 $_scs_section_size  }
0x9a: {  	s5 =	simm.s32 $_size__tile_overlayer_lowered;
	s6 =	simm.s32 $_tile_overlayer_lowered  }
0x9b: {  	s22 =	simm.s32 $0x1BFF;
	s21 =	sshll.u32 s6, $0x1;
	s3 =	sadd.s32 s4, s19  }
0x9c: {  	s7 =	simm.s32 $0x0;
	s20 =	sshll.u32 s5, $0x1;
	s5 =	sadd.s32 s21, s3  }
0x9d: {  	[timem:s7], [sflag:s22] =	dma.local [hbm:s5], s20  }
0x9e: {  	_ =	swait.ge [sflag:s22], s20  }
0x9f: {  	s4 =	ssub.s32 $0x0, s20;
	[sflag:s22] =	ssyncset.done $0x0  }
0xa0: {  	[sflag:s22] =	ssyncadd.s32 s4;
	_ =	sdelay $0x1  }
0xa1: {  	s23 =	simm.s32 $0x1B8B  }
0xa2: {  	_ =	swait.ge [sflag:s23], $0x1  }
0xa3: {  	[sflag:s23] =	ssyncset.done $0x0  }
0xa4: {  	s25 =	simm.s32 $0x1B8E;
	s24 =	sld [smem:$0x3FFE];
	[sflag:s23] =	ssyncadd.s32 $0xFFFFFFFF  }
0xa5: {  	s26 =	simm.s32 $execute0_lowered;
	[smem:$0x3FD2] =	sst s25  }
0xa6: {  	s5 =	sshll.u32 s26, $0x1;
	_ =	strace $0x8000004F;
	[dreg:$0x1] =	wrdreg $0xFFFFFFFF  }
0xa7: {  	s28 =	simm.s32 $_size_execute0_lowered;
	s3 =	sadd.s32 s3, s5;
	[dreg:$0x0] =	wrdreg $0x0  }
0xa8: {  	s5 =	sshll.u32 s28, $0x1;
	[dreg:$0x2] =	wrdreg s3  }
0xa9: {  	[dreg:$0x3] =	wrdreg s5  }
0xaa: {  	[dreg:$0x4] =	wrdreg $0xC0  }
0xab: {  	_ =	task [dreg:s7], $0x5FFFF  }
0xac: {  	[dreg:$0x1] =	wrdreg $0xFFFFFFFF  }
0xad: {  	[dreg:$0x0] =	wrdreg $0x60  }
0xae: {  	[dreg:$0x2] =	wrdreg s2  }
0xaf: {  	[dreg:$0x3] =	wrdreg s24  }
0xb0: {  	[dreg:$0x4] =	wrdreg $0x9  }
0xb1: {  	_ =	task.clear_ibuf [dreg:s7], $0x5FFFF;
	_ =	strace $0x9000004F  }
0xb2: {  	s29 =	simm.s32 $0x9;
	_ =	strace $0x80000051  }
0xb3: {  	_ =	swait.ge [sflag:s29], $0x1  }
0xb4: {  	[sflag:s29] =	ssyncadd.s32 $0xFFFFFFFF  }
0xb5: {  	_ =	strace $0x90000051  }
0xb6: {  	_ =	sfence  }
0xb7: {  	s30 =	sld [smem:$0x0];
	_ =	sdelay $0x2  }
0xb8: {  	s31 =	sshll.u32 s1, $0xD;
	s1 =	sshrl.u32 s1, $0x2  }
0xb9: {  	s3 =	sand.u32 $0x4000, s31;
	s1 =	sadd.s32 s1, s30  }
0xba: {  	s0 =	sor.u32 s3, s0;
	s1 =	sshll.u32 s1, $0x11  }
0xbb: {  	s0 =	sor.u32 s1, s0  }
0xbc: {  	s0 =	sadd.s32 $0x8F2B, s0  }
0xbd: {  	[sflag:s0] =	ssyncadd.remote.s32 $0x1  }
0xbe: {  	_ =	sfence.sel $0xFFFF  }
0xbf: {  	[dreg:$0x0] =	wrdreg $0xFFFFFFFF;
	(pc) =	sbr.abs _section_cstart, $3  }
0xc0: {  	[dreg:$0x1] =	wrdreg $0xFFFFFFFF  }
0xc1: {  	_ =	task.clear_ibuf [dreg:s7], $0x2FFFF;
	_ =	strace $0x9FFFFFFF  }
0xc2: {  	(tm) =	ssettm $0x7FFFFFFF  }
0xc3: {  	_ =	shalt  }
tec
execute0_lowered:
.L_overlay_start_1:
0x0: {  	(tag) =	ssettag $0x1  }
0x1: {  	v0 =	vimm.f32 $1.000000000e+09;
	vm0 =	vcmask $0x1B18  }
0x2: {  	vm1 =	vcmask $0x1714;
	vm2 =	vcmask $0x1310;
	vm3 =	vcmask $0xF0C  }
0x3: {  	vm4 =	vcmask $0xB08;
	vm5 =	vcmask $0x704;
	vm6 =	vcmask $0x3F3C  }
0x4: {  	vm7 =	vcmask $0x3B38;
	vm8 =	vcmask $0x3734;
	vm9 =	vcmask $0x3330  }
0x5: {  	vm10 =	vcmask $0x2F2C;
	vm11 =	vcmask $0x2B28;
	vm12 =	vcmask $0x2724  }
0x6: {  	vm13 =	vcmask $0x2320;
	vm14 =	vcmask $0x1F1C;
	v14 =	vimm.f32 $5.900000000e+01  }
0x7: {  	v15 =	vimm.f32 $5.800000000e+01;
	v16 =	vimm.f32 $5.700000000e+01;
	v17 =	vimm.f32 $5.600000000e+01  }
0x8: {  	v18 =	vimm.f32 $5.500000000e+01;
	v19 =	vimm.f32 $5.400000000e+01;
	v20 =	vimm.f32 $5.300000000e+01  }
0x9: {  	v21 =	vimm.f32 $5.200000000e+01;
	v22 =	vimm.f32 $5.100000000e+01;
	v23 =	vimm.f32 $5.000000000e+01  }
0xa: {  	v24 =	vimm.f32 $4.900000000e+01;
	v25 =	vimm.f32 $4.800000000e+01;
	v26 =	vimm.f32 $4.700000000e+01  }
0xb: {  	v27 =	vimm.f32 $4.600000000e+01;
	v28 =	vimm.f32 $4.500000000e+01;
	v29 =	vimm.f32 $4.400000000e+01  }
0xc: {  	v30 =	vimm.f32 $4.300000000e+01;
	v31 =	vimm.f32 $4.200000000e+01;
	v32 =	vimm.f32 $4.100000000e+01  }
0xd: {  	v33 =	vimm.f32 $4.000000000e+01;
	v34 =	vimm.f32 $3.900000000e+01;
	v35 =	vimm.f32 $3.800000000e+01  }
0xe: {  	s2 =	srdreg.scid;
	v36 =	vimm.f32 $3.700000000e+01;
	v37 =	vimm.f32 $3.600000000e+01;
	v38 =	vimm.f32 $3.500000000e+01  }
0xf: {  	s0 =	stileid.u32;
	s1 =	rddreg [dreg:$0x0];
	v39 =	vimm.f32 $3.400000000e+01;
	v40 =	vimm.f32 $3.300000000e+01;
	v41 =	vimm.f32 $3.200000000e+01  }
0x10: {  	s5 =	rddreg [dreg:$0x1];
	v42 =	vimm.f32 $3.100000000e+01;
	v43 =	vimm.f32 $3.000000000e+01;
	v44 =	vimm.f32 $2.900000000e+01;
	s4 =	sand.u32 $0x1, s2;
	s31 =	sshll.u32 s0, $0x1  }
0x11: {  	s3 =	simm.s32 $0x0;
	v45 =	vimm.f32 $2.800000000e+01;
	v46 =	vimm.f32 $2.700000000e+01;
	v47 =	vimm.f32 $2.600000000e+01;
	s12 =	simm.s32 $0x1;
	s6 =	sor.u32 s4, s31  }
0x12: {  	v48 =	vimm.f32 $2.500000000e+01;
	v49 =	vimm.f32 $2.400000000e+01;
	v50 =	vimm.f32 $2.300000000e+01;
	s13 =	simm.s32 $0x3480;
	s14 =	simm.s32 $0x3580;
	s7 =	smul.u32 $0xD, s6  }
0x13: {  	v51 =	vimm.f32 $2.200000000e+01;
	v52 =	vimm.f32 $2.100000000e+01;
	v53 =	vimm.f32 $2.000000000e+01;
	s15 =	simm.s32 $0x0;
	s2 =	rddreg [dreg:$0x2];
	s8 =	smul.u32 $0x19, s6  }
0x14: {  	v54 =	vimm.f32 $1.900000000e+01;
	v55 =	vimm.f32 $1.800000000e+01;
	v56 =	vimm.f32 $1.700000000e+01;
	[smem:$0x7FF] =	sst s3;
	s4 =	ssub.s32 $0x2, s4;
	s9 =	smul.u32 $0x680, s6  }
0x15: {  	v57 =	vimm.f32 $1.600000000e+01;
	v58 =	vimm.f32 $1.500000000e+01;
	v59 =	vimm.f32 $1.400000000e+01;
	p0 =	sgt.u32 s0, $0x7;
	s6 =	smul.u32 $0x4E2, s6;
	s10 =	sshrl.u32 s4, $0x1  }
.Ltmp0:
0x16: {  	v60 =	vimm.f32 $1.300000000e+01;
	v61 =	vimm.f32 $1.200000000e+01;
	v62 =	vimm.f32 $1.100000000e+01;
	_ =	strace $0x80000050;
	s10 =	ssub.s32 s4, s10;
	(pc) =	sbr.rel .LBB2_1-.Ltmp0, $4  }
0x17: {  	v63 =	vimm.f32 $1.000000000e+01;
	v1 =	vimm.f32 $9.000000000e+00;
	v2 =	vimm.f32 $8.000000000e+00;
	s7 =	sadd.s32 s7, s5;
	s8 =	sadd.s32 s8, s5;
	s9 =	sadd.s32 s9, s5  }
0x18: {  	v3 =	vimm.f32 $7.000000000e+00;
	v4 =	vimm.f32 $6.000000000e+00;
	v5 =	vimm.f32 $5.000000000e+00;
	s11 =	sadd.s32 s6, s5;
	s4 =	sadd.s32 $0x35600, s7;
	s5 =	sadd.s32 $0x4200, s9  }
0x19: {  	v6 =	vimm.f32 $4.000000000e+00;
	v7 =	vimm.f32 $3.000000000e+00;
	v8 =	vimm.f32 $2.000000000e+00;
	s6 =	sadd.s32 $0x35400, s8;
	s7 =	sadd.s32 $0x11200, s11;
	s8 =	smax.u32 s10, $0x1  }
0x1a: {  	v9 =	vimm.f32 $1.000000000e+00;
	v10 =	vimm.f32 $0.0e+00;
	v11 =	vlaneseq.u32;
	s9 =	simm.s32 $0x2;
	s10 =	simm.s32 $0x68;
	s11 =	simm.s32 $0x80  }
.LBB2_4:
0x1b: {  	[tilespmem:s17+$0x3580] =	vst v0  }
0x1c: {  	v12 =	vld [tilespmem:$0x3540];
	_ =	sdelay $0x6  }
0x1d: {  	v13 =	vimm.f32 $1.980000000e+02  }
0x1e: {  	[tilespmem:v12+s14+$0x0] =	vst.idx.msk vm0, v13;
	v13 =	vimm.f32 $1.970000000e+02  }
0x1f: {  	[tilespmem:v12+s14+$0x0] =	vst.idx.msk vm1, v13;
	v13 =	vimm.f32 $1.960000000e+02  }
0x20: {  	[tilespmem:v12+s14+$0x0] =	vst.idx.msk vm2, v13;
	v13 =	vimm.f32 $1.950000000e+02  }
0x21: {  	[tilespmem:v12+s14+$0x0] =	vst.idx.msk vm3, v13;
	v13 =	vimm.f32 $1.940000000e+02  }
0x22: {  	[tilespmem:v12+s14+$0x0] =	vst.idx.msk vm4, v13;
	v13 =	vimm.f32 $1.930000000e+02  }
0x23: {  	[tilespmem:v12+s14+$0x0] =	vst.idx.msk vm5, v13;
	v13 =	vimm.f32 $1.920000000e+02  }
0x24: {  	[tilespmem:v12+s14+$0x0] =	vst.idx.msk $0x1, v13  }
0x25: {  	v12 =	vld [tilespmem:$0x3530];
	_ =	sdelay $0x6  }
0x26: {  	v13 =	vimm.f32 $1.910000000e+02  }
0x27: {  	[tilespmem:v12+s14+$0x0] =	vst.idx.msk vm6, v13;
	v13 =	vimm.f32 $1.900000000e+02  }
0x28: {  	[tilespmem:v12+s14+$0x0] =	vst.idx.msk vm7, v13;
	v13 =	vimm.f32 $1.890000000e+02  }
0x29: {  	[tilespmem:v12+s14+$0x0] =	vst.idx.msk vm8, v13;
	v13 =	vimm.f32 $1.880000000e+02  }
0x2a: {  	[tilespmem:v12+s14+$0x0] =	vst.idx.msk vm9, v13;
	v13 =	vimm.f32 $1.870000000e+02  }
0x2b: {  	[tilespmem:v12+s14+$0x0] =	vst.idx.msk vm10, v13;
	v13 =	vimm.f32 $1.860000000e+02  }
0x2c: {  	[tilespmem:v12+s14+$0x0] =	vst.idx.msk vm11, v13;
	v13 =	vimm.f32 $1.850000000e+02  }
0x2d: {  	[tilespmem:v12+s14+$0x0] =	vst.idx.msk vm12, v13;
	v13 =	vimm.f32 $1.840000000e+02  }
0x2e: {  	[tilespmem:v12+s14+$0x0] =	vst.idx.msk vm13, v13;
	v13 =	vimm.f32 $1.830000000e+02  }
0x2f: {  	[tilespmem:v12+s14+$0x0] =	vst.idx.msk vm14, v13;
	v13 =	vimm.f32 $1.820000000e+02  }
0x30: {  	[tilespmem:v12+s14+$0x0] =	vst.idx.msk vm0, v13;
	v13 =	vimm.f32 $1.810000000e+02  }
0x31: {  	[tilespmem:v12+s14+$0x0] =	vst.idx.msk vm1, v13;
	v13 =	vimm.f32 $1.800000000e+02  }
0x32: {  	[tilespmem:v12+s14+$0x0] =	vst.idx.msk vm2, v13;
	v13 =	vimm.f32 $1.790000000e+02  }
0x33: {  	[tilespmem:v12+s14+$0x0] =	vst.idx.msk vm3, v13;
	v13 =	vimm.f32 $1.780000000e+02  }
0x34: {  	[tilespmem:v12+s14+$0x0] =	vst.idx.msk vm4, v13;
	v13 =	vimm.f32 $1.770000000e+02  }
0x35: {  	[tilespmem:v12+s14+$0x0] =	vst.idx.msk vm5, v13;
	v13 =	vimm.f32 $1.760000000e+02  }
0x36: {  	[tilespmem:v12+s14+$0x0] =	vst.idx.msk $0x1, v13  }
0x37: {  	v12 =	vld [tilespmem:$0x3520];
	_ =	sdelay $0x6  }
0x38: {  	v13 =	vimm.f32 $1.750000000e+02  }
0x39: {  	[tilespmem:v12+s14+$0x0] =	vst.idx.msk vm6, v13;
	v13 =	vimm.f32 $1.740000000e+02  }
0x3a: {  	[tilespmem:v12+s14+$0x0] =	vst.idx.msk vm7, v13;
	v13 =	vimm.f32 $1.730000000e+02  }
0x3b: {  	[tilespmem:v12+s14+$0x0] =	vst.idx.msk vm8, v13;
	v13 =	vimm.f32 $1.720000000e+02  }
0x3c: {  	[tilespmem:v12+s14+$0x0] =	vst.idx.msk vm9, v13;
	v13 =	vimm.f32 $1.710000000e+02  }
0x3d: {  	[tilespmem:v12+s14+$0x0] =	vst.idx.msk vm10, v13;
	v13 =	vimm.f32 $1.700000000e+02  }
0x3e: {  	[tilespmem:v12+s14+$0x0] =	vst.idx.msk vm11, v13;
	v13 =	vimm.f32 $1.690000000e+02  }
0x3f: {  	[tilespmem:v12+s14+$0x0] =	vst.idx.msk vm12, v13;
	v13 =	vimm.f32 $1.680000000e+02  }
0x40: {  	[tilespmem:v12+s14+$0x0] =	vst.idx.msk vm13, v13;
	v13 =	vimm.f32 $1.670000000e+02  }
0x41: {  	[tilespmem:v12+s14+$0x0] =	vst.idx.msk vm14, v13;
	v13 =	vimm.f32 $1.660000000e+02  }
0x42: {  	[tilespmem:v12+s14+$0x0] =	vst.idx.msk vm0, v13;
	v13 =	vimm.f32 $1.650000000e+02  }
0x43: {  	[tilespmem:v12+s14+$0x0] =	vst.idx.msk vm1, v13;
	v13 =	vimm.f32 $1.640000000e+02  }
0x44: {  	[tilespmem:v12+s14+$0x0] =	vst.idx.msk vm2, v13;
	v13 =	vimm.f32 $1.630000000e+02  }
0x45: {  	[tilespmem:v12+s14+$0x0] =	vst.idx.msk vm3, v13;
	v13 =	vimm.f32 $1.620000000e+02  }
0x46: {  	[tilespmem:v12+s14+$0x0] =	vst.idx.msk vm4, v13;
	v13 =	vimm.f32 $1.610000000e+02  }
0x47: {  	[tilespmem:v12+s14+$0x0] =	vst.idx.msk vm5, v13;
	v13 =	vimm.f32 $1.600000000e+02  }
0x48: {  	[tilespmem:v12+s14+$0x0] =	vst.idx.msk $0x1, v13  }
0x49: {  	v12 =	vld [tilespmem:$0x3510];
	_ =	sdelay $0x6  }
0x4a: {  	v13 =	vimm.f32 $1.590000000e+02  }
0x4b: {  	[tilespmem:v12+s14+$0x0] =	vst.idx.msk vm6, v13;
	v13 =	vimm.f32 $1.580000000e+02  }
0x4c: {  	[tilespmem:v12+s14+$0x0] =	vst.idx.msk vm7, v13;
	v13 =	vimm.f32 $1.570000000e+02  }
0x4d: {  	[tilespmem:v12+s14+$0x0] =	vst.idx.msk vm8, v13;
	v13 =	vimm.f32 $1.560000000e+02  }
0x4e: {  	[tilespmem:v12+s14+$0x0] =	vst.idx.msk vm9, v13;
	v13 =	vimm.f32 $1.550000000e+02  }
0x4f: {  	[tilespmem:v12+s14+$0x0] =	vst.idx.msk vm10, v13;
	v13 =	vimm.f32 $1.540000000e+02  }
0x50: {  	[tilespmem:v12+s14+$0x0] =	vst.idx.msk vm11, v13;
	v13 =	vimm.f32 $1.530000000e+02  }
0x51: {  	[tilespmem:v12+s14+$0x0] =	vst.idx.msk vm12, v13;
	v13 =	vimm.f32 $1.520000000e+02  }
0x52: {  	[tilespmem:v12+s14+$0x0] =	vst.idx.msk vm13, v13;
	v13 =	vimm.f32 $1.510000000e+02  }
0x53: {  	[tilespmem:v12+s14+$0x0] =	vst.idx.msk vm14, v13;
	v13 =	vimm.f32 $1.500000000e+02  }
0x54: {  	[tilespmem:v12+s14+$0x0] =	vst.idx.msk vm0, v13;
	v13 =	vimm.f32 $1.490000000e+02  }
0x55: {  	[tilespmem:v12+s14+$0x0] =	vst.idx.msk vm1, v13;
	v13 =	vimm.f32 $1.480000000e+02  }
0x56: {  	[tilespmem:v12+s14+$0x0] =	vst.idx.msk vm2, v13;
	v13 =	vimm.f32 $1.470000000e+02  }
0x57: {  	[tilespmem:v12+s14+$0x0] =	vst.idx.msk vm3, v13;
	v13 =	vimm.f32 $1.460000000e+02  }
0x58: {  	[tilespmem:v12+s14+$0x0] =	vst.idx.msk vm4, v13;
	v13 =	vimm.f32 $1.450000000e+02  }
0x59: {  	[tilespmem:v12+s14+$0x0] =	vst.idx.msk vm5, v13;
	v13 =	vimm.f32 $1.440000000e+02  }
0x5a: {  	[tilespmem:v12+s14+$0x0] =	vst.idx.msk $0x1, v13  }
0x5b: {  	v12 =	vld [tilespmem:$0x3500];
	_ =	sdelay $0x6  }
0x5c: {  	v13 =	vimm.f32 $1.430000000e+02  }
0x5d: {  	[tilespmem:v12+s14+$0x0] =	vst.idx.msk vm6, v13;
	v13 =	vimm.f32 $1.420000000e+02  }
0x5e: {  	[tilespmem:v12+s14+$0x0] =	vst.idx.msk vm7, v13;
	v13 =	vimm.f32 $1.410000000e+02  }
0x5f: {  	[tilespmem:v12+s14+$0x0] =	vst.idx.msk vm8, v13;
	v13 =	vimm.f32 $1.400000000e+02  }
0x60: {  	[tilespmem:v12+s14+$0x0] =	vst.idx.msk vm9, v13;
	v13 =	vimm.f32 $1.390000000e+02  }
0x61: {  	[tilespmem:v12+s14+$0x0] =	vst.idx.msk vm10, v13;
	v13 =	vimm.f32 $1.380000000e+02  }
0x62: {  	[tilespmem:v12+s14+$0x0] =	vst.idx.msk vm11, v13;
	v13 =	vimm.f32 $1.370000000e+02  }
0x63: {  	[tilespmem:v12+s14+$0x0] =	vst.idx.msk vm12, v13;
	v13 =	vimm.f32 $1.360000000e+02  }
0x64: {  	[tilespmem:v12+s14+$0x0] =	vst.idx.msk vm13, v13;
	v13 =	vimm.f32 $1.350000000e+02  }
0x65: {  	[tilespmem:v12+s14+$0x0] =	vst.idx.msk vm14, v13;
	v13 =	vimm.f32 $1.340000000e+02  }
0x66: {  	[tilespmem:v12+s14+$0x0] =	vst.idx.msk vm0, v13;
	v13 =	vimm.f32 $1.330000000e+02  }
0x67: {  	[tilespmem:v12+s14+$0x0] =	vst.idx.msk vm1, v13;
	v13 =	vimm.f32 $1.320000000e+02  }
0x68: {  	[tilespmem:v12+s14+$0x0] =	vst.idx.msk vm2, v13;
	v13 =	vimm.f32 $1.310000000e+02  }
0x69: {  	[tilespmem:v12+s14+$0x0] =	vst.idx.msk vm3, v13;
	v13 =	vimm.f32 $1.300000000e+02  }
0x6a: {  	[tilespmem:v12+s14+$0x0] =	vst.idx.msk vm4, v13;
	v13 =	vimm.f32 $1.290000000e+02  }
0x6b: {  	[tilespmem:v12+s14+$0x0] =	vst.idx.msk vm5, v13;
	v13 =	vimm.f32 $1.280000000e+02  }
0x6c: {  	[tilespmem:v12+s14+$0x0] =	vst.idx.msk $0x1, v13  }
0x6d: {  	v12 =	vld [tilespmem:$0x34F0];
	_ =	sdelay $0x6  }
0x6e: {  	v13 =	vimm.f32 $1.270000000e+02  }
0x6f: {  	[tilespmem:v12+s14+$0x0] =	vst.idx.msk vm6, v13;
	v13 =	vimm.f32 $1.260000000e+02  }
0x70: {  	[tilespmem:v12+s14+$0x0] =	vst.idx.msk vm7, v13;
	v13 =	vimm.f32 $1.250000000e+02  }
0x71: {  	[tilespmem:v12+s14+$0x0] =	vst.idx.msk vm8, v13;
	v13 =	vimm.f32 $1.240000000e+02  }
0x72: {  	[tilespmem:v12+s14+$0x0] =	vst.idx.msk vm9, v13;
	v13 =	vimm.f32 $1.230000000e+02  }
0x73: {  	[tilespmem:v12+s14+$0x0] =	vst.idx.msk vm10, v13;
	v13 =	vimm.f32 $1.220000000e+02  }
0x74: {  	[tilespmem:v12+s14+$0x0] =	vst.idx.msk vm11, v13;
	v13 =	vimm.f32 $1.210000000e+02  }
0x75: {  	[tilespmem:v12+s14+$0x0] =	vst.idx.msk vm12, v13;
	v13 =	vimm.f32 $1.200000000e+02  }
0x76: {  	[tilespmem:v12+s14+$0x0] =	vst.idx.msk vm13, v13;
	v13 =	vimm.f32 $1.190000000e+02  }
0x77: {  	[tilespmem:v12+s14+$0x0] =	vst.idx.msk vm14, v13;
	v13 =	vimm.f32 $1.180000000e+02  }
0x78: {  	[tilespmem:v12+s14+$0x0] =	vst.idx.msk vm0, v13;
	v13 =	vimm.f32 $1.170000000e+02  }
0x79: {  	[tilespmem:v12+s14+$0x0] =	vst.idx.msk vm1, v13;
	v13 =	vimm.f32 $1.160000000e+02  }
0x7a: {  	[tilespmem:v12+s14+$0x0] =	vst.idx.msk vm2, v13;
	v13 =	vimm.f32 $1.150000000e+02  }
0x7b: {  	[tilespmem:v12+s14+$0x0] =	vst.idx.msk vm3, v13;
	v13 =	vimm.f32 $1.140000000e+02  }
0x7c: {  	[tilespmem:v12+s14+$0x0] =	vst.idx.msk vm4, v13;
	v13 =	vimm.f32 $1.130000000e+02  }
0x7d: {  	[tilespmem:v12+s14+$0x0] =	vst.idx.msk vm5, v13;
	v13 =	vimm.f32 $1.120000000e+02  }
0x7e: {  	[tilespmem:v12+s14+$0x0] =	vst.idx.msk $0x1, v13  }
0x7f: {  	v12 =	vld [tilespmem:$0x34E0];
	_ =	sdelay $0x6  }
0x80: {  	v13 =	vimm.f32 $1.110000000e+02  }
0x81: {  	[tilespmem:v12+s14+$0x0] =	vst.idx.msk vm6, v13;
	v13 =	vimm.f32 $1.100000000e+02  }
0x82: {  	[tilespmem:v12+s14+$0x0] =	vst.idx.msk vm7, v13;
	v13 =	vimm.f32 $1.090000000e+02  }
0x83: {  	[tilespmem:v12+s14+$0x0] =	vst.idx.msk vm8, v13;
	v13 =	vimm.f32 $1.080000000e+02  }
0x84: {  	[tilespmem:v12+s14+$0x0] =	vst.idx.msk vm9, v13;
	v13 =	vimm.f32 $1.070000000e+02  }
0x85: {  	[tilespmem:v12+s14+$0x0] =	vst.idx.msk vm10, v13;
	v13 =	vimm.f32 $1.060000000e+02  }
0x86: {  	[tilespmem:v12+s14+$0x0] =	vst.idx.msk vm11, v13;
	v13 =	vimm.f32 $1.050000000e+02  }
0x87: {  	[tilespmem:v12+s14+$0x0] =	vst.idx.msk vm12, v13;
	v13 =	vimm.f32 $1.040000000e+02  }
0x88: {  	[tilespmem:v12+s14+$0x0] =	vst.idx.msk vm13, v13;
	v13 =	vimm.f32 $1.030000000e+02  }
0x89: {  	[tilespmem:v12+s14+$0x0] =	vst.idx.msk vm14, v13;
	v13 =	vimm.f32 $1.020000000e+02  }
0x8a: {  	[tilespmem:v12+s14+$0x0] =	vst.idx.msk vm0, v13;
	v13 =	vimm.f32 $1.010000000e+02  }
0x8b: {  	[tilespmem:v12+s14+$0x0] =	vst.idx.msk vm1, v13;
	v13 =	vimm.f32 $1.000000000e+02  }
0x8c: {  	[tilespmem:v12+s14+$0x0] =	vst.idx.msk vm2, v13;
	v13 =	vimm.f32 $9.900000000e+01  }
0x8d: {  	[tilespmem:v12+s14+$0x0] =	vst.idx.msk vm3, v13;
	v13 =	vimm.f32 $9.800000000e+01  }
0x8e: {  	[tilespmem:v12+s14+$0x0] =	vst.idx.msk vm4, v13;
	v13 =	vimm.f32 $9.700000000e+01  }
0x8f: {  	[tilespmem:v12+s14+$0x0] =	vst.idx.msk vm5, v13;
	v13 =	vimm.f32 $9.600000000e+01  }
0x90: {  	[tilespmem:v12+s14+$0x0] =	vst.idx.msk $0x1, v13  }
0x91: {  	v12 =	vld [tilespmem:$0x34D0];
	_ =	sdelay $0x6  }
0x92: {  	v13 =	vimm.f32 $9.500000000e+01  }
0x93: {  	[tilespmem:v12+s14+$0x0] =	vst.idx.msk vm6, v13;
	v13 =	vimm.f32 $9.400000000e+01  }
0x94: {  	[tilespmem:v12+s14+$0x0] =	vst.idx.msk vm7, v13;
	v13 =	vimm.f32 $9.300000000e+01  }
0x95: {  	[tilespmem:v12+s14+$0x0] =	vst.idx.msk vm8, v13;
	v13 =	vimm.f32 $9.200000000e+01  }
0x96: {  	[tilespmem:v12+s14+$0x0] =	vst.idx.msk vm9, v13;
	v13 =	vimm.f32 $9.100000000e+01  }
0x97: {  	[tilespmem:v12+s14+$0x0] =	vst.idx.msk vm10, v13;
	v13 =	vimm.f32 $9.000000000e+01  }
0x98: {  	[tilespmem:v12+s14+$0x0] =	vst.idx.msk vm11, v13;
	v13 =	vimm.f32 $8.900000000e+01  }
0x99: {  	[tilespmem:v12+s14+$0x0] =	vst.idx.msk vm12, v13;
	v13 =	vimm.f32 $8.800000000e+01  }
0x9a: {  	[tilespmem:v12+s14+$0x0] =	vst.idx.msk vm13, v13;
	v13 =	vimm.f32 $8.700000000e+01  }
0x9b: {  	[tilespmem:v12+s14+$0x0] =	vst.idx.msk vm14, v13;
	v13 =	vimm.f32 $8.600000000e+01  }
0x9c: {  	[tilespmem:v12+s14+$0x0] =	vst.idx.msk vm0, v13;
	v13 =	vimm.f32 $8.500000000e+01  }
0x9d: {  	[tilespmem:v12+s14+$0x0] =	vst.idx.msk vm1, v13;
	v13 =	vimm.f32 $8.400000000e+01  }
0x9e: {  	[tilespmem:v12+s14+$0x0] =	vst.idx.msk vm2, v13;
	v13 =	vimm.f32 $8.300000000e+01  }
0x9f: {  	[tilespmem:v12+s14+$0x0] =	vst.idx.msk vm3, v13;
	v13 =	vimm.f32 $8.200000000e+01  }
0xa0: {  	[tilespmem:v12+s14+$0x0] =	vst.idx.msk vm4, v13;
	v13 =	vimm.f32 $8.100000000e+01  }
0xa1: {  	[tilespmem:v12+s14+$0x0] =	vst.idx.msk vm5, v13;
	v13 =	vimm.f32 $8.000000000e+01  }
0xa2: {  	[tilespmem:v12+s14+$0x0] =	vst.idx.msk $0x1, v13  }
0xa3: {  	v12 =	vld [tilespmem:$0x34C0];
	_ =	sdelay $0x6  }
0xa4: {  	v13 =	vimm.f32 $7.900000000e+01  }
0xa5: {  	[tilespmem:v12+s14+$0x0] =	vst.idx.msk vm6, v13;
	v13 =	vimm.f32 $7.800000000e+01  }
0xa6: {  	[tilespmem:v12+s14+$0x0] =	vst.idx.msk vm7, v13;
	v13 =	vimm.f32 $7.700000000e+01  }
0xa7: {  	[tilespmem:v12+s14+$0x0] =	vst.idx.msk vm8, v13;
	v13 =	vimm.f32 $7.600000000e+01  }
0xa8: {  	[tilespmem:v12+s14+$0x0] =	vst.idx.msk vm9, v13;
	v13 =	vimm.f32 $7.500000000e+01  }
0xa9: {  	[tilespmem:v12+s14+$0x0] =	vst.idx.msk vm10, v13;
	v13 =	vimm.f32 $7.400000000e+01  }
0xaa: {  	[tilespmem:v12+s14+$0x0] =	vst.idx.msk vm11, v13;
	v13 =	vimm.f32 $7.300000000e+01  }
0xab: {  	[tilespmem:v12+s14+$0x0] =	vst.idx.msk vm12, v13;
	v13 =	vimm.f32 $7.200000000e+01  }
0xac: {  	[tilespmem:v12+s14+$0x0] =	vst.idx.msk vm13, v13;
	v13 =	vimm.f32 $7.100000000e+01  }
0xad: {  	[tilespmem:v12+s14+$0x0] =	vst.idx.msk vm14, v13;
	v13 =	vimm.f32 $7.000000000e+01  }
0xae: {  	[tilespmem:v12+s14+$0x0] =	vst.idx.msk vm0, v13;
	v13 =	vimm.f32 $6.900000000e+01  }
0xaf: {  	[tilespmem:v12+s14+$0x0] =	vst.idx.msk vm1, v13;
	v13 =	vimm.f32 $6.800000000e+01  }
0xb0: {  	[tilespmem:v12+s14+$0x0] =	vst.idx.msk vm2, v13;
	v13 =	vimm.f32 $6.700000000e+01  }
0xb1: {  	[tilespmem:v12+s14+$0x0] =	vst.idx.msk vm3, v13;
	v13 =	vimm.f32 $6.600000000e+01  }
0xb2: {  	[tilespmem:v12+s14+$0x0] =	vst.idx.msk vm4, v13;
	v13 =	vimm.f32 $6.500000000e+01  }
0xb3: {  	[tilespmem:v12+s14+$0x0] =	vst.idx.msk vm5, v13;
	v13 =	vimm.f32 $6.400000000e+01  }
0xb4: {  	[tilespmem:v12+s14+$0x0] =	vst.idx.msk $0x1, v13  }
0xb5: {  	v12 =	vld [tilespmem:$0x34B0];
	_ =	sdelay $0x6  }
0xb6: {  	v13 =	vimm.f32 $6.300000000e+01  }
0xb7: {  	[tilespmem:v12+s14+$0x0] =	vst.idx.msk vm6, v13;
	v13 =	vimm.f32 $6.200000000e+01  }
0xb8: {  	[tilespmem:v12+s14+$0x0] =	vst.idx.msk vm7, v13;
	v13 =	vimm.f32 $6.100000000e+01  }
0xb9: {  	[tilespmem:v12+s14+$0x0] =	vst.idx.msk vm8, v13;
	v13 =	vimm.f32 $6.000000000e+01  }
0xba: {  	[tilespmem:v12+s14+$0x0] =	vst.idx.msk vm9, v13  }
0xbb: {  	[tilespmem:v12+s14+$0x0] =	vst.idx.msk vm10, v14  }
0xbc: {  	[tilespmem:v12+s14+$0x0] =	vst.idx.msk vm11, v15  }
0xbd: {  	[tilespmem:v12+s14+$0x0] =	vst.idx.msk vm12, v16  }
0xbe: {  	[tilespmem:v12+s14+$0x0] =	vst.idx.msk vm13, v17  }
0xbf: {  	[tilespmem:v12+s14+$0x0] =	vst.idx.msk vm14, v18  }
0xc0: {  	[tilespmem:v12+s14+$0x0] =	vst.idx.msk vm0, v19  }
0xc1: {  	[tilespmem:v12+s14+$0x0] =	vst.idx.msk vm1, v20  }
0xc2: {  	[tilespmem:v12+s14+$0x0] =	vst.idx.msk vm2, v21  }
0xc3: {  	[tilespmem:v12+s14+$0x0] =	vst.idx.msk vm3, v22  }
0xc4: {  	[tilespmem:v12+s14+$0x0] =	vst.idx.msk vm4, v23  }
0xc5: {  	[tilespmem:v12+s14+$0x0] =	vst.idx.msk vm5, v24  }
0xc6: {  	[tilespmem:v12+s14+$0x0] =	vst.idx.msk $0x1, v25  }
0xc7: {  	v12 =	vld [tilespmem:$0x34A0];
	_ =	sdelay $0x7  }
0xc8: {  	[tilespmem:v12+s14+$0x0] =	vst.idx.msk vm6, v26  }
0xc9: {  	[tilespmem:v12+s14+$0x0] =	vst.idx.msk vm7, v27  }
0xca: {  	[tilespmem:v12+s14+$0x0] =	vst.idx.msk vm8, v28  }
0xcb: {  	[tilespmem:v12+s14+$0x0] =	vst.idx.msk vm9, v29  }
0xcc: {  	[tilespmem:v12+s14+$0x0] =	vst.idx.msk vm10, v30  }
0xcd: {  	[tilespmem:v12+s14+$0x0] =	vst.idx.msk vm11, v31  }
0xce: {  	[tilespmem:v12+s14+$0x0] =	vst.idx.msk vm12, v32  }
0xcf: {  	[tilespmem:v12+s14+$0x0] =	vst.idx.msk vm13, v33  }
0xd0: {  	[tilespmem:v12+s14+$0x0] =	vst.idx.msk vm14, v34  }
0xd1: {  	[tilespmem:v12+s14+$0x0] =	vst.idx.msk vm0, v35  }
0xd2: {  	[tilespmem:v12+s14+$0x0] =	vst.idx.msk vm1, v36  }
0xd3: {  	[tilespmem:v12+s14+$0x0] =	vst.idx.msk vm2, v37  }
0xd4: {  	[tilespmem:v12+s14+$0x0] =	vst.idx.msk vm3, v38  }
0xd5: {  	[tilespmem:v12+s14+$0x0] =	vst.idx.msk vm4, v39  }
0xd6: {  	[tilespmem:v12+s14+$0x0] =	vst.idx.msk vm5, v40  }
0xd7: {  	[tilespmem:v12+s14+$0x0] =	vst.idx.msk $0x1, v41  }
0xd8: {  	v12 =	vld [tilespmem:$0x3490];
	_ =	sdelay $0x7  }
0xd9: {  	[tilespmem:v12+s14+$0x0] =	vst.idx.msk vm6, v42  }
0xda: {  	[tilespmem:v12+s14+$0x0] =	vst.idx.msk vm7, v43  }
0xdb: {  	[tilespmem:v12+s14+$0x0] =	vst.idx.msk vm8, v44  }
0xdc: {  	[tilespmem:v12+s14+$0x0] =	vst.idx.msk vm9, v45  }
0xdd: {  	[tilespmem:v12+s14+$0x0] =	vst.idx.msk vm10, v46  }
0xde: {  	[tilespmem:v12+s14+$0x0] =	vst.idx.msk vm11, v47  }
0xdf: {  	[tilespmem:v12+s14+$0x0] =	vst.idx.msk vm12, v48  }
0xe0: {  	[tilespmem:v12+s14+$0x0] =	vst.idx.msk vm13, v49  }
0xe1: {  	[tilespmem:v12+s14+$0x0] =	vst.idx.msk vm14, v50  }
0xe2: {  	[tilespmem:v12+s14+$0x0] =	vst.idx.msk vm0, v51  }
0xe3: {  	[tilespmem:v12+s14+$0x0] =	vst.idx.msk vm1, v52  }
0xe4: {  	[tilespmem:v12+s14+$0x0] =	vst.idx.msk vm2, v53  }
0xe5: {  	[tilespmem:v12+s14+$0x0] =	vst.idx.msk vm3, v54  }
0xe6: {  	[tilespmem:v12+s14+$0x0] =	vst.idx.msk vm4, v55  }
0xe7: {  	[tilespmem:v12+s14+$0x0] =	vst.idx.msk vm5, v56  }
0xe8: {  	[tilespmem:v12+s14+$0x0] =	vst.idx.msk $0x1, v57  }
0xe9: {  	v12 =	vld [tilespmem:$0x3480];
	_ =	sdelay $0x7  }
0xea: {  	[tilespmem:v12+s14+$0x0] =	vst.idx.msk vm6, v58  }
0xeb: {  	[tilespmem:v12+s14+$0x0] =	vst.idx.msk vm7, v59  }
0xec: {  	[tilespmem:v12+s14+$0x0] =	vst.idx.msk vm8, v60  }
0xed: {  	[tilespmem:v12+s14+$0x0] =	vst.idx.msk vm9, v61  }
0xee: {  	[tilespmem:v12+s14+$0x0] =	vst.idx.msk vm10, v62  }
0xef: {  	[tilespmem:v12+s14+$0x0] =	vst.idx.msk vm11, v63  }
0xf0: {  	[tilespmem:v12+s14+$0x0] =	vst.idx.msk vm12, v1  }
0xf1: {  	[tilespmem:v12+s14+$0x0] =	vst.idx.msk vm13, v2  }
0xf2: {  	[tilespmem:v12+s14+$0x0] =	vst.idx.msk vm14, v3  }
0xf3: {  	[tilespmem:v12+s14+$0x0] =	vst.idx.msk vm0, v4  }
0xf4: {  	[tilespmem:v12+s14+$0x0] =	vst.idx.msk vm1, v5  }
0xf5: {  	[tilespmem:v12+s14+$0x0] =	vst.idx.msk vm2, v6  }
0xf6: {  	[tilespmem:v12+s14+$0x0] =	vst.idx.msk vm3, v7  }
0xf7: {  	[tilespmem:v12+s14+$0x0] =	vst.idx.msk vm4, v8  }
0xf8: {  	[tilespmem:v12+s14+$0x0] =	vst.idx.msk vm5, v9  }
0xf9: {  	[tilespmem:v12+s14+$0x0] =	vst.idx.msk $0x1, v10  }
0xfa: {  	v12 =	vld [tilespmem:$0x3580];
	_ =	sdelay $0x3  }
0xfb: {  	vm15 =	veq.s32 v11, $0x0  }
0xfc: {  	v12 =	vsel vm15, $0x0, v12  }
0xfd: {  	[tilespmem:$0x3580] =	vst v12  }
0xfe: {  	[hbm4b:s7+s3] =	stream.linear.scatter [tilespmem:s14], [sflag:$0x2], $0x2710, $0x38;
	[tilespmem:$0x5D00] =	vst v63  }
0xff: {  	_ =	swait.ge [sflag:s9], $0x2710  }
0x100: {  	[sflag:s9] =	ssyncset.done $0x0  }
0x101: {  	[sflag:s9] =	ssyncadd.s32 $0xFFFFD8F0  }
.LBB2_5:
0x102: {  	s15 =	sadd.s32 $0x1, s15  }
0x103: {  	p1 =	sne.s32 s15, s8  }
.Ltmp1:
0x104: {  	_ = 	snop;
	(pc) =	sbr.rel @!p1 .LBB2_6-.Ltmp1, $1  }
0x105: {  	_ =	sdelay $0x3  }
.LBB2_1:
0x106: {  	[tilespmem:s3], [sflag:$0x2] =	stream.linear.gather [hbm4b:s4+s3], $0x68, $0x38;
	[tilespmem:$0x5D00] =	vst v63  }
0x107: {  	_ =	swait.ge [sflag:s9], $0x68  }
0x108: {  	[sflag:s9] =	ssyncset.done $0x0  }
0x109: {  	[sflag:s9] =	ssyncadd.s32 $0xFFFFFF98  }
0x10a: {  	[tilespmem:s11], [sflag:$0x1] =	stream.indirect.gather [hbm4b:s1+s10], $0x80, s3, s10, $0xb8;
	[tilespmem:$0x5D00] =	vst v63  }
0x10b: {  	_ =	swait.ge [sflag:s12], $0x3400  }
0x10c: {  	[sflag:s12] =	ssyncset.done $0x0  }
.Ltmp2:
0x10d: {  	[sflag:s12] =	ssyncadd.s32 $0xFFFFCC00;
	(pc) =	sbr.rel @p0 .LBB2_5-.Ltmp2, $4  }
0x10e: {  	[hbm4b:s5+s3] =	stream.linear.scatter [tilespmem:s11], [sflag:$0x2], $0x3400, $0x38;
	[tilespmem:$0x5D00] =	vst v63  }
0x10f: {  	_ =	swait.ge [sflag:s9], $0x3400  }
0x110: {  	[sflag:s9] =	ssyncset.done $0x0  }
0x111: {  	[sflag:s9] =	ssyncadd.s32 $0xFFFFCC00  }
0x112: {  	s16 =	simm.s32 $0x0  }
0x113: {  	[tilespmem:s13], [sflag:$0x2] =	stream.linear.gather [hbm4b:s6+s16], $0xC8, $0x38;
	[tilespmem:$0x5D00] =	vst v63  }
0x114: {  	_ =	swait.ge [sflag:s9], $0xC8  }
0x115: {  	[sflag:s9] =	ssyncset.done $0x0  }
0x116: {  	s17 =	simm.s32 $0x0;
	s16 =	simm.s32 $0x40;
	[sflag:s9] =	ssyncadd.s32 $0xFFFFFF38  }
.LBB2_3:
0x117: {  	p1 =	sne.s32 s16, $0x9C00;
	[tilespmem:s17+$0x3580] =	vst v0;
	s17 =	smov.u32 s16;
	s16 =	sadd.s32 $0x40, s16  }
.Ltmp3:
0x118: {  	(pc) =	sbr.rel @p1 .LBB2_3-.Ltmp3, $2  }
0x119: {  	_ =	sdelay $0x2  }
0x11a: {  	s17 =	sshra.s32 s17, $0x2  }
.Ltmp4:
0x11b: {  	_ = 	snop;
	(pc) =	sbr.rel .LBB2_4-.Ltmp4, $1  }
0x11c: {  	_ =	sdelay $0x3  }
.LBB2_6:
0x11d: {  	_ =	sfence.sel $0x180000  }
0x11e: {  	[bflag:$0x0] =	sbarrier.arrive $0xFFFF  }
0x11f: {  	p0 =	sne.s32 s0, $0x0;
	_ =	strace $0x90000050  }
0x120: {  	s0 =	sadd.s32 @!p0 $0x100000, s2;
	[bflag:$0x2] =	sbarrier.arrive $0xFFFF  }
0x121: {  	[sflag:s0] =	ssyncadd.tile.s32 @!p0 $0x1;
	_ =	shalt  }
.Lfunc_end2:
_tile_overlayer_lowered:
.L_overlay_start_2:
0x122: {  	(tag) =	ssettag $0x2  }
0x123: {  	s0 =	rddreg [dreg:$0x0];
	s2 =	stileid.u32  }
0x124: {  	s1 =	rddreg [dreg:$0x1];
	p0 =	sne.s32 s2, $0x0  }
0x125: {  	s3 =	rddreg [dreg:$0x2];
	[bflag:$0x3] =	sbarrier.arrive $0xFFFF;
	s2 =	simm.s32 @!p0 $0x1C02  }
0x126: {  	[timem:s3], [sflag:s2] =	dma.local @!p0 [hbm:s0], s1  }
0x127: {  	s0 =	simm.s32 @!p0 $0x2  }
0x128: {  	_ =	swait.ge @!p0 [sflag:s0], s1  }
0x129: {  	s1 =	ssub.s32 @!p0 $0x0, s1;
	[sflag:s0] =	ssyncset.done @!p0 $0x0  }
0x12a: {  	[sflag:s0] =	ssyncadd.s32 @!p0 s1  }
0x12b: {  	[bflag:$0x3] =	sbarrier.arrive $0xFFFF  }
0x12c: {  	_ =	shalt  }

</sc_bundles>
